<compile_context>
chip_gen: v7x
topology: tpu7x:2x2x1
jax: 0.10.2.dev20260603
libtpu: 0.0.44.dev20260713+nightly
codegen_flags: <defaults>
</compile_context>

<pallas_src>
import functools

import jax
import jax.numpy as jnp
from jax import lax
from jax.experimental import pallas as pl
from jax.experimental.pallas import tpu as pltpu
from jax.experimental.pallas import tpu_sc as plsc

OUT = 7
SCALE = 6.5
BB, NN, CC, HH, WW = 2, 1000, 256, 128, 128
RR = BB * NN
RPAD = 2048
NBINS = OUT * OUT
NTOT = RPAD * NBINS
ROWS_PER_STEP = 32
GROWS = 4 * ROWS_PER_STEP
NWORKERS = 32
NSTEPS = NTOT // ROWS_PER_STEP
STEPS_PER_W = NSTEPS // NWORKERS
LANES = 16


def _coord_body(p_ref, idx_ref, w_ref):
    cx = p_ref[0:1, :]
    cy = p_ref[1:2, :]
    w = p_ref[2:3, :]
    h = p_ref[3:4, :]
    lane = lax.broadcasted_iota(jnp.int32, (1, RPAD), 1)
    in_range = (lane < RR).astype(jnp.float32)
    b = (lane >= NN).astype(jnp.int32)

    x1 = (cx - w * 0.5) * SCALE
    y1 = (cy - h * 0.5) * SCALE
    rsw = x1 - 0.5
    rsh = y1 - 0.5
    bin_w = (w * SCALE) / OUT
    bin_h = (h * SCALE) / OUT

    ii = lax.broadcasted_iota(jnp.int32, (NBINS, 1), 0)
    gi = (ii // OUT).astype(jnp.float32) + 0.5
    gj = (ii % OUT).astype(jnp.float32) + 0.5

    py = rsh + gi * bin_h
    px = rsw + gj * bin_w

    def interp(coord, size):
        valid = (coord >= -1.0) & (coord <= float(size))
        c = jnp.maximum(coord, 0.0)
        low = jnp.floor(c)
        cond = low >= float(size - 1)
        low = jnp.where(cond, float(size - 1), low)
        high = jnp.minimum(low + 1.0, float(size - 1))
        c = jnp.where(cond, float(size - 1), c)
        frac = c - low
        return low, high, frac, valid

    yl, yh, ly, vy = interp(py, HH)
    xl, xh, lx, vx = interp(px, WW)
    hy = 1.0 - ly
    hx = 1.0 - lx
    vf = (vy & vx).astype(jnp.float32) * in_range

    base = b * (HH * WW)
    yli = yl.astype(jnp.int32) * WW
    yhi = yh.astype(jnp.int32) * WW
    xli = xl.astype(jnp.int32)
    xhi = xh.astype(jnp.int32)

    idx_ref[...] = jnp.concatenate(
        [base + yli + xli, base + yli + xhi, base + yhi + xli, base + yhi + xhi],
        axis=0,
    )
    w_ref[...] = jnp.concatenate(
        [hy * hx * vf, hy * lx * vf, ly * hx * vf, ly * lx * vf], axis=0
    )


def _coords(proposals):
    prop = proposals.reshape(RR, 5).T
    propt = jnp.zeros((8, RPAD), jnp.float32).at[:5, :RR].set(prop)
    idx_all, w_all = pl.pallas_call(
        _coord_body,
        out_shape=(
            jax.ShapeDtypeStruct((4 * NBINS, RPAD), jnp.int32),
            jax.ShapeDtypeStruct((4 * NBINS, RPAD), jnp.float32),
        ),
    )(propt)
    idx4 = idx_all.reshape(4, NBINS, RPAD).transpose(2, 1, 0).reshape(NTOT * 4)
    w4 = w_all.reshape(4, NBINS, RPAD).transpose(2, 1, 0).reshape(NTOT, 4)
    wexp = jnp.repeat(w4, LANES, axis=1)
    return idx4, wexp


def _sc_kernel(table, idx4, wexp):
    mesh = plsc.VectorSubcoreMesh(core_axis_name="c", subcore_axis_name="s")
    LAST = STEPS_PER_W - 1

    @functools.partial(
        pl.kernel,
        mesh=mesh,
        out_type=jax.ShapeDtypeStruct((NTOT, CC), jnp.float32),
        scratch_types=[
            pltpu.VMEM((2, GROWS), jnp.int32),
            pltpu.VMEM((2, ROWS_PER_STEP, 4 * LANES), jnp.float32),
            pltpu.VMEM((2, GROWS, CC), jnp.float32),
            pltpu.VMEM((2, ROWS_PER_STEP, CC), jnp.float32),
            pltpu.SemaphoreType.DMA((4, 2)),
        ],
    )
    def k(table_hbm, idx_hbm, w_hbm, out_hbm, idx_v, w_v, g_v, out_v, sems):
        wid = lax.axis_index("s") * 2 + lax.axis_index("c")
        base_step = wid * STEPS_PER_W

        def issue_idxw(t, b):
            row0 = (base_step + t) * ROWS_PER_STEP
            pltpu.make_async_copy(
                idx_hbm.at[pl.ds(row0 * 4, GROWS)], idx_v.at[b], sems.at[0, b]
            ).start()
            pltpu.make_async_copy(
                w_hbm.at[pl.ds(row0, ROWS_PER_STEP)], w_v.at[b], sems.at[1, b]
            ).start()

        def wait_idxw(b):
            pltpu.make_async_copy(
                idx_hbm.at[pl.ds(0, GROWS)], idx_v.at[b], sems.at[0, b]
            ).wait()
            pltpu.make_async_copy(
                w_hbm.at[pl.ds(0, ROWS_PER_STEP)], w_v.at[b], sems.at[1, b]
            ).wait()

        def issue_gather(b):
            pltpu.make_async_copy(
                table_hbm.at[idx_v.at[b]], g_v.at[b], sems.at[2, b]
            ).start()

        def wait_gather(b):
            pltpu.make_async_copy(
                table_hbm.at[idx_v.at[b]], g_v.at[b], sems.at[2, b]
            ).wait()

        def issue_store(t, b):
            row0 = (base_step + t) * ROWS_PER_STEP
            pltpu.make_async_copy(
                out_v.at[b], out_hbm.at[pl.ds(row0, ROWS_PER_STEP)], sems.at[3, b]
            ).start()

        def wait_store(b):
            pltpu.make_async_copy(
                out_v.at[b], out_hbm.at[pl.ds(0, ROWS_PER_STEP)], sems.at[3, b]
            ).wait()

        def compute(b):
            def one_row(q):
                w11 = w_v[b, q, pl.ds(0, LANES)]
                w12 = w_v[b, q, pl.ds(LANES, LANES)]
                w21 = w_v[b, q, pl.ds(2 * LANES, LANES)]
                w22 = w_v[b, q, pl.ds(3 * LANES, LANES)]
                for cb in range(CC // LANES):
                    s = cb * LANES
                    acc = (
                        w11 * g_v[b, 4 * q, pl.ds(s, LANES)]
                        + w12 * g_v[b, 4 * q + 1, pl.ds(s, LANES)]
                    ) + (
                        w21 * g_v[b, 4 * q + 2, pl.ds(s, LANES)]
                        + w22 * g_v[b, 4 * q + 3, pl.ds(s, LANES)]
                    )
                    out_v[b, q, pl.ds(s, LANES)] = acc

            @pl.loop(0, ROWS_PER_STEP, step=2)
            def _(q):
                one_row(q)
                one_row(q + 1)

        issue_idxw(0, 0)
        issue_idxw(1, 1)
        wait_idxw(0)
        issue_gather(0)

        def body(t, b, nb):
            @pl.when(t < LAST)
            def _():
                wait_idxw(nb)
                issue_gather(nb)

            wait_gather(b)

            @pl.when(t >= 2)
            def _():
                wait_store(b)

            compute(b)
            issue_store(t, b)

            @pl.when(t + 2 <= LAST)
            def _():
                issue_idxw(t + 2, b)

        @pl.loop(0, STEPS_PER_W // 2)
        def _(u):
            body(2 * u, 0, 1)
            body(2 * u + 1, 1, 0)

        wait_store(0)
        wait_store(1)

    return k(table, idx4, wexp)


def kernel(features, proposals):
    idx4, wexp = _coords(proposals)
    table = features.transpose(0, 2, 3, 1).reshape(BB * HH * WW, CC)
    rows = _sc_kernel(table, idx4, wexp)
    out = rows.reshape(RPAD, NBINS, CC)[:RR]
    return out.transpose(0, 2, 1).reshape(RR, CC, OUT, OUT)

# --- scband reference (transcript-rebuilt; emitter-appended) ---
"""Pipeline reference for scband-roialign-extractor-14156212207799 (READ-ONLY COPY).

The authoritative reference and input builder live on the scoring server;
editing this copy changes nothing except your own understanding.
"""

import jax, jax.numpy as jnp
import numpy as np

OUTPUT_SIZE = 7
SPATIAL_SCALE = 6.5
B, N, C, H, W = 2, 1000, 256, 128, 128


def setup_inputs(seed: int = 0):
    key = jax.random.key(seed)
    k1, k2 = jax.random.split(key)
    features = jax.random.normal(k1, (B, C, H, W), dtype=jnp.float32)
    proposals = jax.random.uniform(k2, (B, N, 5), dtype=jnp.float32)
    return {"features": features, "proposals": proposals}


def _interp_1d(coord, size):
    # torchvision bilinear_interpolate 1D component (aligned semantics)
    valid = (coord >= -1.0) & (coord <= float(size))
    c = jnp.maximum(coord, 0.0)
    low = jnp.floor(c).astype(jnp.int32)
    cond = low >= size - 1
    low = jnp.where(cond, size - 1, low)
    high = jnp.minimum(low + 1, size - 1)
    c = jnp.where(cond, jnp.asarray(size - 1, c.dtype), c)
    frac = c - low.astype(c.dtype)
    return low, high, frac, valid


def _roi_align_forward(features, proposals):
    Bq, Cq, Hq, Wq = features.shape
    Nq = proposals.shape[1]
    out = OUTPUT_SIZE
    cx = proposals[..., 0].reshape(-1)
    cy = proposals[..., 1].reshape(-1)
    w = proposals[..., 2].reshape(-1)
    h = proposals[..., 3].reshape(-1)
    # module converts (cx,cy,w,h) -> (x1,y1,x2,y2), scales by spatial_scale,
    # then calls torchvision roi_align(spatial_scale=1.0, aligned=True, sampling_ratio=-1)
    x1 = (cx - w * 0.5) * SPATIAL_SCALE
    y1 = (cy - h * 0.5) * SPATIAL_SCALE
    roi_w = w * SPATIAL_SCALE
    roi_h = h * SPATIAL_SCALE
    roi_start_w = x1 - 0.5  # aligned=True offset
    roi_start_h = y1 - 0.5
    bin_w = roi_w / out
    bin_h = roi_h / out
    # sampling_ratio=-1 -> grid = ceil(roi_extent/out); with proposals in [0,1)
    # and SPATIAL_SCALE=6.5, roi extents < 7 so grid == 1 sample per bin exactly.
    grid = jnp.arange(out, dtype=jnp.float32) + 0.5
    py = roi_start_h[:, None] + grid[None, :] * bin_h[:, None]  # [R, out]
    px = roi_start_w[:, None] + grid[None, :] * bin_w[:, None]  # [R, out]
    yl, yh, ly, vy = _interp_1d(py, Hq)
    xl, xh, lx, vx = _interp_1d(px, Wq)
    hy = 1.0 - ly
    hx = 1.0 - lx
    batch_idx = jnp.repeat(jnp.arange(Bq, dtype=jnp.int32), Nq)
    ft = jnp.transpose(features, (0, 2, 3, 1))  # [B, H, W, C]
    bb = batch_idx[:, None, None]
    v11 = ft[bb, yl[:, :, None], xl[:, None, :]]  # [R, out, out, C]
    v12 = ft[bb, yl[:, :, None], xh[:, None, :]]
    v21 = ft[bb, yh[:, :, None], xl[:, None, :]]
    v22 = ft[bb, yh[:, :, None], xh[:, None, :]]
    w11 = (hy[:, :, None] * hx[:, None, :])[..., None]
    w12 = (hy[:, :, None] * lx[:, None, :])[..., None]
    w21 = (ly[:, :, None] * hx[:, None, :])[..., None]
    w22 = (ly[:, :, None] * lx[:, None, :])[..., None]
    val = w11 * v11 + w12 * v12 + w21 * v21 + w22 * v22
    valid = (vy[:, :, None] & vx[:, None, :])[..., None]
    val = jnp.where(valid, val, 0.0)
    # count = grid_h * grid_w = 1 -> no division needed
    return jnp.transpose(val, (0, 3, 1, 2))  # [B*N, C, out, out]


def reference(features, proposals):
    return _roi_align_forward(features, proposals)

if __name__ == "__main__":
    import jax
    _d = setup_inputs()
    print(jax.jit(kernel)(*tuple(_d.values())))

</pallas_src>

<mosaic_0001>
#map = affine_map<(d0, d1) -> (0, 0)>
#map1 = affine_map<(d0, d1) -> (0)>
module attributes {stable_mosaic.version = 14 : i64} {
  func.func @k(%arg0: i32, %arg1: i32, %arg2: memref<32768x256xf32, #tpu.memory_space<hbm>>, %arg3: memref<401408xi32, #tpu.memory_space<hbm>>, %arg4: memref<100352x64xf32, #tpu.memory_space<hbm>>, %arg5: memref<100352x256xf32, #tpu.memory_space<hbm>>, %arg6: memref<2x128xi32, #tpu.memory_space<vmem>>, %arg7: memref<2x32x64xf32, #tpu.memory_space<vmem>>, %arg8: memref<2x128x256xf32, #tpu.memory_space<vmem>>, %arg9: memref<2x32x256xf32, #tpu.memory_space<vmem>>, %arg10: memref<4x2x!tpu.dma_semaphore, #tpu.memory_space<semaphore_mem>>) attributes {dimension_semantics = [#tpu.dimension_semantics<core_parallel>, #tpu.dimension_semantics<subcore_parallel>], iteration_bounds = array<i64: 2, 16>, scalar_prefetch = 0 : i64, scratch_operands = 5 : i64, tpu.core_type = #tpu.core_type<sc_vector_subcore>, window_params = [{transform_indices = #map}, {transform_indices = #map1}, {transform_indices = #map}, {transform_indices = #map}]} {
    %mul3A = arith.constant 2 : i32
    %mul3A_0 = arith.muli %arg1, %mul3A : i32
    %add3A = arith.addi %mul3A_0, %arg0 : i32
    %mul3A_1 = arith.constant 98 : i32
    %mul3A_2 = arith.muli %add3A, %mul3A_1 : i32
    %add3A_3 = arith.constant 0 : i32
    %add3A_4 = arith.addi %mul3A_2, %add3A_3 : i32
    %mul3A_5 = arith.constant 32 : i32
    %mul3A_6 = arith.muli %add3A_4, %mul3A_5 : i32
    %mul3A_7 = arith.constant 4 : i32
    %mul3A_8 = arith.muli %mul3A_6, %mul3A_7 : i32
    %dma_start3A = arith.constant 0 : i32
    %dma_start3A_9 = arith.constant 0 : i32
    %dma_start3A_10 = arith.constant 0 : i32
    %dma_start3A_11 = arith.constant 0 : i32
    %dma_start3A_12 = tpu.memref_slice %arg6[%dma_start3A, %dma_start3A_11] : memref<2x128xi32, #tpu.memory_space<vmem>> -> memref<1x128xi32, #tpu.memory_space<vmem>>
    %dma_start3A_13 = tpu.memref_squeeze %dma_start3A_12 : memref<1x128xi32, #tpu.memory_space<vmem>> -> memref<128xi32, #tpu.memory_space<vmem>>
    %dma_start3A_14 = tpu.memref_slice %arg3[%mul3A_8] : memref<401408xi32, #tpu.memory_space<hbm>> -> memref<128xi32, #tpu.memory_space<hbm>>
    %dma_start3A_15 = tpu.memref_slice %arg10[%dma_start3A_9, %dma_start3A_10] : memref<4x2x!tpu.dma_semaphore, #tpu.memory_space<semaphore_mem>> -> memref<1x1x!tpu.dma_semaphore, #tpu.memory_space<semaphore_mem>>
    %dma_start3A_16 = tpu.memref_squeeze %dma_start3A_15 : memref<1x1x!tpu.dma_semaphore, #tpu.memory_space<semaphore_mem>> -> memref<!tpu.dma_semaphore, #tpu.memory_space<semaphore_mem>>
    %dma_start3A_17 = arith.constant 0 : i32
    %dma_start3A_18 = tpu.memref_slice %arg6[%dma_start3A, %dma_start3A_17] : memref<2x128xi32, #tpu.memory_space<vmem>> -> memref<1x128xi32, #tpu.memory_space<vmem>>
    %dma_start3A_19 = tpu.memref_squeeze %dma_start3A_18 : memref<1x128xi32, #tpu.memory_space<vmem>> -> memref<128xi32, #tpu.memory_space<vmem>>
    %dma_start3A_20 = tpu.memref_slice %arg3[%mul3A_8] : memref<401408xi32, #tpu.memory_space<hbm>> -> memref<128xi32, #tpu.memory_space<hbm>>
    tpu.enqueue_dma source(%dma_start3A_20 : memref<128xi32, #tpu.memory_space<hbm>>) target(%dma_start3A_19 : memref<128xi32, #tpu.memory_space<vmem>>) target_semaphore(%dma_start3A_16 : memref<!tpu.dma_semaphore, #tpu.memory_space<semaphore_mem>>)
    %dma_start3A_21 = arith.constant 0 : i32
    %dma_start3A_22 = arith.constant 1 : i32
    %dma_start3A_23 = arith.constant 0 : i32
    %dma_start3A_24 = arith.constant 0 : i32
    %dma_start3A_25 = arith.constant 0 : i32
    %dma_start3A_26 = tpu.memref_slice %arg7[%dma_start3A_21, %dma_start3A_24, %dma_start3A_25] : memref<2x32x64xf32, #tpu.memory_space<vmem>> -> memref<1x32x64xf32, #tpu.memory_space<vmem>>
    %dma_start3A_27 = tpu.memref_squeeze %dma_start3A_26 : memref<1x32x64xf32, #tpu.memory_space<vmem>> -> memref<32x64xf32, #tpu.memory_space<vmem>>
    %dma_start3A_28 = arith.constant 0 : i32
    %dma_start3A_29 = tpu.memref_slice %arg4[%mul3A_6, %dma_start3A_28] : memref<100352x64xf32, #tpu.memory_space<hbm>> -> memref<32x64xf32, #tpu.memory_space<hbm>>
    %dma_start3A_30 = tpu.memref_slice %arg10[%dma_start3A_22, %dma_start3A_23] : memref<4x2x!tpu.dma_semaphore, #tpu.memory_space<semaphore_mem>> -> memref<1x1x!tpu.dma_semaphore, #tpu.memory_space<semaphore_mem>>
    %dma_start3A_31 = tpu.memref_squeeze %dma_start3A_30 : memref<1x1x!tpu.dma_semaphore, #tpu.memory_space<semaphore_mem>> -> memref<!tpu.dma_semaphore, #tpu.memory_space<semaphore_mem>>
    %dma_start3A_32 = arith.constant 0 : i32
    %dma_start3A_33 = arith.constant 0 : i32
    %dma_start3A_34 = tpu.memref_slice %arg7[%dma_start3A_21, %dma_start3A_32, %dma_start3A_33] : memref<2x32x64xf32, #tpu.memory_space<vmem>> -> memref<1x32x64xf32, #tpu.memory_space<vmem>>
    %dma_start3A_35 = tpu.memref_squeeze %dma_start3A_34 : memref<1x32x64xf32, #tpu.memory_space<vmem>> -> memref<32x64xf32, #tpu.memory_space<vmem>>
    %dma_start3A_36 = arith.constant 0 : i32
    %dma_start3A_37 = tpu.memref_slice %arg4[%mul3A_6, %dma_start3A_36] : memref<100352x64xf32, #tpu.memory_space<hbm>> -> memref<32x64xf32, #tpu.memory_space<hbm>>
    tpu.enqueue_dma source(%dma_start3A_37 : memref<32x64xf32, #tpu.memory_space<hbm>>) target(%dma_start3A_35 : memref<32x64xf32, #tpu.memory_space<vmem>>) target_semaphore(%dma_start3A_31 : memref<!tpu.dma_semaphore, #tpu.memory_space<semaphore_mem>>)
    %add3A_38 = arith.constant 1 : i32
    %add3A_39 = arith.addi %mul3A_2, %add3A_38 : i32
    %mul3A_40 = arith.constant 32 : i32
    %mul3A_41 = arith.muli %add3A_39, %mul3A_40 : i32
    %mul3A_42 = arith.constant 4 : i32
    %mul3A_43 = arith.muli %mul3A_41, %mul3A_42 : i32
    %dma_start3A_44 = arith.constant 1 : i32
    %dma_start3A_45 = arith.constant 0 : i32
    %dma_start3A_46 = arith.constant 1 : i32
    %dma_start3A_47 = arith.constant 0 : i32
    %dma_start3A_48 = tpu.memref_slice %arg6[%dma_start3A_44, %dma_start3A_47] : memref<2x128xi32, #tpu.memory_space<vmem>> -> memref<1x128xi32, #tpu.memory_space<vmem>>
    %dma_start3A_49 = tpu.memref_squeeze %dma_start3A_48 : memref<1x128xi32, #tpu.memory_space<vmem>> -> memref<128xi32, #tpu.memory_space<vmem>>
    %dma_start3A_50 = tpu.memref_slice %arg3[%mul3A_43] : memref<401408xi32, #tpu.memory_space<hbm>> -> memref<128xi32, #tpu.memory_space<hbm>>
    %dma_start3A_51 = tpu.memref_slice %arg10[%dma_start3A_45, %dma_start3A_46] : memref<4x2x!tpu.dma_semaphore, #tpu.memory_space<semaphore_mem>> -> memref<1x1x!tpu.dma_semaphore, #tpu.memory_space<semaphore_mem>>
    %dma_start3A_52 = tpu.memref_squeeze %dma_start3A_51 : memref<1x1x!tpu.dma_semaphore, #tpu.memory_space<semaphore_mem>> -> memref<!tpu.dma_semaphore, #tpu.memory_space<semaphore_mem>>
    %dma_start3A_53 = arith.constant 0 : i32
    %dma_start3A_54 = tpu.memref_slice %arg6[%dma_start3A_44, %dma_start3A_53] : memref<2x128xi32, #tpu.memory_space<vmem>> -> memref<1x128xi32, #tpu.memory_space<vmem>>
    %dma_start3A_55 = tpu.memref_squeeze %dma_start3A_54 : memref<1x128xi32, #tpu.memory_space<vmem>> -> memref<128xi32, #tpu.memory_space<vmem>>
    %dma_start3A_56 = tpu.memref_slice %arg3[%mul3A_43] : memref<401408xi32, #tpu.memory_space<hbm>> -> memref<128xi32, #tpu.memory_space<hbm>>
    tpu.enqueue_dma source(%dma_start3A_56 : memref<128xi32, #tpu.memory_space<hbm>>) target(%dma_start3A_55 : memref<128xi32, #tpu.memory_space<vmem>>) target_semaphore(%dma_start3A_52 : memref<!tpu.dma_semaphore, #tpu.memory_space<semaphore_mem>>)
    %dma_start3A_57 = arith.constant 1 : i32
    %dma_start3A_58 = arith.constant 1 : i32
    %dma_start3A_59 = arith.constant 1 : i32
    %dma_start3A_60 = arith.constant 0 : i32
    %dma_start3A_61 = arith.constant 0 : i32
    %dma_start3A_62 = tpu.memref_slice %arg7[%dma_start3A_57, %dma_start3A_60, %dma_start3A_61] : memref<2x32x64xf32, #tpu.memory_space<vmem>> -> memref<1x32x64xf32, #tpu.memory_space<vmem>>
    %dma_start3A_63 = tpu.memref_squeeze %dma_start3A_62 : memref<1x32x64xf32, #tpu.memory_space<vmem>> -> memref<32x64xf32, #tpu.memory_space<vmem>>
    %dma_start3A_64 = arith.constant 0 : i32
    %dma_start3A_65 = tpu.memref_slice %arg4[%mul3A_41, %dma_start3A_64] : memref<100352x64xf32, #tpu.memory_space<hbm>> -> memref<32x64xf32, #tpu.memory_space<hbm>>
    %dma_start3A_66 = tpu.memref_slice %arg10[%dma_start3A_58, %dma_start3A_59] : memref<4x2x!tpu.dma_semaphore, #tpu.memory_space<semaphore_mem>> -> memref<1x1x!tpu.dma_semaphore, #tpu.memory_space<semaphore_mem>>
    %dma_start3A_67 = tpu.memref_squeeze %dma_start3A_66 : memref<1x1x!tpu.dma_semaphore, #tpu.memory_space<semaphore_mem>> -> memref<!tpu.dma_semaphore, #tpu.memory_space<semaphore_mem>>
    %dma_start3A_68 = arith.constant 0 : i32
    %dma_start3A_69 = arith.constant 0 : i32
    %dma_start3A_70 = tpu.memref_slice %arg7[%dma_start3A_57, %dma_start3A_68, %dma_start3A_69] : memref<2x32x64xf32, #tpu.memory_space<vmem>> -> memref<1x32x64xf32, #tpu.memory_space<vmem>>
    %dma_start3A_71 = tpu.memref_squeeze %dma_start3A_70 : memref<1x32x64xf32, #tpu.memory_space<vmem>> -> memref<32x64xf32, #tpu.memory_space<vmem>>
    %dma_start3A_72 = arith.constant 0 : i32
    %dma_start3A_73 = tpu.memref_slice %arg4[%mul3A_41, %dma_start3A_72] : memref<100352x64xf32, #tpu.memory_space<hbm>> -> memref<32x64xf32, #tpu.memory_space<hbm>>
    tpu.enqueue_dma source(%dma_start3A_73 : memref<32x64xf32, #tpu.memory_space<hbm>>) target(%dma_start3A_71 : memref<32x64xf32, #tpu.memory_space<vmem>>) target_semaphore(%dma_start3A_67 : memref<!tpu.dma_semaphore, #tpu.memory_space<semaphore_mem>>)
    %dma_wait3A = arith.constant 0 : i32
    %dma_wait3A_74 = arith.constant 0 : i32
    %dma_wait3A_75 = arith.constant 0 : i32
    %dma_wait3A_76 = arith.constant 0 : i32
    %dma_wait3A_77 = tpu.memref_slice %arg6[%dma_wait3A, %dma_wait3A_76] : memref<2x128xi32, #tpu.memory_space<vmem>> -> memref<1x128xi32, #tpu.memory_space<vmem>>
    %dma_wait3A_78 = tpu.memref_squeeze %dma_wait3A_77 : memref<1x128xi32, #tpu.memory_space<vmem>> -> memref<128xi32, #tpu.memory_space<vmem>>
    %dma_wait3A_79 = arith.constant 0 : i32
    %dma_wait3A_80 = tpu.memref_slice %arg3[%dma_wait3A_79] : memref<401408xi32, #tpu.memory_space<hbm>> -> memref<128xi32, #tpu.memory_space<hbm>>
    %dma_wait3A_81 = tpu.memref_slice %arg10[%dma_wait3A_74, %dma_wait3A_75] : memref<4x2x!tpu.dma_semaphore, #tpu.memory_space<semaphore_mem>> -> memref<1x1x!tpu.dma_semaphore, #tpu.memory_space<semaphore_mem>>
    %dma_wait3A_82 = tpu.memref_squeeze %dma_wait3A_81 : memref<1x1x!tpu.dma_semaphore, #tpu.memory_space<semaphore_mem>> -> memref<!tpu.dma_semaphore, #tpu.memory_space<semaphore_mem>>
    %dma_wait3A_83 = arith.constant 0 : i32
    %dma_wait3A_84 = tpu.memref_slice %arg6[%dma_wait3A, %dma_wait3A_83] : memref<2x128xi32, #tpu.memory_space<vmem>> -> memref<1x128xi32, #tpu.memory_space<vmem>>
    %dma_wait3A_85 = tpu.memref_squeeze %dma_wait3A_84 : memref<1x128xi32, #tpu.memory_space<vmem>> -> memref<128xi32, #tpu.memory_space<vmem>>
    %dma_wait3A_86 = arith.constant 0 : i32
    %dma_wait3A_87 = tpu.memref_slice %arg3[%dma_wait3A_86] : memref<401408xi32, #tpu.memory_space<hbm>> -> memref<128xi32, #tpu.memory_space<hbm>>
    tpu.wait_dma2 semaphore(%dma_wait3A_82 : memref<!tpu.dma_semaphore, #tpu.memory_space<semaphore_mem>>) src(%dma_wait3A_87 : memref<128xi32, #tpu.memory_space<hbm>>) dst(%dma_wait3A_85 : memref<128xi32, #tpu.memory_space<vmem>>)
    %dma_wait3A_88 = arith.constant 0 : i32
    %dma_wait3A_89 = arith.constant 1 : i32
    %dma_wait3A_90 = arith.constant 0 : i32
    %dma_wait3A_91 = arith.constant 0 : i32
    %dma_wait3A_92 = arith.constant 0 : i32
    %dma_wait3A_93 = tpu.memref_slice %arg7[%dma_wait3A_88, %dma_wait3A_91, %dma_wait3A_92] : memref<2x32x64xf32, #tpu.memory_space<vmem>> -> memref<1x32x64xf32, #tpu.memory_space<vmem>>
    %dma_wait3A_94 = tpu.memref_squeeze %dma_wait3A_93 : memref<1x32x64xf32, #tpu.memory_space<vmem>> -> memref<32x64xf32, #tpu.memory_space<vmem>>
    %dma_wait3A_95 = arith.constant 0 : i32
    %dma_wait3A_96 = arith.constant 0 : i32
    %dma_wait3A_97 = tpu.memref_slice %arg4[%dma_wait3A_95, %dma_wait3A_96] : memref<100352x64xf32, #tpu.memory_space<hbm>> -> memref<32x64xf32, #tpu.memory_space<hbm>>
    %dma_wait3A_98 = tpu.memref_slice %arg10[%dma_wait3A_89, %dma_wait3A_90] : memref<4x2x!tpu.dma_semaphore, #tpu.memory_space<semaphore_mem>> -> memref<1x1x!tpu.dma_semaphore, #tpu.memory_space<semaphore_mem>>
    %dma_wait3A_99 = tpu.memref_squeeze %dma_wait3A_98 : memref<1x1x!tpu.dma_semaphore, #tpu.memory_space<semaphore_mem>> -> memref<!tpu.dma_semaphore, #tpu.memory_space<semaphore_mem>>
    %dma_wait3A_100 = arith.constant 0 : i32
    %dma_wait3A_101 = arith.constant 0 : i32
    %dma_wait3A_102 = tpu.memref_slice %arg7[%dma_wait3A_88, %dma_wait3A_100, %dma_wait3A_101] : memref<2x32x64xf32, #tpu.memory_space<vmem>> -> memref<1x32x64xf32, #tpu.memory_space<vmem>>
    %dma_wait3A_103 = tpu.memref_squeeze %dma_wait3A_102 : memref<1x32x64xf32, #tpu.memory_space<vmem>> -> memref<32x64xf32, #tpu.memory_space<vmem>>
    %dma_wait3A_104 = arith.constant 0 : i32
    %dma_wait3A_105 = arith.constant 0 : i32
    %dma_wait3A_106 = tpu.memref_slice %arg4[%dma_wait3A_104, %dma_wait3A_105] : memref<100352x64xf32, #tpu.memory_space<hbm>> -> memref<32x64xf32, #tpu.memory_space<hbm>>
    tpu.wait_dma2 semaphore(%dma_wait3A_99 : memref<!tpu.dma_semaphore, #tpu.memory_space<semaphore_mem>>) src(%dma_wait3A_106 : memref<32x64xf32, #tpu.memory_space<hbm>>) dst(%dma_wait3A_103 : memref<32x64xf32, #tpu.memory_space<vmem>>)
    %dma_start3A_107 = arith.constant 0 : i32
    %dma_start3A_108 = arith.constant 0 : i32
    %dma_start3A_109 = arith.constant 2 : i32
    %dma_start3A_110 = arith.constant 0 : i32
    %dma_start3A_111 = arith.constant 0 : i32
    %dma_start3A_112 = arith.constant 0 : i32
    %dma_start3A_113 = tpu.memref_slice %arg8[%dma_start3A_108, %dma_start3A_111, %dma_start3A_112] : memref<2x128x256xf32, #tpu.memory_space<vmem>> -> memref<1x128x256xf32, #tpu.memory_space<vmem>>
    %dma_start3A_114 = tpu.memref_squeeze %dma_start3A_113 : memref<1x128x256xf32, #tpu.memory_space<vmem>> -> memref<128x256xf32, #tpu.memory_space<vmem>>
    %dma_start3A_115 = arith.constant 0 : i32
    %dma_start3A_116 = tpu.memref_slice %arg6[%dma_start3A_107, %dma_start3A_115] : memref<2x128xi32, #tpu.memory_space<vmem>> -> memref<1x128xi32, #tpu.memory_space<vmem>>
    %dma_start3A_117 = tpu.memref_squeeze %dma_start3A_116 : memref<1x128xi32, #tpu.memory_space<vmem>> -> memref<128xi32, #tpu.memory_space<vmem>>
    %dma_start3A_118 = arith.constant 0 : i32
    %dma_start3A_119 = arith.constant 0 : i32
    %dma_start3A_120 = tpu.memref_slice %arg2[%dma_start3A_118, %dma_start3A_119] : memref<32768x256xf32, #tpu.memory_space<hbm>> -> memref<32768x256xf32, #tpu.memory_space<hbm>>
    %dma_start3A_121 = tpu.memref_slice %arg10[%dma_start3A_109, %dma_start3A_110] : memref<4x2x!tpu.dma_semaphore, #tpu.memory_space<semaphore_mem>> -> memref<1x1x!tpu.dma_semaphore, #tpu.memory_space<semaphore_mem>>
    %dma_start3A_122 = tpu.memref_squeeze %dma_start3A_121 : memref<1x1x!tpu.dma_semaphore, #tpu.memory_space<semaphore_mem>> -> memref<!tpu.dma_semaphore, #tpu.memory_space<semaphore_mem>>
    tpu.enqueue_indirect_dma source(%dma_start3A_120 : memref<32768x256xf32, #tpu.memory_space<hbm>>) target(%dma_start3A_114 : memref<128x256xf32, #tpu.memory_space<vmem>>) offsets(%dma_start3A_117 : memref<128xi32, #tpu.memory_space<vmem>>) semaphore(%dma_start3A_122 : memref<!tpu.dma_semaphore, #tpu.memory_space<semaphore_mem>>)
    %scan3A = arith.constant 0 : i32
    %scan3A_123 = arith.constant 49 : i32
    %scan3A_124 = arith.addi %scan3A, %scan3A_123 : i32
    %scan3A_125 = arith.constant 1 : i32
    scf.for %scan3A_165 = %scan3A to %scan3A_124 step %scan3A_125  : i32 {
      %mul3A_166 = arith.constant 1 : i32
      %mul3A_167 = arith.muli %scan3A_165, %mul3A_166 : i32
      %add3A_168 = arith.constant 0 : i32
      %add3A_169 = arith.addi %add3A_168, %mul3A_167 : i32
      %mul3A_170 = arith.constant 2 : i32
      %mul3A_171 = arith.muli %mul3A_170, %add3A_169 : i32
      %lt3A = arith.constant 97 : i32
      %lt3A_172 = arith.cmpi slt, %mul3A_171, %lt3A : i32
      %convert_element_type3A = arith.extui %lt3A_172 : i1 to i32
      %cond3A = arith.constant 0 : i32
      %cond3A_173 = arith.cmpi ne, %convert_element_type3A, %cond3A : i32
      scf.if %cond3A_173 {
        %dma_wait3A_287 = arith.constant 1 : i32
        %dma_wait3A_288 = arith.constant 0 : i32
        %dma_wait3A_289 = arith.constant 1 : i32
        %dma_wait3A_290 = arith.constant 0 : i32
        %dma_wait3A_291 = tpu.memref_slice %arg6[%dma_wait3A_287, %dma_wait3A_290] : memref<2x128xi32, #tpu.memory_space<vmem>> -> memref<1x128xi32, #tpu.memory_space<vmem>>
        %dma_wait3A_292 = tpu.memref_squeeze %dma_wait3A_291 : memref<1x128xi32, #tpu.memory_space<vmem>> -> memref<128xi32, #tpu.memory_space<vmem>>
        %dma_wait3A_293 = arith.constant 0 : i32
        %dma_wait3A_294 = tpu.memref_slice %arg3[%dma_wait3A_293] : memref<401408xi32, #tpu.memory_space<hbm>> -> memref<128xi32, #tpu.memory_space<hbm>>
        %dma_wait3A_295 = tpu.memref_slice %arg10[%dma_wait3A_288, %dma_wait3A_289] : memref<4x2x!tpu.dma_semaphore, #tpu.memory_space<semaphore_mem>> -> memref<1x1x!tpu.dma_semaphore, #tpu.memory_space<semaphore_mem>>
        %dma_wait3A_296 = tpu.memref_squeeze %dma_wait3A_295 : memref<1x1x!tpu.dma_semaphore, #tpu.memory_space<semaphore_mem>> -> memref<!tpu.dma_semaphore, #tpu.memory_space<semaphore_mem>>
        %dma_wait3A_297 = arith.constant 0 : i32
        %dma_wait3A_298 = tpu.memref_slice %arg6[%dma_wait3A_287, %dma_wait3A_297] : memref<2x128xi32, #tpu.memory_space<vmem>> -> memref<1x128xi32, #tpu.memory_space<vmem>>
        %dma_wait3A_299 = tpu.memref_squeeze %dma_wait3A_298 : memref<1x128xi32, #tpu.memory_space<vmem>> -> memref<128xi32, #tpu.memory_space<vmem>>
        %dma_wait3A_300 = arith.constant 0 : i32
        %dma_wait3A_301 = tpu.memref_slice %arg3[%dma_wait3A_300] : memref<401408xi32, #tpu.memory_space<hbm>> -> memref<128xi32, #tpu.memory_space<hbm>>
        tpu.wait_dma2 semaphore(%dma_wait3A_296 : memref<!tpu.dma_semaphore, #tpu.memory_space<semaphore_mem>>) src(%dma_wait3A_301 : memref<128xi32, #tpu.memory_space<hbm>>) dst(%dma_wait3A_299 : memref<128xi32, #tpu.memory_space<vmem>>)
        %dma_wait3A_302 = arith.constant 1 : i32
        %dma_wait3A_303 = arith.constant 1 : i32
        %dma_wait3A_304 = arith.constant 1 : i32
        %dma_wait3A_305 = arith.constant 0 : i32
        %dma_wait3A_306 = arith.constant 0 : i32
        %dma_wait3A_307 = tpu.memref_slice %arg7[%dma_wait3A_302, %dma_wait3A_305, %dma_wait3A_306] : memref<2x32x64xf32, #tpu.memory_space<vmem>> -> memref<1x32x64xf32, #tpu.memory_space<vmem>>
        %dma_wait3A_308 = tpu.memref_squeeze %dma_wait3A_307 : memref<1x32x64xf32, #tpu.memory_space<vmem>> -> memref<32x64xf32, #tpu.memory_space<vmem>>
        %dma_wait3A_309 = arith.constant 0 : i32
        %dma_wait3A_310 = arith.constant 0 : i32
        %dma_wait3A_311 = tpu.memref_slice %arg4[%dma_wait3A_309, %dma_wait3A_310] : memref<100352x64xf32, #tpu.memory_space<hbm>> -> memref<32x64xf32, #tpu.memory_space<hbm>>
        %dma_wait3A_312 = tpu.memref_slice %arg10[%dma_wait3A_303, %dma_wait3A_304] : memref<4x2x!tpu.dma_semaphore, #tpu.memory_space<semaphore_mem>> -> memref<1x1x!tpu.dma_semaphore, #tpu.memory_space<semaphore_mem>>
        %dma_wait3A_313 = tpu.memref_squeeze %dma_wait3A_312 : memref<1x1x!tpu.dma_semaphore, #tpu.memory_space<semaphore_mem>> -> memref<!tpu.dma_semaphore, #tpu.memory_space<semaphore_mem>>
        %dma_wait3A_314 = arith.constant 0 : i32
        %dma_wait3A_315 = arith.constant 0 : i32
        %dma_wait3A_316 = tpu.memref_slice %arg7[%dma_wait3A_302, %dma_wait3A_314, %dma_wait3A_315] : memref<2x32x64xf32, #tpu.memory_space<vmem>> -> memref<1x32x64xf32, #tpu.memory_space<vmem>>
        %dma_wait3A_317 = tpu.memref_squeeze %dma_wait3A_316 : memref<1x32x64xf32, #tpu.memory_space<vmem>> -> memref<32x64xf32, #tpu.memory_space<vmem>>
        %dma_wait3A_318 = arith.constant 0 : i32
        %dma_wait3A_319 = arith.constant 0 : i32
        %dma_wait3A_320 = tpu.memref_slice %arg4[%dma_wait3A_318, %dma_wait3A_319] : memref<100352x64xf32, #tpu.memory_space<hbm>> -> memref<32x64xf32, #tpu.memory_space<hbm>>
        tpu.wait_dma2 semaphore(%dma_wait3A_313 : memref<!tpu.dma_semaphore, #tpu.memory_space<semaphore_mem>>) src(%dma_wait3A_320 : memref<32x64xf32, #tpu.memory_space<hbm>>) dst(%dma_wait3A_317 : memref<32x64xf32, #tpu.memory_space<vmem>>)
        %dma_start3A_321 = arith.constant 1 : i32
        %dma_start3A_322 = arith.constant 1 : i32
        %dma_start3A_323 = arith.constant 2 : i32
        %dma_start3A_324 = arith.constant 1 : i32
        %dma_start3A_325 = arith.constant 0 : i32
        %dma_start3A_326 = arith.constant 0 : i32
        %dma_start3A_327 = tpu.memref_slice %arg8[%dma_start3A_322, %dma_start3A_325, %dma_start3A_326] : memref<2x128x256xf32, #tpu.memory_space<vmem>> -> memref<1x128x256xf32, #tpu.memory_space<vmem>>
        %dma_start3A_328 = tpu.memref_squeeze %dma_start3A_327 : memref<1x128x256xf32, #tpu.memory_space<vmem>> -> memref<128x256xf32, #tpu.memory_space<vmem>>
        %dma_start3A_329 = arith.constant 0 : i32
        %dma_start3A_330 = tpu.memref_slice %arg6[%dma_start3A_321, %dma_start3A_329] : memref<2x128xi32, #tpu.memory_space<vmem>> -> memref<1x128xi32, #tpu.memory_space<vmem>>
        %dma_start3A_331 = tpu.memref_squeeze %dma_start3A_330 : memref<1x128xi32, #tpu.memory_space<vmem>> -> memref<128xi32, #tpu.memory_space<vmem>>
        %dma_start3A_332 = arith.constant 0 : i32
        %dma_start3A_333 = arith.constant 0 : i32
        %dma_start3A_334 = tpu.memref_slice %arg2[%dma_start3A_332, %dma_start3A_333] : memref<32768x256xf32, #tpu.memory_space<hbm>> -> memref<32768x256xf32, #tpu.memory_space<hbm>>
        %dma_start3A_335 = tpu.memref_slice %arg10[%dma_start3A_323, %dma_start3A_324] : memref<4x2x!tpu.dma_semaphore, #tpu.memory_space<semaphore_mem>> -> memref<1x1x!tpu.dma_semaphore, #tpu.memory_space<semaphore_mem>>
        %dma_start3A_336 = tpu.memref_squeeze %dma_start3A_335 : memref<1x1x!tpu.dma_semaphore, #tpu.memory_space<semaphore_mem>> -> memref<!tpu.dma_semaphore, #tpu.memory_space<semaphore_mem>>
        tpu.enqueue_indirect_dma source(%dma_start3A_334 : memref<32768x256xf32, #tpu.memory_space<hbm>>) target(%dma_start3A_328 : memref<128x256xf32, #tpu.memory_space<vmem>>) offsets(%dma_start3A_331 : memref<128xi32, #tpu.memory_space<vmem>>) semaphore(%dma_start3A_336 : memref<!tpu.dma_semaphore, #tpu.memory_space<semaphore_mem>>)
      } else {
      }
      %dma_wait3A_174 = arith.constant 0 : i32
      %dma_wait3A_175 = arith.constant 0 : i32
      %dma_wait3A_176 = arith.constant 2 : i32
      %dma_wait3A_177 = arith.constant 0 : i32
      %dma_wait3A_178 = arith.constant 0 : i32
      %dma_wait3A_179 = arith.constant 0 : i32
      %dma_wait3A_180 = tpu.memref_slice %arg8[%dma_wait3A_175, %dma_wait3A_178, %dma_wait3A_179] : memref<2x128x256xf32, #tpu.memory_space<vmem>> -> memref<1x128x256xf32, #tpu.memory_space<vmem>>
      %dma_wait3A_181 = tpu.memref_squeeze %dma_wait3A_180 : memref<1x128x256xf32, #tpu.memory_space<vmem>> -> memref<128x256xf32, #tpu.memory_space<vmem>>
      %dma_wait3A_182 = arith.constant 0 : i32
      %dma_wait3A_183 = tpu.memref_slice %arg6[%dma_wait3A_174, %dma_wait3A_182] : memref<2x128xi32, #tpu.memory_space<vmem>> -> memref<1x128xi32, #tpu.memory_space<vmem>>
      %dma_wait3A_184 = tpu.memref_squeeze %dma_wait3A_183 : memref<1x128xi32, #tpu.memory_space<vmem>> -> memref<128xi32, #tpu.memory_space<vmem>>
      %dma_wait3A_185 = arith.constant 0 : i32
      %dma_wait3A_186 = arith.constant 0 : i32
      %dma_wait3A_187 = tpu.memref_slice %arg2[%dma_wait3A_185, %dma_wait3A_186] : memref<32768x256xf32, #tpu.memory_space<hbm>> -> memref<32768x256xf32, #tpu.memory_space<hbm>>
      %dma_wait3A_188 = tpu.memref_slice %arg10[%dma_wait3A_176, %dma_wait3A_177] : memref<4x2x!tpu.dma_semaphore, #tpu.memory_space<semaphore_mem>> -> memref<1x1x!tpu.dma_semaphore, #tpu.memory_space<semaphore_mem>>
      %dma_wait3A_189 = tpu.memref_squeeze %dma_wait3A_188 : memref<1x1x!tpu.dma_semaphore, #tpu.memory_space<semaphore_mem>> -> memref<!tpu.dma_semaphore, #tpu.memory_space<semaphore_mem>>
      tpu.wait_indirect_dma semaphore(%dma_wait3A_189 : memref<!tpu.dma_semaphore, #tpu.memory_space<semaphore_mem>>) src(%dma_wait3A_187 : memref<32768x256xf32, #tpu.memory_space<hbm>>) dst(%dma_wait3A_181 : memref<128x256xf32, #tpu.memory_space<vmem>>)
      %ge3A = arith.constant 2 : i32
      %ge3A_190 = arith.cmpi sge, %mul3A_171, %ge3A : i32
      %convert_element_type3A_191 = arith.extui %ge3A_190 : i1 to i32
      %cond3A_192 = arith.constant 0 : i32
      %cond3A_193 = arith.cmpi ne, %convert_element_type3A_191, %cond3A_192 : i32
      scf.if %cond3A_193 {
        %dma_wait3A_287 = arith.constant 0 : i32
        %dma_wait3A_288 = arith.constant 3 : i32
        %dma_wait3A_289 = arith.constant 0 : i32
        %dma_wait3A_290 = arith.constant 0 : i32
        %dma_wait3A_291 = arith.constant 0 : i32
        %dma_wait3A_292 = tpu.memref_slice %arg9[%dma_wait3A_287, %dma_wait3A_290, %dma_wait3A_291] : memref<2x32x256xf32, #tpu.memory_space<vmem>> -> memref<1x32x256xf32, #tpu.memory_space<vmem>>
        %dma_wait3A_293 = tpu.memref_squeeze %dma_wait3A_292 : memref<1x32x256xf32, #tpu.memory_space<vmem>> -> memref<32x256xf32, #tpu.memory_space<vmem>>
        %dma_wait3A_294 = arith.constant 0 : i32
        %dma_wait3A_295 = arith.constant 0 : i32
        %dma_wait3A_296 = tpu.memref_slice %arg5[%dma_wait3A_294, %dma_wait3A_295] : memref<100352x256xf32, #tpu.memory_space<hbm>> -> memref<32x256xf32, #tpu.memory_space<hbm>>
        %dma_wait3A_297 = tpu.memref_slice %arg10[%dma_wait3A_288, %dma_wait3A_289] : memref<4x2x!tpu.dma_semaphore, #tpu.memory_space<semaphore_mem>> -> memref<1x1x!tpu.dma_semaphore, #tpu.memory_space<semaphore_mem>>
        %dma_wait3A_298 = tpu.memref_squeeze %dma_wait3A_297 : memref<1x1x!tpu.dma_semaphore, #tpu.memory_space<semaphore_mem>> -> memref<!tpu.dma_semaphore, #tpu.memory_space<semaphore_mem>>
        %dma_wait3A_299 = arith.constant 0 : i32
        %dma_wait3A_300 = arith.constant 0 : i32
        %dma_wait3A_301 = tpu.memref_slice %arg5[%dma_wait3A_299, %dma_wait3A_300] : memref<100352x256xf32, #tpu.memory_space<hbm>> -> memref<32x256xf32, #tpu.memory_space<hbm>>
        %dma_wait3A_302 = arith.constant 0 : i32
        %dma_wait3A_303 = arith.constant 0 : i32
        %dma_wait3A_304 = tpu.memref_slice %arg9[%dma_wait3A_287, %dma_wait3A_302, %dma_wait3A_303] : memref<2x32x256xf32, #tpu.memory_space<vmem>> -> memref<1x32x256xf32, #tpu.memory_space<vmem>>
        %dma_wait3A_305 = tpu.memref_squeeze %dma_wait3A_304 : memref<1x32x256xf32, #tpu.memory_space<vmem>> -> memref<32x256xf32, #tpu.memory_space<vmem>>
        tpu.wait_dma2 semaphore(%dma_wait3A_298 : memref<!tpu.dma_semaphore, #tpu.memory_space<semaphore_mem>>) src(%dma_wait3A_305 : memref<32x256xf32, #tpu.memory_space<vmem>>) dst(%dma_wait3A_301 : memref<32x256xf32, #tpu.memory_space<hbm>>)
      } else {
      }
      %scan3A_194 = arith.constant 0 : i32
      %scan3A_195 = arith.constant 16 : i32
      %scan3A_196 = arith.addi %scan3A_194, %scan3A_195 : i32
      %scan3A_197 = arith.constant 1 : i32
      scf.for %scan3A_287 = %scan3A_194 to %scan3A_196 step %scan3A_197  : i32 {
        %mul3A_288 = arith.constant 2 : i32
        %mul3A_289 = arith.muli %scan3A_287, %mul3A_288 : i32
        %add3A_290 = arith.constant 0 : i32
        %add3A_291 = arith.addi %add3A_290, %mul3A_289 : i32
        %get3A = arith.constant 0 : i32
        %get3A_292 = arith.index_cast %get3A : i32 to index
        %get3A_293 = arith.index_cast %add3A_291 : i32 to index
        %get3A_294 = arith.constant 0 : index
        %get3A_295 = tpu.vector_load %arg7[%get3A_292, %get3A_293, %get3A_294] {strides = array<i32>} : memref<2x32x64xf32, #tpu.memory_space<vmem>>, vector<1x1x16xf32>,
        %get3A_296 = vector.shape_cast %get3A_295 : vector<1x1x16xf32> to vector<16xf32>
        %get3A_297 = arith.constant 0 : i32
        %get3A_298 = arith.index_cast %get3A_297 : i32 to index
        %get3A_299 = arith.index_cast %add3A_291 : i32 to index
        %get3A_300 = arith.constant 16 : index
        %get3A_301 = tpu.vector_load %arg7[%get3A_298, %get3A_299, %get3A_300] {strides = array<i32>} : memref<2x32x64xf32, #tpu.memory_space<vmem>>, vector<1x1x16xf32>,
        %get3A_302 = vector.shape_cast %get3A_301 : vector<1x1x16xf32> to vector<16xf32>
        %get3A_303 = arith.constant 0 : i32
        %get3A_304 = arith.index_cast %get3A_303 : i32 to index
        %get3A_305 = arith.index_cast %add3A_291 : i32 to index
        %get3A_306 = arith.constant 32 : index
        %get3A_307 = tpu.vector_load %arg7[%get3A_304, %get3A_305, %get3A_306] {strides = array<i32>} : memref<2x32x64xf32, #tpu.memory_space<vmem>>, vector<1x1x16xf32>,
        %get3A_308 = vector.shape_cast %get3A_307 : vector<1x1x16xf32> to vector<16xf32>
        %get3A_309 = arith.constant 0 : i32
        %get3A_310 = arith.index_cast %get3A_309 : i32 to index
        %get3A_311 = arith.index_cast %add3A_291 : i32 to index
        %get3A_312 = arith.constant 48 : index
        %get3A_313 = tpu.vector_load %arg7[%get3A_310, %get3A_311, %get3A_312] {strides = array<i32>} : memref<2x32x64xf32, #tpu.memory_space<vmem>>, vector<1x1x16xf32>,
        %get3A_314 = vector.shape_cast %get3A_313 : vector<1x1x16xf32> to vector<16xf32>
        %mul3A_315 = arith.constant 4 : i32
        %mul3A_316 = arith.muli %mul3A_315, %add3A_291 : i32
        %get3A_317 = arith.constant 0 : i32
        %get3A_318 = arith.index_cast %get3A_317 : i32 to index
        %get3A_319 = arith.index_cast %mul3A_316 : i32 to index
        %get3A_320 = arith.constant 0 : index
        %get3A_321 = tpu.vector_load %arg8[%get3A_318, %get3A_319, %get3A_320] {strides = array<i32>} : memref<2x128x256xf32, #tpu.memory_space<vmem>>, vector<1x1x16xf32>,
        %get3A_322 = vector.shape_cast %get3A_321 : vector<1x1x16xf32> to vector<16xf32>
        %mul3A_323 = arith.mulf %get3A_296, %get3A_322 : vector<16xf32>
        %mul3A_324 = arith.constant 4 : i32
        %mul3A_325 = arith.muli %mul3A_324, %add3A_291 : i32
        %add3A_326 = arith.constant 1 : i32
        %add3A_327 = arith.addi %mul3A_325, %add3A_326 : i32
        %get3A_328 = arith.constant 0 : i32
        %get3A_329 = arith.index_cast %get3A_328 : i32 to index
        %get3A_330 = arith.index_cast %add3A_327 : i32 to index
        %get3A_331 = arith.constant 0 : index
        %get3A_332 = tpu.vector_load %arg8[%get3A_329, %get3A_330, %get3A_331] {strides = array<i32>} : memref<2x128x256xf32, #tpu.memory_space<vmem>>, vector<1x1x16xf32>,
        %get3A_333 = vector.shape_cast %get3A_332 : vector<1x1x16xf32> to vector<16xf32>
        %mul3A_334 = arith.mulf %get3A_302, %get3A_333 : vector<16xf32>
        %add3A_335 = arith.addf %mul3A_323, %mul3A_334 : vector<16xf32>
        %mul3A_336 = arith.constant 4 : i32
        %mul3A_337 = arith.muli %mul3A_336, %add3A_291 : i32
        %add3A_338 = arith.constant 2 : i32
        %add3A_339 = arith.addi %mul3A_337, %add3A_338 : i32
        %get3A_340 = arith.constant 0 : i32
        %get3A_341 = arith.index_cast %get3A_340 : i32 to index
        %get3A_342 = arith.index_cast %add3A_339 : i32 to index
        %get3A_343 = arith.constant 0 : index
        %get3A_344 = tpu.vector_load %arg8[%get3A_341, %get3A_342, %get3A_343] {strides = array<i32>} : memref<2x128x256xf32, #tpu.memory_space<vmem>>, vector<1x1x16xf32>,
        %get3A_345 = vector.shape_cast %get3A_344 : vector<1x1x16xf32> to vector<16xf32>
        %mul3A_346 = arith.mulf %get3A_308, %get3A_345 : vector<16xf32>
        %mul3A_347 = arith.constant 4 : i32
        %mul3A_348 = arith.muli %mul3A_347, %add3A_291 : i32
        %add3A_349 = arith.constant 3 : i32
        %add3A_350 = arith.addi %mul3A_348, %add3A_349 : i32
        %get3A_351 = arith.constant 0 : i32
        %get3A_352 = arith.index_cast %get3A_351 : i32 to index
        %get3A_353 = arith.index_cast %add3A_350 : i32 to index
        %get3A_354 = arith.constant 0 : index
        %get3A_355 = tpu.vector_load %arg8[%get3A_352, %get3A_353, %get3A_354] {strides = array<i32>} : memref<2x128x256xf32, #tpu.memory_space<vmem>>, vector<1x1x16xf32>,
        %get3A_356 = vector.shape_cast %get3A_355 : vector<1x1x16xf32> to vector<16xf32>
        %mul3A_357 = arith.mulf %get3A_314, %get3A_356 : vector<16xf32>
        %add3A_358 = arith.addf %mul3A_346, %mul3A_357 : vector<16xf32>
        %add3A_359 = arith.addf %add3A_335, %add3A_358 : vector<16xf32>
        %swap3A = arith.constant 0 : i32
        %swap3A_360 = arith.index_cast %swap3A : i32 to index
        %swap3A_361 = arith.index_cast %add3A_291 : i32 to index
        %swap3A_362 = arith.constant 0 : index
        %swap3A_363 = tpu.vector_load %arg9[%swap3A_360, %swap3A_361, %swap3A_362] {strides = array<i32>} : memref<2x32x256xf32, #tpu.memory_space<vmem>>, vector<1x1x16xf32>,
        %swap3A_364 = vector.shape_cast %swap3A_363 : vector<1x1x16xf32> to vector<16xf32>
        %swap3A_365 = vector.shape_cast %add3A_359 : vector<16xf32> to vector<1x1x16xf32>
        tpu.vector_store %arg9[%swap3A_360, %swap3A_361, %swap3A_362], %swap3A_365 {strides = array<i32>} : memref<2x32x256xf32, #tpu.memory_space<vmem>>, vector<1x1x16xf32>,
        %mul3A_366 = arith.constant 4 : i32
        %mul3A_367 = arith.muli %mul3A_366, %add3A_291 : i32
        %get3A_368 = arith.constant 0 : i32
        %get3A_369 = arith.index_cast %get3A_368 : i32 to index
        %get3A_370 = arith.index_cast %mul3A_367 : i32 to index
        %get3A_371 = arith.constant 16 : index
        %get3A_372 = tpu.vector_load %arg8[%get3A_369, %get3A_370, %get3A_371] {strides = array<i32>} : memref<2x128x256xf32, #tpu.memory_space<vmem>>, vector<1x1x16xf32>,
        %get3A_373 = vector.shape_cast %get3A_372 : vector<1x1x16xf32> to vector<16xf32>
        %mul3A_374 = arith.mulf %get3A_296, %get3A_373 : vector<16xf32>
        %mul3A_375 = arith.constant 4 : i32
        %mul3A_376 = arith.muli %mul3A_375, %add3A_291 : i32
        %add3A_377 = arith.constant 1 : i32
        %add3A_378 = arith.addi %mul3A_376, %add3A_377 : i32
        %get3A_379 = arith.constant 0 : i32
        %get3A_380 = arith.index_cast %get3A_379 : i32 to index
        %get3A_381 = arith.index_cast %add3A_378 : i32 to index
        %get3A_382 = arith.constant 16 : index
        %get3A_383 = tpu.vector_load %arg8[%get3A_380, %get3A_381, %get3A_382] {strides = array<i32>} : memref<2x128x256xf32, #tpu.memory_space<vmem>>, vector<1x1x16xf32>,
        %get3A_384 = vector.shape_cast %get3A_383 : vector<1x1x16xf32> to vector<16xf32>
        %mul3A_385 = arith.mulf %get3A_302, %get3A_384 : vector<16xf32>
        %add3A_386 = arith.addf %mul3A_374, %mul3A_385 : vector<16xf32>
        %mul3A_387 = arith.constant 4 : i32
        %mul3A_388 = arith.muli %mul3A_387, %add3A_291 : i32
        %add3A_389 = arith.constant 2 : i32
        %add3A_390 = arith.addi %mul3A_388, %add3A_389 : i32
        %get3A_391 = arith.constant 0 : i32
        %get3A_392 = arith.index_cast %get3A_391 : i32 to index
        %get3A_393 = arith.index_cast %add3A_390 : i32 to index
        %get3A_394 = arith.constant 16 : index
        %get3A_395 = tpu.vector_load %arg8[%get3A_392, %get3A_393, %get3A_394] {strides = array<i32>} : memref<2x128x256xf32, #tpu.memory_space<vmem>>, vector<1x1x16xf32>,
        %get3A_396 = vector.shape_cast %get3A_395 : vector<1x1x16xf32> to vector<16xf32>
        %mul3A_397 = arith.mulf %get3A_308, %get3A_396 : vector<16xf32>
        %mul3A_398 = arith.constant 4 : i32
        %mul3A_399 = arith.muli %mul3A_398, %add3A_291 : i32
        %add3A_400 = arith.constant 3 : i32
        %add3A_401 = arith.addi %mul3A_399, %add3A_400 : i32
        %get3A_402 = arith.constant 0 : i32
        %get3A_403 = arith.index_cast %get3A_402 : i32 to index
        %get3A_404 = arith.index_cast %add3A_401 : i32 to index
        %get3A_405 = arith.constant 16 : index
        %get3A_406 = tpu.vector_load %arg8[%get3A_403, %get3A_404, %get3A_405] {strides = array<i32>} : memref<2x128x256xf32, #tpu.memory_space<vmem>>, vector<1x1x16xf32>,
        %get3A_407 = vector.shape_cast %get3A_406 : vector<1x1x16xf32> to vector<16xf32>
        %mul3A_408 = arith.mulf %get3A_314, %get3A_407 : vector<16xf32>
        %add3A_409 = arith.addf %mul3A_397, %mul3A_408 : vector<16xf32>
        %add3A_410 = arith.addf %add3A_386, %add3A_409 : vector<16xf32>
        %swap3A_411 = arith.constant 0 : i32
        %swap3A_412 = arith.index_cast %swap3A_411 : i32 to index
        %swap3A_413 = arith.index_cast %add3A_291 : i32 to index
        %swap3A_414 = arith.constant 16 : index
        %swap3A_415 = tpu.vector_load %arg9[%swap3A_412, %swap3A_413, %swap3A_414] {strides = array<i32>} : memref<2x32x256xf32, #tpu.memory_space<vmem>>, vector<1x1x16xf32>,
        %swap3A_416 = vector.shape_cast %swap3A_415 : vector<1x1x16xf32> to vector<16xf32>
        %swap3A_417 = vector.shape_cast %add3A_410 : vector<16xf32> to vector<1x1x16xf32>
        tpu.vector_store %arg9[%swap3A_412, %swap3A_413, %swap3A_414], %swap3A_417 {strides = array<i32>} : memref<2x32x256xf32, #tpu.memory_space<vmem>>, vector<1x1x16xf32>,
        %mul3A_418 = arith.constant 4 : i32
        %mul3A_419 = arith.muli %mul3A_418, %add3A_291 : i32
        %get3A_420 = arith.constant 0 : i32
        %get3A_421 = arith.index_cast %get3A_420 : i32 to index
        %get3A_422 = arith.index_cast %mul3A_419 : i32 to index
        %get3A_423 = arith.constant 32 : index
        %get3A_424 = tpu.vector_load %arg8[%get3A_421, %get3A_422, %get3A_423] {strides = array<i32>} : memref<2x128x256xf32, #tpu.memory_space<vmem>>, vector<1x1x16xf32>,
        %get3A_425 = vector.shape_cast %get3A_424 : vector<1x1x16xf32> to vector<16xf32>
        %mul3A_426 = arith.mulf %get3A_296, %get3A_425 : vector<16xf32>
        %mul3A_427 = arith.constant 4 : i32
        %mul3A_428 = arith.muli %mul3A_427, %add3A_291 : i32
        %add3A_429 = arith.constant 1 : i32
        %add3A_430 = arith.addi %mul3A_428, %add3A_429 : i32
        %get3A_431 = arith.constant 0 : i32
        %get3A_432 = arith.index_cast %get3A_431 : i32 to index
        %get3A_433 = arith.index_cast %add3A_430 : i32 to index
        %get3A_434 = arith.constant 32 : index
        %get3A_435 = tpu.vector_load %arg8[%get3A_432, %get3A_433, %get3A_434] {strides = array<i32>} : memref<2x128x256xf32, #tpu.memory_space<vmem>>, vector<1x1x16xf32>,
        %get3A_436 = vector.shape_cast %get3A_435 : vector<1x1x16xf32> to vector<16xf32>
        %mul3A_437 = arith.mulf %get3A_302, %get3A_436 : vector<16xf32>
        %add3A_438 = arith.addf %mul3A_426, %mul3A_437 : vector<16xf32>
        %mul3A_439 = arith.constant 4 : i32
        %mul3A_440 = arith.muli %mul3A_439, %add3A_291 : i32
        %add3A_441 = arith.constant 2 : i32
        %add3A_442 = arith.addi %mul3A_440, %add3A_441 : i32
        %get3A_443 = arith.constant 0 : i32
        %get3A_444 = arith.index_cast %get3A_443 : i32 to index
        %get3A_445 = arith.index_cast %add3A_442 : i32 to index
        %get3A_446 = arith.constant 32 : index
        %get3A_447 = tpu.vector_load %arg8[%get3A_444, %get3A_445, %get3A_446] {strides = array<i32>} : memref<2x128x256xf32, #tpu.memory_space<vmem>>, vector<1x1x16xf32>,
        %get3A_448 = vector.shape_cast %get3A_447 : vector<1x1x16xf32> to vector<16xf32>
        %mul3A_449 = arith.mulf %get3A_308, %get3A_448 : vector<16xf32>
        %mul3A_450 = arith.constant 4 : i32
        %mul3A_451 = arith.muli %mul3A_450, %add3A_291 : i32
        %add3A_452 = arith.constant 3 : i32
        %add3A_453 = arith.addi %mul3A_451, %add3A_452 : i32
        %get3A_454 = arith.constant 0 : i32
        %get3A_455 = arith.index_cast %get3A_454 : i32 to index
        %get3A_456 = arith.index_cast %add3A_453 : i32 to index
        %get3A_457 = arith.constant 32 : index
        %get3A_458 = tpu.vector_load %arg8[%get3A_455, %get3A_456, %get3A_457] {strides = array<i32>} : memref<2x128x256xf32, #tpu.memory_space<vmem>>, vector<1x1x16xf32>,
        %get3A_459 = vector.shape_cast %get3A_458 : vector<1x1x16xf32> to vector<16xf32>
        %mul3A_460 = arith.mulf %get3A_314, %get3A_459 : vector<16xf32>
        %add3A_461 = arith.addf %mul3A_449, %mul3A_460 : vector<16xf32>
        %add3A_462 = arith.addf %add3A_438, %add3A_461 : vector<16xf32>
        %swap3A_463 = arith.constant 0 : i32
        %swap3A_464 = arith.index_cast %swap3A_463 : i32 to index
        %swap3A_465 = arith.index_cast %add3A_291 : i32 to index
        %swap3A_466 = arith.constant 32 : index
        %swap3A_467 = tpu.vector_load %arg9[%swap3A_464, %swap3A_465, %swap3A_466] {strides = array<i32>} : memref<2x32x256xf32, #tpu.memory_space<vmem>>, vector<1x1x16xf32>,
        %swap3A_468 = vector.shape_cast %swap3A_467 : vector<1x1x16xf32> to vector<16xf32>
        %swap3A_469 = vector.shape_cast %add3A_462 : vector<16xf32> to vector<1x1x16xf32>
        tpu.vector_store %arg9[%swap3A_464, %swap3A_465, %swap3A_466], %swap3A_469 {strides = array<i32>} : memref<2x32x256xf32, #tpu.memory_space<vmem>>, vector<1x1x16xf32>,
        %mul3A_470 = arith.constant 4 : i32
        %mul3A_471 = arith.muli %mul3A_470, %add3A_291 : i32
        %get3A_472 = arith.constant 0 : i32
        %get3A_473 = arith.index_cast %get3A_472 : i32 to index
        %get3A_474 = arith.index_cast %mul3A_471 : i32 to index
        %get3A_475 = arith.constant 48 : index
        %get3A_476 = tpu.vector_load %arg8[%get3A_473, %get3A_474, %get3A_475] {strides = array<i32>} : memref<2x128x256xf32, #tpu.memory_space<vmem>>, vector<1x1x16xf32>,
        %get3A_477 = vector.shape_cast %get3A_476 : vector<1x1x16xf32> to vector<16xf32>
        %mul3A_478 = arith.mulf %get3A_296, %get3A_477 : vector<16xf32>
        %mul3A_479 = arith.constant 4 : i32
        %mul3A_480 = arith.muli %mul3A_479, %add3A_291 : i32
        %add3A_481 = arith.constant 1 : i32
        %add3A_482 = arith.addi %mul3A_480, %add3A_481 : i32
        %get3A_483 = arith.constant 0 : i32
        %get3A_484 = arith.index_cast %get3A_483 : i32 to index
        %get3A_485 = arith.index_cast %add3A_482 : i32 to index
        %get3A_486 = arith.constant 48 : index
        %get3A_487 = tpu.vector_load %arg8[%get3A_484, %get3A_485, %get3A_486] {strides = array<i32>} : memref<2x128x256xf32, #tpu.memory_space<vmem>>, vector<1x1x16xf32>,
        %get3A_488 = vector.shape_cast %get3A_487 : vector<1x1x16xf32> to vector<16xf32>
        %mul3A_489 = arith.mulf %get3A_302, %get3A_488 : vector<16xf32>
        %add3A_490 = arith.addf %mul3A_478, %mul3A_489 : vector<16xf32>
        %mul3A_491 = arith.constant 4 : i32
        %mul3A_492 = arith.muli %mul3A_491, %add3A_291 : i32
        %add3A_493 = arith.constant 2 : i32
        %add3A_494 = arith.addi %mul3A_492, %add3A_493 : i32
        %get3A_495 = arith.constant 0 : i32
        %get3A_496 = arith.index_cast %get3A_495 : i32 to index
        %get3A_497 = arith.index_cast %add3A_494 : i32 to index
        %get3A_498 = arith.constant 48 : index
        %get3A_499 = tpu.vector_load %arg8[%get3A_496, %get3A_497, %get3A_498] {strides = array<i32>} : memref<2x128x256xf32, #tpu.memory_space<vmem>>, vector<1x1x16xf32>,
        %get3A_500 = vector.shape_cast %get3A_499 : vector<1x1x16xf32> to vector<16xf32>
        %mul3A_501 = arith.mulf %get3A_308, %get3A_500 : vector<16xf32>
        %mul3A_502 = arith.constant 4 : i32
        %mul3A_503 = arith.muli %mul3A_502, %add3A_291 : i32
        %add3A_504 = arith.constant 3 : i32
        %add3A_505 = arith.addi %mul3A_503, %add3A_504 : i32
        %get3A_506 = arith.constant 0 : i32
        %get3A_507 = arith.index_cast %get3A_506 : i32 to index
        %get3A_508 = arith.index_cast %add3A_505 : i32 to index
        %get3A_509 = arith.constant 48 : index
        %get3A_510 = tpu.vector_load %arg8[%get3A_507, %get3A_508, %get3A_509] {strides = array<i32>} : memref<2x128x256xf32, #tpu.memory_space<vmem>>, vector<1x1x16xf32>,
        %get3A_511 = vector.shape_cast %get3A_510 : vector<1x1x16xf32> to vector<16xf32>
        %mul3A_512 = arith.mulf %get3A_314, %get3A_511 : vector<16xf32>
        %add3A_513 = arith.addf %mul3A_501, %mul3A_512 : vector<16xf32>
        %add3A_514 = arith.addf %add3A_490, %add3A_513 : vector<16xf32>
        %swap3A_515 = arith.constant 0 : i32
        %swap3A_516 = arith.index_cast %swap3A_515 : i32 to index
        %swap3A_517 = arith.index_cast %add3A_291 : i32 to index
        %swap3A_518 = arith.constant 48 : index
        %swap3A_519 = tpu.vector_load %arg9[%swap3A_516, %swap3A_517, %swap3A_518] {strides = array<i32>} : memref<2x32x256xf32, #tpu.memory_space<vmem>>, vector<1x1x16xf32>,
        %swap3A_520 = vector.shape_cast %swap3A_519 : vector<1x1x16xf32> to vector<16xf32>
        %swap3A_521 = vector.shape_cast %add3A_514 : vector<16xf32> to vector<1x1x16xf32>
        tpu.vector_store %arg9[%swap3A_516, %swap3A_517, %swap3A_518], %swap3A_521 {strides = array<i32>} : memref<2x32x256xf32, #tpu.memory_space<vmem>>, vector<1x1x16xf32>,
        %mul3A_522 = arith.constant 4 : i32
        %mul3A_523 = arith.muli %mul3A_522, %add3A_291 : i32
        %get3A_524 = arith.constant 0 : i32
        %get3A_525 = arith.index_cast %get3A_524 : i32 to index
        %get3A_526 = arith.index_cast %mul3A_523 : i32 to index
        %get3A_527 = arith.constant 64 : index
        %get3A_528 = tpu.vector_load %arg8[%get3A_525, %get3A_526, %get3A_527] {strides = array<i32>} : memref<2x128x256xf32, #tpu.memory_space<vmem>>, vector<1x1x16xf32>,
        %get3A_529 = vector.shape_cast %get3A_528 : vector<1x1x16xf32> to vector<16xf32>
        %mul3A_530 = arith.mulf %get3A_296, %get3A_529 : vector<16xf32>
        %mul3A_531 = arith.constant 4 : i32
        %mul3A_532 = arith.muli %mul3A_531, %add3A_291 : i32
        %add3A_533 = arith.constant 1 : i32
        %add3A_534 = arith.addi %mul3A_532, %add3A_533 : i32
        %get3A_535 = arith.constant 0 : i32
        %get3A_536 = arith.index_cast %get3A_535 : i32 to index
        %get3A_537 = arith.index_cast %add3A_534 : i32 to index
        %get3A_538 = arith.constant 64 : index
        %get3A_539 = tpu.vector_load %arg8[%get3A_536, %get3A_537, %get3A_538] {strides = array<i32>} : memref<2x128x256xf32, #tpu.memory_space<vmem>>, vector<1x1x16xf32>,
        %get3A_540 = vector.shape_cast %get3A_539 : vector<1x1x16xf32> to vector<16xf32>
        %mul3A_541 = arith.mulf %get3A_302, %get3A_540 : vector<16xf32>
        %add3A_542 = arith.addf %mul3A_530, %mul3A_541 : vector<16xf32>
        %mul3A_543 = arith.constant 4 : i32
        %mul3A_544 = arith.muli %mul3A_543, %add3A_291 : i32
        %add3A_545 = arith.constant 2 : i32
        %add3A_546 = arith.addi %mul3A_544, %add3A_545 : i32
        %get3A_547 = arith.constant 0 : i32
        %get3A_548 = arith.index_cast %get3A_547 : i32 to index
        %get3A_549 = arith.index_cast %add3A_546 : i32 to index
        %get3A_550 = arith.constant 64 : index
        %get3A_551 = tpu.vector_load %arg8[%get3A_548, %get3A_549, %get3A_550] {strides = array<i32>} : memref<2x128x256xf32, #tpu.memory_space<vmem>>, vector<1x1x16xf32>,
        %get3A_552 = vector.shape_cast %get3A_551 : vector<1x1x16xf32> to vector<16xf32>
        %mul3A_553 = arith.mulf %get3A_308, %get3A_552 : vector<16xf32>
        %mul3A_554 = arith.constant 4 : i32
        %mul3A_555 = arith.muli %mul3A_554, %add3A_291 : i32
        %add3A_556 = arith.constant 3 : i32
        %add3A_557 = arith.addi %mul3A_555, %add3A_556 : i32
        %get3A_558 = arith.constant 0 : i32
        %get3A_559 = arith.index_cast %get3A_558 : i32 to index
        %get3A_560 = arith.index_cast %add3A_557 : i32 to index
        %get3A_561 = arith.constant 64 : index
        %get3A_562 = tpu.vector_load %arg8[%get3A_559, %get3A_560, %get3A_561] {strides = array<i32>} : memref<2x128x256xf32, #tpu.memory_space<vmem>>, vector<1x1x16xf32>,
        %get3A_563 = vector.shape_cast %get3A_562 : vector<1x1x16xf32> to vector<16xf32>
        %mul3A_564 = arith.mulf %get3A_314, %get3A_563 : vector<16xf32>
        %add3A_565 = arith.addf %mul3A_553, %mul3A_564 : vector<16xf32>
        %add3A_566 = arith.addf %add3A_542, %add3A_565 : vector<16xf32>
        %swap3A_567 = arith.constant 0 : i32
        %swap3A_568 = arith.index_cast %swap3A_567 : i32 to index
        %swap3A_569 = arith.index_cast %add3A_291 : i32 to index
        %swap3A_570 = arith.constant 64 : index
        %swap3A_571 = tpu.vector_load %arg9[%swap3A_568, %swap3A_569, %swap3A_570] {strides = array<i32>} : memref<2x32x256xf32, #tpu.memory_space<vmem>>, vector<1x1x16xf32>,
        %swap3A_572 = vector.shape_cast %swap3A_571 : vector<1x1x16xf32> to vector<16xf32>
        %swap3A_573 = vector.shape_cast %add3A_566 : vector<16xf32> to vector<1x1x16xf32>
        tpu.vector_store %arg9[%swap3A_568, %swap3A_569, %swap3A_570], %swap3A_573 {strides = array<i32>} : memref<2x32x256xf32, #tpu.memory_space<vmem>>, vector<1x1x16xf32>,
        %mul3A_574 = arith.constant 4 : i32
        %mul3A_575 = arith.muli %mul3A_574, %add3A_291 : i32
        %get3A_576 = arith.constant 0 : i32
        %get3A_577 = arith.index_cast %get3A_576 : i32 to index
        %get3A_578 = arith.index_cast %mul3A_575 : i32 to index
        %get3A_579 = arith.constant 80 : index
        %get3A_580 = tpu.vector_load %arg8[%get3A_577, %get3A_578, %get3A_579] {strides = array<i32>} : memref<2x128x256xf32, #tpu.memory_space<vmem>>, vector<1x1x16xf32>,
        %get3A_581 = vector.shape_cast %get3A_580 : vector<1x1x16xf32> to vector<16xf32>
        %mul3A_582 = arith.mulf %get3A_296, %get3A_581 : vector<16xf32>
        %mul3A_583 = arith.constant 4 : i32
        %mul3A_584 = arith.muli %mul3A_583, %add3A_291 : i32
        %add3A_585 = arith.constant 1 : i32
        %add3A_586 = arith.addi %mul3A_584, %add3A_585 : i32
        %get3A_587 = arith.constant 0 : i32
        %get3A_588 = arith.index_cast %get3A_587 : i32 to index
        %get3A_589 = arith.index_cast %add3A_586 : i32 to index
        %get3A_590 = arith.constant 80 : index
        %get3A_591 = tpu.vector_load %arg8[%get3A_588, %get3A_589, %get3A_590] {strides = array<i32>} : memref<2x128x256xf32, #tpu.memory_space<vmem>>, vector<1x1x16xf32>,
        %get3A_592 = vector.shape_cast %get3A_591 : vector<1x1x16xf32> to vector<16xf32>
        %mul3A_593 = arith.mulf %get3A_302, %get3A_592 : vector<16xf32>
        %add3A_594 = arith.addf %mul3A_582, %mul3A_593 : vector<16xf32>
        %mul3A_595 = arith.constant 4 : i32
        %mul3A_596 = arith.muli %mul3A_595, %add3A_291 : i32
        %add3A_597 = arith.constant 2 : i32
        %add3A_598 = arith.addi %mul3A_596, %add3A_597 : i32
        %get3A_599 = arith.constant 0 : i32
        %get3A_600 = arith.index_cast %get3A_599 : i32 to index
        %get3A_601 = arith.index_cast %add3A_598 : i32 to index
        %get3A_602 = arith.constant 80 : index
        %get3A_603 = tpu.vector_load %arg8[%get3A_600, %get3A_601, %get3A_602] {strides = array<i32>} : memref<2x128x256xf32, #tpu.memory_space<vmem>>, vector<1x1x16xf32>,
        %get3A_604 = vector.shape_cast %get3A_603 : vector<1x1x16xf32> to vector<16xf32>
        %mul3A_605 = arith.mulf %get3A_308, %get3A_604 : vector<16xf32>
        %mul3A_606 = arith.constant 4 : i32
        %mul3A_607 = arith.muli %mul3A_606, %add3A_291 : i32
        %add3A_608 = arith.constant 3 : i32
        %add3A_609 = arith.addi %mul3A_607, %add3A_608 : i32
        %get3A_610 = arith.constant 0 : i32
        %get3A_611 = arith.index_cast %get3A_610 : i32 to index
        %get3A_612 = arith.index_cast %add3A_609 : i32 to index
        %get3A_613 = arith.constant 80 : index
        %get3A_614 = tpu.vector_load %arg8[%get3A_611, %get3A_612, %get3A_613] {strides = array<i32>} : memref<2x128x256xf32, #tpu.memory_space<vmem>>, vector<1x1x16xf32>,
        %get3A_615 = vector.shape_cast %get3A_614 : vector<1x1x16xf32> to vector<16xf32>
        %mul3A_616 = arith.mulf %get3A_314, %get3A_615 : vector<16xf32>
        %add3A_617 = arith.addf %mul3A_605, %mul3A_616 : vector<16xf32>
        %add3A_618 = arith.addf %add3A_594, %add3A_617 : vector<16xf32>
        %swap3A_619 = arith.constant 0 : i32
        %swap3A_620 = arith.index_cast %swap3A_619 : i32 to index
        %swap3A_621 = arith.index_cast %add3A_291 : i32 to index
        %swap3A_622 = arith.constant 80 : index
        %swap3A_623 = tpu.vector_load %arg9[%swap3A_620, %swap3A_621, %swap3A_622] {strides = array<i32>} : memref<2x32x256xf32, #tpu.memory_space<vmem>>, vector<1x1x16xf32>,
        %swap3A_624 = vector.shape_cast %swap3A_623 : vector<1x1x16xf32> to vector<16xf32>
        %swap3A_625 = vector.shape_cast %add3A_618 : vector<16xf32> to vector<1x1x16xf32>
        tpu.vector_store %arg9[%swap3A_620, %swap3A_621, %swap3A_622], %swap3A_625 {strides = array<i32>} : memref<2x32x256xf32, #tpu.memory_space<vmem>>, vector<1x1x16xf32>,
        %mul3A_626 = arith.constant 4 : i32
        %mul3A_627 = arith.muli %mul3A_626, %add3A_291 : i32
        %get3A_628 = arith.constant 0 : i32
        %get3A_629 = arith.index_cast %get3A_628 : i32 to index
        %get3A_630 = arith.index_cast %mul3A_627 : i32 to index
        %get3A_631 = arith.constant 96 : index
        %get3A_632 = tpu.vector_load %arg8[%get3A_629, %get3A_630, %get3A_631] {strides = array<i32>} : memref<2x128x256xf32, #tpu.memory_space<vmem>>, vector<1x1x16xf32>,
        %get3A_633 = vector.shape_cast %get3A_632 : vector<1x1x16xf32> to vector<16xf32>
        %mul3A_634 = arith.mulf %get3A_296, %get3A_633 : vector<16xf32>
        %mul3A_635 = arith.constant 4 : i32
        %mul3A_636 = arith.muli %mul3A_635, %add3A_291 : i32
        %add3A_637 = arith.constant 1 : i32
        %add3A_638 = arith.addi %mul3A_636, %add3A_637 : i32
        %get3A_639 = arith.constant 0 : i32
        %get3A_640 = arith.index_cast %get3A_639 : i32 to index
        %get3A_641 = arith.index_cast %add3A_638 : i32 to index
        %get3A_642 = arith.constant 96 : index
        %get3A_643 = tpu.vector_load %arg8[%get3A_640, %get3A_641, %get3A_642] {strides = array<i32>} : memref<2x128x256xf32, #tpu.memory_space<vmem>>, vector<1x1x16xf32>,
        %get3A_644 = vector.shape_cast %get3A_643 : vector<1x1x16xf32> to vector<16xf32>
        %mul3A_645 = arith.mulf %get3A_302, %get3A_644 : vector<16xf32>
        %add3A_646 = arith.addf %mul3A_634, %mul3A_645 : vector<16xf32>
        %mul3A_647 = arith.constant 4 : i32
        %mul3A_648 = arith.muli %mul3A_647, %add3A_291 : i32
        %add3A_649 = arith.constant 2 : i32
        %add3A_650 = arith.addi %mul3A_648, %add3A_649 : i32
        %get3A_651 = arith.constant 0 : i32
        %get3A_652 = arith.index_cast %get3A_651 : i32 to index
        %get3A_653 = arith.index_cast %add3A_650 : i32 to index
        %get3A_654 = arith.constant 96 : index
        %get3A_655 = tpu.vector_load %arg8[%get3A_652, %get3A_653, %get3A_654] {strides = array<i32>} : memref<2x128x256xf32, #tpu.memory_space<vmem>>, vector<1x1x16xf32>,
        %get3A_656 = vector.shape_cast %get3A_655 : vector<1x1x16xf32> to vector<16xf32>
        %mul3A_657 = arith.mulf %get3A_308, %get3A_656 : vector<16xf32>
        %mul3A_658 = arith.constant 4 : i32
        %mul3A_659 = arith.muli %mul3A_658, %add3A_291 : i32
        %add3A_660 = arith.constant 3 : i32
        %add3A_661 = arith.addi %mul3A_659, %add3A_660 : i32
        %get3A_662 = arith.constant 0 : i32
        %get3A_663 = arith.index_cast %get3A_662 : i32 to index
        %get3A_664 = arith.index_cast %add3A_661 : i32 to index
        %get3A_665 = arith.constant 96 : index
        %get3A_666 = tpu.vector_load %arg8[%get3A_663, %get3A_664, %get3A_665] {strides = array<i32>} : memref<2x128x256xf32, #tpu.memory_space<vmem>>, vector<1x1x16xf32>,
        %get3A_667 = vector.shape_cast %get3A_666 : vector<1x1x16xf32> to vector<16xf32>
        %mul3A_668 = arith.mulf %get3A_314, %get3A_667 : vector<16xf32>
        %add3A_669 = arith.addf %mul3A_657, %mul3A_668 : vector<16xf32>
        %add3A_670 = arith.addf %add3A_646, %add3A_669 : vector<16xf32>
        %swap3A_671 = arith.constant 0 : i32
        %swap3A_672 = arith.index_cast %swap3A_671 : i32 to index
        %swap3A_673 = arith.index_cast %add3A_291 : i32 to index
        %swap3A_674 = arith.constant 96 : index
        %swap3A_675 = tpu.vector_load %arg9[%swap3A_672, %swap3A_673, %swap3A_674] {strides = array<i32>} : memref<2x32x256xf32, #tpu.memory_space<vmem>>, vector<1x1x16xf32>,
        %swap3A_676 = vector.shape_cast %swap3A_675 : vector<1x1x16xf32> to vector<16xf32>
        %swap3A_677 = vector.shape_cast %add3A_670 : vector<16xf32> to vector<1x1x16xf32>
        tpu.vector_store %arg9[%swap3A_672, %swap3A_673, %swap3A_674], %swap3A_677 {strides = array<i32>} : memref<2x32x256xf32, #tpu.memory_space<vmem>>, vector<1x1x16xf32>,
        %mul3A_678 = arith.constant 4 : i32
        %mul3A_679 = arith.muli %mul3A_678, %add3A_291 : i32
        %get3A_680 = arith.constant 0 : i32
        %get3A_681 = arith.index_cast %get3A_680 : i32 to index
        %get3A_682 = arith.index_cast %mul3A_679 : i32 to index
        %get3A_683 = arith.constant 112 : index
        %get3A_684 = tpu.vector_load %arg8[%get3A_681, %get3A_682, %get3A_683] {strides = array<i32>} : memref<2x128x256xf32, #tpu.memory_space<vmem>>, vector<1x1x16xf32>,
        %get3A_685 = vector.shape_cast %get3A_684 : vector<1x1x16xf32> to vector<16xf32>
        %mul3A_686 = arith.mulf %get3A_296, %get3A_685 : vector<16xf32>
        %mul3A_687 = arith.constant 4 : i32
        %mul3A_688 = arith.muli %mul3A_687, %add3A_291 : i32
        %add3A_689 = arith.constant 1 : i32
        %add3A_690 = arith.addi %mul3A_688, %add3A_689 : i32
        %get3A_691 = arith.constant 0 : i32
        %get3A_692 = arith.index_cast %get3A_691 : i32 to index
        %get3A_693 = arith.index_cast %add3A_690 : i32 to index
        %get3A_694 = arith.constant 112 : index
        %get3A_695 = tpu.vector_load %arg8[%get3A_692, %get3A_693, %get3A_694] {strides = array<i32>} : memref<2x128x256xf32, #tpu.memory_space<vmem>>, vector<1x1x16xf32>,
        %get3A_696 = vector.shape_cast %get3A_695 : vector<1x1x16xf32> to vector<16xf32>
        %mul3A_697 = arith.mulf %get3A_302, %get3A_696 : vector<16xf32>
        %add3A_698 = arith.addf %mul3A_686, %mul3A_697 : vector<16xf32>
        %mul3A_699 = arith.constant 4 : i32
        %mul3A_700 = arith.muli %mul3A_699, %add3A_291 : i32
        %add3A_701 = arith.constant 2 : i32
        %add3A_702 = arith.addi %mul3A_700, %add3A_701 : i32
        %get3A_703 = arith.constant 0 : i32
        %get3A_704 = arith.index_cast %get3A_703 : i32 to index
        %get3A_705 = arith.index_cast %add3A_702 : i32 to index
        %get3A_706 = arith.constant 112 : index
        %get3A_707 = tpu.vector_load %arg8[%get3A_704, %get3A_705, %get3A_706] {strides = array<i32>} : memref<2x128x256xf32, #tpu.memory_space<vmem>>, vector<1x1x16xf32>,
        %get3A_708 = vector.shape_cast %get3A_707 : vector<1x1x16xf32> to vector<16xf32>
        %mul3A_709 = arith.mulf %get3A_308, %get3A_708 : vector<16xf32>
        %mul3A_710 = arith.constant 4 : i32
        %mul3A_711 = arith.muli %mul3A_710, %add3A_291 : i32
        %add3A_712 = arith.constant 3 : i32
        %add3A_713 = arith.addi %mul3A_711, %add3A_712 : i32
        %get3A_714 = arith.constant 0 : i32
        %get3A_715 = arith.index_cast %get3A_714 : i32 to index
        %get3A_716 = arith.index_cast %add3A_713 : i32 to index
        %get3A_717 = arith.constant 112 : index
        %get3A_718 = tpu.vector_load %arg8[%get3A_715, %get3A_716, %get3A_717] {strides = array<i32>} : memref<2x128x256xf32, #tpu.memory_space<vmem>>, vector<1x1x16xf32>,
        %get3A_719 = vector.shape_cast %get3A_718 : vector<1x1x16xf32> to vector<16xf32>
        %mul3A_720 = arith.mulf %get3A_314, %get3A_719 : vector<16xf32>
        %add3A_721 = arith.addf %mul3A_709, %mul3A_720 : vector<16xf32>
        %add3A_722 = arith.addf %add3A_698, %add3A_721 : vector<16xf32>
        %swap3A_723 = arith.constant 0 : i32
        %swap3A_724 = arith.index_cast %swap3A_723 : i32 to index
        %swap3A_725 = arith.index_cast %add3A_291 : i32 to index
        %swap3A_726 = arith.constant 112 : index
        %swap3A_727 = tpu.vector_load %arg9[%swap3A_724, %swap3A_725, %swap3A_726] {strides = array<i32>} : memref<2x32x256xf32, #tpu.memory_space<vmem>>, vector<1x1x16xf32>,
        %swap3A_728 = vector.shape_cast %swap3A_727 : vector<1x1x16xf32> to vector<16xf32>
        %swap3A_729 = vector.shape_cast %add3A_722 : vector<16xf32> to vector<1x1x16xf32>
        tpu.vector_store %arg9[%swap3A_724, %swap3A_725, %swap3A_726], %swap3A_729 {strides = array<i32>} : memref<2x32x256xf32, #tpu.memory_space<vmem>>, vector<1x1x16xf32>,
        %mul3A_730 = arith.constant 4 : i32
        %mul3A_731 = arith.muli %mul3A_730, %add3A_291 : i32
        %get3A_732 = arith.constant 0 : i32
        %get3A_733 = arith.index_cast %get3A_732 : i32 to index
        %get3A_734 = arith.index_cast %mul3A_731 : i32 to index
        %get3A_735 = arith.constant 128 : index
        %get3A_736 = tpu.vector_load %arg8[%get3A_733, %get3A_734, %get3A_735] {strides = array<i32>} : memref<2x128x256xf32, #tpu.memory_space<vmem>>, vector<1x1x16xf32>,
        %get3A_737 = vector.shape_cast %get3A_736 : vector<1x1x16xf32> to vector<16xf32>
        %mul3A_738 = arith.mulf %get3A_296, %get3A_737 : vector<16xf32>
        %mul3A_739 = arith.constant 4 : i32
        %mul3A_740 = arith.muli %mul3A_739, %add3A_291 : i32
        %add3A_741 = arith.constant 1 : i32
        %add3A_742 = arith.addi %mul3A_740, %add3A_741 : i32
        %get3A_743 = arith.constant 0 : i32
        %get3A_744 = arith.index_cast %get3A_743 : i32 to index
        %get3A_745 = arith.index_cast %add3A_742 : i32 to index
        %get3A_746 = arith.constant 128 : index
        %get3A_747 = tpu.vector_load %arg8[%get3A_744, %get3A_745, %get3A_746] {strides = array<i32>} : memref<2x128x256xf32, #tpu.memory_space<vmem>>, vector<1x1x16xf32>,
        %get3A_748 = vector.shape_cast %get3A_747 : vector<1x1x16xf32> to vector<16xf32>
        %mul3A_749 = arith.mulf %get3A_302, %get3A_748 : vector<16xf32>
        %add3A_750 = arith.addf %mul3A_738, %mul3A_749 : vector<16xf32>
        %mul3A_751 = arith.constant 4 : i32
        %mul3A_752 = arith.muli %mul3A_751, %add3A_291 : i32
        %add3A_753 = arith.constant 2 : i32
        %add3A_754 = arith.addi %mul3A_752, %add3A_753 : i32
        %get3A_755 = arith.constant 0 : i32
        %get3A_756 = arith.index_cast %get3A_755 : i32 to index
        %get3A_757 = arith.index_cast %add3A_754 : i32 to index
        %get3A_758 = arith.constant 128 : index
        %get3A_759 = tpu.vector_load %arg8[%get3A_756, %get3A_757, %get3A_758] {strides = array<i32>} : memref<2x128x256xf32, #tpu.memory_space<vmem>>, vector<1x1x16xf32>,
        %get3A_760 = vector.shape_cast %get3A_759 : vector<1x1x16xf32> to vector<16xf32>
        %mul3A_761 = arith.mulf %get3A_308, %get3A_760 : vector<16xf32>
        %mul3A_762 = arith.constant 4 : i32
        %mul3A_763 = arith.muli %mul3A_762, %add3A_291 : i32
        %add3A_764 = arith.constant 3 : i32
        %add3A_765 = arith.addi %mul3A_763, %add3A_764 : i32
        %get3A_766 = arith.constant 0 : i32
        %get3A_767 = arith.index_cast %get3A_766 : i32 to index
        %get3A_768 = arith.index_cast %add3A_765 : i32 to index
        %get3A_769 = arith.constant 128 : index
        %get3A_770 = tpu.vector_load %arg8[%get3A_767, %get3A_768, %get3A_769] {strides = array<i32>} : memref<2x128x256xf32, #tpu.memory_space<vmem>>, vector<1x1x16xf32>,
        %get3A_771 = vector.shape_cast %get3A_770 : vector<1x1x16xf32> to vector<16xf32>
        %mul3A_772 = arith.mulf %get3A_314, %get3A_771 : vector<16xf32>
        %add3A_773 = arith.addf %mul3A_761, %mul3A_772 : vector<16xf32>
        %add3A_774 = arith.addf %add3A_750, %add3A_773 : vector<16xf32>
        %swap3A_775 = arith.constant 0 : i32
        %swap3A_776 = arith.index_cast %swap3A_775 : i32 to index
        %swap3A_777 = arith.index_cast %add3A_291 : i32 to index
        %swap3A_778 = arith.constant 128 : index
        %swap3A_779 = tpu.vector_load %arg9[%swap3A_776, %swap3A_777, %swap3A_778] {strides = array<i32>} : memref<2x32x256xf32, #tpu.memory_space<vmem>>, vector<1x1x16xf32>,
        %swap3A_780 = vector.shape_cast %swap3A_779 : vector<1x1x16xf32> to vector<16xf32>
        %swap3A_781 = vector.shape_cast %add3A_774 : vector<16xf32> to vector<1x1x16xf32>
        tpu.vector_store %arg9[%swap3A_776, %swap3A_777, %swap3A_778], %swap3A_781 {strides = array<i32>} : memref<2x32x256xf32, #tpu.memory_space<vmem>>, vector<1x1x16xf32>,
        %mul3A_782 = arith.constant 4 : i32
        %mul3A_783 = arith.muli %mul3A_782, %add3A_291 : i32
        %get3A_784 = arith.constant 0 : i32
        %get3A_785 = arith.index_cast %get3A_784 : i32 to index
        %get3A_786 = arith.index_cast %mul3A_783 : i32 to index
        %get3A_787 = arith.constant 144 : index
        %get3A_788 = tpu.vector_load %arg8[%get3A_785, %get3A_786, %get3A_787] {strides = array<i32>} : memref<2x128x256xf32, #tpu.memory_space<vmem>>, vector<1x1x16xf32>,
        %get3A_789 = vector.shape_cast %get3A_788 : vector<1x1x16xf32> to vector<16xf32>
        %mul3A_790 = arith.mulf %get3A_296, %get3A_789 : vector<16xf32>
        %mul3A_791 = arith.constant 4 : i32
        %mul3A_792 = arith.muli %mul3A_791, %add3A_291 : i32
        %add3A_793 = arith.constant 1 : i32
        %add3A_794 = arith.addi %mul3A_792, %add3A_793 : i32
        %get3A_795 = arith.constant 0 : i32
        %get3A_796 = arith.index_cast %get3A_795 : i32 to index
        %get3A_797 = arith.index_cast %add3A_794 : i32 to index
        %get3A_798 = arith.constant 144 : index
        %get3A_799 = tpu.vector_load %arg8[%get3A_796, %get3A_797, %get3A_798] {strides = array<i32>} : memref<2x128x256xf32, #tpu.memory_space<vmem>>, vector<1x1x16xf32>,
        %get3A_800 = vector.shape_cast %get3A_799 : vector<1x1x16xf32> to vector<16xf32>
        %mul3A_801 = arith.mulf %get3A_302, %get3A_800 : vector<16xf32>
        %add3A_802 = arith.addf %mul3A_790, %mul3A_801 : vector<16xf32>
        %mul3A_803 = arith.constant 4 : i32
        %mul3A_804 = arith.muli %mul3A_803, %add3A_291 : i32
        %add3A_805 = arith.constant 2 : i32
        %add3A_806 = arith.addi %mul3A_804, %add3A_805 : i32
        %get3A_807 = arith.constant 0 : i32
        %get3A_808 = arith.index_cast %get3A_807 : i32 to index
        %get3A_809 = arith.index_cast %add3A_806 : i32 to index
        %get3A_810 = arith.constant 144 : index
        %get3A_811 = tpu.vector_load %arg8[%get3A_808, %get3A_809, %get3A_810] {strides = array<i32>} : memref<2x128x256xf32, #tpu.memory_space<vmem>>, vector<1x1x16xf32>,
        %get3A_812 = vector.shape_cast %get3A_811 : vector<1x1x16xf32> to vector<16xf32>
        %mul3A_813 = arith.mulf %get3A_308, %get3A_812 : vector<16xf32>
        %mul3A_814 = arith.constant 4 : i32
        %mul3A_815 = arith.muli %mul3A_814, %add3A_291 : i32
        %add3A_816 = arith.constant 3 : i32
        %add3A_817 = arith.addi %mul3A_815, %add3A_816 : i32
        %get3A_818 = arith.constant 0 : i32
        %get3A_819 = arith.index_cast %get3A_818 : i32 to index
        %get3A_820 = arith.index_cast %add3A_817 : i32 to index
        %get3A_821 = arith.constant 144 : index
        %get3A_822 = tpu.vector_load %arg8[%get3A_819, %get3A_820, %get3A_821] {strides = array<i32>} : memref<2x128x256xf32, #tpu.memory_space<vmem>>, vector<1x1x16xf32>,
        %get3A_823 = vector.shape_cast %get3A_822 : vector<1x1x16xf32> to vector<16xf32>
        %mul3A_824 = arith.mulf %get3A_314, %get3A_823 : vector<16xf32>
        %add3A_825 = arith.addf %mul3A_813, %mul3A_824 : vector<16xf32>
        %add3A_826 = arith.addf %add3A_802, %add3A_825 : vector<16xf32>
        %swap3A_827 = arith.constant 0 : i32
        %swap3A_828 = arith.index_cast %swap3A_827 : i32 to index
        %swap3A_829 = arith.index_cast %add3A_291 : i32 to index
        %swap3A_830 = arith.constant 144 : index
        %swap3A_831 = tpu.vector_load %arg9[%swap3A_828, %swap3A_829, %swap3A_830] {strides = array<i32>} : memref<2x32x256xf32, #tpu.memory_space<vmem>>, vector<1x1x16xf32>,
        %swap3A_832 = vector.shape_cast %swap3A_831 : vector<1x1x16xf32> to vector<16xf32>
        %swap3A_833 = vector.shape_cast %add3A_826 : vector<16xf32> to vector<1x1x16xf32>
        tpu.vector_store %arg9[%swap3A_828, %swap3A_829, %swap3A_830], %swap3A_833 {strides = array<i32>} : memref<2x32x256xf32, #tpu.memory_space<vmem>>, vector<1x1x16xf32>,
        %mul3A_834 = arith.constant 4 : i32
        %mul3A_835 = arith.muli %mul3A_834, %add3A_291 : i32
        %get3A_836 = arith.constant 0 : i32
        %get3A_837 = arith.index_cast %get3A_836 : i32 to index
        %get3A_838 = arith.index_cast %mul3A_835 : i32 to index
        %get3A_839 = arith.constant 160 : index
        %get3A_840 = tpu.vector_load %arg8[%get3A_837, %get3A_838, %get3A_839] {strides = array<i32>} : memref<2x128x256xf32, #tpu.memory_space<vmem>>, vector<1x1x16xf32>,
        %get3A_841 = vector.shape_cast %get3A_840 : vector<1x1x16xf32> to vector<16xf32>
        %mul3A_842 = arith.mulf %get3A_296, %get3A_841 : vector<16xf32>
        %mul3A_843 = arith.constant 4 : i32
        %mul3A_844 = arith.muli %mul3A_843, %add3A_291 : i32
        %add3A_845 = arith.constant 1 : i32
        %add3A_846 = arith.addi %mul3A_844, %add3A_845 : i32
        %get3A_847 = arith.constant 0 : i32
        %get3A_848 = arith.index_cast %get3A_847 : i32 to index
        %get3A_849 = arith.index_cast %add3A_846 : i32 to index
        %get3A_850 = arith.constant 160 : index
        %get3A_851 = tpu.vector_load %arg8[%get3A_848, %get3A_849, %get3A_850] {strides = array<i32>} : memref<2x128x256xf32, #tpu.memory_space<vmem>>, vector<1x1x16xf32>,
        %get3A_852 = vector.shape_cast %get3A_851 : vector<1x1x16xf32> to vector<16xf32>
        %mul3A_853 = arith.mulf %get3A_302, %get3A_852 : vector<16xf32>
        %add3A_854 = arith.addf %mul3A_842, %mul3A_853 : vector<16xf32>
        %mul3A_855 = arith.constant 4 : i32
        %mul3A_856 = arith.muli %mul3A_855, %add3A_291 : i32
        %add3A_857 = arith.constant 2 : i32
        %add3A_858 = arith.addi %mul3A_856, %add3A_857 : i32
        %get3A_859 = arith.constant 0 : i32
        %get3A_860 = arith.index_cast %get3A_859 : i32 to index
        %get3A_861 = arith.index_cast %add3A_858 : i32 to index
        %get3A_862 = arith.constant 160 : index
        %get3A_863 = tpu.vector_load %arg8[%get3A_860, %get3A_861, %get3A_862] {strides = array<i32>} : memref<2x128x256xf32, #tpu.memory_space<vmem>>, vector<1x1x16xf32>,
        %get3A_864 = vector.shape_cast %get3A_863 : vector<1x1x16xf32> to vector<16xf32>
        %mul3A_865 = arith.mulf %get3A_308, %get3A_864 : vector<16xf32>
        %mul3A_866 = arith.constant 4 : i32
        %mul3A_867 = arith.muli %mul3A_866, %add3A_291 : i32
        %add3A_868 = arith.constant 3 : i32
        %add3A_869 = arith.addi %mul3A_867, %add3A_868 : i32
        %get3A_870 = arith.constant 0 : i32
        %get3A_871 = arith.index_cast %get3A_870 : i32 to index
        %get3A_872 = arith.index_cast %add3A_869 : i32 to index
        %get3A_873 = arith.constant 160 : index
        %get3A_874 = tpu.vector_load %arg8[%get3A_871, %get3A_872, %get3A_873] {strides = array<i32>} : memref<2x128x256xf32, #tpu.memory_space<vmem>>, vector<1x1x16xf32>,
        %get3A_875 = vector.shape_cast %get3A_874 : vector<1x1x16xf32> to vector<16xf32>
        %mul3A_876 = arith.mulf %get3A_314, %get3A_875 : vector<16xf32>
        %add3A_877 = arith.addf %mul3A_865, %mul3A_876 : vector<16xf32>
        %add3A_878 = arith.addf %add3A_854, %add3A_877 : vector<16xf32>
        %swap3A_879 = arith.constant 0 : i32
        %swap3A_880 = arith.index_cast %swap3A_879 : i32 to index
        %swap3A_881 = arith.index_cast %add3A_291 : i32 to index
        %swap3A_882 = arith.constant 160 : index
        %swap3A_883 = tpu.vector_load %arg9[%swap3A_880, %swap3A_881, %swap3A_882] {strides = array<i32>} : memref<2x32x256xf32, #tpu.memory_space<vmem>>, vector<1x1x16xf32>,
        %swap3A_884 = vector.shape_cast %swap3A_883 : vector<1x1x16xf32> to vector<16xf32>
        %swap3A_885 = vector.shape_cast %add3A_878 : vector<16xf32> to vector<1x1x16xf32>
        tpu.vector_store %arg9[%swap3A_880, %swap3A_881, %swap3A_882], %swap3A_885 {strides = array<i32>} : memref<2x32x256xf32, #tpu.memory_space<vmem>>, vector<1x1x16xf32>,
        %mul3A_886 = arith.constant 4 : i32
        %mul3A_887 = arith.muli %mul3A_886, %add3A_291 : i32
        %get3A_888 = arith.constant 0 : i32
        %get3A_889 = arith.index_cast %get3A_888 : i32 to index
        %get3A_890 = arith.index_cast %mul3A_887 : i32 to index
        %get3A_891 = arith.constant 176 : index
        %get3A_892 = tpu.vector_load %arg8[%get3A_889, %get3A_890, %get3A_891] {strides = array<i32>} : memref<2x128x256xf32, #tpu.memory_space<vmem>>, vector<1x1x16xf32>,
        %get3A_893 = vector.shape_cast %get3A_892 : vector<1x1x16xf32> to vector<16xf32>
        %mul3A_894 = arith.mulf %get3A_296, %get3A_893 : vector<16xf32>
        %mul3A_895 = arith.constant 4 : i32
        %mul3A_896 = arith.muli %mul3A_895, %add3A_291 : i32
        %add3A_897 = arith.constant 1 : i32
        %add3A_898 = arith.addi %mul3A_896, %add3A_897 : i32
        %get3A_899 = arith.constant 0 : i32
        %get3A_900 = arith.index_cast %get3A_899 : i32 to index
        %get3A_901 = arith.index_cast %add3A_898 : i32 to index
        %get3A_902 = arith.constant 176 : index
        %get3A_903 = tpu.vector_load %arg8[%get3A_900, %get3A_901, %get3A_902] {strides = array<i32>} : memref<2x128x256xf32, #tpu.memory_space<vmem>>, vector<1x1x16xf32>,
        %get3A_904 = vector.shape_cast %get3A_903 : vector<1x1x16xf32> to vector<16xf32>
        %mul3A_905 = arith.mulf %get3A_302, %get3A_904 : vector<16xf32>
        %add3A_906 = arith.addf %mul3A_894, %mul3A_905 : vector<16xf32>
        %mul3A_907 = arith.constant 4 : i32
        %mul3A_908 = arith.muli %mul3A_907, %add3A_291 : i32
        %add3A_909 = arith.constant 2 : i32
        %add3A_910 = arith.addi %mul3A_908, %add3A_909 : i32
        %get3A_911 = arith.constant 0 : i32
        %get3A_912 = arith.index_cast %get3A_911 : i32 to index
        %get3A_913 = arith.index_cast %add3A_910 : i32 to index
        %get3A_914 = arith.constant 176 : index
        %get3A_915 = tpu.vector_load %arg8[%get3A_912, %get3A_913, %get3A_914] {strides = array<i32>} : memref<2x128x256xf32, #tpu.memory_space<vmem>>, vector<1x1x16xf32>,
        %get3A_916 = vector.shape_cast %get3A_915 : vector<1x1x16xf32> to vector<16xf32>
        %mul3A_917 = arith.mulf %get3A_308, %get3A_916 : vector<16xf32>
        %mul3A_918 = arith.constant 4 : i32
        %mul3A_919 = arith.muli %mul3A_918, %add3A_291 : i32
        %add3A_920 = arith.constant 3 : i32
        %add3A_921 = arith.addi %mul3A_919, %add3A_920 : i32
        %get3A_922 = arith.constant 0 : i32
        %get3A_923 = arith.index_cast %get3A_922 : i32 to index
        %get3A_924 = arith.index_cast %add3A_921 : i32 to index
        %get3A_925 = arith.constant 176 : index
        %get3A_926 = tpu.vector_load %arg8[%get3A_923, %get3A_924, %get3A_925] {strides = array<i32>} : memref<2x128x256xf32, #tpu.memory_space<vmem>>, vector<1x1x16xf32>,
        %get3A_927 = vector.shape_cast %get3A_926 : vector<1x1x16xf32> to vector<16xf32>
        %mul3A_928 = arith.mulf %get3A_314, %get3A_927 : vector<16xf32>
        %add3A_929 = arith.addf %mul3A_917, %mul3A_928 : vector<16xf32>
        %add3A_930 = arith.addf %add3A_906, %add3A_929 : vector<16xf32>
        %swap3A_931 = arith.constant 0 : i32
        %swap3A_932 = arith.index_cast %swap3A_931 : i32 to index
        %swap3A_933 = arith.index_cast %add3A_291 : i32 to index
        %swap3A_934 = arith.constant 176 : index
        %swap3A_935 = tpu.vector_load %arg9[%swap3A_932, %swap3A_933, %swap3A_934] {strides = array<i32>} : memref<2x32x256xf32, #tpu.memory_space<vmem>>, vector<1x1x16xf32>,
        %swap3A_936 = vector.shape_cast %swap3A_935 : vector<1x1x16xf32> to vector<16xf32>
        %swap3A_937 = vector.shape_cast %add3A_930 : vector<16xf32> to vector<1x1x16xf32>
        tpu.vector_store %arg9[%swap3A_932, %swap3A_933, %swap3A_934], %swap3A_937 {strides = array<i32>} : memref<2x32x256xf32, #tpu.memory_space<vmem>>, vector<1x1x16xf32>,
        %mul3A_938 = arith.constant 4 : i32
        %mul3A_939 = arith.muli %mul3A_938, %add3A_291 : i32
        %get3A_940 = arith.constant 0 : i32
        %get3A_941 = arith.index_cast %get3A_940 : i32 to index
        %get3A_942 = arith.index_cast %mul3A_939 : i32 to index
        %get3A_943 = arith.constant 192 : index
        %get3A_944 = tpu.vector_load %arg8[%get3A_941, %get3A_942, %get3A_943] {strides = array<i32>} : memref<2x128x256xf32, #tpu.memory_space<vmem>>, vector<1x1x16xf32>,
        %get3A_945 = vector.shape_cast %get3A_944 : vector<1x1x16xf32> to vector<16xf32>
        %mul3A_946 = arith.mulf %get3A_296, %get3A_945 : vector<16xf32>
        %mul3A_947 = arith.constant 4 : i32
        %mul3A_948 = arith.muli %mul3A_947, %add3A_291 : i32
        %add3A_949 = arith.constant 1 : i32
        %add3A_950 = arith.addi %mul3A_948, %add3A_949 : i32
        %get3A_951 = arith.constant 0 : i32
        %get3A_952 = arith.index_cast %get3A_951 : i32 to index
        %get3A_953 = arith.index_cast %add3A_950 : i32 to index
        %get3A_954 = arith.constant 192 : index
        %get3A_955 = tpu.vector_load %arg8[%get3A_952, %get3A_953, %get3A_954] {strides = array<i32>} : memref<2x128x256xf32, #tpu.memory_space<vmem>>, vector<1x1x16xf32>,
        %get3A_956 = vector.shape_cast %get3A_955 : vector<1x1x16xf32> to vector<16xf32>
        %mul3A_957 = arith.mulf %get3A_302, %get3A_956 : vector<16xf32>
        %add3A_958 = arith.addf %mul3A_946, %mul3A_957 : vector<16xf32>
        %mul3A_959 = arith.constant 4 : i32
        %mul3A_960 = arith.muli %mul3A_959, %add3A_291 : i32
        %add3A_961 = arith.constant 2 : i32
        %add3A_962 = arith.addi %mul3A_960, %add3A_961 : i32
        %get3A_963 = arith.constant 0 : i32
        %get3A_964 = arith.index_cast %get3A_963 : i32 to index
        %get3A_965 = arith.index_cast %add3A_962 : i32 to index
        %get3A_966 = arith.constant 192 : index
        %get3A_967 = tpu.vector_load %arg8[%get3A_964, %get3A_965, %get3A_966] {strides = array<i32>} : memref<2x128x256xf32, #tpu.memory_space<vmem>>, vector<1x1x16xf32>,
        %get3A_968 = vector.shape_cast %get3A_967 : vector<1x1x16xf32> to vector<16xf32>
        %mul3A_969 = arith.mulf %get3A_308, %get3A_968 : vector<16xf32>
        %mul3A_970 = arith.constant 4 : i32
        %mul3A_971 = arith.muli %mul3A_970, %add3A_291 : i32
        %add3A_972 = arith.constant 3 : i32
        %add3A_973 = arith.addi %mul3A_971, %add3A_972 : i32
        %get3A_974 = arith.constant 0 : i32
        %get3A_975 = arith.index_cast %get3A_974 : i32 to index
        %get3A_976 = arith.index_cast %add3A_973 : i32 to index
        %get3A_977 = arith.constant 192 : index
        %get3A_978 = tpu.vector_load %arg8[%get3A_975, %get3A_976, %get3A_977] {strides = array<i32>} : memref<2x128x256xf32, #tpu.memory_space<vmem>>, vector<1x1x16xf32>,
        %get3A_979 = vector.shape_cast %get3A_978 : vector<1x1x16xf32> to vector<16xf32>
        %mul3A_980 = arith.mulf %get3A_314, %get3A_979 : vector<16xf32>
        %add3A_981 = arith.addf %mul3A_969, %mul3A_980 : vector<16xf32>
        %add3A_982 = arith.addf %add3A_958, %add3A_981 : vector<16xf32>
        %swap3A_983 = arith.constant 0 : i32
        %swap3A_984 = arith.index_cast %swap3A_983 : i32 to index
        %swap3A_985 = arith.index_cast %add3A_291 : i32 to index
        %swap3A_986 = arith.constant 192 : index
        %swap3A_987 = tpu.vector_load %arg9[%swap3A_984, %swap3A_985, %swap3A_986] {strides = array<i32>} : memref<2x32x256xf32, #tpu.memory_space<vmem>>, vector<1x1x16xf32>,
        %swap3A_988 = vector.shape_cast %swap3A_987 : vector<1x1x16xf32> to vector<16xf32>
        %swap3A_989 = vector.shape_cast %add3A_982 : vector<16xf32> to vector<1x1x16xf32>
        tpu.vector_store %arg9[%swap3A_984, %swap3A_985, %swap3A_986], %swap3A_989 {strides = array<i32>} : memref<2x32x256xf32, #tpu.memory_space<vmem>>, vector<1x1x16xf32>,
        %mul3A_990 = arith.constant 4 : i32
        %mul3A_991 = arith.muli %mul3A_990, %add3A_291 : i32
        %get3A_992 = arith.constant 0 : i32
        %get3A_993 = arith.index_cast %get3A_992 : i32 to index
        %get3A_994 = arith.index_cast %mul3A_991 : i32 to index
        %get3A_995 = arith.constant 208 : index
        %get3A_996 = tpu.vector_load %arg8[%get3A_993, %get3A_994, %get3A_995] {strides = array<i32>} : memref<2x128x256xf32, #tpu.memory_space<vmem>>, vector<1x1x16xf32>,
        %get3A_997 = vector.shape_cast %get3A_996 : vector<1x1x16xf32> to vector<16xf32>
        %mul3A_998 = arith.mulf %get3A_296, %get3A_997 : vector<16xf32>
        %mul3A_999 = arith.constant 4 : i32
        %mul3A_1000 = arith.muli %mul3A_999, %add3A_291 : i32
        %add3A_1001 = arith.constant 1 : i32
        %add3A_1002 = arith.addi %mul3A_1000, %add3A_1001 : i32
        %get3A_1003 = arith.constant 0 : i32
        %get3A_1004 = arith.index_cast %get3A_1003 : i32 to index
        %get3A_1005 = arith.index_cast %add3A_1002 : i32 to index
        %get3A_1006 = arith.constant 208 : index
        %get3A_1007 = tpu.vector_load %arg8[%get3A_1004, %get3A_1005, %get3A_1006] {strides = array<i32>} : memref<2x128x256xf32, #tpu.memory_space<vmem>>, vector<1x1x16xf32>,
        %get3A_1008 = vector.shape_cast %get3A_1007 : vector<1x1x16xf32> to vector<16xf32>
        %mul3A_1009 = arith.mulf %get3A_302, %get3A_1008 : vector<16xf32>
        %add3A_1010 = arith.addf %mul3A_998, %mul3A_1009 : vector<16xf32>
        %mul3A_1011 = arith.constant 4 : i32
        %mul3A_1012 = arith.muli %mul3A_1011, %add3A_291 : i32
        %add3A_1013 = arith.constant 2 : i32
        %add3A_1014 = arith.addi %mul3A_1012, %add3A_1013 : i32
        %get3A_1015 = arith.constant 0 : i32
        %get3A_1016 = arith.index_cast %get3A_1015 : i32 to index
        %get3A_1017 = arith.index_cast %add3A_1014 : i32 to index
        %get3A_1018 = arith.constant 208 : index
        %get3A_1019 = tpu.vector_load %arg8[%get3A_1016, %get3A_1017, %get3A_1018] {strides = array<i32>} : memref<2x128x256xf32, #tpu.memory_space<vmem>>, vector<1x1x16xf32>,
        %get3A_1020 = vector.shape_cast %get3A_1019 : vector<1x1x16xf32> to vector<16xf32>
        %mul3A_1021 = arith.mulf %get3A_308, %get3A_1020 : vector<16xf32>
        %mul3A_1022 = arith.constant 4 : i32
        %mul3A_1023 = arith.muli %mul3A_1022, %add3A_291 : i32
        %add3A_1024 = arith.constant 3 : i32
        %add3A_1025 = arith.addi %mul3A_1023, %add3A_1024 : i32
        %get3A_1026 = arith.constant 0 : i32
        %get3A_1027 = arith.index_cast %get3A_1026 : i32 to index
        %get3A_1028 = arith.index_cast %add3A_1025 : i32 to index
        %get3A_1029 = arith.constant 208 : index
        %get3A_1030 = tpu.vector_load %arg8[%get3A_1027, %get3A_1028, %get3A_1029] {strides = array<i32>} : memref<2x128x256xf32, #tpu.memory_space<vmem>>, vector<1x1x16xf32>,
        %get3A_1031 = vector.shape_cast %get3A_1030 : vector<1x1x16xf32> to vector<16xf32>
        %mul3A_1032 = arith.mulf %get3A_314, %get3A_1031 : vector<16xf32>
        %add3A_1033 = arith.addf %mul3A_1021, %mul3A_1032 : vector<16xf32>
        %add3A_1034 = arith.addf %add3A_1010, %add3A_1033 : vector<16xf32>
        %swap3A_1035 = arith.constant 0 : i32
        %swap3A_1036 = arith.index_cast %swap3A_1035 : i32 to index
        %swap3A_1037 = arith.index_cast %add3A_291 : i32 to index
        %swap3A_1038 = arith.constant 208 : index
        %swap3A_1039 = tpu.vector_load %arg9[%swap3A_1036, %swap3A_1037, %swap3A_1038] {strides = array<i32>} : memref<2x32x256xf32, #tpu.memory_space<vmem>>, vector<1x1x16xf32>,
        %swap3A_1040 = vector.shape_cast %swap3A_1039 : vector<1x1x16xf32> to vector<16xf32>
        %swap3A_1041 = vector.shape_cast %add3A_1034 : vector<16xf32> to vector<1x1x16xf32>
        tpu.vector_store %arg9[%swap3A_1036, %swap3A_1037, %swap3A_1038], %swap3A_1041 {strides = array<i32>} : memref<2x32x256xf32, #tpu.memory_space<vmem>>, vector<1x1x16xf32>,
        %mul3A_1042 = arith.constant 4 : i32
        %mul3A_1043 = arith.muli %mul3A_1042, %add3A_291 : i32
        %get3A_1044 = arith.constant 0 : i32
        %get3A_1045 = arith.index_cast %get3A_1044 : i32 to index
        %get3A_1046 = arith.index_cast %mul3A_1043 : i32 to index
        %get3A_1047 = arith.constant 224 : index
        %get3A_1048 = tpu.vector_load %arg8[%get3A_1045, %get3A_1046, %get3A_1047] {strides = array<i32>} : memref<2x128x256xf32, #tpu.memory_space<vmem>>, vector<1x1x16xf32>,
        %get3A_1049 = vector.shape_cast %get3A_1048 : vector<1x1x16xf32> to vector<16xf32>
        %mul3A_1050 = arith.mulf %get3A_296, %get3A_1049 : vector<16xf32>
        %mul3A_1051 = arith.constant 4 : i32
        %mul3A_1052 = arith.muli %mul3A_1051, %add3A_291 : i32
        %add3A_1053 = arith.constant 1 : i32
        %add3A_1054 = arith.addi %mul3A_1052, %add3A_1053 : i32
        %get3A_1055 = arith.constant 0 : i32
        %get3A_1056 = arith.index_cast %get3A_1055 : i32 to index
        %get3A_1057 = arith.index_cast %add3A_1054 : i32 to index
        %get3A_1058 = arith.constant 224 : index
        %get3A_1059 = tpu.vector_load %arg8[%get3A_1056, %get3A_1057, %get3A_1058] {strides = array<i32>} : memref<2x128x256xf32, #tpu.memory_space<vmem>>, vector<1x1x16xf32>,
        %get3A_1060 = vector.shape_cast %get3A_1059 : vector<1x1x16xf32> to vector<16xf32>
        %mul3A_1061 = arith.mulf %get3A_302, %get3A_1060 : vector<16xf32>
        %add3A_1062 = arith.addf %mul3A_1050, %mul3A_1061 : vector<16xf32>
        %mul3A_1063 = arith.constant 4 : i32
        %mul3A_1064 = arith.muli %mul3A_1063, %add3A_291 : i32
        %add3A_1065 = arith.constant 2 : i32
        %add3A_1066 = arith.addi %mul3A_1064, %add3A_1065 : i32
        %get3A_1067 = arith.constant 0 : i32
        %get3A_1068 = arith.index_cast %get3A_1067 : i32 to index
        %get3A_1069 = arith.index_cast %add3A_1066 : i32 to index
        %get3A_1070 = arith.constant 224 : index
        %get3A_1071 = tpu.vector_load %arg8[%get3A_1068, %get3A_1069, %get3A_1070] {strides = array<i32>} : memref<2x128x256xf32, #tpu.memory_space<vmem>>, vector<1x1x16xf32>,
        %get3A_1072 = vector.shape_cast %get3A_1071 : vector<1x1x16xf32> to vector<16xf32>
        %mul3A_1073 = arith.mulf %get3A_308, %get3A_1072 : vector<16xf32>
        %mul3A_1074 = arith.constant 4 : i32
        %mul3A_1075 = arith.muli %mul3A_1074, %add3A_291 : i32
        %add3A_1076 = arith.constant 3 : i32
        %add3A_1077 = arith.addi %mul3A_1075, %add3A_1076 : i32
        %get3A_1078 = arith.constant 0 : i32
        %get3A_1079 = arith.index_cast %get3A_1078 : i32 to index
        %get3A_1080 = arith.index_cast %add3A_1077 : i32 to index
        %get3A_1081 = arith.constant 224 : index
        %get3A_1082 = tpu.vector_load %arg8[%get3A_1079, %get3A_1080, %get3A_1081] {strides = array<i32>} : memref<2x128x256xf32, #tpu.memory_space<vmem>>, vector<1x1x16xf32>,
        %get3A_1083 = vector.shape_cast %get3A_1082 : vector<1x1x16xf32> to vector<16xf32>
        %mul3A_1084 = arith.mulf %get3A_314, %get3A_1083 : vector<16xf32>
        %add3A_1085 = arith.addf %mul3A_1073, %mul3A_1084 : vector<16xf32>
        %add3A_1086 = arith.addf %add3A_1062, %add3A_1085 : vector<16xf32>
        %swap3A_1087 = arith.constant 0 : i32
        %swap3A_1088 = arith.index_cast %swap3A_1087 : i32 to index
        %swap3A_1089 = arith.index_cast %add3A_291 : i32 to index
        %swap3A_1090 = arith.constant 224 : index
        %swap3A_1091 = tpu.vector_load %arg9[%swap3A_1088, %swap3A_1089, %swap3A_1090] {strides = array<i32>} : memref<2x32x256xf32, #tpu.memory_space<vmem>>, vector<1x1x16xf32>,
        %swap3A_1092 = vector.shape_cast %swap3A_1091 : vector<1x1x16xf32> to vector<16xf32>
        %swap3A_1093 = vector.shape_cast %add3A_1086 : vector<16xf32> to vector<1x1x16xf32>
        tpu.vector_store %arg9[%swap3A_1088, %swap3A_1089, %swap3A_1090], %swap3A_1093 {strides = array<i32>} : memref<2x32x256xf32, #tpu.memory_space<vmem>>, vector<1x1x16xf32>,
        %mul3A_1094 = arith.constant 4 : i32
        %mul3A_1095 = arith.muli %mul3A_1094, %add3A_291 : i32
        %get3A_1096 = arith.constant 0 : i32
        %get3A_1097 = arith.index_cast %get3A_1096 : i32 to index
        %get3A_1098 = arith.index_cast %mul3A_1095 : i32 to index
        %get3A_1099 = arith.constant 240 : index
        %get3A_1100 = tpu.vector_load %arg8[%get3A_1097, %get3A_1098, %get3A_1099] {strides = array<i32>} : memref<2x128x256xf32, #tpu.memory_space<vmem>>, vector<1x1x16xf32>,
        %get3A_1101 = vector.shape_cast %get3A_1100 : vector<1x1x16xf32> to vector<16xf32>
        %mul3A_1102 = arith.mulf %get3A_296, %get3A_1101 : vector<16xf32>
        %mul3A_1103 = arith.constant 4 : i32
        %mul3A_1104 = arith.muli %mul3A_1103, %add3A_291 : i32
        %add3A_1105 = arith.constant 1 : i32
        %add3A_1106 = arith.addi %mul3A_1104, %add3A_1105 : i32
        %get3A_1107 = arith.constant 0 : i32
        %get3A_1108 = arith.index_cast %get3A_1107 : i32 to index
        %get3A_1109 = arith.index_cast %add3A_1106 : i32 to index
        %get3A_1110 = arith.constant 240 : index
        %get3A_1111 = tpu.vector_load %arg8[%get3A_1108, %get3A_1109, %get3A_1110] {strides = array<i32>} : memref<2x128x256xf32, #tpu.memory_space<vmem>>, vector<1x1x16xf32>,
        %get3A_1112 = vector.shape_cast %get3A_1111 : vector<1x1x16xf32> to vector<16xf32>
        %mul3A_1113 = arith.mulf %get3A_302, %get3A_1112 : vector<16xf32>
        %add3A_1114 = arith.addf %mul3A_1102, %mul3A_1113 : vector<16xf32>
        %mul3A_1115 = arith.constant 4 : i32
        %mul3A_1116 = arith.muli %mul3A_1115, %add3A_291 : i32
        %add3A_1117 = arith.constant 2 : i32
        %add3A_1118 = arith.addi %mul3A_1116, %add3A_1117 : i32
        %get3A_1119 = arith.constant 0 : i32
        %get3A_1120 = arith.index_cast %get3A_1119 : i32 to index
        %get3A_1121 = arith.index_cast %add3A_1118 : i32 to index
        %get3A_1122 = arith.constant 240 : index
        %get3A_1123 = tpu.vector_load %arg8[%get3A_1120, %get3A_1121, %get3A_1122] {strides = array<i32>} : memref<2x128x256xf32, #tpu.memory_space<vmem>>, vector<1x1x16xf32>,
        %get3A_1124 = vector.shape_cast %get3A_1123 : vector<1x1x16xf32> to vector<16xf32>
        %mul3A_1125 = arith.mulf %get3A_308, %get3A_1124 : vector<16xf32>
        %mul3A_1126 = arith.constant 4 : i32
        %mul3A_1127 = arith.muli %mul3A_1126, %add3A_291 : i32
        %add3A_1128 = arith.constant 3 : i32
        %add3A_1129 = arith.addi %mul3A_1127, %add3A_1128 : i32
        %get3A_1130 = arith.constant 0 : i32
        %get3A_1131 = arith.index_cast %get3A_1130 : i32 to index
        %get3A_1132 = arith.index_cast %add3A_1129 : i32 to index
        %get3A_1133 = arith.constant 240 : index
        %get3A_1134 = tpu.vector_load %arg8[%get3A_1131, %get3A_1132, %get3A_1133] {strides = array<i32>} : memref<2x128x256xf32, #tpu.memory_space<vmem>>, vector<1x1x16xf32>,
        %get3A_1135 = vector.shape_cast %get3A_1134 : vector<1x1x16xf32> to vector<16xf32>
        %mul3A_1136 = arith.mulf %get3A_314, %get3A_1135 : vector<16xf32>
        %add3A_1137 = arith.addf %mul3A_1125, %mul3A_1136 : vector<16xf32>
        %add3A_1138 = arith.addf %add3A_1114, %add3A_1137 : vector<16xf32>
        %swap3A_1139 = arith.constant 0 : i32
        %swap3A_1140 = arith.index_cast %swap3A_1139 : i32 to index
        %swap3A_1141 = arith.index_cast %add3A_291 : i32 to index
        %swap3A_1142 = arith.constant 240 : index
        %swap3A_1143 = tpu.vector_load %arg9[%swap3A_1140, %swap3A_1141, %swap3A_1142] {strides = array<i32>} : memref<2x32x256xf32, #tpu.memory_space<vmem>>, vector<1x1x16xf32>,
        %swap3A_1144 = vector.shape_cast %swap3A_1143 : vector<1x1x16xf32> to vector<16xf32>
        %swap3A_1145 = vector.shape_cast %add3A_1138 : vector<16xf32> to vector<1x1x16xf32>
        tpu.vector_store %arg9[%swap3A_1140, %swap3A_1141, %swap3A_1142], %swap3A_1145 {strides = array<i32>} : memref<2x32x256xf32, #tpu.memory_space<vmem>>, vector<1x1x16xf32>,
        %add3A_1146 = arith.constant 1 : i32
        %add3A_1147 = arith.addi %add3A_291, %add3A_1146 : i32
        %get3A_1148 = arith.constant 0 : i32
        %get3A_1149 = arith.index_cast %get3A_1148 : i32 to index
        %get3A_1150 = arith.index_cast %add3A_1147 : i32 to index
        %get3A_1151 = arith.constant 0 : index
        %get3A_1152 = tpu.vector_load %arg7[%get3A_1149, %get3A_1150, %get3A_1151] {strides = array<i32>} : memref<2x32x64xf32, #tpu.memory_space<vmem>>, vector<1x1x16xf32>,
        %get3A_1153 = vector.shape_cast %get3A_1152 : vector<1x1x16xf32> to vector<16xf32>
        %get3A_1154 = arith.constant 0 : i32
        %get3A_1155 = arith.index_cast %get3A_1154 : i32 to index
        %get3A_1156 = arith.index_cast %add3A_1147 : i32 to index
        %get3A_1157 = arith.constant 16 : index
        %get3A_1158 = tpu.vector_load %arg7[%get3A_1155, %get3A_1156, %get3A_1157] {strides = array<i32>} : memref<2x32x64xf32, #tpu.memory_space<vmem>>, vector<1x1x16xf32>,
        %get3A_1159 = vector.shape_cast %get3A_1158 : vector<1x1x16xf32> to vector<16xf32>
        %get3A_1160 = arith.constant 0 : i32
        %get3A_1161 = arith.index_cast %get3A_1160 : i32 to index
        %get3A_1162 = arith.index_cast %add3A_1147 : i32 to index
        %get3A_1163 = arith.constant 32 : index
        %get3A_1164 = tpu.vector_load %arg7[%get3A_1161, %get3A_1162, %get3A_1163] {strides = array<i32>} : memref<2x32x64xf32, #tpu.memory_space<vmem>>, vector<1x1x16xf32>,
        %get3A_1165 = vector.shape_cast %get3A_1164 : vector<1x1x16xf32> to vector<16xf32>
        %get3A_1166 = arith.constant 0 : i32
        %get3A_1167 = arith.index_cast %get3A_1166 : i32 to index
        %get3A_1168 = arith.index_cast %add3A_1147 : i32 to index
        %get3A_1169 = arith.constant 48 : index
        %get3A_1170 = tpu.vector_load %arg7[%get3A_1167, %get3A_1168, %get3A_1169] {strides = array<i32>} : memref<2x32x64xf32, #tpu.memory_space<vmem>>, vector<1x1x16xf32>,
        %get3A_1171 = vector.shape_cast %get3A_1170 : vector<1x1x16xf32> to vector<16xf32>
        %mul3A_1172 = arith.constant 4 : i32
        %mul3A_1173 = arith.muli %mul3A_1172, %add3A_1147 : i32
        %get3A_1174 = arith.constant 0 : i32
        %get3A_1175 = arith.index_cast %get3A_1174 : i32 to index
        %get3A_1176 = arith.index_cast %mul3A_1173 : i32 to index
        %get3A_1177 = arith.constant 0 : index
        %get3A_1178 = tpu.vector_load %arg8[%get3A_1175, %get3A_1176, %get3A_1177] {strides = array<i32>} : memref<2x128x256xf32, #tpu.memory_space<vmem>>, vector<1x1x16xf32>,
        %get3A_1179 = vector.shape_cast %get3A_1178 : vector<1x1x16xf32> to vector<16xf32>
        %mul3A_1180 = arith.mulf %get3A_1153, %get3A_1179 : vector<16xf32>
        %mul3A_1181 = arith.constant 4 : i32
        %mul3A_1182 = arith.muli %mul3A_1181, %add3A_1147 : i32
        %add3A_1183 = arith.constant 1 : i32
        %add3A_1184 = arith.addi %mul3A_1182, %add3A_1183 : i32
        %get3A_1185 = arith.constant 0 : i32
        %get3A_1186 = arith.index_cast %get3A_1185 : i32 to index
        %get3A_1187 = arith.index_cast %add3A_1184 : i32 to index
        %get3A_1188 = arith.constant 0 : index
        %get3A_1189 = tpu.vector_load %arg8[%get3A_1186, %get3A_1187, %get3A_1188] {strides = array<i32>} : memref<2x128x256xf32, #tpu.memory_space<vmem>>, vector<1x1x16xf32>,
        %get3A_1190 = vector.shape_cast %get3A_1189 : vector<1x1x16xf32> to vector<16xf32>
        %mul3A_1191 = arith.mulf %get3A_1159, %get3A_1190 : vector<16xf32>
        %add3A_1192 = arith.addf %mul3A_1180, %mul3A_1191 : vector<16xf32>
        %mul3A_1193 = arith.constant 4 : i32
        %mul3A_1194 = arith.muli %mul3A_1193, %add3A_1147 : i32
        %add3A_1195 = arith.constant 2 : i32
        %add3A_1196 = arith.addi %mul3A_1194, %add3A_1195 : i32
        %get3A_1197 = arith.constant 0 : i32
        %get3A_1198 = arith.index_cast %get3A_1197 : i32 to index
        %get3A_1199 = arith.index_cast %add3A_1196 : i32 to index
        %get3A_1200 = arith.constant 0 : index
        %get3A_1201 = tpu.vector_load %arg8[%get3A_1198, %get3A_1199, %get3A_1200] {strides = array<i32>} : memref<2x128x256xf32, #tpu.memory_space<vmem>>, vector<1x1x16xf32>,
        %get3A_1202 = vector.shape_cast %get3A_1201 : vector<1x1x16xf32> to vector<16xf32>
        %mul3A_1203 = arith.mulf %get3A_1165, %get3A_1202 : vector<16xf32>
        %mul3A_1204 = arith.constant 4 : i32
        %mul3A_1205 = arith.muli %mul3A_1204, %add3A_1147 : i32
        %add3A_1206 = arith.constant 3 : i32
        %add3A_1207 = arith.addi %mul3A_1205, %add3A_1206 : i32
        %get3A_1208 = arith.constant 0 : i32
        %get3A_1209 = arith.index_cast %get3A_1208 : i32 to index
        %get3A_1210 = arith.index_cast %add3A_1207 : i32 to index
        %get3A_1211 = arith.constant 0 : index
        %get3A_1212 = tpu.vector_load %arg8[%get3A_1209, %get3A_1210, %get3A_1211] {strides = array<i32>} : memref<2x128x256xf32, #tpu.memory_space<vmem>>, vector<1x1x16xf32>,
        %get3A_1213 = vector.shape_cast %get3A_1212 : vector<1x1x16xf32> to vector<16xf32>
        %mul3A_1214 = arith.mulf %get3A_1171, %get3A_1213 : vector<16xf32>
        %add3A_1215 = arith.addf %mul3A_1203, %mul3A_1214 : vector<16xf32>
        %add3A_1216 = arith.addf %add3A_1192, %add3A_1215 : vector<16xf32>
        %swap3A_1217 = arith.constant 0 : i32
        %swap3A_1218 = arith.index_cast %swap3A_1217 : i32 to index
        %swap3A_1219 = arith.index_cast %add3A_1147 : i32 to index
        %swap3A_1220 = arith.constant 0 : index
        %swap3A_1221 = tpu.vector_load %arg9[%swap3A_1218, %swap3A_1219, %swap3A_1220] {strides = array<i32>} : memref<2x32x256xf32, #tpu.memory_space<vmem>>, vector<1x1x16xf32>,
        %swap3A_1222 = vector.shape_cast %swap3A_1221 : vector<1x1x16xf32> to vector<16xf32>
        %swap3A_1223 = vector.shape_cast %add3A_1216 : vector<16xf32> to vector<1x1x16xf32>
        tpu.vector_store %arg9[%swap3A_1218, %swap3A_1219, %swap3A_1220], %swap3A_1223 {strides = array<i32>} : memref<2x32x256xf32, #tpu.memory_space<vmem>>, vector<1x1x16xf32>,
        %mul3A_1224 = arith.constant 4 : i32
        %mul3A_1225 = arith.muli %mul3A_1224, %add3A_1147 : i32
        %get3A_1226 = arith.constant 0 : i32
        %get3A_1227 = arith.index_cast %get3A_1226 : i32 to index
        %get3A_1228 = arith.index_cast %mul3A_1225 : i32 to index
        %get3A_1229 = arith.constant 16 : index
        %get3A_1230 = tpu.vector_load %arg8[%get3A_1227, %get3A_1228, %get3A_1229] {strides = array<i32>} : memref<2x128x256xf32, #tpu.memory_space<vmem>>, vector<1x1x16xf32>,
        %get3A_1231 = vector.shape_cast %get3A_1230 : vector<1x1x16xf32> to vector<16xf32>
        %mul3A_1232 = arith.mulf %get3A_1153, %get3A_1231 : vector<16xf32>
        %mul3A_1233 = arith.constant 4 : i32
        %mul3A_1234 = arith.muli %mul3A_1233, %add3A_1147 : i32
        %add3A_1235 = arith.constant 1 : i32
        %add3A_1236 = arith.addi %mul3A_1234, %add3A_1235 : i32
        %get3A_1237 = arith.constant 0 : i32
        %get3A_1238 = arith.index_cast %get3A_1237 : i32 to index
        %get3A_1239 = arith.index_cast %add3A_1236 : i32 to index
        %get3A_1240 = arith.constant 16 : index
        %get3A_1241 = tpu.vector_load %arg8[%get3A_1238, %get3A_1239, %get3A_1240] {strides = array<i32>} : memref<2x128x256xf32, #tpu.memory_space<vmem>>, vector<1x1x16xf32>,
        %get3A_1242 = vector.shape_cast %get3A_1241 : vector<1x1x16xf32> to vector<16xf32>
        %mul3A_1243 = arith.mulf %get3A_1159, %get3A_1242 : vector<16xf32>
        %add3A_1244 = arith.addf %mul3A_1232, %mul3A_1243 : vector<16xf32>
        %mul3A_1245 = arith.constant 4 : i32
        %mul3A_1246 = arith.muli %mul3A_1245, %add3A_1147 : i32
        %add3A_1247 = arith.constant 2 : i32
        %add3A_1248 = arith.addi %mul3A_1246, %add3A_1247 : i32
        %get3A_1249 = arith.constant 0 : i32
        %get3A_1250 = arith.index_cast %get3A_1249 : i32 to index
        %get3A_1251 = arith.index_cast %add3A_1248 : i32 to index
        %get3A_1252 = arith.constant 16 : index
        %get3A_1253 = tpu.vector_load %arg8[%get3A_1250, %get3A_1251, %get3A_1252] {strides = array<i32>} : memref<2x128x256xf32, #tpu.memory_space<vmem>>, vector<1x1x16xf32>,
        %get3A_1254 = vector.shape_cast %get3A_1253 : vector<1x1x16xf32> to vector<16xf32>
        %mul3A_1255 = arith.mulf %get3A_1165, %get3A_1254 : vector<16xf32>
        %mul3A_1256 = arith.constant 4 : i32
        %mul3A_1257 = arith.muli %mul3A_1256, %add3A_1147 : i32
        %add3A_1258 = arith.constant 3 : i32
        %add3A_1259 = arith.addi %mul3A_1257, %add3A_1258 : i32
        %get3A_1260 = arith.constant 0 : i32
        %get3A_1261 = arith.index_cast %get3A_1260 : i32 to index
        %get3A_1262 = arith.index_cast %add3A_1259 : i32 to index
        %get3A_1263 = arith.constant 16 : index
        %get3A_1264 = tpu.vector_load %arg8[%get3A_1261, %get3A_1262, %get3A_1263] {strides = array<i32>} : memref<2x128x256xf32, #tpu.memory_space<vmem>>, vector<1x1x16xf32>,
        %get3A_1265 = vector.shape_cast %get3A_1264 : vector<1x1x16xf32> to vector<16xf32>
        %mul3A_1266 = arith.mulf %get3A_1171, %get3A_1265 : vector<16xf32>
        %add3A_1267 = arith.addf %mul3A_1255, %mul3A_1266 : vector<16xf32>
        %add3A_1268 = arith.addf %add3A_1244, %add3A_1267 : vector<16xf32>
        %swap3A_1269 = arith.constant 0 : i32
        %swap3A_1270 = arith.index_cast %swap3A_1269 : i32 to index
        %swap3A_1271 = arith.index_cast %add3A_1147 : i32 to index
        %swap3A_1272 = arith.constant 16 : index
        %swap3A_1273 = tpu.vector_load %arg9[%swap3A_1270, %swap3A_1271, %swap3A_1272] {strides = array<i32>} : memref<2x32x256xf32, #tpu.memory_space<vmem>>, vector<1x1x16xf32>,
        %swap3A_1274 = vector.shape_cast %swap3A_1273 : vector<1x1x16xf32> to vector<16xf32>
        %swap3A_1275 = vector.shape_cast %add3A_1268 : vector<16xf32> to vector<1x1x16xf32>
        tpu.vector_store %arg9[%swap3A_1270, %swap3A_1271, %swap3A_1272], %swap3A_1275 {strides = array<i32>} : memref<2x32x256xf32, #tpu.memory_space<vmem>>, vector<1x1x16xf32>,
        %mul3A_1276 = arith.constant 4 : i32
        %mul3A_1277 = arith.muli %mul3A_1276, %add3A_1147 : i32
        %get3A_1278 = arith.constant 0 : i32
        %get3A_1279 = arith.index_cast %get3A_1278 : i32 to index
        %get3A_1280 = arith.index_cast %mul3A_1277 : i32 to index
        %get3A_1281 = arith.constant 32 : index
        %get3A_1282 = tpu.vector_load %arg8[%get3A_1279, %get3A_1280, %get3A_1281] {strides = array<i32>} : memref<2x128x256xf32, #tpu.memory_space<vmem>>, vector<1x1x16xf32>,
        %get3A_1283 = vector.shape_cast %get3A_1282 : vector<1x1x16xf32> to vector<16xf32>
        %mul3A_1284 = arith.mulf %get3A_1153, %get3A_1283 : vector<16xf32>
        %mul3A_1285 = arith.constant 4 : i32
        %mul3A_1286 = arith.muli %mul3A_1285, %add3A_1147 : i32
        %add3A_1287 = arith.constant 1 : i32
        %add3A_1288 = arith.addi %mul3A_1286, %add3A_1287 : i32
        %get3A_1289 = arith.constant 0 : i32
        %get3A_1290 = arith.index_cast %get3A_1289 : i32 to index
        %get3A_1291 = arith.index_cast %add3A_1288 : i32 to index
        %get3A_1292 = arith.constant 32 : index
        %get3A_1293 = tpu.vector_load %arg8[%get3A_1290, %get3A_1291, %get3A_1292] {strides = array<i32>} : memref<2x128x256xf32, #tpu.memory_space<vmem>>, vector<1x1x16xf32>,
        %get3A_1294 = vector.shape_cast %get3A_1293 : vector<1x1x16xf32> to vector<16xf32>
        %mul3A_1295 = arith.mulf %get3A_1159, %get3A_1294 : vector<16xf32>
        %add3A_1296 = arith.addf %mul3A_1284, %mul3A_1295 : vector<16xf32>
        %mul3A_1297 = arith.constant 4 : i32
        %mul3A_1298 = arith.muli %mul3A_1297, %add3A_1147 : i32
        %add3A_1299 = arith.constant 2 : i32
        %add3A_1300 = arith.addi %mul3A_1298, %add3A_1299 : i32
        %get3A_1301 = arith.constant 0 : i32
        %get3A_1302 = arith.index_cast %get3A_1301 : i32 to index
        %get3A_1303 = arith.index_cast %add3A_1300 : i32 to index
        %get3A_1304 = arith.constant 32 : index
        %get3A_1305 = tpu.vector_load %arg8[%get3A_1302, %get3A_1303, %get3A_1304] {strides = array<i32>} : memref<2x128x256xf32, #tpu.memory_space<vmem>>, vector<1x1x16xf32>,
        %get3A_1306 = vector.shape_cast %get3A_1305 : vector<1x1x16xf32> to vector<16xf32>
        %mul3A_1307 = arith.mulf %get3A_1165, %get3A_1306 : vector<16xf32>
        %mul3A_1308 = arith.constant 4 : i32
        %mul3A_1309 = arith.muli %mul3A_1308, %add3A_1147 : i32
        %add3A_1310 = arith.constant 3 : i32
        %add3A_1311 = arith.addi %mul3A_1309, %add3A_1310 : i32
        %get3A_1312 = arith.constant 0 : i32
        %get3A_1313 = arith.index_cast %get3A_1312 : i32 to index
        %get3A_1314 = arith.index_cast %add3A_1311 : i32 to index
        %get3A_1315 = arith.constant 32 : index
        %get3A_1316 = tpu.vector_load %arg8[%get3A_1313, %get3A_1314, %get3A_1315] {strides = array<i32>} : memref<2x128x256xf32, #tpu.memory_space<vmem>>, vector<1x1x16xf32>,
        %get3A_1317 = vector.shape_cast %get3A_1316 : vector<1x1x16xf32> to vector<16xf32>
        %mul3A_1318 = arith.mulf %get3A_1171, %get3A_1317 : vector<16xf32>
        %add3A_1319 = arith.addf %mul3A_1307, %mul3A_1318 : vector<16xf32>
        %add3A_1320 = arith.addf %add3A_1296, %add3A_1319 : vector<16xf32>
        %swap3A_1321 = arith.constant 0 : i32
        %swap3A_1322 = arith.index_cast %swap3A_1321 : i32 to index
        %swap3A_1323 = arith.index_cast %add3A_1147 : i32 to index
        %swap3A_1324 = arith.constant 32 : index
        %swap3A_1325 = tpu.vector_load %arg9[%swap3A_1322, %swap3A_1323, %swap3A_1324] {strides = array<i32>} : memref<2x32x256xf32, #tpu.memory_space<vmem>>, vector<1x1x16xf32>,
        %swap3A_1326 = vector.shape_cast %swap3A_1325 : vector<1x1x16xf32> to vector<16xf32>
        %swap3A_1327 = vector.shape_cast %add3A_1320 : vector<16xf32> to vector<1x1x16xf32>
        tpu.vector_store %arg9[%swap3A_1322, %swap3A_1323, %swap3A_1324], %swap3A_1327 {strides = array<i32>} : memref<2x32x256xf32, #tpu.memory_space<vmem>>, vector<1x1x16xf32>,
        %mul3A_1328 = arith.constant 4 : i32
        %mul3A_1329 = arith.muli %mul3A_1328, %add3A_1147 : i32
        %get3A_1330 = arith.constant 0 : i32
        %get3A_1331 = arith.index_cast %get3A_1330 : i32 to index
        %get3A_1332 = arith.index_cast %mul3A_1329 : i32 to index
        %get3A_1333 = arith.constant 48 : index
        %get3A_1334 = tpu.vector_load %arg8[%get3A_1331, %get3A_1332, %get3A_1333] {strides = array<i32>} : memref<2x128x256xf32, #tpu.memory_space<vmem>>, vector<1x1x16xf32>,
        %get3A_1335 = vector.shape_cast %get3A_1334 : vector<1x1x16xf32> to vector<16xf32>
        %mul3A_1336 = arith.mulf %get3A_1153, %get3A_1335 : vector<16xf32>
        %mul3A_1337 = arith.constant 4 : i32
        %mul3A_1338 = arith.muli %mul3A_1337, %add3A_1147 : i32
        %add3A_1339 = arith.constant 1 : i32
        %add3A_1340 = arith.addi %mul3A_1338, %add3A_1339 : i32
        %get3A_1341 = arith.constant 0 : i32
        %get3A_1342 = arith.index_cast %get3A_1341 : i32 to index
        %get3A_1343 = arith.index_cast %add3A_1340 : i32 to index
        %get3A_1344 = arith.constant 48 : index
        %get3A_1345 = tpu.vector_load %arg8[%get3A_1342, %get3A_1343, %get3A_1344] {strides = array<i32>} : memref<2x128x256xf32, #tpu.memory_space<vmem>>, vector<1x1x16xf32>,
        %get3A_1346 = vector.shape_cast %get3A_1345 : vector<1x1x16xf32> to vector<16xf32>
        %mul3A_1347 = arith.mulf %get3A_1159, %get3A_1346 : vector<16xf32>
        %add3A_1348 = arith.addf %mul3A_1336, %mul3A_1347 : vector<16xf32>
        %mul3A_1349 = arith.constant 4 : i32
        %mul3A_1350 = arith.muli %mul3A_1349, %add3A_1147 : i32
        %add3A_1351 = arith.constant 2 : i32
        %add3A_1352 = arith.addi %mul3A_1350, %add3A_1351 : i32
        %get3A_1353 = arith.constant 0 : i32
        %get3A_1354 = arith.index_cast %get3A_1353 : i32 to index
        %get3A_1355 = arith.index_cast %add3A_1352 : i32 to index
        %get3A_1356 = arith.constant 48 : index
        %get3A_1357 = tpu.vector_load %arg8[%get3A_1354, %get3A_1355, %get3A_1356] {strides = array<i32>} : memref<2x128x256xf32, #tpu.memory_space<vmem>>, vector<1x1x16xf32>,
        %get3A_1358 = vector.shape_cast %get3A_1357 : vector<1x1x16xf32> to vector<16xf32>
        %mul3A_1359 = arith.mulf %get3A_1165, %get3A_1358 : vector<16xf32>
        %mul3A_1360 = arith.constant 4 : i32
        %mul3A_1361 = arith.muli %mul3A_1360, %add3A_1147 : i32
        %add3A_1362 = arith.constant 3 : i32
        %add3A_1363 = arith.addi %mul3A_1361, %add3A_1362 : i32
        %get3A_1364 = arith.constant 0 : i32
        %get3A_1365 = arith.index_cast %get3A_1364 : i32 to index
        %get3A_1366 = arith.index_cast %add3A_1363 : i32 to index
        %get3A_1367 = arith.constant 48 : index
        %get3A_1368 = tpu.vector_load %arg8[%get3A_1365, %get3A_1366, %get3A_1367] {strides = array<i32>} : memref<2x128x256xf32, #tpu.memory_space<vmem>>, vector<1x1x16xf32>,
        %get3A_1369 = vector.shape_cast %get3A_1368 : vector<1x1x16xf32> to vector<16xf32>
        %mul3A_1370 = arith.mulf %get3A_1171, %get3A_1369 : vector<16xf32>
        %add3A_1371 = arith.addf %mul3A_1359, %mul3A_1370 : vector<16xf32>
        %add3A_1372 = arith.addf %add3A_1348, %add3A_1371 : vector<16xf32>
        %swap3A_1373 = arith.constant 0 : i32
        %swap3A_1374 = arith.index_cast %swap3A_1373 : i32 to index
        %swap3A_1375 = arith.index_cast %add3A_1147 : i32 to index
        %swap3A_1376 = arith.constant 48 : index
        %swap3A_1377 = tpu.vector_load %arg9[%swap3A_1374, %swap3A_1375, %swap3A_1376] {strides = array<i32>} : memref<2x32x256xf32, #tpu.memory_space<vmem>>, vector<1x1x16xf32>,
        %swap3A_1378 = vector.shape_cast %swap3A_1377 : vector<1x1x16xf32> to vector<16xf32>
        %swap3A_1379 = vector.shape_cast %add3A_1372 : vector<16xf32> to vector<1x1x16xf32>
        tpu.vector_store %arg9[%swap3A_1374, %swap3A_1375, %swap3A_1376], %swap3A_1379 {strides = array<i32>} : memref<2x32x256xf32, #tpu.memory_space<vmem>>, vector<1x1x16xf32>,
        %mul3A_1380 = arith.constant 4 : i32
        %mul3A_1381 = arith.muli %mul3A_1380, %add3A_1147 : i32
        %get3A_1382 = arith.constant 0 : i32
        %get3A_1383 = arith.index_cast %get3A_1382 : i32 to index
        %get3A_1384 = arith.index_cast %mul3A_1381 : i32 to index
        %get3A_1385 = arith.constant 64 : index
        %get3A_1386 = tpu.vector_load %arg8[%get3A_1383, %get3A_1384, %get3A_1385] {strides = array<i32>} : memref<2x128x256xf32, #tpu.memory_space<vmem>>, vector<1x1x16xf32>,
        %get3A_1387 = vector.shape_cast %get3A_1386 : vector<1x1x16xf32> to vector<16xf32>
        %mul3A_1388 = arith.mulf %get3A_1153, %get3A_1387 : vector<16xf32>
        %mul3A_1389 = arith.constant 4 : i32
        %mul3A_1390 = arith.muli %mul3A_1389, %add3A_1147 : i32
        %add3A_1391 = arith.constant 1 : i32
        %add3A_1392 = arith.addi %mul3A_1390, %add3A_1391 : i32
        %get3A_1393 = arith.constant 0 : i32
        %get3A_1394 = arith.index_cast %get3A_1393 : i32 to index
        %get3A_1395 = arith.index_cast %add3A_1392 : i32 to index
        %get3A_1396 = arith.constant 64 : index
        %get3A_1397 = tpu.vector_load %arg8[%get3A_1394, %get3A_1395, %get3A_1396] {strides = array<i32>} : memref<2x128x256xf32, #tpu.memory_space<vmem>>, vector<1x1x16xf32>,
        %get3A_1398 = vector.shape_cast %get3A_1397 : vector<1x1x16xf32> to vector<16xf32>
        %mul3A_1399 = arith.mulf %get3A_1159, %get3A_1398 : vector<16xf32>
        %add3A_1400 = arith.addf %mul3A_1388, %mul3A_1399 : vector<16xf32>
        %mul3A_1401 = arith.constant 4 : i32
        %mul3A_1402 = arith.muli %mul3A_1401, %add3A_1147 : i32
        %add3A_1403 = arith.constant 2 : i32
        %add3A_1404 = arith.addi %mul3A_1402, %add3A_1403 : i32
        %get3A_1405 = arith.constant 0 : i32
        %get3A_1406 = arith.index_cast %get3A_1405 : i32 to index
        %get3A_1407 = arith.index_cast %add3A_1404 : i32 to index
        %get3A_1408 = arith.constant 64 : index
        %get3A_1409 = tpu.vector_load %arg8[%get3A_1406, %get3A_1407, %get3A_1408] {strides = array<i32>} : memref<2x128x256xf32, #tpu.memory_space<vmem>>, vector<1x1x16xf32>,
        %get3A_1410 = vector.shape_cast %get3A_1409 : vector<1x1x16xf32> to vector<16xf32>
        %mul3A_1411 = arith.mulf %get3A_1165, %get3A_1410 : vector<16xf32>
        %mul3A_1412 = arith.constant 4 : i32
        %mul3A_1413 = arith.muli %mul3A_1412, %add3A_1147 : i32
        %add3A_1414 = arith.constant 3 : i32
        %add3A_1415 = arith.addi %mul3A_1413, %add3A_1414 : i32
        %get3A_1416 = arith.constant 0 : i32
        %get3A_1417 = arith.index_cast %get3A_1416 : i32 to index
        %get3A_1418 = arith.index_cast %add3A_1415 : i32 to index
        %get3A_1419 = arith.constant 64 : index
        %get3A_1420 = tpu.vector_load %arg8[%get3A_1417, %get3A_1418, %get3A_1419] {strides = array<i32>} : memref<2x128x256xf32, #tpu.memory_space<vmem>>, vector<1x1x16xf32>,
        %get3A_1421 = vector.shape_cast %get3A_1420 : vector<1x1x16xf32> to vector<16xf32>
        %mul3A_1422 = arith.mulf %get3A_1171, %get3A_1421 : vector<16xf32>
        %add3A_1423 = arith.addf %mul3A_1411, %mul3A_1422 : vector<16xf32>
        %add3A_1424 = arith.addf %add3A_1400, %add3A_1423 : vector<16xf32>
        %swap3A_1425 = arith.constant 0 : i32
        %swap3A_1426 = arith.index_cast %swap3A_1425 : i32 to index
        %swap3A_1427 = arith.index_cast %add3A_1147 : i32 to index
        %swap3A_1428 = arith.constant 64 : index
        %swap3A_1429 = tpu.vector_load %arg9[%swap3A_1426, %swap3A_1427, %swap3A_1428] {strides = array<i32>} : memref<2x32x256xf32, #tpu.memory_space<vmem>>, vector<1x1x16xf32>,
        %swap3A_1430 = vector.shape_cast %swap3A_1429 : vector<1x1x16xf32> to vector<16xf32>
        %swap3A_1431 = vector.shape_cast %add3A_1424 : vector<16xf32> to vector<1x1x16xf32>
        tpu.vector_store %arg9[%swap3A_1426, %swap3A_1427, %swap3A_1428], %swap3A_1431 {strides = array<i32>} : memref<2x32x256xf32, #tpu.memory_space<vmem>>, vector<1x1x16xf32>,
        %mul3A_1432 = arith.constant 4 : i32
        %mul3A_1433 = arith.muli %mul3A_1432, %add3A_1147 : i32
        %get3A_1434 = arith.constant 0 : i32
        %get3A_1435 = arith.index_cast %get3A_1434 : i32 to index
        %get3A_1436 = arith.index_cast %mul3A_1433 : i32 to index
        %get3A_1437 = arith.constant 80 : index
        %get3A_1438 = tpu.vector_load %arg8[%get3A_1435, %get3A_1436, %get3A_1437] {strides = array<i32>} : memref<2x128x256xf32, #tpu.memory_space<vmem>>, vector<1x1x16xf32>,
        %get3A_1439 = vector.shape_cast %get3A_1438 : vector<1x1x16xf32> to vector<16xf32>
        %mul3A_1440 = arith.mulf %get3A_1153, %get3A_1439 : vector<16xf32>
        %mul3A_1441 = arith.constant 4 : i32
        %mul3A_1442 = arith.muli %mul3A_1441, %add3A_1147 : i32
        %add3A_1443 = arith.constant 1 : i32
        %add3A_1444 = arith.addi %mul3A_1442, %add3A_1443 : i32
        %get3A_1445 = arith.constant 0 : i32
        %get3A_1446 = arith.index_cast %get3A_1445 : i32 to index
        %get3A_1447 = arith.index_cast %add3A_1444 : i32 to index
        %get3A_1448 = arith.constant 80 : index
        %get3A_1449 = tpu.vector_load %arg8[%get3A_1446, %get3A_1447, %get3A_1448] {strides = array<i32>} : memref<2x128x256xf32, #tpu.memory_space<vmem>>, vector<1x1x16xf32>,
        %get3A_1450 = vector.shape_cast %get3A_1449 : vector<1x1x16xf32> to vector<16xf32>
        %mul3A_1451 = arith.mulf %get3A_1159, %get3A_1450 : vector<16xf32>
        %add3A_1452 = arith.addf %mul3A_1440, %mul3A_1451 : vector<16xf32>
        %mul3A_1453 = arith.constant 4 : i32
        %mul3A_1454 = arith.muli %mul3A_1453, %add3A_1147 : i32
        %add3A_1455 = arith.constant 2 : i32
        %add3A_1456 = arith.addi %mul3A_1454, %add3A_1455 : i32
        %get3A_1457 = arith.constant 0 : i32
        %get3A_1458 = arith.index_cast %get3A_1457 : i32 to index
        %get3A_1459 = arith.index_cast %add3A_1456 : i32 to index
        %get3A_1460 = arith.constant 80 : index
        %get3A_1461 = tpu.vector_load %arg8[%get3A_1458, %get3A_1459, %get3A_1460] {strides = array<i32>} : memref<2x128x256xf32, #tpu.memory_space<vmem>>, vector<1x1x16xf32>,
        %get3A_1462 = vector.shape_cast %get3A_1461 : vector<1x1x16xf32> to vector<16xf32>
        %mul3A_1463 = arith.mulf %get3A_1165, %get3A_1462 : vector<16xf32>
        %mul3A_1464 = arith.constant 4 : i32
        %mul3A_1465 = arith.muli %mul3A_1464, %add3A_1147 : i32
        %add3A_1466 = arith.constant 3 : i32
        %add3A_1467 = arith.addi %mul3A_1465, %add3A_1466 : i32
        %get3A_1468 = arith.constant 0 : i32
        %get3A_1469 = arith.index_cast %get3A_1468 : i32 to index
        %get3A_1470 = arith.index_cast %add3A_1467 : i32 to index
        %get3A_1471 = arith.constant 80 : index
        %get3A_1472 = tpu.vector_load %arg8[%get3A_1469, %get3A_1470, %get3A_1471] {strides = array<i32>} : memref<2x128x256xf32, #tpu.memory_space<vmem>>, vector<1x1x16xf32>,
        %get3A_1473 = vector.shape_cast %get3A_1472 : vector<1x1x16xf32> to vector<16xf32>
        %mul3A_1474 = arith.mulf %get3A_1171, %get3A_1473 : vector<16xf32>
        %add3A_1475 = arith.addf %mul3A_1463, %mul3A_1474 : vector<16xf32>
        %add3A_1476 = arith.addf %add3A_1452, %add3A_1475 : vector<16xf32>
        %swap3A_1477 = arith.constant 0 : i32
        %swap3A_1478 = arith.index_cast %swap3A_1477 : i32 to index
        %swap3A_1479 = arith.index_cast %add3A_1147 : i32 to index
        %swap3A_1480 = arith.constant 80 : index
        %swap3A_1481 = tpu.vector_load %arg9[%swap3A_1478, %swap3A_1479, %swap3A_1480] {strides = array<i32>} : memref<2x32x256xf32, #tpu.memory_space<vmem>>, vector<1x1x16xf32>,
        %swap3A_1482 = vector.shape_cast %swap3A_1481 : vector<1x1x16xf32> to vector<16xf32>
        %swap3A_1483 = vector.shape_cast %add3A_1476 : vector<16xf32> to vector<1x1x16xf32>
        tpu.vector_store %arg9[%swap3A_1478, %swap3A_1479, %swap3A_1480], %swap3A_1483 {strides = array<i32>} : memref<2x32x256xf32, #tpu.memory_space<vmem>>, vector<1x1x16xf32>,
        %mul3A_1484 = arith.constant 4 : i32
        %mul3A_1485 = arith.muli %mul3A_1484, %add3A_1147 : i32
        %get3A_1486 = arith.constant 0 : i32
        %get3A_1487 = arith.index_cast %get3A_1486 : i32 to index
        %get3A_1488 = arith.index_cast %mul3A_1485 : i32 to index
        %get3A_1489 = arith.constant 96 : index
        %get3A_1490 = tpu.vector_load %arg8[%get3A_1487, %get3A_1488, %get3A_1489] {strides = array<i32>} : memref<2x128x256xf32, #tpu.memory_space<vmem>>, vector<1x1x16xf32>,
        %get3A_1491 = vector.shape_cast %get3A_1490 : vector<1x1x16xf32> to vector<16xf32>
        %mul3A_1492 = arith.mulf %get3A_1153, %get3A_1491 : vector<16xf32>
        %mul3A_1493 = arith.constant 4 : i32
        %mul3A_1494 = arith.muli %mul3A_1493, %add3A_1147 : i32
        %add3A_1495 = arith.constant 1 : i32
        %add3A_1496 = arith.addi %mul3A_1494, %add3A_1495 : i32
        %get3A_1497 = arith.constant 0 : i32
        %get3A_1498 = arith.index_cast %get3A_1497 : i32 to index
        %get3A_1499 = arith.index_cast %add3A_1496 : i32 to index
        %get3A_1500 = arith.constant 96 : index
        %get3A_1501 = tpu.vector_load %arg8[%get3A_1498, %get3A_1499, %get3A_1500] {strides = array<i32>} : memref<2x128x256xf32, #tpu.memory_space<vmem>>, vector<1x1x16xf32>,
        %get3A_1502 = vector.shape_cast %get3A_1501 : vector<1x1x16xf32> to vector<16xf32>
        %mul3A_1503 = arith.mulf %get3A_1159, %get3A_1502 : vector<16xf32>
        %add3A_1504 = arith.addf %mul3A_1492, %mul3A_1503 : vector<16xf32>
        %mul3A_1505 = arith.constant 4 : i32
        %mul3A_1506 = arith.muli %mul3A_1505, %add3A_1147 : i32
        %add3A_1507 = arith.constant 2 : i32
        %add3A_1508 = arith.addi %mul3A_1506, %add3A_1507 : i32
        %get3A_1509 = arith.constant 0 : i32
        %get3A_1510 = arith.index_cast %get3A_1509 : i32 to index
        %get3A_1511 = arith.index_cast %add3A_1508 : i32 to index
        %get3A_1512 = arith.constant 96 : index
        %get3A_1513 = tpu.vector_load %arg8[%get3A_1510, %get3A_1511, %get3A_1512] {strides = array<i32>} : memref<2x128x256xf32, #tpu.memory_space<vmem>>, vector<1x1x16xf32>,
        %get3A_1514 = vector.shape_cast %get3A_1513 : vector<1x1x16xf32> to vector<16xf32>
        %mul3A_1515 = arith.mulf %get3A_1165, %get3A_1514 : vector<16xf32>
        %mul3A_1516 = arith.constant 4 : i32
        %mul3A_1517 = arith.muli %mul3A_1516, %add3A_1147 : i32
        %add3A_1518 = arith.constant 3 : i32
        %add3A_1519 = arith.addi %mul3A_1517, %add3A_1518 : i32
        %get3A_1520 = arith.constant 0 : i32
        %get3A_1521 = arith.index_cast %get3A_1520 : i32 to index
        %get3A_1522 = arith.index_cast %add3A_1519 : i32 to index
        %get3A_1523 = arith.constant 96 : index
        %get3A_1524 = tpu.vector_load %arg8[%get3A_1521, %get3A_1522, %get3A_1523] {strides = array<i32>} : memref<2x128x256xf32, #tpu.memory_space<vmem>>, vector<1x1x16xf32>,
        %get3A_1525 = vector.shape_cast %get3A_1524 : vector<1x1x16xf32> to vector<16xf32>
        %mul3A_1526 = arith.mulf %get3A_1171, %get3A_1525 : vector<16xf32>
        %add3A_1527 = arith.addf %mul3A_1515, %mul3A_1526 : vector<16xf32>
        %add3A_1528 = arith.addf %add3A_1504, %add3A_1527 : vector<16xf32>
        %swap3A_1529 = arith.constant 0 : i32
        %swap3A_1530 = arith.index_cast %swap3A_1529 : i32 to index
        %swap3A_1531 = arith.index_cast %add3A_1147 : i32 to index
        %swap3A_1532 = arith.constant 96 : index
        %swap3A_1533 = tpu.vector_load %arg9[%swap3A_1530, %swap3A_1531, %swap3A_1532] {strides = array<i32>} : memref<2x32x256xf32, #tpu.memory_space<vmem>>, vector<1x1x16xf32>,
        %swap3A_1534 = vector.shape_cast %swap3A_1533 : vector<1x1x16xf32> to vector<16xf32>
        %swap3A_1535 = vector.shape_cast %add3A_1528 : vector<16xf32> to vector<1x1x16xf32>
        tpu.vector_store %arg9[%swap3A_1530, %swap3A_1531, %swap3A_1532], %swap3A_1535 {strides = array<i32>} : memref<2x32x256xf32, #tpu.memory_space<vmem>>, vector<1x1x16xf32>,
        %mul3A_1536 = arith.constant 4 : i32
        %mul3A_1537 = arith.muli %mul3A_1536, %add3A_1147 : i32
        %get3A_1538 = arith.constant 0 : i32
        %get3A_1539 = arith.index_cast %get3A_1538 : i32 to index
        %get3A_1540 = arith.index_cast %mul3A_1537 : i32 to index
        %get3A_1541 = arith.constant 112 : index
        %get3A_1542 = tpu.vector_load %arg8[%get3A_1539, %get3A_1540, %get3A_1541] {strides = array<i32>} : memref<2x128x256xf32, #tpu.memory_space<vmem>>, vector<1x1x16xf32>,
        %get3A_1543 = vector.shape_cast %get3A_1542 : vector<1x1x16xf32> to vector<16xf32>
        %mul3A_1544 = arith.mulf %get3A_1153, %get3A_1543 : vector<16xf32>
        %mul3A_1545 = arith.constant 4 : i32
        %mul3A_1546 = arith.muli %mul3A_1545, %add3A_1147 : i32
        %add3A_1547 = arith.constant 1 : i32
        %add3A_1548 = arith.addi %mul3A_1546, %add3A_1547 : i32
        %get3A_1549 = arith.constant 0 : i32
        %get3A_1550 = arith.index_cast %get3A_1549 : i32 to index
        %get3A_1551 = arith.index_cast %add3A_1548 : i32 to index
        %get3A_1552 = arith.constant 112 : index
        %get3A_1553 = tpu.vector_load %arg8[%get3A_1550, %get3A_1551, %get3A_1552] {strides = array<i32>} : memref<2x128x256xf32, #tpu.memory_space<vmem>>, vector<1x1x16xf32>,
        %get3A_1554 = vector.shape_cast %get3A_1553 : vector<1x1x16xf32> to vector<16xf32>
        %mul3A_1555 = arith.mulf %get3A_1159, %get3A_1554 : vector<16xf32>
        %add3A_1556 = arith.addf %mul3A_1544, %mul3A_1555 : vector<16xf32>
        %mul3A_1557 = arith.constant 4 : i32
        %mul3A_1558 = arith.muli %mul3A_1557, %add3A_1147 : i32
        %add3A_1559 = arith.constant 2 : i32
        %add3A_1560 = arith.addi %mul3A_1558, %add3A_1559 : i32
        %get3A_1561 = arith.constant 0 : i32
        %get3A_1562 = arith.index_cast %get3A_1561 : i32 to index
        %get3A_1563 = arith.index_cast %add3A_1560 : i32 to index
        %get3A_1564 = arith.constant 112 : index
        %get3A_1565 = tpu.vector_load %arg8[%get3A_1562, %get3A_1563, %get3A_1564] {strides = array<i32>} : memref<2x128x256xf32, #tpu.memory_space<vmem>>, vector<1x1x16xf32>,
        %get3A_1566 = vector.shape_cast %get3A_1565 : vector<1x1x16xf32> to vector<16xf32>
        %mul3A_1567 = arith.mulf %get3A_1165, %get3A_1566 : vector<16xf32>
        %mul3A_1568 = arith.constant 4 : i32
        %mul3A_1569 = arith.muli %mul3A_1568, %add3A_1147 : i32
        %add3A_1570 = arith.constant 3 : i32
        %add3A_1571 = arith.addi %mul3A_1569, %add3A_1570 : i32
        %get3A_1572 = arith.constant 0 : i32
        %get3A_1573 = arith.index_cast %get3A_1572 : i32 to index
        %get3A_1574 = arith.index_cast %add3A_1571 : i32 to index
        %get3A_1575 = arith.constant 112 : index
        %get3A_1576 = tpu.vector_load %arg8[%get3A_1573, %get3A_1574, %get3A_1575] {strides = array<i32>} : memref<2x128x256xf32, #tpu.memory_space<vmem>>, vector<1x1x16xf32>,
        %get3A_1577 = vector.shape_cast %get3A_1576 : vector<1x1x16xf32> to vector<16xf32>
        %mul3A_1578 = arith.mulf %get3A_1171, %get3A_1577 : vector<16xf32>
        %add3A_1579 = arith.addf %mul3A_1567, %mul3A_1578 : vector<16xf32>
        %add3A_1580 = arith.addf %add3A_1556, %add3A_1579 : vector<16xf32>
        %swap3A_1581 = arith.constant 0 : i32
        %swap3A_1582 = arith.index_cast %swap3A_1581 : i32 to index
        %swap3A_1583 = arith.index_cast %add3A_1147 : i32 to index
        %swap3A_1584 = arith.constant 112 : index
        %swap3A_1585 = tpu.vector_load %arg9[%swap3A_1582, %swap3A_1583, %swap3A_1584] {strides = array<i32>} : memref<2x32x256xf32, #tpu.memory_space<vmem>>, vector<1x1x16xf32>,
        %swap3A_1586 = vector.shape_cast %swap3A_1585 : vector<1x1x16xf32> to vector<16xf32>
        %swap3A_1587 = vector.shape_cast %add3A_1580 : vector<16xf32> to vector<1x1x16xf32>
        tpu.vector_store %arg9[%swap3A_1582, %swap3A_1583, %swap3A_1584], %swap3A_1587 {strides = array<i32>} : memref<2x32x256xf32, #tpu.memory_space<vmem>>, vector<1x1x16xf32>,
        %mul3A_1588 = arith.constant 4 : i32
        %mul3A_1589 = arith.muli %mul3A_1588, %add3A_1147 : i32
        %get3A_1590 = arith.constant 0 : i32
        %get3A_1591 = arith.index_cast %get3A_1590 : i32 to index
        %get3A_1592 = arith.index_cast %mul3A_1589 : i32 to index
        %get3A_1593 = arith.constant 128 : index
        %get3A_1594 = tpu.vector_load %arg8[%get3A_1591, %get3A_1592, %get3A_1593] {strides = array<i32>} : memref<2x128x256xf32, #tpu.memory_space<vmem>>, vector<1x1x16xf32>,
        %get3A_1595 = vector.shape_cast %get3A_1594 : vector<1x1x16xf32> to vector<16xf32>
        %mul3A_1596 = arith.mulf %get3A_1153, %get3A_1595 : vector<16xf32>
        %mul3A_1597 = arith.constant 4 : i32
        %mul3A_1598 = arith.muli %mul3A_1597, %add3A_1147 : i32
        %add3A_1599 = arith.constant 1 : i32
        %add3A_1600 = arith.addi %mul3A_1598, %add3A_1599 : i32
        %get3A_1601 = arith.constant 0 : i32
        %get3A_1602 = arith.index_cast %get3A_1601 : i32 to index
        %get3A_1603 = arith.index_cast %add3A_1600 : i32 to index
        %get3A_1604 = arith.constant 128 : index
        %get3A_1605 = tpu.vector_load %arg8[%get3A_1602, %get3A_1603, %get3A_1604] {strides = array<i32>} : memref<2x128x256xf32, #tpu.memory_space<vmem>>, vector<1x1x16xf32>,
        %get3A_1606 = vector.shape_cast %get3A_1605 : vector<1x1x16xf32> to vector<16xf32>
        %mul3A_1607 = arith.mulf %get3A_1159, %get3A_1606 : vector<16xf32>
        %add3A_1608 = arith.addf %mul3A_1596, %mul3A_1607 : vector<16xf32>
        %mul3A_1609 = arith.constant 4 : i32
        %mul3A_1610 = arith.muli %mul3A_1609, %add3A_1147 : i32
        %add3A_1611 = arith.constant 2 : i32
        %add3A_1612 = arith.addi %mul3A_1610, %add3A_1611 : i32
        %get3A_1613 = arith.constant 0 : i32
        %get3A_1614 = arith.index_cast %get3A_1613 : i32 to index
        %get3A_1615 = arith.index_cast %add3A_1612 : i32 to index
        %get3A_1616 = arith.constant 128 : index
        %get3A_1617 = tpu.vector_load %arg8[%get3A_1614, %get3A_1615, %get3A_1616] {strides = array<i32>} : memref<2x128x256xf32, #tpu.memory_space<vmem>>, vector<1x1x16xf32>,
        %get3A_1618 = vector.shape_cast %get3A_1617 : vector<1x1x16xf32> to vector<16xf32>
        %mul3A_1619 = arith.mulf %get3A_1165, %get3A_1618 : vector<16xf32>
        %mul3A_1620 = arith.constant 4 : i32
        %mul3A_1621 = arith.muli %mul3A_1620, %add3A_1147 : i32
        %add3A_1622 = arith.constant 3 : i32
        %add3A_1623 = arith.addi %mul3A_1621, %add3A_1622 : i32
        %get3A_1624 = arith.constant 0 : i32
        %get3A_1625 = arith.index_cast %get3A_1624 : i32 to index
        %get3A_1626 = arith.index_cast %add3A_1623 : i32 to index
        %get3A_1627 = arith.constant 128 : index
        %get3A_1628 = tpu.vector_load %arg8[%get3A_1625, %get3A_1626, %get3A_1627] {strides = array<i32>} : memref<2x128x256xf32, #tpu.memory_space<vmem>>, vector<1x1x16xf32>,
        %get3A_1629 = vector.shape_cast %get3A_1628 : vector<1x1x16xf32> to vector<16xf32>
        %mul3A_1630 = arith.mulf %get3A_1171, %get3A_1629 : vector<16xf32>
        %add3A_1631 = arith.addf %mul3A_1619, %mul3A_1630 : vector<16xf32>
        %add3A_1632 = arith.addf %add3A_1608, %add3A_1631 : vector<16xf32>
        %swap3A_1633 = arith.constant 0 : i32
        %swap3A_1634 = arith.index_cast %swap3A_1633 : i32 to index
        %swap3A_1635 = arith.index_cast %add3A_1147 : i32 to index
        %swap3A_1636 = arith.constant 128 : index
        %swap3A_1637 = tpu.vector_load %arg9[%swap3A_1634, %swap3A_1635, %swap3A_1636] {strides = array<i32>} : memref<2x32x256xf32, #tpu.memory_space<vmem>>, vector<1x1x16xf32>,
        %swap3A_1638 = vector.shape_cast %swap3A_1637 : vector<1x1x16xf32> to vector<16xf32>
        %swap3A_1639 = vector.shape_cast %add3A_1632 : vector<16xf32> to vector<1x1x16xf32>
        tpu.vector_store %arg9[%swap3A_1634, %swap3A_1635, %swap3A_1636], %swap3A_1639 {strides = array<i32>} : memref<2x32x256xf32, #tpu.memory_space<vmem>>, vector<1x1x16xf32>,
        %mul3A_1640 = arith.constant 4 : i32
        %mul3A_1641 = arith.muli %mul3A_1640, %add3A_1147 : i32
        %get3A_1642 = arith.constant 0 : i32
        %get3A_1643 = arith.index_cast %get3A_1642 : i32 to index
        %get3A_1644 = arith.index_cast %mul3A_1641 : i32 to index
        %get3A_1645 = arith.constant 144 : index
        %get3A_1646 = tpu.vector_load %arg8[%get3A_1643, %get3A_1644, %get3A_1645] {strides = array<i32>} : memref<2x128x256xf32, #tpu.memory_space<vmem>>, vector<1x1x16xf32>,
        %get3A_1647 = vector.shape_cast %get3A_1646 : vector<1x1x16xf32> to vector<16xf32>
        %mul3A_1648 = arith.mulf %get3A_1153, %get3A_1647 : vector<16xf32>
        %mul3A_1649 = arith.constant 4 : i32
        %mul3A_1650 = arith.muli %mul3A_1649, %add3A_1147 : i32
        %add3A_1651 = arith.constant 1 : i32
        %add3A_1652 = arith.addi %mul3A_1650, %add3A_1651 : i32
        %get3A_1653 = arith.constant 0 : i32
        %get3A_1654 = arith.index_cast %get3A_1653 : i32 to index
        %get3A_1655 = arith.index_cast %add3A_1652 : i32 to index
        %get3A_1656 = arith.constant 144 : index
        %get3A_1657 = tpu.vector_load %arg8[%get3A_1654, %get3A_1655, %get3A_1656] {strides = array<i32>} : memref<2x128x256xf32, #tpu.memory_space<vmem>>, vector<1x1x16xf32>,
        %get3A_1658 = vector.shape_cast %get3A_1657 : vector<1x1x16xf32> to vector<16xf32>
        %mul3A_1659 = arith.mulf %get3A_1159, %get3A_1658 : vector<16xf32>
        %add3A_1660 = arith.addf %mul3A_1648, %mul3A_1659 : vector<16xf32>
        %mul3A_1661 = arith.constant 4 : i32
        %mul3A_1662 = arith.muli %mul3A_1661, %add3A_1147 : i32
        %add3A_1663 = arith.constant 2 : i32
        %add3A_1664 = arith.addi %mul3A_1662, %add3A_1663 : i32
        %get3A_1665 = arith.constant 0 : i32
        %get3A_1666 = arith.index_cast %get3A_1665 : i32 to index
        %get3A_1667 = arith.index_cast %add3A_1664 : i32 to index
        %get3A_1668 = arith.constant 144 : index
        %get3A_1669 = tpu.vector_load %arg8[%get3A_1666, %get3A_1667, %get3A_1668] {strides = array<i32>} : memref<2x128x256xf32, #tpu.memory_space<vmem>>, vector<1x1x16xf32>,
        %get3A_1670 = vector.shape_cast %get3A_1669 : vector<1x1x16xf32> to vector<16xf32>
        %mul3A_1671 = arith.mulf %get3A_1165, %get3A_1670 : vector<16xf32>
        %mul3A_1672 = arith.constant 4 : i32
        %mul3A_1673 = arith.muli %mul3A_1672, %add3A_1147 : i32
        %add3A_1674 = arith.constant 3 : i32
        %add3A_1675 = arith.addi %mul3A_1673, %add3A_1674 : i32
        %get3A_1676 = arith.constant 0 : i32
        %get3A_1677 = arith.index_cast %get3A_1676 : i32 to index
        %get3A_1678 = arith.index_cast %add3A_1675 : i32 to index
        %get3A_1679 = arith.constant 144 : index
        %get3A_1680 = tpu.vector_load %arg8[%get3A_1677, %get3A_1678, %get3A_1679] {strides = array<i32>} : memref<2x128x256xf32, #tpu.memory_space<vmem>>, vector<1x1x16xf32>,
        %get3A_1681 = vector.shape_cast %get3A_1680 : vector<1x1x16xf32> to vector<16xf32>
        %mul3A_1682 = arith.mulf %get3A_1171, %get3A_1681 : vector<16xf32>
        %add3A_1683 = arith.addf %mul3A_1671, %mul3A_1682 : vector<16xf32>
        %add3A_1684 = arith.addf %add3A_1660, %add3A_1683 : vector<16xf32>
        %swap3A_1685 = arith.constant 0 : i32
        %swap3A_1686 = arith.index_cast %swap3A_1685 : i32 to index
        %swap3A_1687 = arith.index_cast %add3A_1147 : i32 to index
        %swap3A_1688 = arith.constant 144 : index
        %swap3A_1689 = tpu.vector_load %arg9[%swap3A_1686, %swap3A_1687, %swap3A_1688] {strides = array<i32>} : memref<2x32x256xf32, #tpu.memory_space<vmem>>, vector<1x1x16xf32>,
        %swap3A_1690 = vector.shape_cast %swap3A_1689 : vector<1x1x16xf32> to vector<16xf32>
        %swap3A_1691 = vector.shape_cast %add3A_1684 : vector<16xf32> to vector<1x1x16xf32>
        tpu.vector_store %arg9[%swap3A_1686, %swap3A_1687, %swap3A_1688], %swap3A_1691 {strides = array<i32>} : memref<2x32x256xf32, #tpu.memory_space<vmem>>, vector<1x1x16xf32>,
        %mul3A_1692 = arith.constant 4 : i32
        %mul3A_1693 = arith.muli %mul3A_1692, %add3A_1147 : i32
        %get3A_1694 = arith.constant 0 : i32
        %get3A_1695 = arith.index_cast %get3A_1694 : i32 to index
        %get3A_1696 = arith.index_cast %mul3A_1693 : i32 to index
        %get3A_1697 = arith.constant 160 : index
        %get3A_1698 = tpu.vector_load %arg8[%get3A_1695, %get3A_1696, %get3A_1697] {strides = array<i32>} : memref<2x128x256xf32, #tpu.memory_space<vmem>>, vector<1x1x16xf32>,
        %get3A_1699 = vector.shape_cast %get3A_1698 : vector<1x1x16xf32> to vector<16xf32>
        %mul3A_1700 = arith.mulf %get3A_1153, %get3A_1699 : vector<16xf32>
        %mul3A_1701 = arith.constant 4 : i32
        %mul3A_1702 = arith.muli %mul3A_1701, %add3A_1147 : i32
        %add3A_1703 = arith.constant 1 : i32
        %add3A_1704 = arith.addi %mul3A_1702, %add3A_1703 : i32
        %get3A_1705 = arith.constant 0 : i32
        %get3A_1706 = arith.index_cast %get3A_1705 : i32 to index
        %get3A_1707 = arith.index_cast %add3A_1704 : i32 to index
        %get3A_1708 = arith.constant 160 : index
        %get3A_1709 = tpu.vector_load %arg8[%get3A_1706, %get3A_1707, %get3A_1708] {strides = array<i32>} : memref<2x128x256xf32, #tpu.memory_space<vmem>>, vector<1x1x16xf32>,
        %get3A_1710 = vector.shape_cast %get3A_1709 : vector<1x1x16xf32> to vector<16xf32>
        %mul3A_1711 = arith.mulf %get3A_1159, %get3A_1710 : vector<16xf32>
        %add3A_1712 = arith.addf %mul3A_1700, %mul3A_1711 : vector<16xf32>
        %mul3A_1713 = arith.constant 4 : i32
        %mul3A_1714 = arith.muli %mul3A_1713, %add3A_1147 : i32
        %add3A_1715 = arith.constant 2 : i32
        %add3A_1716 = arith.addi %mul3A_1714, %add3A_1715 : i32
        %get3A_1717 = arith.constant 0 : i32
        %get3A_1718 = arith.index_cast %get3A_1717 : i32 to index
        %get3A_1719 = arith.index_cast %add3A_1716 : i32 to index
        %get3A_1720 = arith.constant 160 : index
        %get3A_1721 = tpu.vector_load %arg8[%get3A_1718, %get3A_1719, %get3A_1720] {strides = array<i32>} : memref<2x128x256xf32, #tpu.memory_space<vmem>>, vector<1x1x16xf32>,
        %get3A_1722 = vector.shape_cast %get3A_1721 : vector<1x1x16xf32> to vector<16xf32>
        %mul3A_1723 = arith.mulf %get3A_1165, %get3A_1722 : vector<16xf32>
        %mul3A_1724 = arith.constant 4 : i32
        %mul3A_1725 = arith.muli %mul3A_1724, %add3A_1147 : i32
        %add3A_1726 = arith.constant 3 : i32
        %add3A_1727 = arith.addi %mul3A_1725, %add3A_1726 : i32
        %get3A_1728 = arith.constant 0 : i32
        %get3A_1729 = arith.index_cast %get3A_1728 : i32 to index
        %get3A_1730 = arith.index_cast %add3A_1727 : i32 to index
        %get3A_1731 = arith.constant 160 : index
        %get3A_1732 = tpu.vector_load %arg8[%get3A_1729, %get3A_1730, %get3A_1731] {strides = array<i32>} : memref<2x128x256xf32, #tpu.memory_space<vmem>>, vector<1x1x16xf32>,
        %get3A_1733 = vector.shape_cast %get3A_1732 : vector<1x1x16xf32> to vector<16xf32>
        %mul3A_1734 = arith.mulf %get3A_1171, %get3A_1733 : vector<16xf32>
        %add3A_1735 = arith.addf %mul3A_1723, %mul3A_1734 : vector<16xf32>
        %add3A_1736 = arith.addf %add3A_1712, %add3A_1735 : vector<16xf32>
        %swap3A_1737 = arith.constant 0 : i32
        %swap3A_1738 = arith.index_cast %swap3A_1737 : i32 to index
        %swap3A_1739 = arith.index_cast %add3A_1147 : i32 to index
        %swap3A_1740 = arith.constant 160 : index
        %swap3A_1741 = tpu.vector_load %arg9[%swap3A_1738, %swap3A_1739, %swap3A_1740] {strides = array<i32>} : memref<2x32x256xf32, #tpu.memory_space<vmem>>, vector<1x1x16xf32>,
        %swap3A_1742 = vector.shape_cast %swap3A_1741 : vector<1x1x16xf32> to vector<16xf32>
        %swap3A_1743 = vector.shape_cast %add3A_1736 : vector<16xf32> to vector<1x1x16xf32>
        tpu.vector_store %arg9[%swap3A_1738, %swap3A_1739, %swap3A_1740], %swap3A_1743 {strides = array<i32>} : memref<2x32x256xf32, #tpu.memory_space<vmem>>, vector<1x1x16xf32>,
        %mul3A_1744 = arith.constant 4 : i32
        %mul3A_1745 = arith.muli %mul3A_1744, %add3A_1147 : i32
        %get3A_1746 = arith.constant 0 : i32
        %get3A_1747 = arith.index_cast %get3A_1746 : i32 to index
        %get3A_1748 = arith.index_cast %mul3A_1745 : i32 to index
        %get3A_1749 = arith.constant 176 : index
        %get3A_1750 = tpu.vector_load %arg8[%get3A_1747, %get3A_1748, %get3A_1749] {strides = array<i32>} : memref<2x128x256xf32, #tpu.memory_space<vmem>>, vector<1x1x16xf32>,
        %get3A_1751 = vector.shape_cast %get3A_1750 : vector<1x1x16xf32> to vector<16xf32>
        %mul3A_1752 = arith.mulf %get3A_1153, %get3A_1751 : vector<16xf32>
        %mul3A_1753 = arith.constant 4 : i32
        %mul3A_1754 = arith.muli %mul3A_1753, %add3A_1147 : i32
        %add3A_1755 = arith.constant 1 : i32
        %add3A_1756 = arith.addi %mul3A_1754, %add3A_1755 : i32
        %get3A_1757 = arith.constant 0 : i32
        %get3A_1758 = arith.index_cast %get3A_1757 : i32 to index
        %get3A_1759 = arith.index_cast %add3A_1756 : i32 to index
        %get3A_1760 = arith.constant 176 : index
        %get3A_1761 = tpu.vector_load %arg8[%get3A_1758, %get3A_1759, %get3A_1760] {strides = array<i32>} : memref<2x128x256xf32, #tpu.memory_space<vmem>>, vector<1x1x16xf32>,
        %get3A_1762 = vector.shape_cast %get3A_1761 : vector<1x1x16xf32> to vector<16xf32>
        %mul3A_1763 = arith.mulf %get3A_1159, %get3A_1762 : vector<16xf32>
        %add3A_1764 = arith.addf %mul3A_1752, %mul3A_1763 : vector<16xf32>
        %mul3A_1765 = arith.constant 4 : i32
        %mul3A_1766 = arith.muli %mul3A_1765, %add3A_1147 : i32
        %add3A_1767 = arith.constant 2 : i32
        %add3A_1768 = arith.addi %mul3A_1766, %add3A_1767 : i32
        %get3A_1769 = arith.constant 0 : i32
        %get3A_1770 = arith.index_cast %get3A_1769 : i32 to index
        %get3A_1771 = arith.index_cast %add3A_1768 : i32 to index
        %get3A_1772 = arith.constant 176 : index
        %get3A_1773 = tpu.vector_load %arg8[%get3A_1770, %get3A_1771, %get3A_1772] {strides = array<i32>} : memref<2x128x256xf32, #tpu.memory_space<vmem>>, vector<1x1x16xf32>,
        %get3A_1774 = vector.shape_cast %get3A_1773 : vector<1x1x16xf32> to vector<16xf32>
        %mul3A_1775 = arith.mulf %get3A_1165, %get3A_1774 : vector<16xf32>
        %mul3A_1776 = arith.constant 4 : i32
        %mul3A_1777 = arith.muli %mul3A_1776, %add3A_1147 : i32
        %add3A_1778 = arith.constant 3 : i32
        %add3A_1779 = arith.addi %mul3A_1777, %add3A_1778 : i32
        %get3A_1780 = arith.constant 0 : i32
        %get3A_1781 = arith.index_cast %get3A_1780 : i32 to index
        %get3A_1782 = arith.index_cast %add3A_1779 : i32 to index
        %get3A_1783 = arith.constant 176 : index
        %get3A_1784 = tpu.vector_load %arg8[%get3A_1781, %get3A_1782, %get3A_1783] {strides = array<i32>} : memref<2x128x256xf32, #tpu.memory_space<vmem>>, vector<1x1x16xf32>,
        %get3A_1785 = vector.shape_cast %get3A_1784 : vector<1x1x16xf32> to vector<16xf32>
        %mul3A_1786 = arith.mulf %get3A_1171, %get3A_1785 : vector<16xf32>
        %add3A_1787 = arith.addf %mul3A_1775, %mul3A_1786 : vector<16xf32>
        %add3A_1788 = arith.addf %add3A_1764, %add3A_1787 : vector<16xf32>
        %swap3A_1789 = arith.constant 0 : i32
        %swap3A_1790 = arith.index_cast %swap3A_1789 : i32 to index
        %swap3A_1791 = arith.index_cast %add3A_1147 : i32 to index
        %swap3A_1792 = arith.constant 176 : index
        %swap3A_1793 = tpu.vector_load %arg9[%swap3A_1790, %swap3A_1791, %swap3A_1792] {strides = array<i32>} : memref<2x32x256xf32, #tpu.memory_space<vmem>>, vector<1x1x16xf32>,
        %swap3A_1794 = vector.shape_cast %swap3A_1793 : vector<1x1x16xf32> to vector<16xf32>
        %swap3A_1795 = vector.shape_cast %add3A_1788 : vector<16xf32> to vector<1x1x16xf32>
        tpu.vector_store %arg9[%swap3A_1790, %swap3A_1791, %swap3A_1792], %swap3A_1795 {strides = array<i32>} : memref<2x32x256xf32, #tpu.memory_space<vmem>>, vector<1x1x16xf32>,
        %mul3A_1796 = arith.constant 4 : i32
        %mul3A_1797 = arith.muli %mul3A_1796, %add3A_1147 : i32
        %get3A_1798 = arith.constant 0 : i32
        %get3A_1799 = arith.index_cast %get3A_1798 : i32 to index
        %get3A_1800 = arith.index_cast %mul3A_1797 : i32 to index
        %get3A_1801 = arith.constant 192 : index
        %get3A_1802 = tpu.vector_load %arg8[%get3A_1799, %get3A_1800, %get3A_1801] {strides = array<i32>} : memref<2x128x256xf32, #tpu.memory_space<vmem>>, vector<1x1x16xf32>,
        %get3A_1803 = vector.shape_cast %get3A_1802 : vector<1x1x16xf32> to vector<16xf32>
        %mul3A_1804 = arith.mulf %get3A_1153, %get3A_1803 : vector<16xf32>
        %mul3A_1805 = arith.constant 4 : i32
        %mul3A_1806 = arith.muli %mul3A_1805, %add3A_1147 : i32
        %add3A_1807 = arith.constant 1 : i32
        %add3A_1808 = arith.addi %mul3A_1806, %add3A_1807 : i32
        %get3A_1809 = arith.constant 0 : i32
        %get3A_1810 = arith.index_cast %get3A_1809 : i32 to index
        %get3A_1811 = arith.index_cast %add3A_1808 : i32 to index
        %get3A_1812 = arith.constant 192 : index
        %get3A_1813 = tpu.vector_load %arg8[%get3A_1810, %get3A_1811, %get3A_1812] {strides = array<i32>} : memref<2x128x256xf32, #tpu.memory_space<vmem>>, vector<1x1x16xf32>,
        %get3A_1814 = vector.shape_cast %get3A_1813 : vector<1x1x16xf32> to vector<16xf32>
        %mul3A_1815 = arith.mulf %get3A_1159, %get3A_1814 : vector<16xf32>
        %add3A_1816 = arith.addf %mul3A_1804, %mul3A_1815 : vector<16xf32>
        %mul3A_1817 = arith.constant 4 : i32
        %mul3A_1818 = arith.muli %mul3A_1817, %add3A_1147 : i32
        %add3A_1819 = arith.constant 2 : i32
        %add3A_1820 = arith.addi %mul3A_1818, %add3A_1819 : i32
        %get3A_1821 = arith.constant 0 : i32
        %get3A_1822 = arith.index_cast %get3A_1821 : i32 to index
        %get3A_1823 = arith.index_cast %add3A_1820 : i32 to index
        %get3A_1824 = arith.constant 192 : index
        %get3A_1825 = tpu.vector_load %arg8[%get3A_1822, %get3A_1823, %get3A_1824] {strides = array<i32>} : memref<2x128x256xf32, #tpu.memory_space<vmem>>, vector<1x1x16xf32>,
        %get3A_1826 = vector.shape_cast %get3A_1825 : vector<1x1x16xf32> to vector<16xf32>
        %mul3A_1827 = arith.mulf %get3A_1165, %get3A_1826 : vector<16xf32>
        %mul3A_1828 = arith.constant 4 : i32
        %mul3A_1829 = arith.muli %mul3A_1828, %add3A_1147 : i32
        %add3A_1830 = arith.constant 3 : i32
        %add3A_1831 = arith.addi %mul3A_1829, %add3A_1830 : i32
        %get3A_1832 = arith.constant 0 : i32
        %get3A_1833 = arith.index_cast %get3A_1832 : i32 to index
        %get3A_1834 = arith.index_cast %add3A_1831 : i32 to index
        %get3A_1835 = arith.constant 192 : index
        %get3A_1836 = tpu.vector_load %arg8[%get3A_1833, %get3A_1834, %get3A_1835] {strides = array<i32>} : memref<2x128x256xf32, #tpu.memory_space<vmem>>, vector<1x1x16xf32>,
        %get3A_1837 = vector.shape_cast %get3A_1836 : vector<1x1x16xf32> to vector<16xf32>
        %mul3A_1838 = arith.mulf %get3A_1171, %get3A_1837 : vector<16xf32>
        %add3A_1839 = arith.addf %mul3A_1827, %mul3A_1838 : vector<16xf32>
        %add3A_1840 = arith.addf %add3A_1816, %add3A_1839 : vector<16xf32>
        %swap3A_1841 = arith.constant 0 : i32
        %swap3A_1842 = arith.index_cast %swap3A_1841 : i32 to index
        %swap3A_1843 = arith.index_cast %add3A_1147 : i32 to index
        %swap3A_1844 = arith.constant 192 : index
        %swap3A_1845 = tpu.vector_load %arg9[%swap3A_1842, %swap3A_1843, %swap3A_1844] {strides = array<i32>} : memref<2x32x256xf32, #tpu.memory_space<vmem>>, vector<1x1x16xf32>,
        %swap3A_1846 = vector.shape_cast %swap3A_1845 : vector<1x1x16xf32> to vector<16xf32>
        %swap3A_1847 = vector.shape_cast %add3A_1840 : vector<16xf32> to vector<1x1x16xf32>
        tpu.vector_store %arg9[%swap3A_1842, %swap3A_1843, %swap3A_1844], %swap3A_1847 {strides = array<i32>} : memref<2x32x256xf32, #tpu.memory_space<vmem>>, vector<1x1x16xf32>,
        %mul3A_1848 = arith.constant 4 : i32
        %mul3A_1849 = arith.muli %mul3A_1848, %add3A_1147 : i32
        %get3A_1850 = arith.constant 0 : i32
        %get3A_1851 = arith.index_cast %get3A_1850 : i32 to index
        %get3A_1852 = arith.index_cast %mul3A_1849 : i32 to index
        %get3A_1853 = arith.constant 208 : index
        %get3A_1854 = tpu.vector_load %arg8[%get3A_1851, %get3A_1852, %get3A_1853] {strides = array<i32>} : memref<2x128x256xf32, #tpu.memory_space<vmem>>, vector<1x1x16xf32>,
        %get3A_1855 = vector.shape_cast %get3A_1854 : vector<1x1x16xf32> to vector<16xf32>
        %mul3A_1856 = arith.mulf %get3A_1153, %get3A_1855 : vector<16xf32>
        %mul3A_1857 = arith.constant 4 : i32
        %mul3A_1858 = arith.muli %mul3A_1857, %add3A_1147 : i32
        %add3A_1859 = arith.constant 1 : i32
        %add3A_1860 = arith.addi %mul3A_1858, %add3A_1859 : i32
        %get3A_1861 = arith.constant 0 : i32
        %get3A_1862 = arith.index_cast %get3A_1861 : i32 to index
        %get3A_1863 = arith.index_cast %add3A_1860 : i32 to index
        %get3A_1864 = arith.constant 208 : index
        %get3A_1865 = tpu.vector_load %arg8[%get3A_1862, %get3A_1863, %get3A_1864] {strides = array<i32>} : memref<2x128x256xf32, #tpu.memory_space<vmem>>, vector<1x1x16xf32>,
        %get3A_1866 = vector.shape_cast %get3A_1865 : vector<1x1x16xf32> to vector<16xf32>
        %mul3A_1867 = arith.mulf %get3A_1159, %get3A_1866 : vector<16xf32>
        %add3A_1868 = arith.addf %mul3A_1856, %mul3A_1867 : vector<16xf32>
        %mul3A_1869 = arith.constant 4 : i32
        %mul3A_1870 = arith.muli %mul3A_1869, %add3A_1147 : i32
        %add3A_1871 = arith.constant 2 : i32
        %add3A_1872 = arith.addi %mul3A_1870, %add3A_1871 : i32
        %get3A_1873 = arith.constant 0 : i32
        %get3A_1874 = arith.index_cast %get3A_1873 : i32 to index
        %get3A_1875 = arith.index_cast %add3A_1872 : i32 to index
        %get3A_1876 = arith.constant 208 : index
        %get3A_1877 = tpu.vector_load %arg8[%get3A_1874, %get3A_1875, %get3A_1876] {strides = array<i32>} : memref<2x128x256xf32, #tpu.memory_space<vmem>>, vector<1x1x16xf32>,
        %get3A_1878 = vector.shape_cast %get3A_1877 : vector<1x1x16xf32> to vector<16xf32>
        %mul3A_1879 = arith.mulf %get3A_1165, %get3A_1878 : vector<16xf32>
        %mul3A_1880 = arith.constant 4 : i32
        %mul3A_1881 = arith.muli %mul3A_1880, %add3A_1147 : i32
        %add3A_1882 = arith.constant 3 : i32
        %add3A_1883 = arith.addi %mul3A_1881, %add3A_1882 : i32
        %get3A_1884 = arith.constant 0 : i32
        %get3A_1885 = arith.index_cast %get3A_1884 : i32 to index
        %get3A_1886 = arith.index_cast %add3A_1883 : i32 to index
        %get3A_1887 = arith.constant 208 : index
        %get3A_1888 = tpu.vector_load %arg8[%get3A_1885, %get3A_1886, %get3A_1887] {strides = array<i32>} : memref<2x128x256xf32, #tpu.memory_space<vmem>>, vector<1x1x16xf32>,
        %get3A_1889 = vector.shape_cast %get3A_1888 : vector<1x1x16xf32> to vector<16xf32>
        %mul3A_1890 = arith.mulf %get3A_1171, %get3A_1889 : vector<16xf32>
        %add3A_1891 = arith.addf %mul3A_1879, %mul3A_1890 : vector<16xf32>
        %add3A_1892 = arith.addf %add3A_1868, %add3A_1891 : vector<16xf32>
        %swap3A_1893 = arith.constant 0 : i32
        %swap3A_1894 = arith.index_cast %swap3A_1893 : i32 to index
        %swap3A_1895 = arith.index_cast %add3A_1147 : i32 to index
        %swap3A_1896 = arith.constant 208 : index
        %swap3A_1897 = tpu.vector_load %arg9[%swap3A_1894, %swap3A_1895, %swap3A_1896] {strides = array<i32>} : memref<2x32x256xf32, #tpu.memory_space<vmem>>, vector<1x1x16xf32>,
        %swap3A_1898 = vector.shape_cast %swap3A_1897 : vector<1x1x16xf32> to vector<16xf32>
        %swap3A_1899 = vector.shape_cast %add3A_1892 : vector<16xf32> to vector<1x1x16xf32>
        tpu.vector_store %arg9[%swap3A_1894, %swap3A_1895, %swap3A_1896], %swap3A_1899 {strides = array<i32>} : memref<2x32x256xf32, #tpu.memory_space<vmem>>, vector<1x1x16xf32>,
        %mul3A_1900 = arith.constant 4 : i32
        %mul3A_1901 = arith.muli %mul3A_1900, %add3A_1147 : i32
        %get3A_1902 = arith.constant 0 : i32
        %get3A_1903 = arith.index_cast %get3A_1902 : i32 to index
        %get3A_1904 = arith.index_cast %mul3A_1901 : i32 to index
        %get3A_1905 = arith.constant 224 : index
        %get3A_1906 = tpu.vector_load %arg8[%get3A_1903, %get3A_1904, %get3A_1905] {strides = array<i32>} : memref<2x128x256xf32, #tpu.memory_space<vmem>>, vector<1x1x16xf32>,
        %get3A_1907 = vector.shape_cast %get3A_1906 : vector<1x1x16xf32> to vector<16xf32>
        %mul3A_1908 = arith.mulf %get3A_1153, %get3A_1907 : vector<16xf32>
        %mul3A_1909 = arith.constant 4 : i32
        %mul3A_1910 = arith.muli %mul3A_1909, %add3A_1147 : i32
        %add3A_1911 = arith.constant 1 : i32
        %add3A_1912 = arith.addi %mul3A_1910, %add3A_1911 : i32
        %get3A_1913 = arith.constant 0 : i32
        %get3A_1914 = arith.index_cast %get3A_1913 : i32 to index
        %get3A_1915 = arith.index_cast %add3A_1912 : i32 to index
        %get3A_1916 = arith.constant 224 : index
        %get3A_1917 = tpu.vector_load %arg8[%get3A_1914, %get3A_1915, %get3A_1916] {strides = array<i32>} : memref<2x128x256xf32, #tpu.memory_space<vmem>>, vector<1x1x16xf32>,
        %get3A_1918 = vector.shape_cast %get3A_1917 : vector<1x1x16xf32> to vector<16xf32>
        %mul3A_1919 = arith.mulf %get3A_1159, %get3A_1918 : vector<16xf32>
        %add3A_1920 = arith.addf %mul3A_1908, %mul3A_1919 : vector<16xf32>
        %mul3A_1921 = arith.constant 4 : i32
        %mul3A_1922 = arith.muli %mul3A_1921, %add3A_1147 : i32
        %add3A_1923 = arith.constant 2 : i32
        %add3A_1924 = arith.addi %mul3A_1922, %add3A_1923 : i32
        %get3A_1925 = arith.constant 0 : i32
        %get3A_1926 = arith.index_cast %get3A_1925 : i32 to index
        %get3A_1927 = arith.index_cast %add3A_1924 : i32 to index
        %get3A_1928 = arith.constant 224 : index
        %get3A_1929 = tpu.vector_load %arg8[%get3A_1926, %get3A_1927, %get3A_1928] {strides = array<i32>} : memref<2x128x256xf32, #tpu.memory_space<vmem>>, vector<1x1x16xf32>,
        %get3A_1930 = vector.shape_cast %get3A_1929 : vector<1x1x16xf32> to vector<16xf32>
        %mul3A_1931 = arith.mulf %get3A_1165, %get3A_1930 : vector<16xf32>
        %mul3A_1932 = arith.constant 4 : i32
        %mul3A_1933 = arith.muli %mul3A_1932, %add3A_1147 : i32
        %add3A_1934 = arith.constant 3 : i32
        %add3A_1935 = arith.addi %mul3A_1933, %add3A_1934 : i32
        %get3A_1936 = arith.constant 0 : i32
        %get3A_1937 = arith.index_cast %get3A_1936 : i32 to index
        %get3A_1938 = arith.index_cast %add3A_1935 : i32 to index
        %get3A_1939 = arith.constant 224 : index
        %get3A_1940 = tpu.vector_load %arg8[%get3A_1937, %get3A_1938, %get3A_1939] {strides = array<i32>} : memref<2x128x256xf32, #tpu.memory_space<vmem>>, vector<1x1x16xf32>,
        %get3A_1941 = vector.shape_cast %get3A_1940 : vector<1x1x16xf32> to vector<16xf32>
        %mul3A_1942 = arith.mulf %get3A_1171, %get3A_1941 : vector<16xf32>
        %add3A_1943 = arith.addf %mul3A_1931, %mul3A_1942 : vector<16xf32>
        %add3A_1944 = arith.addf %add3A_1920, %add3A_1943 : vector<16xf32>
        %swap3A_1945 = arith.constant 0 : i32
        %swap3A_1946 = arith.index_cast %swap3A_1945 : i32 to index
        %swap3A_1947 = arith.index_cast %add3A_1147 : i32 to index
        %swap3A_1948 = arith.constant 224 : index
        %swap3A_1949 = tpu.vector_load %arg9[%swap3A_1946, %swap3A_1947, %swap3A_1948] {strides = array<i32>} : memref<2x32x256xf32, #tpu.memory_space<vmem>>, vector<1x1x16xf32>,
        %swap3A_1950 = vector.shape_cast %swap3A_1949 : vector<1x1x16xf32> to vector<16xf32>
        %swap3A_1951 = vector.shape_cast %add3A_1944 : vector<16xf32> to vector<1x1x16xf32>
        tpu.vector_store %arg9[%swap3A_1946, %swap3A_1947, %swap3A_1948], %swap3A_1951 {strides = array<i32>} : memref<2x32x256xf32, #tpu.memory_space<vmem>>, vector<1x1x16xf32>,
        %mul3A_1952 = arith.constant 4 : i32
        %mul3A_1953 = arith.muli %mul3A_1952, %add3A_1147 : i32
        %get3A_1954 = arith.constant 0 : i32
        %get3A_1955 = arith.index_cast %get3A_1954 : i32 to index
        %get3A_1956 = arith.index_cast %mul3A_1953 : i32 to index
        %get3A_1957 = arith.constant 240 : index
        %get3A_1958 = tpu.vector_load %arg8[%get3A_1955, %get3A_1956, %get3A_1957] {strides = array<i32>} : memref<2x128x256xf32, #tpu.memory_space<vmem>>, vector<1x1x16xf32>,
        %get3A_1959 = vector.shape_cast %get3A_1958 : vector<1x1x16xf32> to vector<16xf32>
        %mul3A_1960 = arith.mulf %get3A_1153, %get3A_1959 : vector<16xf32>
        %mul3A_1961 = arith.constant 4 : i32
        %mul3A_1962 = arith.muli %mul3A_1961, %add3A_1147 : i32
        %add3A_1963 = arith.constant 1 : i32
        %add3A_1964 = arith.addi %mul3A_1962, %add3A_1963 : i32
        %get3A_1965 = arith.constant 0 : i32
        %get3A_1966 = arith.index_cast %get3A_1965 : i32 to index
        %get3A_1967 = arith.index_cast %add3A_1964 : i32 to index
        %get3A_1968 = arith.constant 240 : index
        %get3A_1969 = tpu.vector_load %arg8[%get3A_1966, %get3A_1967, %get3A_1968] {strides = array<i32>} : memref<2x128x256xf32, #tpu.memory_space<vmem>>, vector<1x1x16xf32>,
        %get3A_1970 = vector.shape_cast %get3A_1969 : vector<1x1x16xf32> to vector<16xf32>
        %mul3A_1971 = arith.mulf %get3A_1159, %get3A_1970 : vector<16xf32>
        %add3A_1972 = arith.addf %mul3A_1960, %mul3A_1971 : vector<16xf32>
        %mul3A_1973 = arith.constant 4 : i32
        %mul3A_1974 = arith.muli %mul3A_1973, %add3A_1147 : i32
        %add3A_1975 = arith.constant 2 : i32
        %add3A_1976 = arith.addi %mul3A_1974, %add3A_1975 : i32
        %get3A_1977 = arith.constant 0 : i32
        %get3A_1978 = arith.index_cast %get3A_1977 : i32 to index
        %get3A_1979 = arith.index_cast %add3A_1976 : i32 to index
        %get3A_1980 = arith.constant 240 : index
        %get3A_1981 = tpu.vector_load %arg8[%get3A_1978, %get3A_1979, %get3A_1980] {strides = array<i32>} : memref<2x128x256xf32, #tpu.memory_space<vmem>>, vector<1x1x16xf32>,
        %get3A_1982 = vector.shape_cast %get3A_1981 : vector<1x1x16xf32> to vector<16xf32>
        %mul3A_1983 = arith.mulf %get3A_1165, %get3A_1982 : vector<16xf32>
        %mul3A_1984 = arith.constant 4 : i32
        %mul3A_1985 = arith.muli %mul3A_1984, %add3A_1147 : i32
        %add3A_1986 = arith.constant 3 : i32
        %add3A_1987 = arith.addi %mul3A_1985, %add3A_1986 : i32
        %get3A_1988 = arith.constant 0 : i32
        %get3A_1989 = arith.index_cast %get3A_1988 : i32 to index
        %get3A_1990 = arith.index_cast %add3A_1987 : i32 to index
        %get3A_1991 = arith.constant 240 : index
        %get3A_1992 = tpu.vector_load %arg8[%get3A_1989, %get3A_1990, %get3A_1991] {strides = array<i32>} : memref<2x128x256xf32, #tpu.memory_space<vmem>>, vector<1x1x16xf32>,
        %get3A_1993 = vector.shape_cast %get3A_1992 : vector<1x1x16xf32> to vector<16xf32>
        %mul3A_1994 = arith.mulf %get3A_1171, %get3A_1993 : vector<16xf32>
        %add3A_1995 = arith.addf %mul3A_1983, %mul3A_1994 : vector<16xf32>
        %add3A_1996 = arith.addf %add3A_1972, %add3A_1995 : vector<16xf32>
        %swap3A_1997 = arith.constant 0 : i32
        %swap3A_1998 = arith.index_cast %swap3A_1997 : i32 to index
        %swap3A_1999 = arith.index_cast %add3A_1147 : i32 to index
        %swap3A_2000 = arith.constant 240 : index
        %swap3A_2001 = tpu.vector_load %arg9[%swap3A_1998, %swap3A_1999, %swap3A_2000] {strides = array<i32>} : memref<2x32x256xf32, #tpu.memory_space<vmem>>, vector<1x1x16xf32>,
        %swap3A_2002 = vector.shape_cast %swap3A_2001 : vector<1x1x16xf32> to vector<16xf32>
        %swap3A_2003 = vector.shape_cast %add3A_1996 : vector<16xf32> to vector<1x1x16xf32>
        tpu.vector_store %arg9[%swap3A_1998, %swap3A_1999, %swap3A_2000], %swap3A_2003 {strides = array<i32>} : memref<2x32x256xf32, #tpu.memory_space<vmem>>, vector<1x1x16xf32>,
      }
      %scan3A_198 = arith.constant 16 : i32
      %add3A_199 = arith.addi %mul3A_2, %mul3A_171 : i32
      %mul3A_200 = arith.constant 32 : i32
      %mul3A_201 = arith.muli %add3A_199, %mul3A_200 : i32
      %dma_start3A_202 = arith.constant 0 : i32
      %dma_start3A_203 = arith.constant 3 : i32
      %dma_start3A_204 = arith.constant 0 : i32
      %dma_start3A_205 = arith.constant 0 : i32
      %dma_start3A_206 = arith.constant 0 : i32
      %dma_start3A_207 = tpu.memref_slice %arg9[%dma_start3A_202, %dma_start3A_205, %dma_start3A_206] : memref<2x32x256xf32, #tpu.memory_space<vmem>> -> memref<1x32x256xf32, #tpu.memory_space<vmem>>
      %dma_start3A_208 = tpu.memref_squeeze %dma_start3A_207 : memref<1x32x256xf32, #tpu.memory_space<vmem>> -> memref<32x256xf32, #tpu.memory_space<vmem>>
      %dma_start3A_209 = arith.constant 0 : i32
      %dma_start3A_210 = tpu.memref_slice %arg5[%mul3A_201, %dma_start3A_209] : memref<100352x256xf32, #tpu.memory_space<hbm>> -> memref<32x256xf32, #tpu.memory_space<hbm>>
      %dma_start3A_211 = tpu.memref_slice %arg10[%dma_start3A_203, %dma_start3A_204] : memref<4x2x!tpu.dma_semaphore, #tpu.memory_space<semaphore_mem>> -> memref<1x1x!tpu.dma_semaphore, #tpu.memory_space<semaphore_mem>>
      %dma_start3A_212 = tpu.memref_squeeze %dma_start3A_211 : memref<1x1x!tpu.dma_semaphore, #tpu.memory_space<semaphore_mem>> -> memref<!tpu.dma_semaphore, #tpu.memory_space<semaphore_mem>>
      %dma_start3A_213 = arith.constant 0 : i32
      %dma_start3A_214 = tpu.memref_slice %arg5[%mul3A_201, %dma_start3A_213] : memref<100352x256xf32, #tpu.memory_space<hbm>> -> memref<32x256xf32, #tpu.memory_space<hbm>>
      %dma_start3A_215 = arith.constant 0 : i32
      %dma_start3A_216 = arith.constant 0 : i32
      %dma_start3A_217 = tpu.memref_slice %arg9[%dma_start3A_202, %dma_start3A_215, %dma_start3A_216] : memref<2x32x256xf32, #tpu.memory_space<vmem>> -> memref<1x32x256xf32, #tpu.memory_space<vmem>>
      %dma_start3A_218 = tpu.memref_squeeze %dma_start3A_217 : memref<1x32x256xf32, #tpu.memory_space<vmem>> -> memref<32x256xf32, #tpu.memory_space<vmem>>
      tpu.enqueue_dma source(%dma_start3A_218 : memref<32x256xf32, #tpu.memory_space<vmem>>) target(%dma_start3A_214 : memref<32x256xf32, #tpu.memory_space<hbm>>) target_semaphore(%dma_start3A_212 : memref<!tpu.dma_semaphore, #tpu.memory_space<semaphore_mem>>)
      %add3A_219 = arith.constant 2 : i32
      %add3A_220 = arith.addi %mul3A_171, %add3A_219 : i32
      %le3A = arith.constant 97 : i32
      %le3A_221 = arith.cmpi sle, %add3A_220, %le3A : i32
      %convert_element_type3A_222 = arith.extui %le3A_221 : i1 to i32
      %cond3A_223 = arith.constant 0 : i32
      %cond3A_224 = arith.cmpi ne, %convert_element_type3A_222, %cond3A_223 : i32
      scf.if %cond3A_224 {
        %add3A_287 = arith.constant 2 : i32
        %add3A_288 = arith.addi %mul3A_171, %add3A_287 : i32
        %add3A_289 = arith.addi %mul3A_2, %add3A_288 : i32
        %mul3A_290 = arith.constant 32 : i32
        %mul3A_291 = arith.muli %add3A_289, %mul3A_290 : i32
        %mul3A_292 = arith.constant 4 : i32
        %mul3A_293 = arith.muli %mul3A_291, %mul3A_292 : i32
        %dma_start3A_294 = arith.constant 0 : i32
        %dma_start3A_295 = arith.constant 0 : i32
        %dma_start3A_296 = arith.constant 0 : i32
        %dma_start3A_297 = arith.constant 0 : i32
        %dma_start3A_298 = tpu.memref_slice %arg6[%dma_start3A_294, %dma_start3A_297] : memref<2x128xi32, #tpu.memory_space<vmem>> -> memref<1x128xi32, #tpu.memory_space<vmem>>
        %dma_start3A_299 = tpu.memref_squeeze %dma_start3A_298 : memref<1x128xi32, #tpu.memory_space<vmem>> -> memref<128xi32, #tpu.memory_space<vmem>>
        %dma_start3A_300 = tpu.memref_slice %arg3[%mul3A_293] : memref<401408xi32, #tpu.memory_space<hbm>> -> memref<128xi32, #tpu.memory_space<hbm>>
        %dma_start3A_301 = tpu.memref_slice %arg10[%dma_start3A_295, %dma_start3A_296] : memref<4x2x!tpu.dma_semaphore, #tpu.memory_space<semaphore_mem>> -> memref<1x1x!tpu.dma_semaphore, #tpu.memory_space<semaphore_mem>>
        %dma_start3A_302 = tpu.memref_squeeze %dma_start3A_301 : memref<1x1x!tpu.dma_semaphore, #tpu.memory_space<semaphore_mem>> -> memref<!tpu.dma_semaphore, #tpu.memory_space<semaphore_mem>>
        %dma_start3A_303 = arith.constant 0 : i32
        %dma_start3A_304 = tpu.memref_slice %arg6[%dma_start3A_294, %dma_start3A_303] : memref<2x128xi32, #tpu.memory_space<vmem>> -> memref<1x128xi32, #tpu.memory_space<vmem>>
        %dma_start3A_305 = tpu.memref_squeeze %dma_start3A_304 : memref<1x128xi32, #tpu.memory_space<vmem>> -> memref<128xi32, #tpu.memory_space<vmem>>
        %dma_start3A_306 = tpu.memref_slice %arg3[%mul3A_293] : memref<401408xi32, #tpu.memory_space<hbm>> -> memref<128xi32, #tpu.memory_space<hbm>>
        tpu.enqueue_dma source(%dma_start3A_306 : memref<128xi32, #tpu.memory_space<hbm>>) target(%dma_start3A_305 : memref<128xi32, #tpu.memory_space<vmem>>) target_semaphore(%dma_start3A_302 : memref<!tpu.dma_semaphore, #tpu.memory_space<semaphore_mem>>)
        %dma_start3A_307 = arith.constant 0 : i32
        %dma_start3A_308 = arith.constant 1 : i32
        %dma_start3A_309 = arith.constant 0 : i32
        %dma_start3A_310 = arith.constant 0 : i32
        %dma_start3A_311 = arith.constant 0 : i32
        %dma_start3A_312 = tpu.memref_slice %arg7[%dma_start3A_307, %dma_start3A_310, %dma_start3A_311] : memref<2x32x64xf32, #tpu.memory_space<vmem>> -> memref<1x32x64xf32, #tpu.memory_space<vmem>>
        %dma_start3A_313 = tpu.memref_squeeze %dma_start3A_312 : memref<1x32x64xf32, #tpu.memory_space<vmem>> -> memref<32x64xf32, #tpu.memory_space<vmem>>
        %dma_start3A_314 = arith.constant 0 : i32
        %dma_start3A_315 = tpu.memref_slice %arg4[%mul3A_291, %dma_start3A_314] : memref<100352x64xf32, #tpu.memory_space<hbm>> -> memref<32x64xf32, #tpu.memory_space<hbm>>
        %dma_start3A_316 = tpu.memref_slice %arg10[%dma_start3A_308, %dma_start3A_309] : memref<4x2x!tpu.dma_semaphore, #tpu.memory_space<semaphore_mem>> -> memref<1x1x!tpu.dma_semaphore, #tpu.memory_space<semaphore_mem>>
        %dma_start3A_317 = tpu.memref_squeeze %dma_start3A_316 : memref<1x1x!tpu.dma_semaphore, #tpu.memory_space<semaphore_mem>> -> memref<!tpu.dma_semaphore, #tpu.memory_space<semaphore_mem>>
        %dma_start3A_318 = arith.constant 0 : i32
        %dma_start3A_319 = arith.constant 0 : i32
        %dma_start3A_320 = tpu.memref_slice %arg7[%dma_start3A_307, %dma_start3A_318, %dma_start3A_319] : memref<2x32x64xf32, #tpu.memory_space<vmem>> -> memref<1x32x64xf32, #tpu.memory_space<vmem>>
        %dma_start3A_321 = tpu.memref_squeeze %dma_start3A_320 : memref<1x32x64xf32, #tpu.memory_space<vmem>> -> memref<32x64xf32, #tpu.memory_space<vmem>>
        %dma_start3A_322 = arith.constant 0 : i32
        %dma_start3A_323 = tpu.memref_slice %arg4[%mul3A_291, %dma_start3A_322] : memref<100352x64xf32, #tpu.memory_space<hbm>> -> memref<32x64xf32, #tpu.memory_space<hbm>>
        tpu.enqueue_dma source(%dma_start3A_323 : memref<32x64xf32, #tpu.memory_space<hbm>>) target(%dma_start3A_321 : memref<32x64xf32, #tpu.memory_space<vmem>>) target_semaphore(%dma_start3A_317 : memref<!tpu.dma_semaphore, #tpu.memory_space<semaphore_mem>>)
      } else {
      }
      %mul3A_225 = arith.constant 2 : i32
      %mul3A_226 = arith.muli %mul3A_225, %add3A_169 : i32
      %add3A_227 = arith.constant 1 : i32
      %add3A_228 = arith.addi %mul3A_226, %add3A_227 : i32
      %lt3A_229 = arith.constant 97 : i32
      %lt3A_230 = arith.cmpi slt, %add3A_228, %lt3A_229 : i32
      %convert_element_type3A_231 = arith.extui %lt3A_230 : i1 to i32
      %cond3A_232 = arith.constant 0 : i32
      %cond3A_233 = arith.cmpi ne, %convert_element_type3A_231, %cond3A_232 : i32
      scf.if %cond3A_233 {
        %dma_wait3A_287 = arith.constant 0 : i32
        %dma_wait3A_288 = arith.constant 0 : i32
        %dma_wait3A_289 = arith.constant 0 : i32
        %dma_wait3A_290 = arith.constant 0 : i32
        %dma_wait3A_291 = tpu.memref_slice %arg6[%dma_wait3A_287, %dma_wait3A_290] : memref<2x128xi32, #tpu.memory_space<vmem>> -> memref<1x128xi32, #tpu.memory_space<vmem>>
        %dma_wait3A_292 = tpu.memref_squeeze %dma_wait3A_291 : memref<1x128xi32, #tpu.memory_space<vmem>> -> memref<128xi32, #tpu.memory_space<vmem>>
        %dma_wait3A_293 = arith.constant 0 : i32
        %dma_wait3A_294 = tpu.memref_slice %arg3[%dma_wait3A_293] : memref<401408xi32, #tpu.memory_space<hbm>> -> memref<128xi32, #tpu.memory_space<hbm>>
        %dma_wait3A_295 = tpu.memref_slice %arg10[%dma_wait3A_288, %dma_wait3A_289] : memref<4x2x!tpu.dma_semaphore, #tpu.memory_space<semaphore_mem>> -> memref<1x1x!tpu.dma_semaphore, #tpu.memory_space<semaphore_mem>>
        %dma_wait3A_296 = tpu.memref_squeeze %dma_wait3A_295 : memref<1x1x!tpu.dma_semaphore, #tpu.memory_space<semaphore_mem>> -> memref<!tpu.dma_semaphore, #tpu.memory_space<semaphore_mem>>
        %dma_wait3A_297 = arith.constant 0 : i32
        %dma_wait3A_298 = tpu.memref_slice %arg6[%dma_wait3A_287, %dma_wait3A_297] : memref<2x128xi32, #tpu.memory_space<vmem>> -> memref<1x128xi32, #tpu.memory_space<vmem>>
        %dma_wait3A_299 = tpu.memref_squeeze %dma_wait3A_298 : memref<1x128xi32, #tpu.memory_space<vmem>> -> memref<128xi32, #tpu.memory_space<vmem>>
        %dma_wait3A_300 = arith.constant 0 : i32
        %dma_wait3A_301 = tpu.memref_slice %arg3[%dma_wait3A_300] : memref<401408xi32, #tpu.memory_space<hbm>> -> memref<128xi32, #tpu.memory_space<hbm>>
        tpu.wait_dma2 semaphore(%dma_wait3A_296 : memref<!tpu.dma_semaphore, #tpu.memory_space<semaphore_mem>>) src(%dma_wait3A_301 : memref<128xi32, #tpu.memory_space<hbm>>) dst(%dma_wait3A_299 : memref<128xi32, #tpu.memory_space<vmem>>)
        %dma_wait3A_302 = arith.constant 0 : i32
        %dma_wait3A_303 = arith.constant 1 : i32
        %dma_wait3A_304 = arith.constant 0 : i32
        %dma_wait3A_305 = arith.constant 0 : i32
        %dma_wait3A_306 = arith.constant 0 : i32
        %dma_wait3A_307 = tpu.memref_slice %arg7[%dma_wait3A_302, %dma_wait3A_305, %dma_wait3A_306] : memref<2x32x64xf32, #tpu.memory_space<vmem>> -> memref<1x32x64xf32, #tpu.memory_space<vmem>>
        %dma_wait3A_308 = tpu.memref_squeeze %dma_wait3A_307 : memref<1x32x64xf32, #tpu.memory_space<vmem>> -> memref<32x64xf32, #tpu.memory_space<vmem>>
        %dma_wait3A_309 = arith.constant 0 : i32
        %dma_wait3A_310 = arith.constant 0 : i32
        %dma_wait3A_311 = tpu.memref_slice %arg4[%dma_wait3A_309, %dma_wait3A_310] : memref<100352x64xf32, #tpu.memory_space<hbm>> -> memref<32x64xf32, #tpu.memory_space<hbm>>
        %dma_wait3A_312 = tpu.memref_slice %arg10[%dma_wait3A_303, %dma_wait3A_304] : memref<4x2x!tpu.dma_semaphore, #tpu.memory_space<semaphore_mem>> -> memref<1x1x!tpu.dma_semaphore, #tpu.memory_space<semaphore_mem>>
        %dma_wait3A_313 = tpu.memref_squeeze %dma_wait3A_312 : memref<1x1x!tpu.dma_semaphore, #tpu.memory_space<semaphore_mem>> -> memref<!tpu.dma_semaphore, #tpu.memory_space<semaphore_mem>>
        %dma_wait3A_314 = arith.constant 0 : i32
        %dma_wait3A_315 = arith.constant 0 : i32
        %dma_wait3A_316 = tpu.memref_slice %arg7[%dma_wait3A_302, %dma_wait3A_314, %dma_wait3A_315] : memref<2x32x64xf32, #tpu.memory_space<vmem>> -> memref<1x32x64xf32, #tpu.memory_space<vmem>>
        %dma_wait3A_317 = tpu.memref_squeeze %dma_wait3A_316 : memref<1x32x64xf32, #tpu.memory_space<vmem>> -> memref<32x64xf32, #tpu.memory_space<vmem>>
        %dma_wait3A_318 = arith.constant 0 : i32
        %dma_wait3A_319 = arith.constant 0 : i32
        %dma_wait3A_320 = tpu.memref_slice %arg4[%dma_wait3A_318, %dma_wait3A_319] : memref<100352x64xf32, #tpu.memory_space<hbm>> -> memref<32x64xf32, #tpu.memory_space<hbm>>
        tpu.wait_dma2 semaphore(%dma_wait3A_313 : memref<!tpu.dma_semaphore, #tpu.memory_space<semaphore_mem>>) src(%dma_wait3A_320 : memref<32x64xf32, #tpu.memory_space<hbm>>) dst(%dma_wait3A_317 : memref<32x64xf32, #tpu.memory_space<vmem>>)
        %dma_start3A_321 = arith.constant 0 : i32
        %dma_start3A_322 = arith.constant 0 : i32
        %dma_start3A_323 = arith.constant 2 : i32
        %dma_start3A_324 = arith.constant 0 : i32
        %dma_start3A_325 = arith.constant 0 : i32
        %dma_start3A_326 = arith.constant 0 : i32
        %dma_start3A_327 = tpu.memref_slice %arg8[%dma_start3A_322, %dma_start3A_325, %dma_start3A_326] : memref<2x128x256xf32, #tpu.memory_space<vmem>> -> memref<1x128x256xf32, #tpu.memory_space<vmem>>
        %dma_start3A_328 = tpu.memref_squeeze %dma_start3A_327 : memref<1x128x256xf32, #tpu.memory_space<vmem>> -> memref<128x256xf32, #tpu.memory_space<vmem>>
        %dma_start3A_329 = arith.constant 0 : i32
        %dma_start3A_330 = tpu.memref_slice %arg6[%dma_start3A_321, %dma_start3A_329] : memref<2x128xi32, #tpu.memory_space<vmem>> -> memref<1x128xi32, #tpu.memory_space<vmem>>
        %dma_start3A_331 = tpu.memref_squeeze %dma_start3A_330 : memref<1x128xi32, #tpu.memory_space<vmem>> -> memref<128xi32, #tpu.memory_space<vmem>>
        %dma_start3A_332 = arith.constant 0 : i32
        %dma_start3A_333 = arith.constant 0 : i32
        %dma_start3A_334 = tpu.memref_slice %arg2[%dma_start3A_332, %dma_start3A_333] : memref<32768x256xf32, #tpu.memory_space<hbm>> -> memref<32768x256xf32, #tpu.memory_space<hbm>>
        %dma_start3A_335 = tpu.memref_slice %arg10[%dma_start3A_323, %dma_start3A_324] : memref<4x2x!tpu.dma_semaphore, #tpu.memory_space<semaphore_mem>> -> memref<1x1x!tpu.dma_semaphore, #tpu.memory_space<semaphore_mem>>
        %dma_start3A_336 = tpu.memref_squeeze %dma_start3A_335 : memref<1x1x!tpu.dma_semaphore, #tpu.memory_space<semaphore_mem>> -> memref<!tpu.dma_semaphore, #tpu.memory_space<semaphore_mem>>
        tpu.enqueue_indirect_dma source(%dma_start3A_334 : memref<32768x256xf32, #tpu.memory_space<hbm>>) target(%dma_start3A_328 : memref<128x256xf32, #tpu.memory_space<vmem>>) offsets(%dma_start3A_331 : memref<128xi32, #tpu.memory_space<vmem>>) semaphore(%dma_start3A_336 : memref<!tpu.dma_semaphore, #tpu.memory_space<semaphore_mem>>)
      } else {
      }
      %dma_wait3A_234 = arith.constant 1 : i32
      %dma_wait3A_235 = arith.constant 1 : i32
      %dma_wait3A_236 = arith.constant 2 : i32
      %dma_wait3A_237 = arith.constant 1 : i32
      %dma_wait3A_238 = arith.constant 0 : i32
      %dma_wait3A_239 = arith.constant 0 : i32
      %dma_wait3A_240 = tpu.memref_slice %arg8[%dma_wait3A_235, %dma_wait3A_238, %dma_wait3A_239] : memref<2x128x256xf32, #tpu.memory_space<vmem>> -> memref<1x128x256xf32, #tpu.memory_space<vmem>>
      %dma_wait3A_241 = tpu.memref_squeeze %dma_wait3A_240 : memref<1x128x256xf32, #tpu.memory_space<vmem>> -> memref<128x256xf32, #tpu.memory_space<vmem>>
      %dma_wait3A_242 = arith.constant 0 : i32
      %dma_wait3A_243 = tpu.memref_slice %arg6[%dma_wait3A_234, %dma_wait3A_242] : memref<2x128xi32, #tpu.memory_space<vmem>> -> memref<1x128xi32, #tpu.memory_space<vmem>>
      %dma_wait3A_244 = tpu.memref_squeeze %dma_wait3A_243 : memref<1x128xi32, #tpu.memory_space<vmem>> -> memref<128xi32, #tpu.memory_space<vmem>>
      %dma_wait3A_245 = arith.constant 0 : i32
      %dma_wait3A_246 = arith.constant 0 : i32
      %dma_wait3A_247 = tpu.memref_slice %arg2[%dma_wait3A_245, %dma_wait3A_246] : memref<32768x256xf32, #tpu.memory_space<hbm>> -> memref<32768x256xf32, #tpu.memory_space<hbm>>
      %dma_wait3A_248 = tpu.memref_slice %arg10[%dma_wait3A_236, %dma_wait3A_237] : memref<4x2x!tpu.dma_semaphore, #tpu.memory_space<semaphore_mem>> -> memref<1x1x!tpu.dma_semaphore, #tpu.memory_space<semaphore_mem>>
      %dma_wait3A_249 = tpu.memref_squeeze %dma_wait3A_248 : memref<1x1x!tpu.dma_semaphore, #tpu.memory_space<semaphore_mem>> -> memref<!tpu.dma_semaphore, #tpu.memory_space<semaphore_mem>>
      tpu.wait_indirect_dma semaphore(%dma_wait3A_249 : memref<!tpu.dma_semaphore, #tpu.memory_space<semaphore_mem>>) src(%dma_wait3A_247 : memref<32768x256xf32, #tpu.memory_space<hbm>>) dst(%dma_wait3A_241 : memref<128x256xf32, #tpu.memory_space<vmem>>)
      %ge3A_250 = arith.constant 2 : i32
      %ge3A_251 = arith.cmpi sge, %add3A_228, %ge3A_250 : i32
      %convert_element_type3A_252 = arith.extui %ge3A_251 : i1 to i32
      %cond3A_253 = arith.constant 0 : i32
      %cond3A_254 = arith.cmpi ne, %convert_element_type3A_252, %cond3A_253 : i32
      scf.if %cond3A_254 {
        %dma_wait3A_287 = arith.constant 1 : i32
        %dma_wait3A_288 = arith.constant 3 : i32
        %dma_wait3A_289 = arith.constant 1 : i32
        %dma_wait3A_290 = arith.constant 0 : i32
        %dma_wait3A_291 = arith.constant 0 : i32
        %dma_wait3A_292 = tpu.memref_slice %arg9[%dma_wait3A_287, %dma_wait3A_290, %dma_wait3A_291] : memref<2x32x256xf32, #tpu.memory_space<vmem>> -> memref<1x32x256xf32, #tpu.memory_space<vmem>>
        %dma_wait3A_293 = tpu.memref_squeeze %dma_wait3A_292 : memref<1x32x256xf32, #tpu.memory_space<vmem>> -> memref<32x256xf32, #tpu.memory_space<vmem>>
        %dma_wait3A_294 = arith.constant 0 : i32
        %dma_wait3A_295 = arith.constant 0 : i32
        %dma_wait3A_296 = tpu.memref_slice %arg5[%dma_wait3A_294, %dma_wait3A_295] : memref<100352x256xf32, #tpu.memory_space<hbm>> -> memref<32x256xf32, #tpu.memory_space<hbm>>
        %dma_wait3A_297 = tpu.memref_slice %arg10[%dma_wait3A_288, %dma_wait3A_289] : memref<4x2x!tpu.dma_semaphore, #tpu.memory_space<semaphore_mem>> -> memref<1x1x!tpu.dma_semaphore, #tpu.memory_space<semaphore_mem>>
        %dma_wait3A_298 = tpu.memref_squeeze %dma_wait3A_297 : memref<1x1x!tpu.dma_semaphore, #tpu.memory_space<semaphore_mem>> -> memref<!tpu.dma_semaphore, #tpu.memory_space<semaphore_mem>>
        %dma_wait3A_299 = arith.constant 0 : i32
        %dma_wait3A_300 = arith.constant 0 : i32
        %dma_wait3A_301 = tpu.memref_slice %arg5[%dma_wait3A_299, %dma_wait3A_300] : memref<100352x256xf32, #tpu.memory_space<hbm>> -> memref<32x256xf32, #tpu.memory_space<hbm>>
        %dma_wait3A_302 = arith.constant 0 : i32
        %dma_wait3A_303 = arith.constant 0 : i32
        %dma_wait3A_304 = tpu.memref_slice %arg9[%dma_wait3A_287, %dma_wait3A_302, %dma_wait3A_303] : memref<2x32x256xf32, #tpu.memory_space<vmem>> -> memref<1x32x256xf32, #tpu.memory_space<vmem>>
        %dma_wait3A_305 = tpu.memref_squeeze %dma_wait3A_304 : memref<1x32x256xf32, #tpu.memory_space<vmem>> -> memref<32x256xf32, #tpu.memory_space<vmem>>
        tpu.wait_dma2 semaphore(%dma_wait3A_298 : memref<!tpu.dma_semaphore, #tpu.memory_space<semaphore_mem>>) src(%dma_wait3A_305 : memref<32x256xf32, #tpu.memory_space<vmem>>) dst(%dma_wait3A_301 : memref<32x256xf32, #tpu.memory_space<hbm>>)
      } else {
      }
      %scan3A_255 = arith.constant 0 : i32
      %scan3A_256 = arith.constant 16 : i32
      %scan3A_257 = arith.addi %scan3A_255, %scan3A_256 : i32
      %scan3A_258 = arith.constant 1 : i32
      scf.for %scan3A_287 = %scan3A_255 to %scan3A_257 step %scan3A_258  : i32 {
        %mul3A_288 = arith.constant 2 : i32
        %mul3A_289 = arith.muli %scan3A_287, %mul3A_288 : i32
        %add3A_290 = arith.constant 0 : i32
        %add3A_291 = arith.addi %add3A_290, %mul3A_289 : i32
        %get3A = arith.constant 1 : i32
        %get3A_292 = arith.index_cast %get3A : i32 to index
        %get3A_293 = arith.index_cast %add3A_291 : i32 to index
        %get3A_294 = arith.constant 0 : index
        %get3A_295 = tpu.vector_load %arg7[%get3A_292, %get3A_293, %get3A_294] {strides = array<i32>} : memref<2x32x64xf32, #tpu.memory_space<vmem>>, vector<1x1x16xf32>,
        %get3A_296 = vector.shape_cast %get3A_295 : vector<1x1x16xf32> to vector<16xf32>
        %get3A_297 = arith.constant 1 : i32
        %get3A_298 = arith.index_cast %get3A_297 : i32 to index
        %get3A_299 = arith.index_cast %add3A_291 : i32 to index
        %get3A_300 = arith.constant 16 : index
        %get3A_301 = tpu.vector_load %arg7[%get3A_298, %get3A_299, %get3A_300] {strides = array<i32>} : memref<2x32x64xf32, #tpu.memory_space<vmem>>, vector<1x1x16xf32>,
        %get3A_302 = vector.shape_cast %get3A_301 : vector<1x1x16xf32> to vector<16xf32>
        %get3A_303 = arith.constant 1 : i32
        %get3A_304 = arith.index_cast %get3A_303 : i32 to index
        %get3A_305 = arith.index_cast %add3A_291 : i32 to index
        %get3A_306 = arith.constant 32 : index
        %get3A_307 = tpu.vector_load %arg7[%get3A_304, %get3A_305, %get3A_306] {strides = array<i32>} : memref<2x32x64xf32, #tpu.memory_space<vmem>>, vector<1x1x16xf32>,
        %get3A_308 = vector.shape_cast %get3A_307 : vector<1x1x16xf32> to vector<16xf32>
        %get3A_309 = arith.constant 1 : i32
        %get3A_310 = arith.index_cast %get3A_309 : i32 to index
        %get3A_311 = arith.index_cast %add3A_291 : i32 to index
        %get3A_312 = arith.constant 48 : index
        %get3A_313 = tpu.vector_load %arg7[%get3A_310, %get3A_311, %get3A_312] {strides = array<i32>} : memref<2x32x64xf32, #tpu.memory_space<vmem>>, vector<1x1x16xf32>,
        %get3A_314 = vector.shape_cast %get3A_313 : vector<1x1x16xf32> to vector<16xf32>
        %mul3A_315 = arith.constant 4 : i32
        %mul3A_316 = arith.muli %mul3A_315, %add3A_291 : i32
        %get3A_317 = arith.constant 1 : i32
        %get3A_318 = arith.index_cast %get3A_317 : i32 to index
        %get3A_319 = arith.index_cast %mul3A_316 : i32 to index
        %get3A_320 = arith.constant 0 : index
        %get3A_321 = tpu.vector_load %arg8[%get3A_318, %get3A_319, %get3A_320] {strides = array<i32>} : memref<2x128x256xf32, #tpu.memory_space<vmem>>, vector<1x1x16xf32>,
        %get3A_322 = vector.shape_cast %get3A_321 : vector<1x1x16xf32> to vector<16xf32>
        %mul3A_323 = arith.mulf %get3A_296, %get3A_322 : vector<16xf32>
        %mul3A_324 = arith.constant 4 : i32
        %mul3A_325 = arith.muli %mul3A_324, %add3A_291 : i32
        %add3A_326 = arith.constant 1 : i32
        %add3A_327 = arith.addi %mul3A_325, %add3A_326 : i32
        %get3A_328 = arith.constant 1 : i32
        %get3A_329 = arith.index_cast %get3A_328 : i32 to index
        %get3A_330 = arith.index_cast %add3A_327 : i32 to index
        %get3A_331 = arith.constant 0 : index
        %get3A_332 = tpu.vector_load %arg8[%get3A_329, %get3A_330, %get3A_331] {strides = array<i32>} : memref<2x128x256xf32, #tpu.memory_space<vmem>>, vector<1x1x16xf32>,
        %get3A_333 = vector.shape_cast %get3A_332 : vector<1x1x16xf32> to vector<16xf32>
        %mul3A_334 = arith.mulf %get3A_302, %get3A_333 : vector<16xf32>
        %add3A_335 = arith.addf %mul3A_323, %mul3A_334 : vector<16xf32>
        %mul3A_336 = arith.constant 4 : i32
        %mul3A_337 = arith.muli %mul3A_336, %add3A_291 : i32
        %add3A_338 = arith.constant 2 : i32
        %add3A_339 = arith.addi %mul3A_337, %add3A_338 : i32
        %get3A_340 = arith.constant 1 : i32
        %get3A_341 = arith.index_cast %get3A_340 : i32 to index
        %get3A_342 = arith.index_cast %add3A_339 : i32 to index
        %get3A_343 = arith.constant 0 : index
        %get3A_344 = tpu.vector_load %arg8[%get3A_341, %get3A_342, %get3A_343] {strides = array<i32>} : memref<2x128x256xf32, #tpu.memory_space<vmem>>, vector<1x1x16xf32>,
        %get3A_345 = vector.shape_cast %get3A_344 : vector<1x1x16xf32> to vector<16xf32>
        %mul3A_346 = arith.mulf %get3A_308, %get3A_345 : vector<16xf32>
        %mul3A_347 = arith.constant 4 : i32
        %mul3A_348 = arith.muli %mul3A_347, %add3A_291 : i32
        %add3A_349 = arith.constant 3 : i32
        %add3A_350 = arith.addi %mul3A_348, %add3A_349 : i32
        %get3A_351 = arith.constant 1 : i32
        %get3A_352 = arith.index_cast %get3A_351 : i32 to index
        %get3A_353 = arith.index_cast %add3A_350 : i32 to index
        %get3A_354 = arith.constant 0 : index
        %get3A_355 = tpu.vector_load %arg8[%get3A_352, %get3A_353, %get3A_354] {strides = array<i32>} : memref<2x128x256xf32, #tpu.memory_space<vmem>>, vector<1x1x16xf32>,
        %get3A_356 = vector.shape_cast %get3A_355 : vector<1x1x16xf32> to vector<16xf32>
        %mul3A_357 = arith.mulf %get3A_314, %get3A_356 : vector<16xf32>
        %add3A_358 = arith.addf %mul3A_346, %mul3A_357 : vector<16xf32>
        %add3A_359 = arith.addf %add3A_335, %add3A_358 : vector<16xf32>
        %swap3A = arith.constant 1 : i32
        %swap3A_360 = arith.index_cast %swap3A : i32 to index
        %swap3A_361 = arith.index_cast %add3A_291 : i32 to index
        %swap3A_362 = arith.constant 0 : index
        %swap3A_363 = tpu.vector_load %arg9[%swap3A_360, %swap3A_361, %swap3A_362] {strides = array<i32>} : memref<2x32x256xf32, #tpu.memory_space<vmem>>, vector<1x1x16xf32>,
        %swap3A_364 = vector.shape_cast %swap3A_363 : vector<1x1x16xf32> to vector<16xf32>
        %swap3A_365 = vector.shape_cast %add3A_359 : vector<16xf32> to vector<1x1x16xf32>
        tpu.vector_store %arg9[%swap3A_360, %swap3A_361, %swap3A_362], %swap3A_365 {strides = array<i32>} : memref<2x32x256xf32, #tpu.memory_space<vmem>>, vector<1x1x16xf32>,
        %mul3A_366 = arith.constant 4 : i32
        %mul3A_367 = arith.muli %mul3A_366, %add3A_291 : i32
        %get3A_368 = arith.constant 1 : i32
        %get3A_369 = arith.index_cast %get3A_368 : i32 to index
        %get3A_370 = arith.index_cast %mul3A_367 : i32 to index
        %get3A_371 = arith.constant 16 : index
        %get3A_372 = tpu.vector_load %arg8[%get3A_369, %get3A_370, %get3A_371] {strides = array<i32>} : memref<2x128x256xf32, #tpu.memory_space<vmem>>, vector<1x1x16xf32>,
        %get3A_373 = vector.shape_cast %get3A_372 : vector<1x1x16xf32> to vector<16xf32>
        %mul3A_374 = arith.mulf %get3A_296, %get3A_373 : vector<16xf32>
        %mul3A_375 = arith.constant 4 : i32
        %mul3A_376 = arith.muli %mul3A_375, %add3A_291 : i32
        %add3A_377 = arith.constant 1 : i32
        %add3A_378 = arith.addi %mul3A_376, %add3A_377 : i32
        %get3A_379 = arith.constant 1 : i32
        %get3A_380 = arith.index_cast %get3A_379 : i32 to index
        %get3A_381 = arith.index_cast %add3A_378 : i32 to index
        %get3A_382 = arith.constant 16 : index
        %get3A_383 = tpu.vector_load %arg8[%get3A_380, %get3A_381, %get3A_382] {strides = array<i32>} : memref<2x128x256xf32, #tpu.memory_space<vmem>>, vector<1x1x16xf32>,
        %get3A_384 = vector.shape_cast %get3A_383 : vector<1x1x16xf32> to vector<16xf32>
        %mul3A_385 = arith.mulf %get3A_302, %get3A_384 : vector<16xf32>
        %add3A_386 = arith.addf %mul3A_374, %mul3A_385 : vector<16xf32>
        %mul3A_387 = arith.constant 4 : i32
        %mul3A_388 = arith.muli %mul3A_387, %add3A_291 : i32
        %add3A_389 = arith.constant 2 : i32
        %add3A_390 = arith.addi %mul3A_388, %add3A_389 : i32
        %get3A_391 = arith.constant 1 : i32
        %get3A_392 = arith.index_cast %get3A_391 : i32 to index
        %get3A_393 = arith.index_cast %add3A_390 : i32 to index
        %get3A_394 = arith.constant 16 : index
        %get3A_395 = tpu.vector_load %arg8[%get3A_392, %get3A_393, %get3A_394] {strides = array<i32>} : memref<2x128x256xf32, #tpu.memory_space<vmem>>, vector<1x1x16xf32>,
        %get3A_396 = vector.shape_cast %get3A_395 : vector<1x1x16xf32> to vector<16xf32>
        %mul3A_397 = arith.mulf %get3A_308, %get3A_396 : vector<16xf32>
        %mul3A_398 = arith.constant 4 : i32
        %mul3A_399 = arith.muli %mul3A_398, %add3A_291 : i32
        %add3A_400 = arith.constant 3 : i32
        %add3A_401 = arith.addi %mul3A_399, %add3A_400 : i32
        %get3A_402 = arith.constant 1 : i32
        %get3A_403 = arith.index_cast %get3A_402 : i32 to index
        %get3A_404 = arith.index_cast %add3A_401 : i32 to index
        %get3A_405 = arith.constant 16 : index
        %get3A_406 = tpu.vector_load %arg8[%get3A_403, %get3A_404, %get3A_405] {strides = array<i32>} : memref<2x128x256xf32, #tpu.memory_space<vmem>>, vector<1x1x16xf32>,
        %get3A_407 = vector.shape_cast %get3A_406 : vector<1x1x16xf32> to vector<16xf32>
        %mul3A_408 = arith.mulf %get3A_314, %get3A_407 : vector<16xf32>
        %add3A_409 = arith.addf %mul3A_397, %mul3A_408 : vector<16xf32>
        %add3A_410 = arith.addf %add3A_386, %add3A_409 : vector<16xf32>
        %swap3A_411 = arith.constant 1 : i32
        %swap3A_412 = arith.index_cast %swap3A_411 : i32 to index
        %swap3A_413 = arith.index_cast %add3A_291 : i32 to index
        %swap3A_414 = arith.constant 16 : index
        %swap3A_415 = tpu.vector_load %arg9[%swap3A_412, %swap3A_413, %swap3A_414] {strides = array<i32>} : memref<2x32x256xf32, #tpu.memory_space<vmem>>, vector<1x1x16xf32>,
        %swap3A_416 = vector.shape_cast %swap3A_415 : vector<1x1x16xf32> to vector<16xf32>
        %swap3A_417 = vector.shape_cast %add3A_410 : vector<16xf32> to vector<1x1x16xf32>
        tpu.vector_store %arg9[%swap3A_412, %swap3A_413, %swap3A_414], %swap3A_417 {strides = array<i32>} : memref<2x32x256xf32, #tpu.memory_space<vmem>>, vector<1x1x16xf32>,
        %mul3A_418 = arith.constant 4 : i32
        %mul3A_419 = arith.muli %mul3A_418, %add3A_291 : i32
        %get3A_420 = arith.constant 1 : i32
        %get3A_421 = arith.index_cast %get3A_420 : i32 to index
        %get3A_422 = arith.index_cast %mul3A_419 : i32 to index
        %get3A_423 = arith.constant 32 : index
        %get3A_424 = tpu.vector_load %arg8[%get3A_421, %get3A_422, %get3A_423] {strides = array<i32>} : memref<2x128x256xf32, #tpu.memory_space<vmem>>, vector<1x1x16xf32>,
        %get3A_425 = vector.shape_cast %get3A_424 : vector<1x1x16xf32> to vector<16xf32>
        %mul3A_426 = arith.mulf %get3A_296, %get3A_425 : vector<16xf32>
        %mul3A_427 = arith.constant 4 : i32
        %mul3A_428 = arith.muli %mul3A_427, %add3A_291 : i32
        %add3A_429 = arith.constant 1 : i32
        %add3A_430 = arith.addi %mul3A_428, %add3A_429 : i32
        %get3A_431 = arith.constant 1 : i32
        %get3A_432 = arith.index_cast %get3A_431 : i32 to index
        %get3A_433 = arith.index_cast %add3A_430 : i32 to index
        %get3A_434 = arith.constant 32 : index
        %get3A_435 = tpu.vector_load %arg8[%get3A_432, %get3A_433, %get3A_434] {strides = array<i32>} : memref<2x128x256xf32, #tpu.memory_space<vmem>>, vector<1x1x16xf32>,
        %get3A_436 = vector.shape_cast %get3A_435 : vector<1x1x16xf32> to vector<16xf32>
        %mul3A_437 = arith.mulf %get3A_302, %get3A_436 : vector<16xf32>
        %add3A_438 = arith.addf %mul3A_426, %mul3A_437 : vector<16xf32>
        %mul3A_439 = arith.constant 4 : i32
        %mul3A_440 = arith.muli %mul3A_439, %add3A_291 : i32
        %add3A_441 = arith.constant 2 : i32
        %add3A_442 = arith.addi %mul3A_440, %add3A_441 : i32
        %get3A_443 = arith.constant 1 : i32
        %get3A_444 = arith.index_cast %get3A_443 : i32 to index
        %get3A_445 = arith.index_cast %add3A_442 : i32 to index
        %get3A_446 = arith.constant 32 : index
        %get3A_447 = tpu.vector_load %arg8[%get3A_444, %get3A_445, %get3A_446] {strides = array<i32>} : memref<2x128x256xf32, #tpu.memory_space<vmem>>, vector<1x1x16xf32>,
        %get3A_448 = vector.shape_cast %get3A_447 : vector<1x1x16xf32> to vector<16xf32>
        %mul3A_449 = arith.mulf %get3A_308, %get3A_448 : vector<16xf32>
        %mul3A_450 = arith.constant 4 : i32
        %mul3A_451 = arith.muli %mul3A_450, %add3A_291 : i32
        %add3A_452 = arith.constant 3 : i32
        %add3A_453 = arith.addi %mul3A_451, %add3A_452 : i32
        %get3A_454 = arith.constant 1 : i32
        %get3A_455 = arith.index_cast %get3A_454 : i32 to index
        %get3A_456 = arith.index_cast %add3A_453 : i32 to index
        %get3A_457 = arith.constant 32 : index
        %get3A_458 = tpu.vector_load %arg8[%get3A_455, %get3A_456, %get3A_457] {strides = array<i32>} : memref<2x128x256xf32, #tpu.memory_space<vmem>>, vector<1x1x16xf32>,
        %get3A_459 = vector.shape_cast %get3A_458 : vector<1x1x16xf32> to vector<16xf32>
        %mul3A_460 = arith.mulf %get3A_314, %get3A_459 : vector<16xf32>
        %add3A_461 = arith.addf %mul3A_449, %mul3A_460 : vector<16xf32>
        %add3A_462 = arith.addf %add3A_438, %add3A_461 : vector<16xf32>
        %swap3A_463 = arith.constant 1 : i32
        %swap3A_464 = arith.index_cast %swap3A_463 : i32 to index
        %swap3A_465 = arith.index_cast %add3A_291 : i32 to index
        %swap3A_466 = arith.constant 32 : index
        %swap3A_467 = tpu.vector_load %arg9[%swap3A_464, %swap3A_465, %swap3A_466] {strides = array<i32>} : memref<2x32x256xf32, #tpu.memory_space<vmem>>, vector<1x1x16xf32>,
        %swap3A_468 = vector.shape_cast %swap3A_467 : vector<1x1x16xf32> to vector<16xf32>
        %swap3A_469 = vector.shape_cast %add3A_462 : vector<16xf32> to vector<1x1x16xf32>
        tpu.vector_store %arg9[%swap3A_464, %swap3A_465, %swap3A_466], %swap3A_469 {strides = array<i32>} : memref<2x32x256xf32, #tpu.memory_space<vmem>>, vector<1x1x16xf32>,
        %mul3A_470 = arith.constant 4 : i32
        %mul3A_471 = arith.muli %mul3A_470, %add3A_291 : i32
        %get3A_472 = arith.constant 1 : i32
        %get3A_473 = arith.index_cast %get3A_472 : i32 to index
        %get3A_474 = arith.index_cast %mul3A_471 : i32 to index
        %get3A_475 = arith.constant 48 : index
        %get3A_476 = tpu.vector_load %arg8[%get3A_473, %get3A_474, %get3A_475] {strides = array<i32>} : memref<2x128x256xf32, #tpu.memory_space<vmem>>, vector<1x1x16xf32>,
        %get3A_477 = vector.shape_cast %get3A_476 : vector<1x1x16xf32> to vector<16xf32>
        %mul3A_478 = arith.mulf %get3A_296, %get3A_477 : vector<16xf32>
        %mul3A_479 = arith.constant 4 : i32
        %mul3A_480 = arith.muli %mul3A_479, %add3A_291 : i32
        %add3A_481 = arith.constant 1 : i32
        %add3A_482 = arith.addi %mul3A_480, %add3A_481 : i32
        %get3A_483 = arith.constant 1 : i32
        %get3A_484 = arith.index_cast %get3A_483 : i32 to index
        %get3A_485 = arith.index_cast %add3A_482 : i32 to index
        %get3A_486 = arith.constant 48 : index
        %get3A_487 = tpu.vector_load %arg8[%get3A_484, %get3A_485, %get3A_486] {strides = array<i32>} : memref<2x128x256xf32, #tpu.memory_space<vmem>>, vector<1x1x16xf32>,
        %get3A_488 = vector.shape_cast %get3A_487 : vector<1x1x16xf32> to vector<16xf32>
        %mul3A_489 = arith.mulf %get3A_302, %get3A_488 : vector<16xf32>
        %add3A_490 = arith.addf %mul3A_478, %mul3A_489 : vector<16xf32>
        %mul3A_491 = arith.constant 4 : i32
        %mul3A_492 = arith.muli %mul3A_491, %add3A_291 : i32
        %add3A_493 = arith.constant 2 : i32
        %add3A_494 = arith.addi %mul3A_492, %add3A_493 : i32
        %get3A_495 = arith.constant 1 : i32
        %get3A_496 = arith.index_cast %get3A_495 : i32 to index
        %get3A_497 = arith.index_cast %add3A_494 : i32 to index
        %get3A_498 = arith.constant 48 : index
        %get3A_499 = tpu.vector_load %arg8[%get3A_496, %get3A_497, %get3A_498] {strides = array<i32>} : memref<2x128x256xf32, #tpu.memory_space<vmem>>, vector<1x1x16xf32>,
        %get3A_500 = vector.shape_cast %get3A_499 : vector<1x1x16xf32> to vector<16xf32>
        %mul3A_501 = arith.mulf %get3A_308, %get3A_500 : vector<16xf32>
        %mul3A_502 = arith.constant 4 : i32
        %mul3A_503 = arith.muli %mul3A_502, %add3A_291 : i32
        %add3A_504 = arith.constant 3 : i32
        %add3A_505 = arith.addi %mul3A_503, %add3A_504 : i32
        %get3A_506 = arith.constant 1 : i32
        %get3A_507 = arith.index_cast %get3A_506 : i32 to index
        %get3A_508 = arith.index_cast %add3A_505 : i32 to index
        %get3A_509 = arith.constant 48 : index
        %get3A_510 = tpu.vector_load %arg8[%get3A_507, %get3A_508, %get3A_509] {strides = array<i32>} : memref<2x128x256xf32, #tpu.memory_space<vmem>>, vector<1x1x16xf32>,
        %get3A_511 = vector.shape_cast %get3A_510 : vector<1x1x16xf32> to vector<16xf32>
        %mul3A_512 = arith.mulf %get3A_314, %get3A_511 : vector<16xf32>
        %add3A_513 = arith.addf %mul3A_501, %mul3A_512 : vector<16xf32>
        %add3A_514 = arith.addf %add3A_490, %add3A_513 : vector<16xf32>
        %swap3A_515 = arith.constant 1 : i32
        %swap3A_516 = arith.index_cast %swap3A_515 : i32 to index
        %swap3A_517 = arith.index_cast %add3A_291 : i32 to index
        %swap3A_518 = arith.constant 48 : index
        %swap3A_519 = tpu.vector_load %arg9[%swap3A_516, %swap3A_517, %swap3A_518] {strides = array<i32>} : memref<2x32x256xf32, #tpu.memory_space<vmem>>, vector<1x1x16xf32>,
        %swap3A_520 = vector.shape_cast %swap3A_519 : vector<1x1x16xf32> to vector<16xf32>
        %swap3A_521 = vector.shape_cast %add3A_514 : vector<16xf32> to vector<1x1x16xf32>
        tpu.vector_store %arg9[%swap3A_516, %swap3A_517, %swap3A_518], %swap3A_521 {strides = array<i32>} : memref<2x32x256xf32, #tpu.memory_space<vmem>>, vector<1x1x16xf32>,
        %mul3A_522 = arith.constant 4 : i32
        %mul3A_523 = arith.muli %mul3A_522, %add3A_291 : i32
        %get3A_524 = arith.constant 1 : i32
        %get3A_525 = arith.index_cast %get3A_524 : i32 to index
        %get3A_526 = arith.index_cast %mul3A_523 : i32 to index
        %get3A_527 = arith.constant 64 : index
        %get3A_528 = tpu.vector_load %arg8[%get3A_525, %get3A_526, %get3A_527] {strides = array<i32>} : memref<2x128x256xf32, #tpu.memory_space<vmem>>, vector<1x1x16xf32>,
        %get3A_529 = vector.shape_cast %get3A_528 : vector<1x1x16xf32> to vector<16xf32>
        %mul3A_530 = arith.mulf %get3A_296, %get3A_529 : vector<16xf32>
        %mul3A_531 = arith.constant 4 : i32
        %mul3A_532 = arith.muli %mul3A_531, %add3A_291 : i32
        %add3A_533 = arith.constant 1 : i32
        %add3A_534 = arith.addi %mul3A_532, %add3A_533 : i32
        %get3A_535 = arith.constant 1 : i32
        %get3A_536 = arith.index_cast %get3A_535 : i32 to index
        %get3A_537 = arith.index_cast %add3A_534 : i32 to index
        %get3A_538 = arith.constant 64 : index
        %get3A_539 = tpu.vector_load %arg8[%get3A_536, %get3A_537, %get3A_538] {strides = array<i32>} : memref<2x128x256xf32, #tpu.memory_space<vmem>>, vector<1x1x16xf32>,
        %get3A_540 = vector.shape_cast %get3A_539 : vector<1x1x16xf32> to vector<16xf32>
        %mul3A_541 = arith.mulf %get3A_302, %get3A_540 : vector<16xf32>
        %add3A_542 = arith.addf %mul3A_530, %mul3A_541 : vector<16xf32>
        %mul3A_543 = arith.constant 4 : i32
        %mul3A_544 = arith.muli %mul3A_543, %add3A_291 : i32
        %add3A_545 = arith.constant 2 : i32
        %add3A_546 = arith.addi %mul3A_544, %add3A_545 : i32
        %get3A_547 = arith.constant 1 : i32
        %get3A_548 = arith.index_cast %get3A_547 : i32 to index
        %get3A_549 = arith.index_cast %add3A_546 : i32 to index
        %get3A_550 = arith.constant 64 : index
        %get3A_551 = tpu.vector_load %arg8[%get3A_548, %get3A_549, %get3A_550] {strides = array<i32>} : memref<2x128x256xf32, #tpu.memory_space<vmem>>, vector<1x1x16xf32>,
        %get3A_552 = vector.shape_cast %get3A_551 : vector<1x1x16xf32> to vector<16xf32>
        %mul3A_553 = arith.mulf %get3A_308, %get3A_552 : vector<16xf32>
        %mul3A_554 = arith.constant 4 : i32
        %mul3A_555 = arith.muli %mul3A_554, %add3A_291 : i32
        %add3A_556 = arith.constant 3 : i32
        %add3A_557 = arith.addi %mul3A_555, %add3A_556 : i32
        %get3A_558 = arith.constant 1 : i32
        %get3A_559 = arith.index_cast %get3A_558 : i32 to index
        %get3A_560 = arith.index_cast %add3A_557 : i32 to index
        %get3A_561 = arith.constant 64 : index
        %get3A_562 = tpu.vector_load %arg8[%get3A_559, %get3A_560, %get3A_561] {strides = array<i32>} : memref<2x128x256xf32, #tpu.memory_space<vmem>>, vector<1x1x16xf32>,
        %get3A_563 = vector.shape_cast %get3A_562 : vector<1x1x16xf32> to vector<16xf32>
        %mul3A_564 = arith.mulf %get3A_314, %get3A_563 : vector<16xf32>
        %add3A_565 = arith.addf %mul3A_553, %mul3A_564 : vector<16xf32>
        %add3A_566 = arith.addf %add3A_542, %add3A_565 : vector<16xf32>
        %swap3A_567 = arith.constant 1 : i32
        %swap3A_568 = arith.index_cast %swap3A_567 : i32 to index
        %swap3A_569 = arith.index_cast %add3A_291 : i32 to index
        %swap3A_570 = arith.constant 64 : index
        %swap3A_571 = tpu.vector_load %arg9[%swap3A_568, %swap3A_569, %swap3A_570] {strides = array<i32>} : memref<2x32x256xf32, #tpu.memory_space<vmem>>, vector<1x1x16xf32>,
        %swap3A_572 = vector.shape_cast %swap3A_571 : vector<1x1x16xf32> to vector<16xf32>
        %swap3A_573 = vector.shape_cast %add3A_566 : vector<16xf32> to vector<1x1x16xf32>
        tpu.vector_store %arg9[%swap3A_568, %swap3A_569, %swap3A_570], %swap3A_573 {strides = array<i32>} : memref<2x32x256xf32, #tpu.memory_space<vmem>>, vector<1x1x16xf32>,
        %mul3A_574 = arith.constant 4 : i32
        %mul3A_575 = arith.muli %mul3A_574, %add3A_291 : i32
        %get3A_576 = arith.constant 1 : i32
        %get3A_577 = arith.index_cast %get3A_576 : i32 to index
        %get3A_578 = arith.index_cast %mul3A_575 : i32 to index
        %get3A_579 = arith.constant 80 : index
        %get3A_580 = tpu.vector_load %arg8[%get3A_577, %get3A_578, %get3A_579] {strides = array<i32>} : memref<2x128x256xf32, #tpu.memory_space<vmem>>, vector<1x1x16xf32>,
        %get3A_581 = vector.shape_cast %get3A_580 : vector<1x1x16xf32> to vector<16xf32>
        %mul3A_582 = arith.mulf %get3A_296, %get3A_581 : vector<16xf32>
        %mul3A_583 = arith.constant 4 : i32
        %mul3A_584 = arith.muli %mul3A_583, %add3A_291 : i32
        %add3A_585 = arith.constant 1 : i32
        %add3A_586 = arith.addi %mul3A_584, %add3A_585 : i32
        %get3A_587 = arith.constant 1 : i32
        %get3A_588 = arith.index_cast %get3A_587 : i32 to index
        %get3A_589 = arith.index_cast %add3A_586 : i32 to index
        %get3A_590 = arith.constant 80 : index
        %get3A_591 = tpu.vector_load %arg8[%get3A_588, %get3A_589, %get3A_590] {strides = array<i32>} : memref<2x128x256xf32, #tpu.memory_space<vmem>>, vector<1x1x16xf32>,
        %get3A_592 = vector.shape_cast %get3A_591 : vector<1x1x16xf32> to vector<16xf32>
        %mul3A_593 = arith.mulf %get3A_302, %get3A_592 : vector<16xf32>
        %add3A_594 = arith.addf %mul3A_582, %mul3A_593 : vector<16xf32>
        %mul3A_595 = arith.constant 4 : i32
        %mul3A_596 = arith.muli %mul3A_595, %add3A_291 : i32
        %add3A_597 = arith.constant 2 : i32
        %add3A_598 = arith.addi %mul3A_596, %add3A_597 : i32
        %get3A_599 = arith.constant 1 : i32
        %get3A_600 = arith.index_cast %get3A_599 : i32 to index
        %get3A_601 = arith.index_cast %add3A_598 : i32 to index
        %get3A_602 = arith.constant 80 : index
        %get3A_603 = tpu.vector_load %arg8[%get3A_600, %get3A_601, %get3A_602] {strides = array<i32>} : memref<2x128x256xf32, #tpu.memory_space<vmem>>, vector<1x1x16xf32>,
        %get3A_604 = vector.shape_cast %get3A_603 : vector<1x1x16xf32> to vector<16xf32>
        %mul3A_605 = arith.mulf %get3A_308, %get3A_604 : vector<16xf32>
        %mul3A_606 = arith.constant 4 : i32
        %mul3A_607 = arith.muli %mul3A_606, %add3A_291 : i32
        %add3A_608 = arith.constant 3 : i32
        %add3A_609 = arith.addi %mul3A_607, %add3A_608 : i32
        %get3A_610 = arith.constant 1 : i32
        %get3A_611 = arith.index_cast %get3A_610 : i32 to index
        %get3A_612 = arith.index_cast %add3A_609 : i32 to index
        %get3A_613 = arith.constant 80 : index
        %get3A_614 = tpu.vector_load %arg8[%get3A_611, %get3A_612, %get3A_613] {strides = array<i32>} : memref<2x128x256xf32, #tpu.memory_space<vmem>>, vector<1x1x16xf32>,
        %get3A_615 = vector.shape_cast %get3A_614 : vector<1x1x16xf32> to vector<16xf32>
        %mul3A_616 = arith.mulf %get3A_314, %get3A_615 : vector<16xf32>
        %add3A_617 = arith.addf %mul3A_605, %mul3A_616 : vector<16xf32>
        %add3A_618 = arith.addf %add3A_594, %add3A_617 : vector<16xf32>
        %swap3A_619 = arith.constant 1 : i32
        %swap3A_620 = arith.index_cast %swap3A_619 : i32 to index
        %swap3A_621 = arith.index_cast %add3A_291 : i32 to index
        %swap3A_622 = arith.constant 80 : index
        %swap3A_623 = tpu.vector_load %arg9[%swap3A_620, %swap3A_621, %swap3A_622] {strides = array<i32>} : memref<2x32x256xf32, #tpu.memory_space<vmem>>, vector<1x1x16xf32>,
        %swap3A_624 = vector.shape_cast %swap3A_623 : vector<1x1x16xf32> to vector<16xf32>
        %swap3A_625 = vector.shape_cast %add3A_618 : vector<16xf32> to vector<1x1x16xf32>
        tpu.vector_store %arg9[%swap3A_620, %swap3A_621, %swap3A_622], %swap3A_625 {strides = array<i32>} : memref<2x32x256xf32, #tpu.memory_space<vmem>>, vector<1x1x16xf32>,
        %mul3A_626 = arith.constant 4 : i32
        %mul3A_627 = arith.muli %mul3A_626, %add3A_291 : i32
        %get3A_628 = arith.constant 1 : i32
        %get3A_629 = arith.index_cast %get3A_628 : i32 to index
        %get3A_630 = arith.index_cast %mul3A_627 : i32 to index
        %get3A_631 = arith.constant 96 : index
        %get3A_632 = tpu.vector_load %arg8[%get3A_629, %get3A_630, %get3A_631] {strides = array<i32>} : memref<2x128x256xf32, #tpu.memory_space<vmem>>, vector<1x1x16xf32>,
        %get3A_633 = vector.shape_cast %get3A_632 : vector<1x1x16xf32> to vector<16xf32>
        %mul3A_634 = arith.mulf %get3A_296, %get3A_633 : vector<16xf32>
        %mul3A_635 = arith.constant 4 : i32
        %mul3A_636 = arith.muli %mul3A_635, %add3A_291 : i32
        %add3A_637 = arith.constant 1 : i32
        %add3A_638 = arith.addi %mul3A_636, %add3A_637 : i32
        %get3A_639 = arith.constant 1 : i32
        %get3A_640 = arith.index_cast %get3A_639 : i32 to index
        %get3A_641 = arith.index_cast %add3A_638 : i32 to index
        %get3A_642 = arith.constant 96 : index
        %get3A_643 = tpu.vector_load %arg8[%get3A_640, %get3A_641, %get3A_642] {strides = array<i32>} : memref<2x128x256xf32, #tpu.memory_space<vmem>>, vector<1x1x16xf32>,
        %get3A_644 = vector.shape_cast %get3A_643 : vector<1x1x16xf32> to vector<16xf32>
        %mul3A_645 = arith.mulf %get3A_302, %get3A_644 : vector<16xf32>
        %add3A_646 = arith.addf %mul3A_634, %mul3A_645 : vector<16xf32>
        %mul3A_647 = arith.constant 4 : i32
        %mul3A_648 = arith.muli %mul3A_647, %add3A_291 : i32
        %add3A_649 = arith.constant 2 : i32
        %add3A_650 = arith.addi %mul3A_648, %add3A_649 : i32
        %get3A_651 = arith.constant 1 : i32
        %get3A_652 = arith.index_cast %get3A_651 : i32 to index
        %get3A_653 = arith.index_cast %add3A_650 : i32 to index
        %get3A_654 = arith.constant 96 : index
        %get3A_655 = tpu.vector_load %arg8[%get3A_652, %get3A_653, %get3A_654] {strides = array<i32>} : memref<2x128x256xf32, #tpu.memory_space<vmem>>, vector<1x1x16xf32>,
        %get3A_656 = vector.shape_cast %get3A_655 : vector<1x1x16xf32> to vector<16xf32>
        %mul3A_657 = arith.mulf %get3A_308, %get3A_656 : vector<16xf32>
        %mul3A_658 = arith.constant 4 : i32
        %mul3A_659 = arith.muli %mul3A_658, %add3A_291 : i32
        %add3A_660 = arith.constant 3 : i32
        %add3A_661 = arith.addi %mul3A_659, %add3A_660 : i32
        %get3A_662 = arith.constant 1 : i32
        %get3A_663 = arith.index_cast %get3A_662 : i32 to index
        %get3A_664 = arith.index_cast %add3A_661 : i32 to index
        %get3A_665 = arith.constant 96 : index
        %get3A_666 = tpu.vector_load %arg8[%get3A_663, %get3A_664, %get3A_665] {strides = array<i32>} : memref<2x128x256xf32, #tpu.memory_space<vmem>>, vector<1x1x16xf32>,
        %get3A_667 = vector.shape_cast %get3A_666 : vector<1x1x16xf32> to vector<16xf32>
        %mul3A_668 = arith.mulf %get3A_314, %get3A_667 : vector<16xf32>
        %add3A_669 = arith.addf %mul3A_657, %mul3A_668 : vector<16xf32>
        %add3A_670 = arith.addf %add3A_646, %add3A_669 : vector<16xf32>
        %swap3A_671 = arith.constant 1 : i32
        %swap3A_672 = arith.index_cast %swap3A_671 : i32 to index
        %swap3A_673 = arith.index_cast %add3A_291 : i32 to index
        %swap3A_674 = arith.constant 96 : index
        %swap3A_675 = tpu.vector_load %arg9[%swap3A_672, %swap3A_673, %swap3A_674] {strides = array<i32>} : memref<2x32x256xf32, #tpu.memory_space<vmem>>, vector<1x1x16xf32>,
        %swap3A_676 = vector.shape_cast %swap3A_675 : vector<1x1x16xf32> to vector<16xf32>
        %swap3A_677 = vector.shape_cast %add3A_670 : vector<16xf32> to vector<1x1x16xf32>
        tpu.vector_store %arg9[%swap3A_672, %swap3A_673, %swap3A_674], %swap3A_677 {strides = array<i32>} : memref<2x32x256xf32, #tpu.memory_space<vmem>>, vector<1x1x16xf32>,
        %mul3A_678 = arith.constant 4 : i32
        %mul3A_679 = arith.muli %mul3A_678, %add3A_291 : i32
        %get3A_680 = arith.constant 1 : i32
        %get3A_681 = arith.index_cast %get3A_680 : i32 to index
        %get3A_682 = arith.index_cast %mul3A_679 : i32 to index
        %get3A_683 = arith.constant 112 : index
        %get3A_684 = tpu.vector_load %arg8[%get3A_681, %get3A_682, %get3A_683] {strides = array<i32>} : memref<2x128x256xf32, #tpu.memory_space<vmem>>, vector<1x1x16xf32>,
        %get3A_685 = vector.shape_cast %get3A_684 : vector<1x1x16xf32> to vector<16xf32>
        %mul3A_686 = arith.mulf %get3A_296, %get3A_685 : vector<16xf32>
        %mul3A_687 = arith.constant 4 : i32
        %mul3A_688 = arith.muli %mul3A_687, %add3A_291 : i32
        %add3A_689 = arith.constant 1 : i32
        %add3A_690 = arith.addi %mul3A_688, %add3A_689 : i32
        %get3A_691 = arith.constant 1 : i32
        %get3A_692 = arith.index_cast %get3A_691 : i32 to index
        %get3A_693 = arith.index_cast %add3A_690 : i32 to index
        %get3A_694 = arith.constant 112 : index
        %get3A_695 = tpu.vector_load %arg8[%get3A_692, %get3A_693, %get3A_694] {strides = array<i32>} : memref<2x128x256xf32, #tpu.memory_space<vmem>>, vector<1x1x16xf32>,
        %get3A_696 = vector.shape_cast %get3A_695 : vector<1x1x16xf32> to vector<16xf32>
        %mul3A_697 = arith.mulf %get3A_302, %get3A_696 : vector<16xf32>
        %add3A_698 = arith.addf %mul3A_686, %mul3A_697 : vector<16xf32>
        %mul3A_699 = arith.constant 4 : i32
        %mul3A_700 = arith.muli %mul3A_699, %add3A_291 : i32
        %add3A_701 = arith.constant 2 : i32
        %add3A_702 = arith.addi %mul3A_700, %add3A_701 : i32
        %get3A_703 = arith.constant 1 : i32
        %get3A_704 = arith.index_cast %get3A_703 : i32 to index
        %get3A_705 = arith.index_cast %add3A_702 : i32 to index
        %get3A_706 = arith.constant 112 : index
        %get3A_707 = tpu.vector_load %arg8[%get3A_704, %get3A_705, %get3A_706] {strides = array<i32>} : memref<2x128x256xf32, #tpu.memory_space<vmem>>, vector<1x1x16xf32>,
        %get3A_708 = vector.shape_cast %get3A_707 : vector<1x1x16xf32> to vector<16xf32>
        %mul3A_709 = arith.mulf %get3A_308, %get3A_708 : vector<16xf32>
        %mul3A_710 = arith.constant 4 : i32
        %mul3A_711 = arith.muli %mul3A_710, %add3A_291 : i32
        %add3A_712 = arith.constant 3 : i32
        %add3A_713 = arith.addi %mul3A_711, %add3A_712 : i32
        %get3A_714 = arith.constant 1 : i32
        %get3A_715 = arith.index_cast %get3A_714 : i32 to index
        %get3A_716 = arith.index_cast %add3A_713 : i32 to index
        %get3A_717 = arith.constant 112 : index
        %get3A_718 = tpu.vector_load %arg8[%get3A_715, %get3A_716, %get3A_717] {strides = array<i32>} : memref<2x128x256xf32, #tpu.memory_space<vmem>>, vector<1x1x16xf32>,
        %get3A_719 = vector.shape_cast %get3A_718 : vector<1x1x16xf32> to vector<16xf32>
        %mul3A_720 = arith.mulf %get3A_314, %get3A_719 : vector<16xf32>
        %add3A_721 = arith.addf %mul3A_709, %mul3A_720 : vector<16xf32>
        %add3A_722 = arith.addf %add3A_698, %add3A_721 : vector<16xf32>
        %swap3A_723 = arith.constant 1 : i32
        %swap3A_724 = arith.index_cast %swap3A_723 : i32 to index
        %swap3A_725 = arith.index_cast %add3A_291 : i32 to index
        %swap3A_726 = arith.constant 112 : index
        %swap3A_727 = tpu.vector_load %arg9[%swap3A_724, %swap3A_725, %swap3A_726] {strides = array<i32>} : memref<2x32x256xf32, #tpu.memory_space<vmem>>, vector<1x1x16xf32>,
        %swap3A_728 = vector.shape_cast %swap3A_727 : vector<1x1x16xf32> to vector<16xf32>
        %swap3A_729 = vector.shape_cast %add3A_722 : vector<16xf32> to vector<1x1x16xf32>
        tpu.vector_store %arg9[%swap3A_724, %swap3A_725, %swap3A_726], %swap3A_729 {strides = array<i32>} : memref<2x32x256xf32, #tpu.memory_space<vmem>>, vector<1x1x16xf32>,
        %mul3A_730 = arith.constant 4 : i32
        %mul3A_731 = arith.muli %mul3A_730, %add3A_291 : i32
        %get3A_732 = arith.constant 1 : i32
        %get3A_733 = arith.index_cast %get3A_732 : i32 to index
        %get3A_734 = arith.index_cast %mul3A_731 : i32 to index
        %get3A_735 = arith.constant 128 : index
        %get3A_736 = tpu.vector_load %arg8[%get3A_733, %get3A_734, %get3A_735] {strides = array<i32>} : memref<2x128x256xf32, #tpu.memory_space<vmem>>, vector<1x1x16xf32>,
        %get3A_737 = vector.shape_cast %get3A_736 : vector<1x1x16xf32> to vector<16xf32>
        %mul3A_738 = arith.mulf %get3A_296, %get3A_737 : vector<16xf32>
        %mul3A_739 = arith.constant 4 : i32
        %mul3A_740 = arith.muli %mul3A_739, %add3A_291 : i32
        %add3A_741 = arith.constant 1 : i32
        %add3A_742 = arith.addi %mul3A_740, %add3A_741 : i32
        %get3A_743 = arith.constant 1 : i32
        %get3A_744 = arith.index_cast %get3A_743 : i32 to index
        %get3A_745 = arith.index_cast %add3A_742 : i32 to index
        %get3A_746 = arith.constant 128 : index
        %get3A_747 = tpu.vector_load %arg8[%get3A_744, %get3A_745, %get3A_746] {strides = array<i32>} : memref<2x128x256xf32, #tpu.memory_space<vmem>>, vector<1x1x16xf32>,
        %get3A_748 = vector.shape_cast %get3A_747 : vector<1x1x16xf32> to vector<16xf32>
        %mul3A_749 = arith.mulf %get3A_302, %get3A_748 : vector<16xf32>
        %add3A_750 = arith.addf %mul3A_738, %mul3A_749 : vector<16xf32>
        %mul3A_751 = arith.constant 4 : i32
        %mul3A_752 = arith.muli %mul3A_751, %add3A_291 : i32
        %add3A_753 = arith.constant 2 : i32
        %add3A_754 = arith.addi %mul3A_752, %add3A_753 : i32
        %get3A_755 = arith.constant 1 : i32
        %get3A_756 = arith.index_cast %get3A_755 : i32 to index
        %get3A_757 = arith.index_cast %add3A_754 : i32 to index
        %get3A_758 = arith.constant 128 : index
        %get3A_759 = tpu.vector_load %arg8[%get3A_756, %get3A_757, %get3A_758] {strides = array<i32>} : memref<2x128x256xf32, #tpu.memory_space<vmem>>, vector<1x1x16xf32>,
        %get3A_760 = vector.shape_cast %get3A_759 : vector<1x1x16xf32> to vector<16xf32>
        %mul3A_761 = arith.mulf %get3A_308, %get3A_760 : vector<16xf32>
        %mul3A_762 = arith.constant 4 : i32
        %mul3A_763 = arith.muli %mul3A_762, %add3A_291 : i32
        %add3A_764 = arith.constant 3 : i32
        %add3A_765 = arith.addi %mul3A_763, %add3A_764 : i32
        %get3A_766 = arith.constant 1 : i32
        %get3A_767 = arith.index_cast %get3A_766 : i32 to index
        %get3A_768 = arith.index_cast %add3A_765 : i32 to index
        %get3A_769 = arith.constant 128 : index
        %get3A_770 = tpu.vector_load %arg8[%get3A_767, %get3A_768, %get3A_769] {strides = array<i32>} : memref<2x128x256xf32, #tpu.memory_space<vmem>>, vector<1x1x16xf32>,
        %get3A_771 = vector.shape_cast %get3A_770 : vector<1x1x16xf32> to vector<16xf32>
        %mul3A_772 = arith.mulf %get3A_314, %get3A_771 : vector<16xf32>
        %add3A_773 = arith.addf %mul3A_761, %mul3A_772 : vector<16xf32>
        %add3A_774 = arith.addf %add3A_750, %add3A_773 : vector<16xf32>
        %swap3A_775 = arith.constant 1 : i32
        %swap3A_776 = arith.index_cast %swap3A_775 : i32 to index
        %swap3A_777 = arith.index_cast %add3A_291 : i32 to index
        %swap3A_778 = arith.constant 128 : index
        %swap3A_779 = tpu.vector_load %arg9[%swap3A_776, %swap3A_777, %swap3A_778] {strides = array<i32>} : memref<2x32x256xf32, #tpu.memory_space<vmem>>, vector<1x1x16xf32>,
        %swap3A_780 = vector.shape_cast %swap3A_779 : vector<1x1x16xf32> to vector<16xf32>
        %swap3A_781 = vector.shape_cast %add3A_774 : vector<16xf32> to vector<1x1x16xf32>
        tpu.vector_store %arg9[%swap3A_776, %swap3A_777, %swap3A_778], %swap3A_781 {strides = array<i32>} : memref<2x32x256xf32, #tpu.memory_space<vmem>>, vector<1x1x16xf32>,
        %mul3A_782 = arith.constant 4 : i32
        %mul3A_783 = arith.muli %mul3A_782, %add3A_291 : i32
        %get3A_784 = arith.constant 1 : i32
        %get3A_785 = arith.index_cast %get3A_784 : i32 to index
        %get3A_786 = arith.index_cast %mul3A_783 : i32 to index
        %get3A_787 = arith.constant 144 : index
        %get3A_788 = tpu.vector_load %arg8[%get3A_785, %get3A_786, %get3A_787] {strides = array<i32>} : memref<2x128x256xf32, #tpu.memory_space<vmem>>, vector<1x1x16xf32>,
        %get3A_789 = vector.shape_cast %get3A_788 : vector<1x1x16xf32> to vector<16xf32>
        %mul3A_790 = arith.mulf %get3A_296, %get3A_789 : vector<16xf32>
        %mul3A_791 = arith.constant 4 : i32
        %mul3A_792 = arith.muli %mul3A_791, %add3A_291 : i32
        %add3A_793 = arith.constant 1 : i32
        %add3A_794 = arith.addi %mul3A_792, %add3A_793 : i32
        %get3A_795 = arith.constant 1 : i32
        %get3A_796 = arith.index_cast %get3A_795 : i32 to index
        %get3A_797 = arith.index_cast %add3A_794 : i32 to index
        %get3A_798 = arith.constant 144 : index
        %get3A_799 = tpu.vector_load %arg8[%get3A_796, %get3A_797, %get3A_798] {strides = array<i32>} : memref<2x128x256xf32, #tpu.memory_space<vmem>>, vector<1x1x16xf32>,
        %get3A_800 = vector.shape_cast %get3A_799 : vector<1x1x16xf32> to vector<16xf32>
        %mul3A_801 = arith.mulf %get3A_302, %get3A_800 : vector<16xf32>
        %add3A_802 = arith.addf %mul3A_790, %mul3A_801 : vector<16xf32>
        %mul3A_803 = arith.constant 4 : i32
        %mul3A_804 = arith.muli %mul3A_803, %add3A_291 : i32
        %add3A_805 = arith.constant 2 : i32
        %add3A_806 = arith.addi %mul3A_804, %add3A_805 : i32
        %get3A_807 = arith.constant 1 : i32
        %get3A_808 = arith.index_cast %get3A_807 : i32 to index
        %get3A_809 = arith.index_cast %add3A_806 : i32 to index
        %get3A_810 = arith.constant 144 : index
        %get3A_811 = tpu.vector_load %arg8[%get3A_808, %get3A_809, %get3A_810] {strides = array<i32>} : memref<2x128x256xf32, #tpu.memory_space<vmem>>, vector<1x1x16xf32>,
        %get3A_812 = vector.shape_cast %get3A_811 : vector<1x1x16xf32> to vector<16xf32>
        %mul3A_813 = arith.mulf %get3A_308, %get3A_812 : vector<16xf32>
        %mul3A_814 = arith.constant 4 : i32
        %mul3A_815 = arith.muli %mul3A_814, %add3A_291 : i32
        %add3A_816 = arith.constant 3 : i32
        %add3A_817 = arith.addi %mul3A_815, %add3A_816 : i32
        %get3A_818 = arith.constant 1 : i32
        %get3A_819 = arith.index_cast %get3A_818 : i32 to index
        %get3A_820 = arith.index_cast %add3A_817 : i32 to index
        %get3A_821 = arith.constant 144 : index
        %get3A_822 = tpu.vector_load %arg8[%get3A_819, %get3A_820, %get3A_821] {strides = array<i32>} : memref<2x128x256xf32, #tpu.memory_space<vmem>>, vector<1x1x16xf32>,
        %get3A_823 = vector.shape_cast %get3A_822 : vector<1x1x16xf32> to vector<16xf32>
        %mul3A_824 = arith.mulf %get3A_314, %get3A_823 : vector<16xf32>
        %add3A_825 = arith.addf %mul3A_813, %mul3A_824 : vector<16xf32>
        %add3A_826 = arith.addf %add3A_802, %add3A_825 : vector<16xf32>
        %swap3A_827 = arith.constant 1 : i32
        %swap3A_828 = arith.index_cast %swap3A_827 : i32 to index
        %swap3A_829 = arith.index_cast %add3A_291 : i32 to index
        %swap3A_830 = arith.constant 144 : index
        %swap3A_831 = tpu.vector_load %arg9[%swap3A_828, %swap3A_829, %swap3A_830] {strides = array<i32>} : memref<2x32x256xf32, #tpu.memory_space<vmem>>, vector<1x1x16xf32>,
        %swap3A_832 = vector.shape_cast %swap3A_831 : vector<1x1x16xf32> to vector<16xf32>
        %swap3A_833 = vector.shape_cast %add3A_826 : vector<16xf32> to vector<1x1x16xf32>
        tpu.vector_store %arg9[%swap3A_828, %swap3A_829, %swap3A_830], %swap3A_833 {strides = array<i32>} : memref<2x32x256xf32, #tpu.memory_space<vmem>>, vector<1x1x16xf32>,
        %mul3A_834 = arith.constant 4 : i32
        %mul3A_835 = arith.muli %mul3A_834, %add3A_291 : i32
        %get3A_836 = arith.constant 1 : i32
        %get3A_837 = arith.index_cast %get3A_836 : i32 to index
        %get3A_838 = arith.index_cast %mul3A_835 : i32 to index
        %get3A_839 = arith.constant 160 : index
        %get3A_840 = tpu.vector_load %arg8[%get3A_837, %get3A_838, %get3A_839] {strides = array<i32>} : memref<2x128x256xf32, #tpu.memory_space<vmem>>, vector<1x1x16xf32>,
        %get3A_841 = vector.shape_cast %get3A_840 : vector<1x1x16xf32> to vector<16xf32>
        %mul3A_842 = arith.mulf %get3A_296, %get3A_841 : vector<16xf32>
        %mul3A_843 = arith.constant 4 : i32
        %mul3A_844 = arith.muli %mul3A_843, %add3A_291 : i32
        %add3A_845 = arith.constant 1 : i32
        %add3A_846 = arith.addi %mul3A_844, %add3A_845 : i32
        %get3A_847 = arith.constant 1 : i32
        %get3A_848 = arith.index_cast %get3A_847 : i32 to index
        %get3A_849 = arith.index_cast %add3A_846 : i32 to index
        %get3A_850 = arith.constant 160 : index
        %get3A_851 = tpu.vector_load %arg8[%get3A_848, %get3A_849, %get3A_850] {strides = array<i32>} : memref<2x128x256xf32, #tpu.memory_space<vmem>>, vector<1x1x16xf32>,
        %get3A_852 = vector.shape_cast %get3A_851 : vector<1x1x16xf32> to vector<16xf32>
        %mul3A_853 = arith.mulf %get3A_302, %get3A_852 : vector<16xf32>
        %add3A_854 = arith.addf %mul3A_842, %mul3A_853 : vector<16xf32>
        %mul3A_855 = arith.constant 4 : i32
        %mul3A_856 = arith.muli %mul3A_855, %add3A_291 : i32
        %add3A_857 = arith.constant 2 : i32
        %add3A_858 = arith.addi %mul3A_856, %add3A_857 : i32
        %get3A_859 = arith.constant 1 : i32
        %get3A_860 = arith.index_cast %get3A_859 : i32 to index
        %get3A_861 = arith.index_cast %add3A_858 : i32 to index
        %get3A_862 = arith.constant 160 : index
        %get3A_863 = tpu.vector_load %arg8[%get3A_860, %get3A_861, %get3A_862] {strides = array<i32>} : memref<2x128x256xf32, #tpu.memory_space<vmem>>, vector<1x1x16xf32>,
        %get3A_864 = vector.shape_cast %get3A_863 : vector<1x1x16xf32> to vector<16xf32>
        %mul3A_865 = arith.mulf %get3A_308, %get3A_864 : vector<16xf32>
        %mul3A_866 = arith.constant 4 : i32
        %mul3A_867 = arith.muli %mul3A_866, %add3A_291 : i32
        %add3A_868 = arith.constant 3 : i32
        %add3A_869 = arith.addi %mul3A_867, %add3A_868 : i32
        %get3A_870 = arith.constant 1 : i32
        %get3A_871 = arith.index_cast %get3A_870 : i32 to index
        %get3A_872 = arith.index_cast %add3A_869 : i32 to index
        %get3A_873 = arith.constant 160 : index
        %get3A_874 = tpu.vector_load %arg8[%get3A_871, %get3A_872, %get3A_873] {strides = array<i32>} : memref<2x128x256xf32, #tpu.memory_space<vmem>>, vector<1x1x16xf32>,
        %get3A_875 = vector.shape_cast %get3A_874 : vector<1x1x16xf32> to vector<16xf32>
        %mul3A_876 = arith.mulf %get3A_314, %get3A_875 : vector<16xf32>
        %add3A_877 = arith.addf %mul3A_865, %mul3A_876 : vector<16xf32>
        %add3A_878 = arith.addf %add3A_854, %add3A_877 : vector<16xf32>
        %swap3A_879 = arith.constant 1 : i32
        %swap3A_880 = arith.index_cast %swap3A_879 : i32 to index
        %swap3A_881 = arith.index_cast %add3A_291 : i32 to index
        %swap3A_882 = arith.constant 160 : index
        %swap3A_883 = tpu.vector_load %arg9[%swap3A_880, %swap3A_881, %swap3A_882] {strides = array<i32>} : memref<2x32x256xf32, #tpu.memory_space<vmem>>, vector<1x1x16xf32>,
        %swap3A_884 = vector.shape_cast %swap3A_883 : vector<1x1x16xf32> to vector<16xf32>
        %swap3A_885 = vector.shape_cast %add3A_878 : vector<16xf32> to vector<1x1x16xf32>
        tpu.vector_store %arg9[%swap3A_880, %swap3A_881, %swap3A_882], %swap3A_885 {strides = array<i32>} : memref<2x32x256xf32, #tpu.memory_space<vmem>>, vector<1x1x16xf32>,
        %mul3A_886 = arith.constant 4 : i32
        %mul3A_887 = arith.muli %mul3A_886, %add3A_291 : i32
        %get3A_888 = arith.constant 1 : i32
        %get3A_889 = arith.index_cast %get3A_888 : i32 to index
        %get3A_890 = arith.index_cast %mul3A_887 : i32 to index
        %get3A_891 = arith.constant 176 : index
        %get3A_892 = tpu.vector_load %arg8[%get3A_889, %get3A_890, %get3A_891] {strides = array<i32>} : memref<2x128x256xf32, #tpu.memory_space<vmem>>, vector<1x1x16xf32>,
        %get3A_893 = vector.shape_cast %get3A_892 : vector<1x1x16xf32> to vector<16xf32>
        %mul3A_894 = arith.mulf %get3A_296, %get3A_893 : vector<16xf32>
        %mul3A_895 = arith.constant 4 : i32
        %mul3A_896 = arith.muli %mul3A_895, %add3A_291 : i32
        %add3A_897 = arith.constant 1 : i32
        %add3A_898 = arith.addi %mul3A_896, %add3A_897 : i32
        %get3A_899 = arith.constant 1 : i32
        %get3A_900 = arith.index_cast %get3A_899 : i32 to index
        %get3A_901 = arith.index_cast %add3A_898 : i32 to index
        %get3A_902 = arith.constant 176 : index
        %get3A_903 = tpu.vector_load %arg8[%get3A_900, %get3A_901, %get3A_902] {strides = array<i32>} : memref<2x128x256xf32, #tpu.memory_space<vmem>>, vector<1x1x16xf32>,
        %get3A_904 = vector.shape_cast %get3A_903 : vector<1x1x16xf32> to vector<16xf32>
        %mul3A_905 = arith.mulf %get3A_302, %get3A_904 : vector<16xf32>
        %add3A_906 = arith.addf %mul3A_894, %mul3A_905 : vector<16xf32>
        %mul3A_907 = arith.constant 4 : i32
        %mul3A_908 = arith.muli %mul3A_907, %add3A_291 : i32
        %add3A_909 = arith.constant 2 : i32
        %add3A_910 = arith.addi %mul3A_908, %add3A_909 : i32
        %get3A_911 = arith.constant 1 : i32
        %get3A_912 = arith.index_cast %get3A_911 : i32 to index
        %get3A_913 = arith.index_cast %add3A_910 : i32 to index
        %get3A_914 = arith.constant 176 : index
        %get3A_915 = tpu.vector_load %arg8[%get3A_912, %get3A_913, %get3A_914] {strides = array<i32>} : memref<2x128x256xf32, #tpu.memory_space<vmem>>, vector<1x1x16xf32>,
        %get3A_916 = vector.shape_cast %get3A_915 : vector<1x1x16xf32> to vector<16xf32>
        %mul3A_917 = arith.mulf %get3A_308, %get3A_916 : vector<16xf32>
        %mul3A_918 = arith.constant 4 : i32
        %mul3A_919 = arith.muli %mul3A_918, %add3A_291 : i32
        %add3A_920 = arith.constant 3 : i32
        %add3A_921 = arith.addi %mul3A_919, %add3A_920 : i32
        %get3A_922 = arith.constant 1 : i32
        %get3A_923 = arith.index_cast %get3A_922 : i32 to index
        %get3A_924 = arith.index_cast %add3A_921 : i32 to index
        %get3A_925 = arith.constant 176 : index
        %get3A_926 = tpu.vector_load %arg8[%get3A_923, %get3A_924, %get3A_925] {strides = array<i32>} : memref<2x128x256xf32, #tpu.memory_space<vmem>>, vector<1x1x16xf32>,
        %get3A_927 = vector.shape_cast %get3A_926 : vector<1x1x16xf32> to vector<16xf32>
        %mul3A_928 = arith.mulf %get3A_314, %get3A_927 : vector<16xf32>
        %add3A_929 = arith.addf %mul3A_917, %mul3A_928 : vector<16xf32>
        %add3A_930 = arith.addf %add3A_906, %add3A_929 : vector<16xf32>
        %swap3A_931 = arith.constant 1 : i32
        %swap3A_932 = arith.index_cast %swap3A_931 : i32 to index
        %swap3A_933 = arith.index_cast %add3A_291 : i32 to index
        %swap3A_934 = arith.constant 176 : index
        %swap3A_935 = tpu.vector_load %arg9[%swap3A_932, %swap3A_933, %swap3A_934] {strides = array<i32>} : memref<2x32x256xf32, #tpu.memory_space<vmem>>, vector<1x1x16xf32>,
        %swap3A_936 = vector.shape_cast %swap3A_935 : vector<1x1x16xf32> to vector<16xf32>
        %swap3A_937 = vector.shape_cast %add3A_930 : vector<16xf32> to vector<1x1x16xf32>
        tpu.vector_store %arg9[%swap3A_932, %swap3A_933, %swap3A_934], %swap3A_937 {strides = array<i32>} : memref<2x32x256xf32, #tpu.memory_space<vmem>>, vector<1x1x16xf32>,
        %mul3A_938 = arith.constant 4 : i32
        %mul3A_939 = arith.muli %mul3A_938, %add3A_291 : i32
        %get3A_940 = arith.constant 1 : i32
        %get3A_941 = arith.index_cast %get3A_940 : i32 to index
        %get3A_942 = arith.index_cast %mul3A_939 : i32 to index
        %get3A_943 = arith.constant 192 : index
        %get3A_944 = tpu.vector_load %arg8[%get3A_941, %get3A_942, %get3A_943] {strides = array<i32>} : memref<2x128x256xf32, #tpu.memory_space<vmem>>, vector<1x1x16xf32>,
        %get3A_945 = vector.shape_cast %get3A_944 : vector<1x1x16xf32> to vector<16xf32>
        %mul3A_946 = arith.mulf %get3A_296, %get3A_945 : vector<16xf32>
        %mul3A_947 = arith.constant 4 : i32
        %mul3A_948 = arith.muli %mul3A_947, %add3A_291 : i32
        %add3A_949 = arith.constant 1 : i32
        %add3A_950 = arith.addi %mul3A_948, %add3A_949 : i32
        %get3A_951 = arith.constant 1 : i32
        %get3A_952 = arith.index_cast %get3A_951 : i32 to index
        %get3A_953 = arith.index_cast %add3A_950 : i32 to index
        %get3A_954 = arith.constant 192 : index
        %get3A_955 = tpu.vector_load %arg8[%get3A_952, %get3A_953, %get3A_954] {strides = array<i32>} : memref<2x128x256xf32, #tpu.memory_space<vmem>>, vector<1x1x16xf32>,
        %get3A_956 = vector.shape_cast %get3A_955 : vector<1x1x16xf32> to vector<16xf32>
        %mul3A_957 = arith.mulf %get3A_302, %get3A_956 : vector<16xf32>
        %add3A_958 = arith.addf %mul3A_946, %mul3A_957 : vector<16xf32>
        %mul3A_959 = arith.constant 4 : i32
        %mul3A_960 = arith.muli %mul3A_959, %add3A_291 : i32
        %add3A_961 = arith.constant 2 : i32
        %add3A_962 = arith.addi %mul3A_960, %add3A_961 : i32
        %get3A_963 = arith.constant 1 : i32
        %get3A_964 = arith.index_cast %get3A_963 : i32 to index
        %get3A_965 = arith.index_cast %add3A_962 : i32 to index
        %get3A_966 = arith.constant 192 : index
        %get3A_967 = tpu.vector_load %arg8[%get3A_964, %get3A_965, %get3A_966] {strides = array<i32>} : memref<2x128x256xf32, #tpu.memory_space<vmem>>, vector<1x1x16xf32>,
        %get3A_968 = vector.shape_cast %get3A_967 : vector<1x1x16xf32> to vector<16xf32>
        %mul3A_969 = arith.mulf %get3A_308, %get3A_968 : vector<16xf32>
        %mul3A_970 = arith.constant 4 : i32
        %mul3A_971 = arith.muli %mul3A_970, %add3A_291 : i32
        %add3A_972 = arith.constant 3 : i32
        %add3A_973 = arith.addi %mul3A_971, %add3A_972 : i32
        %get3A_974 = arith.constant 1 : i32
        %get3A_975 = arith.index_cast %get3A_974 : i32 to index
        %get3A_976 = arith.index_cast %add3A_973 : i32 to index
        %get3A_977 = arith.constant 192 : index
        %get3A_978 = tpu.vector_load %arg8[%get3A_975, %get3A_976, %get3A_977] {strides = array<i32>} : memref<2x128x256xf32, #tpu.memory_space<vmem>>, vector<1x1x16xf32>,
        %get3A_979 = vector.shape_cast %get3A_978 : vector<1x1x16xf32> to vector<16xf32>
        %mul3A_980 = arith.mulf %get3A_314, %get3A_979 : vector<16xf32>
        %add3A_981 = arith.addf %mul3A_969, %mul3A_980 : vector<16xf32>
        %add3A_982 = arith.addf %add3A_958, %add3A_981 : vector<16xf32>
        %swap3A_983 = arith.constant 1 : i32
        %swap3A_984 = arith.index_cast %swap3A_983 : i32 to index
        %swap3A_985 = arith.index_cast %add3A_291 : i32 to index
        %swap3A_986 = arith.constant 192 : index
        %swap3A_987 = tpu.vector_load %arg9[%swap3A_984, %swap3A_985, %swap3A_986] {strides = array<i32>} : memref<2x32x256xf32, #tpu.memory_space<vmem>>, vector<1x1x16xf32>,
        %swap3A_988 = vector.shape_cast %swap3A_987 : vector<1x1x16xf32> to vector<16xf32>
        %swap3A_989 = vector.shape_cast %add3A_982 : vector<16xf32> to vector<1x1x16xf32>
        tpu.vector_store %arg9[%swap3A_984, %swap3A_985, %swap3A_986], %swap3A_989 {strides = array<i32>} : memref<2x32x256xf32, #tpu.memory_space<vmem>>, vector<1x1x16xf32>,
        %mul3A_990 = arith.constant 4 : i32
        %mul3A_991 = arith.muli %mul3A_990, %add3A_291 : i32
        %get3A_992 = arith.constant 1 : i32
        %get3A_993 = arith.index_cast %get3A_992 : i32 to index
        %get3A_994 = arith.index_cast %mul3A_991 : i32 to index
        %get3A_995 = arith.constant 208 : index
        %get3A_996 = tpu.vector_load %arg8[%get3A_993, %get3A_994, %get3A_995] {strides = array<i32>} : memref<2x128x256xf32, #tpu.memory_space<vmem>>, vector<1x1x16xf32>,
        %get3A_997 = vector.shape_cast %get3A_996 : vector<1x1x16xf32> to vector<16xf32>
        %mul3A_998 = arith.mulf %get3A_296, %get3A_997 : vector<16xf32>
        %mul3A_999 = arith.constant 4 : i32
        %mul3A_1000 = arith.muli %mul3A_999, %add3A_291 : i32
        %add3A_1001 = arith.constant 1 : i32
        %add3A_1002 = arith.addi %mul3A_1000, %add3A_1001 : i32
        %get3A_1003 = arith.constant 1 : i32
        %get3A_1004 = arith.index_cast %get3A_1003 : i32 to index
        %get3A_1005 = arith.index_cast %add3A_1002 : i32 to index
        %get3A_1006 = arith.constant 208 : index
        %get3A_1007 = tpu.vector_load %arg8[%get3A_1004, %get3A_1005, %get3A_1006] {strides = array<i32>} : memref<2x128x256xf32, #tpu.memory_space<vmem>>, vector<1x1x16xf32>,
        %get3A_1008 = vector.shape_cast %get3A_1007 : vector<1x1x16xf32> to vector<16xf32>
        %mul3A_1009 = arith.mulf %get3A_302, %get3A_1008 : vector<16xf32>
        %add3A_1010 = arith.addf %mul3A_998, %mul3A_1009 : vector<16xf32>
        %mul3A_1011 = arith.constant 4 : i32
        %mul3A_1012 = arith.muli %mul3A_1011, %add3A_291 : i32
        %add3A_1013 = arith.constant 2 : i32
        %add3A_1014 = arith.addi %mul3A_1012, %add3A_1013 : i32
        %get3A_1015 = arith.constant 1 : i32
        %get3A_1016 = arith.index_cast %get3A_1015 : i32 to index
        %get3A_1017 = arith.index_cast %add3A_1014 : i32 to index
        %get3A_1018 = arith.constant 208 : index
        %get3A_1019 = tpu.vector_load %arg8[%get3A_1016, %get3A_1017, %get3A_1018] {strides = array<i32>} : memref<2x128x256xf32, #tpu.memory_space<vmem>>, vector<1x1x16xf32>,
        %get3A_1020 = vector.shape_cast %get3A_1019 : vector<1x1x16xf32> to vector<16xf32>
        %mul3A_1021 = arith.mulf %get3A_308, %get3A_1020 : vector<16xf32>
        %mul3A_1022 = arith.constant 4 : i32
        %mul3A_1023 = arith.muli %mul3A_1022, %add3A_291 : i32
        %add3A_1024 = arith.constant 3 : i32
        %add3A_1025 = arith.addi %mul3A_1023, %add3A_1024 : i32
        %get3A_1026 = arith.constant 1 : i32
        %get3A_1027 = arith.index_cast %get3A_1026 : i32 to index
        %get3A_1028 = arith.index_cast %add3A_1025 : i32 to index
        %get3A_1029 = arith.constant 208 : index
        %get3A_1030 = tpu.vector_load %arg8[%get3A_1027, %get3A_1028, %get3A_1029] {strides = array<i32>} : memref<2x128x256xf32, #tpu.memory_space<vmem>>, vector<1x1x16xf32>,
        %get3A_1031 = vector.shape_cast %get3A_1030 : vector<1x1x16xf32> to vector<16xf32>
        %mul3A_1032 = arith.mulf %get3A_314, %get3A_1031 : vector<16xf32>
        %add3A_1033 = arith.addf %mul3A_1021, %mul3A_1032 : vector<16xf32>
        %add3A_1034 = arith.addf %add3A_1010, %add3A_1033 : vector<16xf32>
        %swap3A_1035 = arith.constant 1 : i32
        %swap3A_1036 = arith.index_cast %swap3A_1035 : i32 to index
        %swap3A_1037 = arith.index_cast %add3A_291 : i32 to index
        %swap3A_1038 = arith.constant 208 : index
        %swap3A_1039 = tpu.vector_load %arg9[%swap3A_1036, %swap3A_1037, %swap3A_1038] {strides = array<i32>} : memref<2x32x256xf32, #tpu.memory_space<vmem>>, vector<1x1x16xf32>,
        %swap3A_1040 = vector.shape_cast %swap3A_1039 : vector<1x1x16xf32> to vector<16xf32>
        %swap3A_1041 = vector.shape_cast %add3A_1034 : vector<16xf32> to vector<1x1x16xf32>
        tpu.vector_store %arg9[%swap3A_1036, %swap3A_1037, %swap3A_1038], %swap3A_1041 {strides = array<i32>} : memref<2x32x256xf32, #tpu.memory_space<vmem>>, vector<1x1x16xf32>,
        %mul3A_1042 = arith.constant 4 : i32
        %mul3A_1043 = arith.muli %mul3A_1042, %add3A_291 : i32
        %get3A_1044 = arith.constant 1 : i32
        %get3A_1045 = arith.index_cast %get3A_1044 : i32 to index
        %get3A_1046 = arith.index_cast %mul3A_1043 : i32 to index
        %get3A_1047 = arith.constant 224 : index
        %get3A_1048 = tpu.vector_load %arg8[%get3A_1045, %get3A_1046, %get3A_1047] {strides = array<i32>} : memref<2x128x256xf32, #tpu.memory_space<vmem>>, vector<1x1x16xf32>,
        %get3A_1049 = vector.shape_cast %get3A_1048 : vector<1x1x16xf32> to vector<16xf32>
        %mul3A_1050 = arith.mulf %get3A_296, %get3A_1049 : vector<16xf32>
        %mul3A_1051 = arith.constant 4 : i32
        %mul3A_1052 = arith.muli %mul3A_1051, %add3A_291 : i32
        %add3A_1053 = arith.constant 1 : i32
        %add3A_1054 = arith.addi %mul3A_1052, %add3A_1053 : i32
        %get3A_1055 = arith.constant 1 : i32
        %get3A_1056 = arith.index_cast %get3A_1055 : i32 to index
        %get3A_1057 = arith.index_cast %add3A_1054 : i32 to index
        %get3A_1058 = arith.constant 224 : index
        %get3A_1059 = tpu.vector_load %arg8[%get3A_1056, %get3A_1057, %get3A_1058] {strides = array<i32>} : memref<2x128x256xf32, #tpu.memory_space<vmem>>, vector<1x1x16xf32>,
        %get3A_1060 = vector.shape_cast %get3A_1059 : vector<1x1x16xf32> to vector<16xf32>
        %mul3A_1061 = arith.mulf %get3A_302, %get3A_1060 : vector<16xf32>
        %add3A_1062 = arith.addf %mul3A_1050, %mul3A_1061 : vector<16xf32>
        %mul3A_1063 = arith.constant 4 : i32
        %mul3A_1064 = arith.muli %mul3A_1063, %add3A_291 : i32
        %add3A_1065 = arith.constant 2 : i32
        %add3A_1066 = arith.addi %mul3A_1064, %add3A_1065 : i32
        %get3A_1067 = arith.constant 1 : i32
        %get3A_1068 = arith.index_cast %get3A_1067 : i32 to index
        %get3A_1069 = arith.index_cast %add3A_1066 : i32 to index
        %get3A_1070 = arith.constant 224 : index
        %get3A_1071 = tpu.vector_load %arg8[%get3A_1068, %get3A_1069, %get3A_1070] {strides = array<i32>} : memref<2x128x256xf32, #tpu.memory_space<vmem>>, vector<1x1x16xf32>,
        %get3A_1072 = vector.shape_cast %get3A_1071 : vector<1x1x16xf32> to vector<16xf32>
        %mul3A_1073 = arith.mulf %get3A_308, %get3A_1072 : vector<16xf32>
        %mul3A_1074 = arith.constant 4 : i32
        %mul3A_1075 = arith.muli %mul3A_1074, %add3A_291 : i32
        %add3A_1076 = arith.constant 3 : i32
        %add3A_1077 = arith.addi %mul3A_1075, %add3A_1076 : i32
        %get3A_1078 = arith.constant 1 : i32
        %get3A_1079 = arith.index_cast %get3A_1078 : i32 to index
        %get3A_1080 = arith.index_cast %add3A_1077 : i32 to index
        %get3A_1081 = arith.constant 224 : index
        %get3A_1082 = tpu.vector_load %arg8[%get3A_1079, %get3A_1080, %get3A_1081] {strides = array<i32>} : memref<2x128x256xf32, #tpu.memory_space<vmem>>, vector<1x1x16xf32>,
        %get3A_1083 = vector.shape_cast %get3A_1082 : vector<1x1x16xf32> to vector<16xf32>
        %mul3A_1084 = arith.mulf %get3A_314, %get3A_1083 : vector<16xf32>
        %add3A_1085 = arith.addf %mul3A_1073, %mul3A_1084 : vector<16xf32>
        %add3A_1086 = arith.addf %add3A_1062, %add3A_1085 : vector<16xf32>
        %swap3A_1087 = arith.constant 1 : i32
        %swap3A_1088 = arith.index_cast %swap3A_1087 : i32 to index
        %swap3A_1089 = arith.index_cast %add3A_291 : i32 to index
        %swap3A_1090 = arith.constant 224 : index
        %swap3A_1091 = tpu.vector_load %arg9[%swap3A_1088, %swap3A_1089, %swap3A_1090] {strides = array<i32>} : memref<2x32x256xf32, #tpu.memory_space<vmem>>, vector<1x1x16xf32>,
        %swap3A_1092 = vector.shape_cast %swap3A_1091 : vector<1x1x16xf32> to vector<16xf32>
        %swap3A_1093 = vector.shape_cast %add3A_1086 : vector<16xf32> to vector<1x1x16xf32>
        tpu.vector_store %arg9[%swap3A_1088, %swap3A_1089, %swap3A_1090], %swap3A_1093 {strides = array<i32>} : memref<2x32x256xf32, #tpu.memory_space<vmem>>, vector<1x1x16xf32>,
        %mul3A_1094 = arith.constant 4 : i32
        %mul3A_1095 = arith.muli %mul3A_1094, %add3A_291 : i32
        %get3A_1096 = arith.constant 1 : i32
        %get3A_1097 = arith.index_cast %get3A_1096 : i32 to index
        %get3A_1098 = arith.index_cast %mul3A_1095 : i32 to index
        %get3A_1099 = arith.constant 240 : index
        %get3A_1100 = tpu.vector_load %arg8[%get3A_1097, %get3A_1098, %get3A_1099] {strides = array<i32>} : memref<2x128x256xf32, #tpu.memory_space<vmem>>, vector<1x1x16xf32>,
        %get3A_1101 = vector.shape_cast %get3A_1100 : vector<1x1x16xf32> to vector<16xf32>
        %mul3A_1102 = arith.mulf %get3A_296, %get3A_1101 : vector<16xf32>
        %mul3A_1103 = arith.constant 4 : i32
        %mul3A_1104 = arith.muli %mul3A_1103, %add3A_291 : i32
        %add3A_1105 = arith.constant 1 : i32
        %add3A_1106 = arith.addi %mul3A_1104, %add3A_1105 : i32
        %get3A_1107 = arith.constant 1 : i32
        %get3A_1108 = arith.index_cast %get3A_1107 : i32 to index
        %get3A_1109 = arith.index_cast %add3A_1106 : i32 to index
        %get3A_1110 = arith.constant 240 : index
        %get3A_1111 = tpu.vector_load %arg8[%get3A_1108, %get3A_1109, %get3A_1110] {strides = array<i32>} : memref<2x128x256xf32, #tpu.memory_space<vmem>>, vector<1x1x16xf32>,
        %get3A_1112 = vector.shape_cast %get3A_1111 : vector<1x1x16xf32> to vector<16xf32>
        %mul3A_1113 = arith.mulf %get3A_302, %get3A_1112 : vector<16xf32>
        %add3A_1114 = arith.addf %mul3A_1102, %mul3A_1113 : vector<16xf32>
        %mul3A_1115 = arith.constant 4 : i32
        %mul3A_1116 = arith.muli %mul3A_1115, %add3A_291 : i32
        %add3A_1117 = arith.constant 2 : i32
        %add3A_1118 = arith.addi %mul3A_1116, %add3A_1117 : i32
        %get3A_1119 = arith.constant 1 : i32
        %get3A_1120 = arith.index_cast %get3A_1119 : i32 to index
        %get3A_1121 = arith.index_cast %add3A_1118 : i32 to index
        %get3A_1122 = arith.constant 240 : index
        %get3A_1123 = tpu.vector_load %arg8[%get3A_1120, %get3A_1121, %get3A_1122] {strides = array<i32>} : memref<2x128x256xf32, #tpu.memory_space<vmem>>, vector<1x1x16xf32>,
        %get3A_1124 = vector.shape_cast %get3A_1123 : vector<1x1x16xf32> to vector<16xf32>
        %mul3A_1125 = arith.mulf %get3A_308, %get3A_1124 : vector<16xf32>
        %mul3A_1126 = arith.constant 4 : i32
        %mul3A_1127 = arith.muli %mul3A_1126, %add3A_291 : i32
        %add3A_1128 = arith.constant 3 : i32
        %add3A_1129 = arith.addi %mul3A_1127, %add3A_1128 : i32
        %get3A_1130 = arith.constant 1 : i32
        %get3A_1131 = arith.index_cast %get3A_1130 : i32 to index
        %get3A_1132 = arith.index_cast %add3A_1129 : i32 to index
        %get3A_1133 = arith.constant 240 : index
        %get3A_1134 = tpu.vector_load %arg8[%get3A_1131, %get3A_1132, %get3A_1133] {strides = array<i32>} : memref<2x128x256xf32, #tpu.memory_space<vmem>>, vector<1x1x16xf32>,
        %get3A_1135 = vector.shape_cast %get3A_1134 : vector<1x1x16xf32> to vector<16xf32>
        %mul3A_1136 = arith.mulf %get3A_314, %get3A_1135 : vector<16xf32>
        %add3A_1137 = arith.addf %mul3A_1125, %mul3A_1136 : vector<16xf32>
        %add3A_1138 = arith.addf %add3A_1114, %add3A_1137 : vector<16xf32>
        %swap3A_1139 = arith.constant 1 : i32
        %swap3A_1140 = arith.index_cast %swap3A_1139 : i32 to index
        %swap3A_1141 = arith.index_cast %add3A_291 : i32 to index
        %swap3A_1142 = arith.constant 240 : index
        %swap3A_1143 = tpu.vector_load %arg9[%swap3A_1140, %swap3A_1141, %swap3A_1142] {strides = array<i32>} : memref<2x32x256xf32, #tpu.memory_space<vmem>>, vector<1x1x16xf32>,
        %swap3A_1144 = vector.shape_cast %swap3A_1143 : vector<1x1x16xf32> to vector<16xf32>
        %swap3A_1145 = vector.shape_cast %add3A_1138 : vector<16xf32> to vector<1x1x16xf32>
        tpu.vector_store %arg9[%swap3A_1140, %swap3A_1141, %swap3A_1142], %swap3A_1145 {strides = array<i32>} : memref<2x32x256xf32, #tpu.memory_space<vmem>>, vector<1x1x16xf32>,
        %add3A_1146 = arith.constant 1 : i32
        %add3A_1147 = arith.addi %add3A_291, %add3A_1146 : i32
        %get3A_1148 = arith.constant 1 : i32
        %get3A_1149 = arith.index_cast %get3A_1148 : i32 to index
        %get3A_1150 = arith.index_cast %add3A_1147 : i32 to index
        %get3A_1151 = arith.constant 0 : index
        %get3A_1152 = tpu.vector_load %arg7[%get3A_1149, %get3A_1150, %get3A_1151] {strides = array<i32>} : memref<2x32x64xf32, #tpu.memory_space<vmem>>, vector<1x1x16xf32>,
        %get3A_1153 = vector.shape_cast %get3A_1152 : vector<1x1x16xf32> to vector<16xf32>
        %get3A_1154 = arith.constant 1 : i32
        %get3A_1155 = arith.index_cast %get3A_1154 : i32 to index
        %get3A_1156 = arith.index_cast %add3A_1147 : i32 to index
        %get3A_1157 = arith.constant 16 : index
        %get3A_1158 = tpu.vector_load %arg7[%get3A_1155, %get3A_1156, %get3A_1157] {strides = array<i32>} : memref<2x32x64xf32, #tpu.memory_space<vmem>>, vector<1x1x16xf32>,
        %get3A_1159 = vector.shape_cast %get3A_1158 : vector<1x1x16xf32> to vector<16xf32>
        %get3A_1160 = arith.constant 1 : i32
        %get3A_1161 = arith.index_cast %get3A_1160 : i32 to index
        %get3A_1162 = arith.index_cast %add3A_1147 : i32 to index
        %get3A_1163 = arith.constant 32 : index
        %get3A_1164 = tpu.vector_load %arg7[%get3A_1161, %get3A_1162, %get3A_1163] {strides = array<i32>} : memref<2x32x64xf32, #tpu.memory_space<vmem>>, vector<1x1x16xf32>,
        %get3A_1165 = vector.shape_cast %get3A_1164 : vector<1x1x16xf32> to vector<16xf32>
        %get3A_1166 = arith.constant 1 : i32
        %get3A_1167 = arith.index_cast %get3A_1166 : i32 to index
        %get3A_1168 = arith.index_cast %add3A_1147 : i32 to index
        %get3A_1169 = arith.constant 48 : index
        %get3A_1170 = tpu.vector_load %arg7[%get3A_1167, %get3A_1168, %get3A_1169] {strides = array<i32>} : memref<2x32x64xf32, #tpu.memory_space<vmem>>, vector<1x1x16xf32>,
        %get3A_1171 = vector.shape_cast %get3A_1170 : vector<1x1x16xf32> to vector<16xf32>
        %mul3A_1172 = arith.constant 4 : i32
        %mul3A_1173 = arith.muli %mul3A_1172, %add3A_1147 : i32
        %get3A_1174 = arith.constant 1 : i32
        %get3A_1175 = arith.index_cast %get3A_1174 : i32 to index
        %get3A_1176 = arith.index_cast %mul3A_1173 : i32 to index
        %get3A_1177 = arith.constant 0 : index
        %get3A_1178 = tpu.vector_load %arg8[%get3A_1175, %get3A_1176, %get3A_1177] {strides = array<i32>} : memref<2x128x256xf32, #tpu.memory_space<vmem>>, vector<1x1x16xf32>,
        %get3A_1179 = vector.shape_cast %get3A_1178 : vector<1x1x16xf32> to vector<16xf32>
        %mul3A_1180 = arith.mulf %get3A_1153, %get3A_1179 : vector<16xf32>
        %mul3A_1181 = arith.constant 4 : i32
        %mul3A_1182 = arith.muli %mul3A_1181, %add3A_1147 : i32
        %add3A_1183 = arith.constant 1 : i32
        %add3A_1184 = arith.addi %mul3A_1182, %add3A_1183 : i32
        %get3A_1185 = arith.constant 1 : i32
        %get3A_1186 = arith.index_cast %get3A_1185 : i32 to index
        %get3A_1187 = arith.index_cast %add3A_1184 : i32 to index
        %get3A_1188 = arith.constant 0 : index
        %get3A_1189 = tpu.vector_load %arg8[%get3A_1186, %get3A_1187, %get3A_1188] {strides = array<i32>} : memref<2x128x256xf32, #tpu.memory_space<vmem>>, vector<1x1x16xf32>,
        %get3A_1190 = vector.shape_cast %get3A_1189 : vector<1x1x16xf32> to vector<16xf32>
        %mul3A_1191 = arith.mulf %get3A_1159, %get3A_1190 : vector<16xf32>
        %add3A_1192 = arith.addf %mul3A_1180, %mul3A_1191 : vector<16xf32>
        %mul3A_1193 = arith.constant 4 : i32
        %mul3A_1194 = arith.muli %mul3A_1193, %add3A_1147 : i32
        %add3A_1195 = arith.constant 2 : i32
        %add3A_1196 = arith.addi %mul3A_1194, %add3A_1195 : i32
        %get3A_1197 = arith.constant 1 : i32
        %get3A_1198 = arith.index_cast %get3A_1197 : i32 to index
        %get3A_1199 = arith.index_cast %add3A_1196 : i32 to index
        %get3A_1200 = arith.constant 0 : index
        %get3A_1201 = tpu.vector_load %arg8[%get3A_1198, %get3A_1199, %get3A_1200] {strides = array<i32>} : memref<2x128x256xf32, #tpu.memory_space<vmem>>, vector<1x1x16xf32>,
        %get3A_1202 = vector.shape_cast %get3A_1201 : vector<1x1x16xf32> to vector<16xf32>
        %mul3A_1203 = arith.mulf %get3A_1165, %get3A_1202 : vector<16xf32>
        %mul3A_1204 = arith.constant 4 : i32
        %mul3A_1205 = arith.muli %mul3A_1204, %add3A_1147 : i32
        %add3A_1206 = arith.constant 3 : i32
        %add3A_1207 = arith.addi %mul3A_1205, %add3A_1206 : i32
        %get3A_1208 = arith.constant 1 : i32
        %get3A_1209 = arith.index_cast %get3A_1208 : i32 to index
        %get3A_1210 = arith.index_cast %add3A_1207 : i32 to index
        %get3A_1211 = arith.constant 0 : index
        %get3A_1212 = tpu.vector_load %arg8[%get3A_1209, %get3A_1210, %get3A_1211] {strides = array<i32>} : memref<2x128x256xf32, #tpu.memory_space<vmem>>, vector<1x1x16xf32>,
        %get3A_1213 = vector.shape_cast %get3A_1212 : vector<1x1x16xf32> to vector<16xf32>
        %mul3A_1214 = arith.mulf %get3A_1171, %get3A_1213 : vector<16xf32>
        %add3A_1215 = arith.addf %mul3A_1203, %mul3A_1214 : vector<16xf32>
        %add3A_1216 = arith.addf %add3A_1192, %add3A_1215 : vector<16xf32>
        %swap3A_1217 = arith.constant 1 : i32
        %swap3A_1218 = arith.index_cast %swap3A_1217 : i32 to index
        %swap3A_1219 = arith.index_cast %add3A_1147 : i32 to index
        %swap3A_1220 = arith.constant 0 : index
        %swap3A_1221 = tpu.vector_load %arg9[%swap3A_1218, %swap3A_1219, %swap3A_1220] {strides = array<i32>} : memref<2x32x256xf32, #tpu.memory_space<vmem>>, vector<1x1x16xf32>,
        %swap3A_1222 = vector.shape_cast %swap3A_1221 : vector<1x1x16xf32> to vector<16xf32>
        %swap3A_1223 = vector.shape_cast %add3A_1216 : vector<16xf32> to vector<1x1x16xf32>
        tpu.vector_store %arg9[%swap3A_1218, %swap3A_1219, %swap3A_1220], %swap3A_1223 {strides = array<i32>} : memref<2x32x256xf32, #tpu.memory_space<vmem>>, vector<1x1x16xf32>,
        %mul3A_1224 = arith.constant 4 : i32
        %mul3A_1225 = arith.muli %mul3A_1224, %add3A_1147 : i32
        %get3A_1226 = arith.constant 1 : i32
        %get3A_1227 = arith.index_cast %get3A_1226 : i32 to index
        %get3A_1228 = arith.index_cast %mul3A_1225 : i32 to index
        %get3A_1229 = arith.constant 16 : index
        %get3A_1230 = tpu.vector_load %arg8[%get3A_1227, %get3A_1228, %get3A_1229] {strides = array<i32>} : memref<2x128x256xf32, #tpu.memory_space<vmem>>, vector<1x1x16xf32>,
        %get3A_1231 = vector.shape_cast %get3A_1230 : vector<1x1x16xf32> to vector<16xf32>
        %mul3A_1232 = arith.mulf %get3A_1153, %get3A_1231 : vector<16xf32>
        %mul3A_1233 = arith.constant 4 : i32
        %mul3A_1234 = arith.muli %mul3A_1233, %add3A_1147 : i32
        %add3A_1235 = arith.constant 1 : i32
        %add3A_1236 = arith.addi %mul3A_1234, %add3A_1235 : i32
        %get3A_1237 = arith.constant 1 : i32
        %get3A_1238 = arith.index_cast %get3A_1237 : i32 to index
        %get3A_1239 = arith.index_cast %add3A_1236 : i32 to index
        %get3A_1240 = arith.constant 16 : index
        %get3A_1241 = tpu.vector_load %arg8[%get3A_1238, %get3A_1239, %get3A_1240] {strides = array<i32>} : memref<2x128x256xf32, #tpu.memory_space<vmem>>, vector<1x1x16xf32>,
        %get3A_1242 = vector.shape_cast %get3A_1241 : vector<1x1x16xf32> to vector<16xf32>
        %mul3A_1243 = arith.mulf %get3A_1159, %get3A_1242 : vector<16xf32>
        %add3A_1244 = arith.addf %mul3A_1232, %mul3A_1243 : vector<16xf32>
        %mul3A_1245 = arith.constant 4 : i32
        %mul3A_1246 = arith.muli %mul3A_1245, %add3A_1147 : i32
        %add3A_1247 = arith.constant 2 : i32
        %add3A_1248 = arith.addi %mul3A_1246, %add3A_1247 : i32
        %get3A_1249 = arith.constant 1 : i32
        %get3A_1250 = arith.index_cast %get3A_1249 : i32 to index
        %get3A_1251 = arith.index_cast %add3A_1248 : i32 to index
        %get3A_1252 = arith.constant 16 : index
        %get3A_1253 = tpu.vector_load %arg8[%get3A_1250, %get3A_1251, %get3A_1252] {strides = array<i32>} : memref<2x128x256xf32, #tpu.memory_space<vmem>>, vector<1x1x16xf32>,
        %get3A_1254 = vector.shape_cast %get3A_1253 : vector<1x1x16xf32> to vector<16xf32>
        %mul3A_1255 = arith.mulf %get3A_1165, %get3A_1254 : vector<16xf32>
        %mul3A_1256 = arith.constant 4 : i32
        %mul3A_1257 = arith.muli %mul3A_1256, %add3A_1147 : i32
        %add3A_1258 = arith.constant 3 : i32
        %add3A_1259 = arith.addi %mul3A_1257, %add3A_1258 : i32
        %get3A_1260 = arith.constant 1 : i32
        %get3A_1261 = arith.index_cast %get3A_1260 : i32 to index
        %get3A_1262 = arith.index_cast %add3A_1259 : i32 to index
        %get3A_1263 = arith.constant 16 : index
        %get3A_1264 = tpu.vector_load %arg8[%get3A_1261, %get3A_1262, %get3A_1263] {strides = array<i32>} : memref<2x128x256xf32, #tpu.memory_space<vmem>>, vector<1x1x16xf32>,
        %get3A_1265 = vector.shape_cast %get3A_1264 : vector<1x1x16xf32> to vector<16xf32>
        %mul3A_1266 = arith.mulf %get3A_1171, %get3A_1265 : vector<16xf32>
        %add3A_1267 = arith.addf %mul3A_1255, %mul3A_1266 : vector<16xf32>
        %add3A_1268 = arith.addf %add3A_1244, %add3A_1267 : vector<16xf32>
        %swap3A_1269 = arith.constant 1 : i32
        %swap3A_1270 = arith.index_cast %swap3A_1269 : i32 to index
        %swap3A_1271 = arith.index_cast %add3A_1147 : i32 to index
        %swap3A_1272 = arith.constant 16 : index
        %swap3A_1273 = tpu.vector_load %arg9[%swap3A_1270, %swap3A_1271, %swap3A_1272] {strides = array<i32>} : memref<2x32x256xf32, #tpu.memory_space<vmem>>, vector<1x1x16xf32>,
        %swap3A_1274 = vector.shape_cast %swap3A_1273 : vector<1x1x16xf32> to vector<16xf32>
        %swap3A_1275 = vector.shape_cast %add3A_1268 : vector<16xf32> to vector<1x1x16xf32>
        tpu.vector_store %arg9[%swap3A_1270, %swap3A_1271, %swap3A_1272], %swap3A_1275 {strides = array<i32>} : memref<2x32x256xf32, #tpu.memory_space<vmem>>, vector<1x1x16xf32>,
        %mul3A_1276 = arith.constant 4 : i32
        %mul3A_1277 = arith.muli %mul3A_1276, %add3A_1147 : i32
        %get3A_1278 = arith.constant 1 : i32
        %get3A_1279 = arith.index_cast %get3A_1278 : i32 to index
        %get3A_1280 = arith.index_cast %mul3A_1277 : i32 to index
        %get3A_1281 = arith.constant 32 : index
        %get3A_1282 = tpu.vector_load %arg8[%get3A_1279, %get3A_1280, %get3A_1281] {strides = array<i32>} : memref<2x128x256xf32, #tpu.memory_space<vmem>>, vector<1x1x16xf32>,
        %get3A_1283 = vector.shape_cast %get3A_1282 : vector<1x1x16xf32> to vector<16xf32>
        %mul3A_1284 = arith.mulf %get3A_1153, %get3A_1283 : vector<16xf32>
        %mul3A_1285 = arith.constant 4 : i32
        %mul3A_1286 = arith.muli %mul3A_1285, %add3A_1147 : i32
        %add3A_1287 = arith.constant 1 : i32
        %add3A_1288 = arith.addi %mul3A_1286, %add3A_1287 : i32
        %get3A_1289 = arith.constant 1 : i32
        %get3A_1290 = arith.index_cast %get3A_1289 : i32 to index
        %get3A_1291 = arith.index_cast %add3A_1288 : i32 to index
        %get3A_1292 = arith.constant 32 : index
        %get3A_1293 = tpu.vector_load %arg8[%get3A_1290, %get3A_1291, %get3A_1292] {strides = array<i32>} : memref<2x128x256xf32, #tpu.memory_space<vmem>>, vector<1x1x16xf32>,
        %get3A_1294 = vector.shape_cast %get3A_1293 : vector<1x1x16xf32> to vector<16xf32>
        %mul3A_1295 = arith.mulf %get3A_1159, %get3A_1294 : vector<16xf32>
        %add3A_1296 = arith.addf %mul3A_1284, %mul3A_1295 : vector<16xf32>
        %mul3A_1297 = arith.constant 4 : i32
        %mul3A_1298 = arith.muli %mul3A_1297, %add3A_1147 : i32
        %add3A_1299 = arith.constant 2 : i32
        %add3A_1300 = arith.addi %mul3A_1298, %add3A_1299 : i32
        %get3A_1301 = arith.constant 1 : i32
        %get3A_1302 = arith.index_cast %get3A_1301 : i32 to index
        %get3A_1303 = arith.index_cast %add3A_1300 : i32 to index
        %get3A_1304 = arith.constant 32 : index
        %get3A_1305 = tpu.vector_load %arg8[%get3A_1302, %get3A_1303, %get3A_1304] {strides = array<i32>} : memref<2x128x256xf32, #tpu.memory_space<vmem>>, vector<1x1x16xf32>,
        %get3A_1306 = vector.shape_cast %get3A_1305 : vector<1x1x16xf32> to vector<16xf32>
        %mul3A_1307 = arith.mulf %get3A_1165, %get3A_1306 : vector<16xf32>
        %mul3A_1308 = arith.constant 4 : i32
        %mul3A_1309 = arith.muli %mul3A_1308, %add3A_1147 : i32
        %add3A_1310 = arith.constant 3 : i32
        %add3A_1311 = arith.addi %mul3A_1309, %add3A_1310 : i32
        %get3A_1312 = arith.constant 1 : i32
        %get3A_1313 = arith.index_cast %get3A_1312 : i32 to index
        %get3A_1314 = arith.index_cast %add3A_1311 : i32 to index
        %get3A_1315 = arith.constant 32 : index
        %get3A_1316 = tpu.vector_load %arg8[%get3A_1313, %get3A_1314, %get3A_1315] {strides = array<i32>} : memref<2x128x256xf32, #tpu.memory_space<vmem>>, vector<1x1x16xf32>,
        %get3A_1317 = vector.shape_cast %get3A_1316 : vector<1x1x16xf32> to vector<16xf32>
        %mul3A_1318 = arith.mulf %get3A_1171, %get3A_1317 : vector<16xf32>
        %add3A_1319 = arith.addf %mul3A_1307, %mul3A_1318 : vector<16xf32>
        %add3A_1320 = arith.addf %add3A_1296, %add3A_1319 : vector<16xf32>
        %swap3A_1321 = arith.constant 1 : i32
        %swap3A_1322 = arith.index_cast %swap3A_1321 : i32 to index
        %swap3A_1323 = arith.index_cast %add3A_1147 : i32 to index
        %swap3A_1324 = arith.constant 32 : index
        %swap3A_1325 = tpu.vector_load %arg9[%swap3A_1322, %swap3A_1323, %swap3A_1324] {strides = array<i32>} : memref<2x32x256xf32, #tpu.memory_space<vmem>>, vector<1x1x16xf32>,
        %swap3A_1326 = vector.shape_cast %swap3A_1325 : vector<1x1x16xf32> to vector<16xf32>
        %swap3A_1327 = vector.shape_cast %add3A_1320 : vector<16xf32> to vector<1x1x16xf32>
        tpu.vector_store %arg9[%swap3A_1322, %swap3A_1323, %swap3A_1324], %swap3A_1327 {strides = array<i32>} : memref<2x32x256xf32, #tpu.memory_space<vmem>>, vector<1x1x16xf32>,
        %mul3A_1328 = arith.constant 4 : i32
        %mul3A_1329 = arith.muli %mul3A_1328, %add3A_1147 : i32
        %get3A_1330 = arith.constant 1 : i32
        %get3A_1331 = arith.index_cast %get3A_1330 : i32 to index
        %get3A_1332 = arith.index_cast %mul3A_1329 : i32 to index
        %get3A_1333 = arith.constant 48 : index
        %get3A_1334 = tpu.vector_load %arg8[%get3A_1331, %get3A_1332, %get3A_1333] {strides = array<i32>} : memref<2x128x256xf32, #tpu.memory_space<vmem>>, vector<1x1x16xf32>,
        %get3A_1335 = vector.shape_cast %get3A_1334 : vector<1x1x16xf32> to vector<16xf32>
        %mul3A_1336 = arith.mulf %get3A_1153, %get3A_1335 : vector<16xf32>
        %mul3A_1337 = arith.constant 4 : i32
        %mul3A_1338 = arith.muli %mul3A_1337, %add3A_1147 : i32
        %add3A_1339 = arith.constant 1 : i32
        %add3A_1340 = arith.addi %mul3A_1338, %add3A_1339 : i32
        %get3A_1341 = arith.constant 1 : i32
        %get3A_1342 = arith.index_cast %get3A_1341 : i32 to index
        %get3A_1343 = arith.index_cast %add3A_1340 : i32 to index
        %get3A_1344 = arith.constant 48 : index
        %get3A_1345 = tpu.vector_load %arg8[%get3A_1342, %get3A_1343, %get3A_1344] {strides = array<i32>} : memref<2x128x256xf32, #tpu.memory_space<vmem>>, vector<1x1x16xf32>,
        %get3A_1346 = vector.shape_cast %get3A_1345 : vector<1x1x16xf32> to vector<16xf32>
        %mul3A_1347 = arith.mulf %get3A_1159, %get3A_1346 : vector<16xf32>
        %add3A_1348 = arith.addf %mul3A_1336, %mul3A_1347 : vector<16xf32>
        %mul3A_1349 = arith.constant 4 : i32
        %mul3A_1350 = arith.muli %mul3A_1349, %add3A_1147 : i32
        %add3A_1351 = arith.constant 2 : i32
        %add3A_1352 = arith.addi %mul3A_1350, %add3A_1351 : i32
        %get3A_1353 = arith.constant 1 : i32
        %get3A_1354 = arith.index_cast %get3A_1353 : i32 to index
        %get3A_1355 = arith.index_cast %add3A_1352 : i32 to index
        %get3A_1356 = arith.constant 48 : index
        %get3A_1357 = tpu.vector_load %arg8[%get3A_1354, %get3A_1355, %get3A_1356] {strides = array<i32>} : memref<2x128x256xf32, #tpu.memory_space<vmem>>, vector<1x1x16xf32>,
        %get3A_1358 = vector.shape_cast %get3A_1357 : vector<1x1x16xf32> to vector<16xf32>
        %mul3A_1359 = arith.mulf %get3A_1165, %get3A_1358 : vector<16xf32>
        %mul3A_1360 = arith.constant 4 : i32
        %mul3A_1361 = arith.muli %mul3A_1360, %add3A_1147 : i32
        %add3A_1362 = arith.constant 3 : i32
        %add3A_1363 = arith.addi %mul3A_1361, %add3A_1362 : i32
        %get3A_1364 = arith.constant 1 : i32
        %get3A_1365 = arith.index_cast %get3A_1364 : i32 to index
        %get3A_1366 = arith.index_cast %add3A_1363 : i32 to index
        %get3A_1367 = arith.constant 48 : index
        %get3A_1368 = tpu.vector_load %arg8[%get3A_1365, %get3A_1366, %get3A_1367] {strides = array<i32>} : memref<2x128x256xf32, #tpu.memory_space<vmem>>, vector<1x1x16xf32>,
        %get3A_1369 = vector.shape_cast %get3A_1368 : vector<1x1x16xf32> to vector<16xf32>
        %mul3A_1370 = arith.mulf %get3A_1171, %get3A_1369 : vector<16xf32>
        %add3A_1371 = arith.addf %mul3A_1359, %mul3A_1370 : vector<16xf32>
        %add3A_1372 = arith.addf %add3A_1348, %add3A_1371 : vector<16xf32>
        %swap3A_1373 = arith.constant 1 : i32
        %swap3A_1374 = arith.index_cast %swap3A_1373 : i32 to index
        %swap3A_1375 = arith.index_cast %add3A_1147 : i32 to index
        %swap3A_1376 = arith.constant 48 : index
        %swap3A_1377 = tpu.vector_load %arg9[%swap3A_1374, %swap3A_1375, %swap3A_1376] {strides = array<i32>} : memref<2x32x256xf32, #tpu.memory_space<vmem>>, vector<1x1x16xf32>,
        %swap3A_1378 = vector.shape_cast %swap3A_1377 : vector<1x1x16xf32> to vector<16xf32>
        %swap3A_1379 = vector.shape_cast %add3A_1372 : vector<16xf32> to vector<1x1x16xf32>
        tpu.vector_store %arg9[%swap3A_1374, %swap3A_1375, %swap3A_1376], %swap3A_1379 {strides = array<i32>} : memref<2x32x256xf32, #tpu.memory_space<vmem>>, vector<1x1x16xf32>,
        %mul3A_1380 = arith.constant 4 : i32
        %mul3A_1381 = arith.muli %mul3A_1380, %add3A_1147 : i32
        %get3A_1382 = arith.constant 1 : i32
        %get3A_1383 = arith.index_cast %get3A_1382 : i32 to index
        %get3A_1384 = arith.index_cast %mul3A_1381 : i32 to index
        %get3A_1385 = arith.constant 64 : index
        %get3A_1386 = tpu.vector_load %arg8[%get3A_1383, %get3A_1384, %get3A_1385] {strides = array<i32>} : memref<2x128x256xf32, #tpu.memory_space<vmem>>, vector<1x1x16xf32>,
        %get3A_1387 = vector.shape_cast %get3A_1386 : vector<1x1x16xf32> to vector<16xf32>
        %mul3A_1388 = arith.mulf %get3A_1153, %get3A_1387 : vector<16xf32>
        %mul3A_1389 = arith.constant 4 : i32
        %mul3A_1390 = arith.muli %mul3A_1389, %add3A_1147 : i32
        %add3A_1391 = arith.constant 1 : i32
        %add3A_1392 = arith.addi %mul3A_1390, %add3A_1391 : i32
        %get3A_1393 = arith.constant 1 : i32
        %get3A_1394 = arith.index_cast %get3A_1393 : i32 to index
        %get3A_1395 = arith.index_cast %add3A_1392 : i32 to index
        %get3A_1396 = arith.constant 64 : index
        %get3A_1397 = tpu.vector_load %arg8[%get3A_1394, %get3A_1395, %get3A_1396] {strides = array<i32>} : memref<2x128x256xf32, #tpu.memory_space<vmem>>, vector<1x1x16xf32>,
        %get3A_1398 = vector.shape_cast %get3A_1397 : vector<1x1x16xf32> to vector<16xf32>
        %mul3A_1399 = arith.mulf %get3A_1159, %get3A_1398 : vector<16xf32>
        %add3A_1400 = arith.addf %mul3A_1388, %mul3A_1399 : vector<16xf32>
        %mul3A_1401 = arith.constant 4 : i32
        %mul3A_1402 = arith.muli %mul3A_1401, %add3A_1147 : i32
        %add3A_1403 = arith.constant 2 : i32
        %add3A_1404 = arith.addi %mul3A_1402, %add3A_1403 : i32
        %get3A_1405 = arith.constant 1 : i32
        %get3A_1406 = arith.index_cast %get3A_1405 : i32 to index
        %get3A_1407 = arith.index_cast %add3A_1404 : i32 to index
        %get3A_1408 = arith.constant 64 : index
        %get3A_1409 = tpu.vector_load %arg8[%get3A_1406, %get3A_1407, %get3A_1408] {strides = array<i32>} : memref<2x128x256xf32, #tpu.memory_space<vmem>>, vector<1x1x16xf32>,
        %get3A_1410 = vector.shape_cast %get3A_1409 : vector<1x1x16xf32> to vector<16xf32>
        %mul3A_1411 = arith.mulf %get3A_1165, %get3A_1410 : vector<16xf32>
        %mul3A_1412 = arith.constant 4 : i32
        %mul3A_1413 = arith.muli %mul3A_1412, %add3A_1147 : i32
        %add3A_1414 = arith.constant 3 : i32
        %add3A_1415 = arith.addi %mul3A_1413, %add3A_1414 : i32
        %get3A_1416 = arith.constant 1 : i32
        %get3A_1417 = arith.index_cast %get3A_1416 : i32 to index
        %get3A_1418 = arith.index_cast %add3A_1415 : i32 to index
        %get3A_1419 = arith.constant 64 : index
        %get3A_1420 = tpu.vector_load %arg8[%get3A_1417, %get3A_1418, %get3A_1419] {strides = array<i32>} : memref<2x128x256xf32, #tpu.memory_space<vmem>>, vector<1x1x16xf32>,
        %get3A_1421 = vector.shape_cast %get3A_1420 : vector<1x1x16xf32> to vector<16xf32>
        %mul3A_1422 = arith.mulf %get3A_1171, %get3A_1421 : vector<16xf32>
        %add3A_1423 = arith.addf %mul3A_1411, %mul3A_1422 : vector<16xf32>
        %add3A_1424 = arith.addf %add3A_1400, %add3A_1423 : vector<16xf32>
        %swap3A_1425 = arith.constant 1 : i32
        %swap3A_1426 = arith.index_cast %swap3A_1425 : i32 to index
        %swap3A_1427 = arith.index_cast %add3A_1147 : i32 to index
        %swap3A_1428 = arith.constant 64 : index
        %swap3A_1429 = tpu.vector_load %arg9[%swap3A_1426, %swap3A_1427, %swap3A_1428] {strides = array<i32>} : memref<2x32x256xf32, #tpu.memory_space<vmem>>, vector<1x1x16xf32>,
        %swap3A_1430 = vector.shape_cast %swap3A_1429 : vector<1x1x16xf32> to vector<16xf32>
        %swap3A_1431 = vector.shape_cast %add3A_1424 : vector<16xf32> to vector<1x1x16xf32>
        tpu.vector_store %arg9[%swap3A_1426, %swap3A_1427, %swap3A_1428], %swap3A_1431 {strides = array<i32>} : memref<2x32x256xf32, #tpu.memory_space<vmem>>, vector<1x1x16xf32>,
        %mul3A_1432 = arith.constant 4 : i32
        %mul3A_1433 = arith.muli %mul3A_1432, %add3A_1147 : i32
        %get3A_1434 = arith.constant 1 : i32
        %get3A_1435 = arith.index_cast %get3A_1434 : i32 to index
        %get3A_1436 = arith.index_cast %mul3A_1433 : i32 to index
        %get3A_1437 = arith.constant 80 : index
        %get3A_1438 = tpu.vector_load %arg8[%get3A_1435, %get3A_1436, %get3A_1437] {strides = array<i32>} : memref<2x128x256xf32, #tpu.memory_space<vmem>>, vector<1x1x16xf32>,
        %get3A_1439 = vector.shape_cast %get3A_1438 : vector<1x1x16xf32> to vector<16xf32>
        %mul3A_1440 = arith.mulf %get3A_1153, %get3A_1439 : vector<16xf32>
        %mul3A_1441 = arith.constant 4 : i32
        %mul3A_1442 = arith.muli %mul3A_1441, %add3A_1147 : i32
        %add3A_1443 = arith.constant 1 : i32
        %add3A_1444 = arith.addi %mul3A_1442, %add3A_1443 : i32
        %get3A_1445 = arith.constant 1 : i32
        %get3A_1446 = arith.index_cast %get3A_1445 : i32 to index
        %get3A_1447 = arith.index_cast %add3A_1444 : i32 to index
        %get3A_1448 = arith.constant 80 : index
        %get3A_1449 = tpu.vector_load %arg8[%get3A_1446, %get3A_1447, %get3A_1448] {strides = array<i32>} : memref<2x128x256xf32, #tpu.memory_space<vmem>>, vector<1x1x16xf32>,
        %get3A_1450 = vector.shape_cast %get3A_1449 : vector<1x1x16xf32> to vector<16xf32>
        %mul3A_1451 = arith.mulf %get3A_1159, %get3A_1450 : vector<16xf32>
        %add3A_1452 = arith.addf %mul3A_1440, %mul3A_1451 : vector<16xf32>
        %mul3A_1453 = arith.constant 4 : i32
        %mul3A_1454 = arith.muli %mul3A_1453, %add3A_1147 : i32
        %add3A_1455 = arith.constant 2 : i32
        %add3A_1456 = arith.addi %mul3A_1454, %add3A_1455 : i32
        %get3A_1457 = arith.constant 1 : i32
        %get3A_1458 = arith.index_cast %get3A_1457 : i32 to index
        %get3A_1459 = arith.index_cast %add3A_1456 : i32 to index
        %get3A_1460 = arith.constant 80 : index
        %get3A_1461 = tpu.vector_load %arg8[%get3A_1458, %get3A_1459, %get3A_1460] {strides = array<i32>} : memref<2x128x256xf32, #tpu.memory_space<vmem>>, vector<1x1x16xf32>,
        %get3A_1462 = vector.shape_cast %get3A_1461 : vector<1x1x16xf32> to vector<16xf32>
        %mul3A_1463 = arith.mulf %get3A_1165, %get3A_1462 : vector<16xf32>
        %mul3A_1464 = arith.constant 4 : i32
        %mul3A_1465 = arith.muli %mul3A_1464, %add3A_1147 : i32
        %add3A_1466 = arith.constant 3 : i32
        %add3A_1467 = arith.addi %mul3A_1465, %add3A_1466 : i32
        %get3A_1468 = arith.constant 1 : i32
        %get3A_1469 = arith.index_cast %get3A_1468 : i32 to index
        %get3A_1470 = arith.index_cast %add3A_1467 : i32 to index
        %get3A_1471 = arith.constant 80 : index
        %get3A_1472 = tpu.vector_load %arg8[%get3A_1469, %get3A_1470, %get3A_1471] {strides = array<i32>} : memref<2x128x256xf32, #tpu.memory_space<vmem>>, vector<1x1x16xf32>,
        %get3A_1473 = vector.shape_cast %get3A_1472 : vector<1x1x16xf32> to vector<16xf32>
        %mul3A_1474 = arith.mulf %get3A_1171, %get3A_1473 : vector<16xf32>
        %add3A_1475 = arith.addf %mul3A_1463, %mul3A_1474 : vector<16xf32>
        %add3A_1476 = arith.addf %add3A_1452, %add3A_1475 : vector<16xf32>
        %swap3A_1477 = arith.constant 1 : i32
        %swap3A_1478 = arith.index_cast %swap3A_1477 : i32 to index
        %swap3A_1479 = arith.index_cast %add3A_1147 : i32 to index
        %swap3A_1480 = arith.constant 80 : index
        %swap3A_1481 = tpu.vector_load %arg9[%swap3A_1478, %swap3A_1479, %swap3A_1480] {strides = array<i32>} : memref<2x32x256xf32, #tpu.memory_space<vmem>>, vector<1x1x16xf32>,
        %swap3A_1482 = vector.shape_cast %swap3A_1481 : vector<1x1x16xf32> to vector<16xf32>
        %swap3A_1483 = vector.shape_cast %add3A_1476 : vector<16xf32> to vector<1x1x16xf32>
        tpu.vector_store %arg9[%swap3A_1478, %swap3A_1479, %swap3A_1480], %swap3A_1483 {strides = array<i32>} : memref<2x32x256xf32, #tpu.memory_space<vmem>>, vector<1x1x16xf32>,
        %mul3A_1484 = arith.constant 4 : i32
        %mul3A_1485 = arith.muli %mul3A_1484, %add3A_1147 : i32
        %get3A_1486 = arith.constant 1 : i32
        %get3A_1487 = arith.index_cast %get3A_1486 : i32 to index
        %get3A_1488 = arith.index_cast %mul3A_1485 : i32 to index
        %get3A_1489 = arith.constant 96 : index
        %get3A_1490 = tpu.vector_load %arg8[%get3A_1487, %get3A_1488, %get3A_1489] {strides = array<i32>} : memref<2x128x256xf32, #tpu.memory_space<vmem>>, vector<1x1x16xf32>,
        %get3A_1491 = vector.shape_cast %get3A_1490 : vector<1x1x16xf32> to vector<16xf32>
        %mul3A_1492 = arith.mulf %get3A_1153, %get3A_1491 : vector<16xf32>
        %mul3A_1493 = arith.constant 4 : i32
        %mul3A_1494 = arith.muli %mul3A_1493, %add3A_1147 : i32
        %add3A_1495 = arith.constant 1 : i32
        %add3A_1496 = arith.addi %mul3A_1494, %add3A_1495 : i32
        %get3A_1497 = arith.constant 1 : i32
        %get3A_1498 = arith.index_cast %get3A_1497 : i32 to index
        %get3A_1499 = arith.index_cast %add3A_1496 : i32 to index
        %get3A_1500 = arith.constant 96 : index
        %get3A_1501 = tpu.vector_load %arg8[%get3A_1498, %get3A_1499, %get3A_1500] {strides = array<i32>} : memref<2x128x256xf32, #tpu.memory_space<vmem>>, vector<1x1x16xf32>,
        %get3A_1502 = vector.shape_cast %get3A_1501 : vector<1x1x16xf32> to vector<16xf32>
        %mul3A_1503 = arith.mulf %get3A_1159, %get3A_1502 : vector<16xf32>
        %add3A_1504 = arith.addf %mul3A_1492, %mul3A_1503 : vector<16xf32>
        %mul3A_1505 = arith.constant 4 : i32
        %mul3A_1506 = arith.muli %mul3A_1505, %add3A_1147 : i32
        %add3A_1507 = arith.constant 2 : i32
        %add3A_1508 = arith.addi %mul3A_1506, %add3A_1507 : i32
        %get3A_1509 = arith.constant 1 : i32
        %get3A_1510 = arith.index_cast %get3A_1509 : i32 to index
        %get3A_1511 = arith.index_cast %add3A_1508 : i32 to index
        %get3A_1512 = arith.constant 96 : index
        %get3A_1513 = tpu.vector_load %arg8[%get3A_1510, %get3A_1511, %get3A_1512] {strides = array<i32>} : memref<2x128x256xf32, #tpu.memory_space<vmem>>, vector<1x1x16xf32>,
        %get3A_1514 = vector.shape_cast %get3A_1513 : vector<1x1x16xf32> to vector<16xf32>
        %mul3A_1515 = arith.mulf %get3A_1165, %get3A_1514 : vector<16xf32>
        %mul3A_1516 = arith.constant 4 : i32
        %mul3A_1517 = arith.muli %mul3A_1516, %add3A_1147 : i32
        %add3A_1518 = arith.constant 3 : i32
        %add3A_1519 = arith.addi %mul3A_1517, %add3A_1518 : i32
        %get3A_1520 = arith.constant 1 : i32
        %get3A_1521 = arith.index_cast %get3A_1520 : i32 to index
        %get3A_1522 = arith.index_cast %add3A_1519 : i32 to index
        %get3A_1523 = arith.constant 96 : index
        %get3A_1524 = tpu.vector_load %arg8[%get3A_1521, %get3A_1522, %get3A_1523] {strides = array<i32>} : memref<2x128x256xf32, #tpu.memory_space<vmem>>, vector<1x1x16xf32>,
        %get3A_1525 = vector.shape_cast %get3A_1524 : vector<1x1x16xf32> to vector<16xf32>
        %mul3A_1526 = arith.mulf %get3A_1171, %get3A_1525 : vector<16xf32>
        %add3A_1527 = arith.addf %mul3A_1515, %mul3A_1526 : vector<16xf32>
        %add3A_1528 = arith.addf %add3A_1504, %add3A_1527 : vector<16xf32>
        %swap3A_1529 = arith.constant 1 : i32
        %swap3A_1530 = arith.index_cast %swap3A_1529 : i32 to index
        %swap3A_1531 = arith.index_cast %add3A_1147 : i32 to index
        %swap3A_1532 = arith.constant 96 : index
        %swap3A_1533 = tpu.vector_load %arg9[%swap3A_1530, %swap3A_1531, %swap3A_1532] {strides = array<i32>} : memref<2x32x256xf32, #tpu.memory_space<vmem>>, vector<1x1x16xf32>,
        %swap3A_1534 = vector.shape_cast %swap3A_1533 : vector<1x1x16xf32> to vector<16xf32>
        %swap3A_1535 = vector.shape_cast %add3A_1528 : vector<16xf32> to vector<1x1x16xf32>
        tpu.vector_store %arg9[%swap3A_1530, %swap3A_1531, %swap3A_1532], %swap3A_1535 {strides = array<i32>} : memref<2x32x256xf32, #tpu.memory_space<vmem>>, vector<1x1x16xf32>,
        %mul3A_1536 = arith.constant 4 : i32
        %mul3A_1537 = arith.muli %mul3A_1536, %add3A_1147 : i32
        %get3A_1538 = arith.constant 1 : i32
        %get3A_1539 = arith.index_cast %get3A_1538 : i32 to index
        %get3A_1540 = arith.index_cast %mul3A_1537 : i32 to index
        %get3A_1541 = arith.constant 112 : index
        %get3A_1542 = tpu.vector_load %arg8[%get3A_1539, %get3A_1540, %get3A_1541] {strides = array<i32>} : memref<2x128x256xf32, #tpu.memory_space<vmem>>, vector<1x1x16xf32>,
        %get3A_1543 = vector.shape_cast %get3A_1542 : vector<1x1x16xf32> to vector<16xf32>
        %mul3A_1544 = arith.mulf %get3A_1153, %get3A_1543 : vector<16xf32>
        %mul3A_1545 = arith.constant 4 : i32
        %mul3A_1546 = arith.muli %mul3A_1545, %add3A_1147 : i32
        %add3A_1547 = arith.constant 1 : i32
        %add3A_1548 = arith.addi %mul3A_1546, %add3A_1547 : i32
        %get3A_1549 = arith.constant 1 : i32
        %get3A_1550 = arith.index_cast %get3A_1549 : i32 to index
        %get3A_1551 = arith.index_cast %add3A_1548 : i32 to index
        %get3A_1552 = arith.constant 112 : index
        %get3A_1553 = tpu.vector_load %arg8[%get3A_1550, %get3A_1551, %get3A_1552] {strides = array<i32>} : memref<2x128x256xf32, #tpu.memory_space<vmem>>, vector<1x1x16xf32>,
        %get3A_1554 = vector.shape_cast %get3A_1553 : vector<1x1x16xf32> to vector<16xf32>
        %mul3A_1555 = arith.mulf %get3A_1159, %get3A_1554 : vector<16xf32>
        %add3A_1556 = arith.addf %mul3A_1544, %mul3A_1555 : vector<16xf32>
        %mul3A_1557 = arith.constant 4 : i32
        %mul3A_1558 = arith.muli %mul3A_1557, %add3A_1147 : i32
        %add3A_1559 = arith.constant 2 : i32
        %add3A_1560 = arith.addi %mul3A_1558, %add3A_1559 : i32
        %get3A_1561 = arith.constant 1 : i32
        %get3A_1562 = arith.index_cast %get3A_1561 : i32 to index
        %get3A_1563 = arith.index_cast %add3A_1560 : i32 to index
        %get3A_1564 = arith.constant 112 : index
        %get3A_1565 = tpu.vector_load %arg8[%get3A_1562, %get3A_1563, %get3A_1564] {strides = array<i32>} : memref<2x128x256xf32, #tpu.memory_space<vmem>>, vector<1x1x16xf32>,
        %get3A_1566 = vector.shape_cast %get3A_1565 : vector<1x1x16xf32> to vector<16xf32>
        %mul3A_1567 = arith.mulf %get3A_1165, %get3A_1566 : vector<16xf32>
        %mul3A_1568 = arith.constant 4 : i32
        %mul3A_1569 = arith.muli %mul3A_1568, %add3A_1147 : i32
        %add3A_1570 = arith.constant 3 : i32
        %add3A_1571 = arith.addi %mul3A_1569, %add3A_1570 : i32
        %get3A_1572 = arith.constant 1 : i32
        %get3A_1573 = arith.index_cast %get3A_1572 : i32 to index
        %get3A_1574 = arith.index_cast %add3A_1571 : i32 to index
        %get3A_1575 = arith.constant 112 : index
        %get3A_1576 = tpu.vector_load %arg8[%get3A_1573, %get3A_1574, %get3A_1575] {strides = array<i32>} : memref<2x128x256xf32, #tpu.memory_space<vmem>>, vector<1x1x16xf32>,
        %get3A_1577 = vector.shape_cast %get3A_1576 : vector<1x1x16xf32> to vector<16xf32>
        %mul3A_1578 = arith.mulf %get3A_1171, %get3A_1577 : vector<16xf32>
        %add3A_1579 = arith.addf %mul3A_1567, %mul3A_1578 : vector<16xf32>
        %add3A_1580 = arith.addf %add3A_1556, %add3A_1579 : vector<16xf32>
        %swap3A_1581 = arith.constant 1 : i32
        %swap3A_1582 = arith.index_cast %swap3A_1581 : i32 to index
        %swap3A_1583 = arith.index_cast %add3A_1147 : i32 to index
        %swap3A_1584 = arith.constant 112 : index
        %swap3A_1585 = tpu.vector_load %arg9[%swap3A_1582, %swap3A_1583, %swap3A_1584] {strides = array<i32>} : memref<2x32x256xf32, #tpu.memory_space<vmem>>, vector<1x1x16xf32>,
        %swap3A_1586 = vector.shape_cast %swap3A_1585 : vector<1x1x16xf32> to vector<16xf32>
        %swap3A_1587 = vector.shape_cast %add3A_1580 : vector<16xf32> to vector<1x1x16xf32>
        tpu.vector_store %arg9[%swap3A_1582, %swap3A_1583, %swap3A_1584], %swap3A_1587 {strides = array<i32>} : memref<2x32x256xf32, #tpu.memory_space<vmem>>, vector<1x1x16xf32>,
        %mul3A_1588 = arith.constant 4 : i32
        %mul3A_1589 = arith.muli %mul3A_1588, %add3A_1147 : i32
        %get3A_1590 = arith.constant 1 : i32
        %get3A_1591 = arith.index_cast %get3A_1590 : i32 to index
        %get3A_1592 = arith.index_cast %mul3A_1589 : i32 to index
        %get3A_1593 = arith.constant 128 : index
        %get3A_1594 = tpu.vector_load %arg8[%get3A_1591, %get3A_1592, %get3A_1593] {strides = array<i32>} : memref<2x128x256xf32, #tpu.memory_space<vmem>>, vector<1x1x16xf32>,
        %get3A_1595 = vector.shape_cast %get3A_1594 : vector<1x1x16xf32> to vector<16xf32>
        %mul3A_1596 = arith.mulf %get3A_1153, %get3A_1595 : vector<16xf32>
        %mul3A_1597 = arith.constant 4 : i32
        %mul3A_1598 = arith.muli %mul3A_1597, %add3A_1147 : i32
        %add3A_1599 = arith.constant 1 : i32
        %add3A_1600 = arith.addi %mul3A_1598, %add3A_1599 : i32
        %get3A_1601 = arith.constant 1 : i32
        %get3A_1602 = arith.index_cast %get3A_1601 : i32 to index
        %get3A_1603 = arith.index_cast %add3A_1600 : i32 to index
        %get3A_1604 = arith.constant 128 : index
        %get3A_1605 = tpu.vector_load %arg8[%get3A_1602, %get3A_1603, %get3A_1604] {strides = array<i32>} : memref<2x128x256xf32, #tpu.memory_space<vmem>>, vector<1x1x16xf32>,
        %get3A_1606 = vector.shape_cast %get3A_1605 : vector<1x1x16xf32> to vector<16xf32>
        %mul3A_1607 = arith.mulf %get3A_1159, %get3A_1606 : vector<16xf32>
        %add3A_1608 = arith.addf %mul3A_1596, %mul3A_1607 : vector<16xf32>
        %mul3A_1609 = arith.constant 4 : i32
        %mul3A_1610 = arith.muli %mul3A_1609, %add3A_1147 : i32
        %add3A_1611 = arith.constant 2 : i32
        %add3A_1612 = arith.addi %mul3A_1610, %add3A_1611 : i32
        %get3A_1613 = arith.constant 1 : i32
        %get3A_1614 = arith.index_cast %get3A_1613 : i32 to index
        %get3A_1615 = arith.index_cast %add3A_1612 : i32 to index
        %get3A_1616 = arith.constant 128 : index
        %get3A_1617 = tpu.vector_load %arg8[%get3A_1614, %get3A_1615, %get3A_1616] {strides = array<i32>} : memref<2x128x256xf32, #tpu.memory_space<vmem>>, vector<1x1x16xf32>,
        %get3A_1618 = vector.shape_cast %get3A_1617 : vector<1x1x16xf32> to vector<16xf32>
        %mul3A_1619 = arith.mulf %get3A_1165, %get3A_1618 : vector<16xf32>
        %mul3A_1620 = arith.constant 4 : i32
        %mul3A_1621 = arith.muli %mul3A_1620, %add3A_1147 : i32
        %add3A_1622 = arith.constant 3 : i32
        %add3A_1623 = arith.addi %mul3A_1621, %add3A_1622 : i32
        %get3A_1624 = arith.constant 1 : i32
        %get3A_1625 = arith.index_cast %get3A_1624 : i32 to index
        %get3A_1626 = arith.index_cast %add3A_1623 : i32 to index
        %get3A_1627 = arith.constant 128 : index
        %get3A_1628 = tpu.vector_load %arg8[%get3A_1625, %get3A_1626, %get3A_1627] {strides = array<i32>} : memref<2x128x256xf32, #tpu.memory_space<vmem>>, vector<1x1x16xf32>,
        %get3A_1629 = vector.shape_cast %get3A_1628 : vector<1x1x16xf32> to vector<16xf32>
        %mul3A_1630 = arith.mulf %get3A_1171, %get3A_1629 : vector<16xf32>
        %add3A_1631 = arith.addf %mul3A_1619, %mul3A_1630 : vector<16xf32>
        %add3A_1632 = arith.addf %add3A_1608, %add3A_1631 : vector<16xf32>
        %swap3A_1633 = arith.constant 1 : i32
        %swap3A_1634 = arith.index_cast %swap3A_1633 : i32 to index
        %swap3A_1635 = arith.index_cast %add3A_1147 : i32 to index
        %swap3A_1636 = arith.constant 128 : index
        %swap3A_1637 = tpu.vector_load %arg9[%swap3A_1634, %swap3A_1635, %swap3A_1636] {strides = array<i32>} : memref<2x32x256xf32, #tpu.memory_space<vmem>>, vector<1x1x16xf32>,
        %swap3A_1638 = vector.shape_cast %swap3A_1637 : vector<1x1x16xf32> to vector<16xf32>
        %swap3A_1639 = vector.shape_cast %add3A_1632 : vector<16xf32> to vector<1x1x16xf32>
        tpu.vector_store %arg9[%swap3A_1634, %swap3A_1635, %swap3A_1636], %swap3A_1639 {strides = array<i32>} : memref<2x32x256xf32, #tpu.memory_space<vmem>>, vector<1x1x16xf32>,
        %mul3A_1640 = arith.constant 4 : i32
        %mul3A_1641 = arith.muli %mul3A_1640, %add3A_1147 : i32
        %get3A_1642 = arith.constant 1 : i32
        %get3A_1643 = arith.index_cast %get3A_1642 : i32 to index
        %get3A_1644 = arith.index_cast %mul3A_1641 : i32 to index
        %get3A_1645 = arith.constant 144 : index
        %get3A_1646 = tpu.vector_load %arg8[%get3A_1643, %get3A_1644, %get3A_1645] {strides = array<i32>} : memref<2x128x256xf32, #tpu.memory_space<vmem>>, vector<1x1x16xf32>,
        %get3A_1647 = vector.shape_cast %get3A_1646 : vector<1x1x16xf32> to vector<16xf32>
        %mul3A_1648 = arith.mulf %get3A_1153, %get3A_1647 : vector<16xf32>
        %mul3A_1649 = arith.constant 4 : i32
        %mul3A_1650 = arith.muli %mul3A_1649, %add3A_1147 : i32
        %add3A_1651 = arith.constant 1 : i32
        %add3A_1652 = arith.addi %mul3A_1650, %add3A_1651 : i32
        %get3A_1653 = arith.constant 1 : i32
        %get3A_1654 = arith.index_cast %get3A_1653 : i32 to index
        %get3A_1655 = arith.index_cast %add3A_1652 : i32 to index
        %get3A_1656 = arith.constant 144 : index
        %get3A_1657 = tpu.vector_load %arg8[%get3A_1654, %get3A_1655, %get3A_1656] {strides = array<i32>} : memref<2x128x256xf32, #tpu.memory_space<vmem>>, vector<1x1x16xf32>,
        %get3A_1658 = vector.shape_cast %get3A_1657 : vector<1x1x16xf32> to vector<16xf32>
        %mul3A_1659 = arith.mulf %get3A_1159, %get3A_1658 : vector<16xf32>
        %add3A_1660 = arith.addf %mul3A_1648, %mul3A_1659 : vector<16xf32>
        %mul3A_1661 = arith.constant 4 : i32
        %mul3A_1662 = arith.muli %mul3A_1661, %add3A_1147 : i32
        %add3A_1663 = arith.constant 2 : i32
        %add3A_1664 = arith.addi %mul3A_1662, %add3A_1663 : i32
        %get3A_1665 = arith.constant 1 : i32
        %get3A_1666 = arith.index_cast %get3A_1665 : i32 to index
        %get3A_1667 = arith.index_cast %add3A_1664 : i32 to index
        %get3A_1668 = arith.constant 144 : index
        %get3A_1669 = tpu.vector_load %arg8[%get3A_1666, %get3A_1667, %get3A_1668] {strides = array<i32>} : memref<2x128x256xf32, #tpu.memory_space<vmem>>, vector<1x1x16xf32>,
        %get3A_1670 = vector.shape_cast %get3A_1669 : vector<1x1x16xf32> to vector<16xf32>
        %mul3A_1671 = arith.mulf %get3A_1165, %get3A_1670 : vector<16xf32>
        %mul3A_1672 = arith.constant 4 : i32
        %mul3A_1673 = arith.muli %mul3A_1672, %add3A_1147 : i32
        %add3A_1674 = arith.constant 3 : i32
        %add3A_1675 = arith.addi %mul3A_1673, %add3A_1674 : i32
        %get3A_1676 = arith.constant 1 : i32
        %get3A_1677 = arith.index_cast %get3A_1676 : i32 to index
        %get3A_1678 = arith.index_cast %add3A_1675 : i32 to index
        %get3A_1679 = arith.constant 144 : index
        %get3A_1680 = tpu.vector_load %arg8[%get3A_1677, %get3A_1678, %get3A_1679] {strides = array<i32>} : memref<2x128x256xf32, #tpu.memory_space<vmem>>, vector<1x1x16xf32>,
        %get3A_1681 = vector.shape_cast %get3A_1680 : vector<1x1x16xf32> to vector<16xf32>
        %mul3A_1682 = arith.mulf %get3A_1171, %get3A_1681 : vector<16xf32>
        %add3A_1683 = arith.addf %mul3A_1671, %mul3A_1682 : vector<16xf32>
        %add3A_1684 = arith.addf %add3A_1660, %add3A_1683 : vector<16xf32>
        %swap3A_1685 = arith.constant 1 : i32
        %swap3A_1686 = arith.index_cast %swap3A_1685 : i32 to index
        %swap3A_1687 = arith.index_cast %add3A_1147 : i32 to index
        %swap3A_1688 = arith.constant 144 : index
        %swap3A_1689 = tpu.vector_load %arg9[%swap3A_1686, %swap3A_1687, %swap3A_1688] {strides = array<i32>} : memref<2x32x256xf32, #tpu.memory_space<vmem>>, vector<1x1x16xf32>,
        %swap3A_1690 = vector.shape_cast %swap3A_1689 : vector<1x1x16xf32> to vector<16xf32>
        %swap3A_1691 = vector.shape_cast %add3A_1684 : vector<16xf32> to vector<1x1x16xf32>
        tpu.vector_store %arg9[%swap3A_1686, %swap3A_1687, %swap3A_1688], %swap3A_1691 {strides = array<i32>} : memref<2x32x256xf32, #tpu.memory_space<vmem>>, vector<1x1x16xf32>,
        %mul3A_1692 = arith.constant 4 : i32
        %mul3A_1693 = arith.muli %mul3A_1692, %add3A_1147 : i32
        %get3A_1694 = arith.constant 1 : i32
        %get3A_1695 = arith.index_cast %get3A_1694 : i32 to index
        %get3A_1696 = arith.index_cast %mul3A_1693 : i32 to index
        %get3A_1697 = arith.constant 160 : index
        %get3A_1698 = tpu.vector_load %arg8[%get3A_1695, %get3A_1696, %get3A_1697] {strides = array<i32>} : memref<2x128x256xf32, #tpu.memory_space<vmem>>, vector<1x1x16xf32>,
        %get3A_1699 = vector.shape_cast %get3A_1698 : vector<1x1x16xf32> to vector<16xf32>
        %mul3A_1700 = arith.mulf %get3A_1153, %get3A_1699 : vector<16xf32>
        %mul3A_1701 = arith.constant 4 : i32
        %mul3A_1702 = arith.muli %mul3A_1701, %add3A_1147 : i32
        %add3A_1703 = arith.constant 1 : i32
        %add3A_1704 = arith.addi %mul3A_1702, %add3A_1703 : i32
        %get3A_1705 = arith.constant 1 : i32
        %get3A_1706 = arith.index_cast %get3A_1705 : i32 to index
        %get3A_1707 = arith.index_cast %add3A_1704 : i32 to index
        %get3A_1708 = arith.constant 160 : index
        %get3A_1709 = tpu.vector_load %arg8[%get3A_1706, %get3A_1707, %get3A_1708] {strides = array<i32>} : memref<2x128x256xf32, #tpu.memory_space<vmem>>, vector<1x1x16xf32>,
        %get3A_1710 = vector.shape_cast %get3A_1709 : vector<1x1x16xf32> to vector<16xf32>
        %mul3A_1711 = arith.mulf %get3A_1159, %get3A_1710 : vector<16xf32>
        %add3A_1712 = arith.addf %mul3A_1700, %mul3A_1711 : vector<16xf32>
        %mul3A_1713 = arith.constant 4 : i32
        %mul3A_1714 = arith.muli %mul3A_1713, %add3A_1147 : i32
        %add3A_1715 = arith.constant 2 : i32
        %add3A_1716 = arith.addi %mul3A_1714, %add3A_1715 : i32
        %get3A_1717 = arith.constant 1 : i32
        %get3A_1718 = arith.index_cast %get3A_1717 : i32 to index
        %get3A_1719 = arith.index_cast %add3A_1716 : i32 to index
        %get3A_1720 = arith.constant 160 : index
        %get3A_1721 = tpu.vector_load %arg8[%get3A_1718, %get3A_1719, %get3A_1720] {strides = array<i32>} : memref<2x128x256xf32, #tpu.memory_space<vmem>>, vector<1x1x16xf32>,
        %get3A_1722 = vector.shape_cast %get3A_1721 : vector<1x1x16xf32> to vector<16xf32>
        %mul3A_1723 = arith.mulf %get3A_1165, %get3A_1722 : vector<16xf32>
        %mul3A_1724 = arith.constant 4 : i32
        %mul3A_1725 = arith.muli %mul3A_1724, %add3A_1147 : i32
        %add3A_1726 = arith.constant 3 : i32
        %add3A_1727 = arith.addi %mul3A_1725, %add3A_1726 : i32
        %get3A_1728 = arith.constant 1 : i32
        %get3A_1729 = arith.index_cast %get3A_1728 : i32 to index
        %get3A_1730 = arith.index_cast %add3A_1727 : i32 to index
        %get3A_1731 = arith.constant 160 : index
        %get3A_1732 = tpu.vector_load %arg8[%get3A_1729, %get3A_1730, %get3A_1731] {strides = array<i32>} : memref<2x128x256xf32, #tpu.memory_space<vmem>>, vector<1x1x16xf32>,
        %get3A_1733 = vector.shape_cast %get3A_1732 : vector<1x1x16xf32> to vector<16xf32>
        %mul3A_1734 = arith.mulf %get3A_1171, %get3A_1733 : vector<16xf32>
        %add3A_1735 = arith.addf %mul3A_1723, %mul3A_1734 : vector<16xf32>
        %add3A_1736 = arith.addf %add3A_1712, %add3A_1735 : vector<16xf32>
        %swap3A_1737 = arith.constant 1 : i32
        %swap3A_1738 = arith.index_cast %swap3A_1737 : i32 to index
        %swap3A_1739 = arith.index_cast %add3A_1147 : i32 to index
        %swap3A_1740 = arith.constant 160 : index
        %swap3A_1741 = tpu.vector_load %arg9[%swap3A_1738, %swap3A_1739, %swap3A_1740] {strides = array<i32>} : memref<2x32x256xf32, #tpu.memory_space<vmem>>, vector<1x1x16xf32>,
        %swap3A_1742 = vector.shape_cast %swap3A_1741 : vector<1x1x16xf32> to vector<16xf32>
        %swap3A_1743 = vector.shape_cast %add3A_1736 : vector<16xf32> to vector<1x1x16xf32>
        tpu.vector_store %arg9[%swap3A_1738, %swap3A_1739, %swap3A_1740], %swap3A_1743 {strides = array<i32>} : memref<2x32x256xf32, #tpu.memory_space<vmem>>, vector<1x1x16xf32>,
        %mul3A_1744 = arith.constant 4 : i32
        %mul3A_1745 = arith.muli %mul3A_1744, %add3A_1147 : i32
        %get3A_1746 = arith.constant 1 : i32
        %get3A_1747 = arith.index_cast %get3A_1746 : i32 to index
        %get3A_1748 = arith.index_cast %mul3A_1745 : i32 to index
        %get3A_1749 = arith.constant 176 : index
        %get3A_1750 = tpu.vector_load %arg8[%get3A_1747, %get3A_1748, %get3A_1749] {strides = array<i32>} : memref<2x128x256xf32, #tpu.memory_space<vmem>>, vector<1x1x16xf32>,
        %get3A_1751 = vector.shape_cast %get3A_1750 : vector<1x1x16xf32> to vector<16xf32>
        %mul3A_1752 = arith.mulf %get3A_1153, %get3A_1751 : vector<16xf32>
        %mul3A_1753 = arith.constant 4 : i32
        %mul3A_1754 = arith.muli %mul3A_1753, %add3A_1147 : i32
        %add3A_1755 = arith.constant 1 : i32
        %add3A_1756 = arith.addi %mul3A_1754, %add3A_1755 : i32
        %get3A_1757 = arith.constant 1 : i32
        %get3A_1758 = arith.index_cast %get3A_1757 : i32 to index
        %get3A_1759 = arith.index_cast %add3A_1756 : i32 to index
        %get3A_1760 = arith.constant 176 : index
        %get3A_1761 = tpu.vector_load %arg8[%get3A_1758, %get3A_1759, %get3A_1760] {strides = array<i32>} : memref<2x128x256xf32, #tpu.memory_space<vmem>>, vector<1x1x16xf32>,
        %get3A_1762 = vector.shape_cast %get3A_1761 : vector<1x1x16xf32> to vector<16xf32>
        %mul3A_1763 = arith.mulf %get3A_1159, %get3A_1762 : vector<16xf32>
        %add3A_1764 = arith.addf %mul3A_1752, %mul3A_1763 : vector<16xf32>
        %mul3A_1765 = arith.constant 4 : i32
        %mul3A_1766 = arith.muli %mul3A_1765, %add3A_1147 : i32
        %add3A_1767 = arith.constant 2 : i32
        %add3A_1768 = arith.addi %mul3A_1766, %add3A_1767 : i32
        %get3A_1769 = arith.constant 1 : i32
        %get3A_1770 = arith.index_cast %get3A_1769 : i32 to index
        %get3A_1771 = arith.index_cast %add3A_1768 : i32 to index
        %get3A_1772 = arith.constant 176 : index
        %get3A_1773 = tpu.vector_load %arg8[%get3A_1770, %get3A_1771, %get3A_1772] {strides = array<i32>} : memref<2x128x256xf32, #tpu.memory_space<vmem>>, vector<1x1x16xf32>,
        %get3A_1774 = vector.shape_cast %get3A_1773 : vector<1x1x16xf32> to vector<16xf32>
        %mul3A_1775 = arith.mulf %get3A_1165, %get3A_1774 : vector<16xf32>
        %mul3A_1776 = arith.constant 4 : i32
        %mul3A_1777 = arith.muli %mul3A_1776, %add3A_1147 : i32
        %add3A_1778 = arith.constant 3 : i32
        %add3A_1779 = arith.addi %mul3A_1777, %add3A_1778 : i32
        %get3A_1780 = arith.constant 1 : i32
        %get3A_1781 = arith.index_cast %get3A_1780 : i32 to index
        %get3A_1782 = arith.index_cast %add3A_1779 : i32 to index
        %get3A_1783 = arith.constant 176 : index
        %get3A_1784 = tpu.vector_load %arg8[%get3A_1781, %get3A_1782, %get3A_1783] {strides = array<i32>} : memref<2x128x256xf32, #tpu.memory_space<vmem>>, vector<1x1x16xf32>,
        %get3A_1785 = vector.shape_cast %get3A_1784 : vector<1x1x16xf32> to vector<16xf32>
        %mul3A_1786 = arith.mulf %get3A_1171, %get3A_1785 : vector<16xf32>
        %add3A_1787 = arith.addf %mul3A_1775, %mul3A_1786 : vector<16xf32>
        %add3A_1788 = arith.addf %add3A_1764, %add3A_1787 : vector<16xf32>
        %swap3A_1789 = arith.constant 1 : i32
        %swap3A_1790 = arith.index_cast %swap3A_1789 : i32 to index
        %swap3A_1791 = arith.index_cast %add3A_1147 : i32 to index
        %swap3A_1792 = arith.constant 176 : index
        %swap3A_1793 = tpu.vector_load %arg9[%swap3A_1790, %swap3A_1791, %swap3A_1792] {strides = array<i32>} : memref<2x32x256xf32, #tpu.memory_space<vmem>>, vector<1x1x16xf32>,
        %swap3A_1794 = vector.shape_cast %swap3A_1793 : vector<1x1x16xf32> to vector<16xf32>
        %swap3A_1795 = vector.shape_cast %add3A_1788 : vector<16xf32> to vector<1x1x16xf32>
        tpu.vector_store %arg9[%swap3A_1790, %swap3A_1791, %swap3A_1792], %swap3A_1795 {strides = array<i32>} : memref<2x32x256xf32, #tpu.memory_space<vmem>>, vector<1x1x16xf32>,
        %mul3A_1796 = arith.constant 4 : i32
        %mul3A_1797 = arith.muli %mul3A_1796, %add3A_1147 : i32
        %get3A_1798 = arith.constant 1 : i32
        %get3A_1799 = arith.index_cast %get3A_1798 : i32 to index
        %get3A_1800 = arith.index_cast %mul3A_1797 : i32 to index
        %get3A_1801 = arith.constant 192 : index
        %get3A_1802 = tpu.vector_load %arg8[%get3A_1799, %get3A_1800, %get3A_1801] {strides = array<i32>} : memref<2x128x256xf32, #tpu.memory_space<vmem>>, vector<1x1x16xf32>,
        %get3A_1803 = vector.shape_cast %get3A_1802 : vector<1x1x16xf32> to vector<16xf32>
        %mul3A_1804 = arith.mulf %get3A_1153, %get3A_1803 : vector<16xf32>
        %mul3A_1805 = arith.constant 4 : i32
        %mul3A_1806 = arith.muli %mul3A_1805, %add3A_1147 : i32
        %add3A_1807 = arith.constant 1 : i32
        %add3A_1808 = arith.addi %mul3A_1806, %add3A_1807 : i32
        %get3A_1809 = arith.constant 1 : i32
        %get3A_1810 = arith.index_cast %get3A_1809 : i32 to index
        %get3A_1811 = arith.index_cast %add3A_1808 : i32 to index
        %get3A_1812 = arith.constant 192 : index
        %get3A_1813 = tpu.vector_load %arg8[%get3A_1810, %get3A_1811, %get3A_1812] {strides = array<i32>} : memref<2x128x256xf32, #tpu.memory_space<vmem>>, vector<1x1x16xf32>,
        %get3A_1814 = vector.shape_cast %get3A_1813 : vector<1x1x16xf32> to vector<16xf32>
        %mul3A_1815 = arith.mulf %get3A_1159, %get3A_1814 : vector<16xf32>
        %add3A_1816 = arith.addf %mul3A_1804, %mul3A_1815 : vector<16xf32>
        %mul3A_1817 = arith.constant 4 : i32
        %mul3A_1818 = arith.muli %mul3A_1817, %add3A_1147 : i32
        %add3A_1819 = arith.constant 2 : i32
        %add3A_1820 = arith.addi %mul3A_1818, %add3A_1819 : i32
        %get3A_1821 = arith.constant 1 : i32
        %get3A_1822 = arith.index_cast %get3A_1821 : i32 to index
        %get3A_1823 = arith.index_cast %add3A_1820 : i32 to index
        %get3A_1824 = arith.constant 192 : index
        %get3A_1825 = tpu.vector_load %arg8[%get3A_1822, %get3A_1823, %get3A_1824] {strides = array<i32>} : memref<2x128x256xf32, #tpu.memory_space<vmem>>, vector<1x1x16xf32>,
        %get3A_1826 = vector.shape_cast %get3A_1825 : vector<1x1x16xf32> to vector<16xf32>
        %mul3A_1827 = arith.mulf %get3A_1165, %get3A_1826 : vector<16xf32>
        %mul3A_1828 = arith.constant 4 : i32
        %mul3A_1829 = arith.muli %mul3A_1828, %add3A_1147 : i32
        %add3A_1830 = arith.constant 3 : i32
        %add3A_1831 = arith.addi %mul3A_1829, %add3A_1830 : i32
        %get3A_1832 = arith.constant 1 : i32
        %get3A_1833 = arith.index_cast %get3A_1832 : i32 to index
        %get3A_1834 = arith.index_cast %add3A_1831 : i32 to index
        %get3A_1835 = arith.constant 192 : index
        %get3A_1836 = tpu.vector_load %arg8[%get3A_1833, %get3A_1834, %get3A_1835] {strides = array<i32>} : memref<2x128x256xf32, #tpu.memory_space<vmem>>, vector<1x1x16xf32>,
        %get3A_1837 = vector.shape_cast %get3A_1836 : vector<1x1x16xf32> to vector<16xf32>
        %mul3A_1838 = arith.mulf %get3A_1171, %get3A_1837 : vector<16xf32>
        %add3A_1839 = arith.addf %mul3A_1827, %mul3A_1838 : vector<16xf32>
        %add3A_1840 = arith.addf %add3A_1816, %add3A_1839 : vector<16xf32>
        %swap3A_1841 = arith.constant 1 : i32
        %swap3A_1842 = arith.index_cast %swap3A_1841 : i32 to index
        %swap3A_1843 = arith.index_cast %add3A_1147 : i32 to index
        %swap3A_1844 = arith.constant 192 : index
        %swap3A_1845 = tpu.vector_load %arg9[%swap3A_1842, %swap3A_1843, %swap3A_1844] {strides = array<i32>} : memref<2x32x256xf32, #tpu.memory_space<vmem>>, vector<1x1x16xf32>,
        %swap3A_1846 = vector.shape_cast %swap3A_1845 : vector<1x1x16xf32> to vector<16xf32>
        %swap3A_1847 = vector.shape_cast %add3A_1840 : vector<16xf32> to vector<1x1x16xf32>
        tpu.vector_store %arg9[%swap3A_1842, %swap3A_1843, %swap3A_1844], %swap3A_1847 {strides = array<i32>} : memref<2x32x256xf32, #tpu.memory_space<vmem>>, vector<1x1x16xf32>,
        %mul3A_1848 = arith.constant 4 : i32
        %mul3A_1849 = arith.muli %mul3A_1848, %add3A_1147 : i32
        %get3A_1850 = arith.constant 1 : i32
        %get3A_1851 = arith.index_cast %get3A_1850 : i32 to index
        %get3A_1852 = arith.index_cast %mul3A_1849 : i32 to index
        %get3A_1853 = arith.constant 208 : index
        %get3A_1854 = tpu.vector_load %arg8[%get3A_1851, %get3A_1852, %get3A_1853] {strides = array<i32>} : memref<2x128x256xf32, #tpu.memory_space<vmem>>, vector<1x1x16xf32>,
        %get3A_1855 = vector.shape_cast %get3A_1854 : vector<1x1x16xf32> to vector<16xf32>
        %mul3A_1856 = arith.mulf %get3A_1153, %get3A_1855 : vector<16xf32>
        %mul3A_1857 = arith.constant 4 : i32
        %mul3A_1858 = arith.muli %mul3A_1857, %add3A_1147 : i32
        %add3A_1859 = arith.constant 1 : i32
        %add3A_1860 = arith.addi %mul3A_1858, %add3A_1859 : i32
        %get3A_1861 = arith.constant 1 : i32
        %get3A_1862 = arith.index_cast %get3A_1861 : i32 to index
        %get3A_1863 = arith.index_cast %add3A_1860 : i32 to index
        %get3A_1864 = arith.constant 208 : index
        %get3A_1865 = tpu.vector_load %arg8[%get3A_1862, %get3A_1863, %get3A_1864] {strides = array<i32>} : memref<2x128x256xf32, #tpu.memory_space<vmem>>, vector<1x1x16xf32>,
        %get3A_1866 = vector.shape_cast %get3A_1865 : vector<1x1x16xf32> to vector<16xf32>
        %mul3A_1867 = arith.mulf %get3A_1159, %get3A_1866 : vector<16xf32>
        %add3A_1868 = arith.addf %mul3A_1856, %mul3A_1867 : vector<16xf32>
        %mul3A_1869 = arith.constant 4 : i32
        %mul3A_1870 = arith.muli %mul3A_1869, %add3A_1147 : i32
        %add3A_1871 = arith.constant 2 : i32
        %add3A_1872 = arith.addi %mul3A_1870, %add3A_1871 : i32
        %get3A_1873 = arith.constant 1 : i32
        %get3A_1874 = arith.index_cast %get3A_1873 : i32 to index
        %get3A_1875 = arith.index_cast %add3A_1872 : i32 to index
        %get3A_1876 = arith.constant 208 : index
        %get3A_1877 = tpu.vector_load %arg8[%get3A_1874, %get3A_1875, %get3A_1876] {strides = array<i32>} : memref<2x128x256xf32, #tpu.memory_space<vmem>>, vector<1x1x16xf32>,
        %get3A_1878 = vector.shape_cast %get3A_1877 : vector<1x1x16xf32> to vector<16xf32>
        %mul3A_1879 = arith.mulf %get3A_1165, %get3A_1878 : vector<16xf32>
        %mul3A_1880 = arith.constant 4 : i32
        %mul3A_1881 = arith.muli %mul3A_1880, %add3A_1147 : i32
        %add3A_1882 = arith.constant 3 : i32
        %add3A_1883 = arith.addi %mul3A_1881, %add3A_1882 : i32
        %get3A_1884 = arith.constant 1 : i32
        %get3A_1885 = arith.index_cast %get3A_1884 : i32 to index
        %get3A_1886 = arith.index_cast %add3A_1883 : i32 to index
        %get3A_1887 = arith.constant 208 : index
        %get3A_1888 = tpu.vector_load %arg8[%get3A_1885, %get3A_1886, %get3A_1887] {strides = array<i32>} : memref<2x128x256xf32, #tpu.memory_space<vmem>>, vector<1x1x16xf32>,
        %get3A_1889 = vector.shape_cast %get3A_1888 : vector<1x1x16xf32> to vector<16xf32>
        %mul3A_1890 = arith.mulf %get3A_1171, %get3A_1889 : vector<16xf32>
        %add3A_1891 = arith.addf %mul3A_1879, %mul3A_1890 : vector<16xf32>
        %add3A_1892 = arith.addf %add3A_1868, %add3A_1891 : vector<16xf32>
        %swap3A_1893 = arith.constant 1 : i32
        %swap3A_1894 = arith.index_cast %swap3A_1893 : i32 to index
        %swap3A_1895 = arith.index_cast %add3A_1147 : i32 to index
        %swap3A_1896 = arith.constant 208 : index
        %swap3A_1897 = tpu.vector_load %arg9[%swap3A_1894, %swap3A_1895, %swap3A_1896] {strides = array<i32>} : memref<2x32x256xf32, #tpu.memory_space<vmem>>, vector<1x1x16xf32>,
        %swap3A_1898 = vector.shape_cast %swap3A_1897 : vector<1x1x16xf32> to vector<16xf32>
        %swap3A_1899 = vector.shape_cast %add3A_1892 : vector<16xf32> to vector<1x1x16xf32>
        tpu.vector_store %arg9[%swap3A_1894, %swap3A_1895, %swap3A_1896], %swap3A_1899 {strides = array<i32>} : memref<2x32x256xf32, #tpu.memory_space<vmem>>, vector<1x1x16xf32>,
        %mul3A_1900 = arith.constant 4 : i32
        %mul3A_1901 = arith.muli %mul3A_1900, %add3A_1147 : i32
        %get3A_1902 = arith.constant 1 : i32
        %get3A_1903 = arith.index_cast %get3A_1902 : i32 to index
        %get3A_1904 = arith.index_cast %mul3A_1901 : i32 to index
        %get3A_1905 = arith.constant 224 : index
        %get3A_1906 = tpu.vector_load %arg8[%get3A_1903, %get3A_1904, %get3A_1905] {strides = array<i32>} : memref<2x128x256xf32, #tpu.memory_space<vmem>>, vector<1x1x16xf32>,
        %get3A_1907 = vector.shape_cast %get3A_1906 : vector<1x1x16xf32> to vector<16xf32>
        %mul3A_1908 = arith.mulf %get3A_1153, %get3A_1907 : vector<16xf32>
        %mul3A_1909 = arith.constant 4 : i32
        %mul3A_1910 = arith.muli %mul3A_1909, %add3A_1147 : i32
        %add3A_1911 = arith.constant 1 : i32
        %add3A_1912 = arith.addi %mul3A_1910, %add3A_1911 : i32
        %get3A_1913 = arith.constant 1 : i32
        %get3A_1914 = arith.index_cast %get3A_1913 : i32 to index
        %get3A_1915 = arith.index_cast %add3A_1912 : i32 to index
        %get3A_1916 = arith.constant 224 : index
        %get3A_1917 = tpu.vector_load %arg8[%get3A_1914, %get3A_1915, %get3A_1916] {strides = array<i32>} : memref<2x128x256xf32, #tpu.memory_space<vmem>>, vector<1x1x16xf32>,
        %get3A_1918 = vector.shape_cast %get3A_1917 : vector<1x1x16xf32> to vector<16xf32>
        %mul3A_1919 = arith.mulf %get3A_1159, %get3A_1918 : vector<16xf32>
        %add3A_1920 = arith.addf %mul3A_1908, %mul3A_1919 : vector<16xf32>
        %mul3A_1921 = arith.constant 4 : i32
        %mul3A_1922 = arith.muli %mul3A_1921, %add3A_1147 : i32
        %add3A_1923 = arith.constant 2 : i32
        %add3A_1924 = arith.addi %mul3A_1922, %add3A_1923 : i32
        %get3A_1925 = arith.constant 1 : i32
        %get3A_1926 = arith.index_cast %get3A_1925 : i32 to index
        %get3A_1927 = arith.index_cast %add3A_1924 : i32 to index
        %get3A_1928 = arith.constant 224 : index
        %get3A_1929 = tpu.vector_load %arg8[%get3A_1926, %get3A_1927, %get3A_1928] {strides = array<i32>} : memref<2x128x256xf32, #tpu.memory_space<vmem>>, vector<1x1x16xf32>,
        %get3A_1930 = vector.shape_cast %get3A_1929 : vector<1x1x16xf32> to vector<16xf32>
        %mul3A_1931 = arith.mulf %get3A_1165, %get3A_1930 : vector<16xf32>
        %mul3A_1932 = arith.constant 4 : i32
        %mul3A_1933 = arith.muli %mul3A_1932, %add3A_1147 : i32
        %add3A_1934 = arith.constant 3 : i32
        %add3A_1935 = arith.addi %mul3A_1933, %add3A_1934 : i32
        %get3A_1936 = arith.constant 1 : i32
        %get3A_1937 = arith.index_cast %get3A_1936 : i32 to index
        %get3A_1938 = arith.index_cast %add3A_1935 : i32 to index
        %get3A_1939 = arith.constant 224 : index
        %get3A_1940 = tpu.vector_load %arg8[%get3A_1937, %get3A_1938, %get3A_1939] {strides = array<i32>} : memref<2x128x256xf32, #tpu.memory_space<vmem>>, vector<1x1x16xf32>,
        %get3A_1941 = vector.shape_cast %get3A_1940 : vector<1x1x16xf32> to vector<16xf32>
        %mul3A_1942 = arith.mulf %get3A_1171, %get3A_1941 : vector<16xf32>
        %add3A_1943 = arith.addf %mul3A_1931, %mul3A_1942 : vector<16xf32>
        %add3A_1944 = arith.addf %add3A_1920, %add3A_1943 : vector<16xf32>
        %swap3A_1945 = arith.constant 1 : i32
        %swap3A_1946 = arith.index_cast %swap3A_1945 : i32 to index
        %swap3A_1947 = arith.index_cast %add3A_1147 : i32 to index
        %swap3A_1948 = arith.constant 224 : index
        %swap3A_1949 = tpu.vector_load %arg9[%swap3A_1946, %swap3A_1947, %swap3A_1948] {strides = array<i32>} : memref<2x32x256xf32, #tpu.memory_space<vmem>>, vector<1x1x16xf32>,
        %swap3A_1950 = vector.shape_cast %swap3A_1949 : vector<1x1x16xf32> to vector<16xf32>
        %swap3A_1951 = vector.shape_cast %add3A_1944 : vector<16xf32> to vector<1x1x16xf32>
        tpu.vector_store %arg9[%swap3A_1946, %swap3A_1947, %swap3A_1948], %swap3A_1951 {strides = array<i32>} : memref<2x32x256xf32, #tpu.memory_space<vmem>>, vector<1x1x16xf32>,
        %mul3A_1952 = arith.constant 4 : i32
        %mul3A_1953 = arith.muli %mul3A_1952, %add3A_1147 : i32
        %get3A_1954 = arith.constant 1 : i32
        %get3A_1955 = arith.index_cast %get3A_1954 : i32 to index
        %get3A_1956 = arith.index_cast %mul3A_1953 : i32 to index
        %get3A_1957 = arith.constant 240 : index
        %get3A_1958 = tpu.vector_load %arg8[%get3A_1955, %get3A_1956, %get3A_1957] {strides = array<i32>} : memref<2x128x256xf32, #tpu.memory_space<vmem>>, vector<1x1x16xf32>,
        %get3A_1959 = vector.shape_cast %get3A_1958 : vector<1x1x16xf32> to vector<16xf32>
        %mul3A_1960 = arith.mulf %get3A_1153, %get3A_1959 : vector<16xf32>
        %mul3A_1961 = arith.constant 4 : i32
        %mul3A_1962 = arith.muli %mul3A_1961, %add3A_1147 : i32
        %add3A_1963 = arith.constant 1 : i32
        %add3A_1964 = arith.addi %mul3A_1962, %add3A_1963 : i32
        %get3A_1965 = arith.constant 1 : i32
        %get3A_1966 = arith.index_cast %get3A_1965 : i32 to index
        %get3A_1967 = arith.index_cast %add3A_1964 : i32 to index
        %get3A_1968 = arith.constant 240 : index
        %get3A_1969 = tpu.vector_load %arg8[%get3A_1966, %get3A_1967, %get3A_1968] {strides = array<i32>} : memref<2x128x256xf32, #tpu.memory_space<vmem>>, vector<1x1x16xf32>,
        %get3A_1970 = vector.shape_cast %get3A_1969 : vector<1x1x16xf32> to vector<16xf32>
        %mul3A_1971 = arith.mulf %get3A_1159, %get3A_1970 : vector<16xf32>
        %add3A_1972 = arith.addf %mul3A_1960, %mul3A_1971 : vector<16xf32>
        %mul3A_1973 = arith.constant 4 : i32
        %mul3A_1974 = arith.muli %mul3A_1973, %add3A_1147 : i32
        %add3A_1975 = arith.constant 2 : i32
        %add3A_1976 = arith.addi %mul3A_1974, %add3A_1975 : i32
        %get3A_1977 = arith.constant 1 : i32
        %get3A_1978 = arith.index_cast %get3A_1977 : i32 to index
        %get3A_1979 = arith.index_cast %add3A_1976 : i32 to index
        %get3A_1980 = arith.constant 240 : index
        %get3A_1981 = tpu.vector_load %arg8[%get3A_1978, %get3A_1979, %get3A_1980] {strides = array<i32>} : memref<2x128x256xf32, #tpu.memory_space<vmem>>, vector<1x1x16xf32>,
        %get3A_1982 = vector.shape_cast %get3A_1981 : vector<1x1x16xf32> to vector<16xf32>
        %mul3A_1983 = arith.mulf %get3A_1165, %get3A_1982 : vector<16xf32>
        %mul3A_1984 = arith.constant 4 : i32
        %mul3A_1985 = arith.muli %mul3A_1984, %add3A_1147 : i32
        %add3A_1986 = arith.constant 3 : i32
        %add3A_1987 = arith.addi %mul3A_1985, %add3A_1986 : i32
        %get3A_1988 = arith.constant 1 : i32
        %get3A_1989 = arith.index_cast %get3A_1988 : i32 to index
        %get3A_1990 = arith.index_cast %add3A_1987 : i32 to index
        %get3A_1991 = arith.constant 240 : index
        %get3A_1992 = tpu.vector_load %arg8[%get3A_1989, %get3A_1990, %get3A_1991] {strides = array<i32>} : memref<2x128x256xf32, #tpu.memory_space<vmem>>, vector<1x1x16xf32>,
        %get3A_1993 = vector.shape_cast %get3A_1992 : vector<1x1x16xf32> to vector<16xf32>
        %mul3A_1994 = arith.mulf %get3A_1171, %get3A_1993 : vector<16xf32>
        %add3A_1995 = arith.addf %mul3A_1983, %mul3A_1994 : vector<16xf32>
        %add3A_1996 = arith.addf %add3A_1972, %add3A_1995 : vector<16xf32>
        %swap3A_1997 = arith.constant 1 : i32
        %swap3A_1998 = arith.index_cast %swap3A_1997 : i32 to index
        %swap3A_1999 = arith.index_cast %add3A_1147 : i32 to index
        %swap3A_2000 = arith.constant 240 : index
        %swap3A_2001 = tpu.vector_load %arg9[%swap3A_1998, %swap3A_1999, %swap3A_2000] {strides = array<i32>} : memref<2x32x256xf32, #tpu.memory_space<vmem>>, vector<1x1x16xf32>,
        %swap3A_2002 = vector.shape_cast %swap3A_2001 : vector<1x1x16xf32> to vector<16xf32>
        %swap3A_2003 = vector.shape_cast %add3A_1996 : vector<16xf32> to vector<1x1x16xf32>
        tpu.vector_store %arg9[%swap3A_1998, %swap3A_1999, %swap3A_2000], %swap3A_2003 {strides = array<i32>} : memref<2x32x256xf32, #tpu.memory_space<vmem>>, vector<1x1x16xf32>,
      }
      %scan3A_259 = arith.constant 16 : i32
      %add3A_260 = arith.addi %mul3A_2, %add3A_228 : i32
      %mul3A_261 = arith.constant 32 : i32
      %mul3A_262 = arith.muli %add3A_260, %mul3A_261 : i32
      %dma_start3A_263 = arith.constant 1 : i32
      %dma_start3A_264 = arith.constant 3 : i32
      %dma_start3A_265 = arith.constant 1 : i32
      %dma_start3A_266 = arith.constant 0 : i32
      %dma_start3A_267 = arith.constant 0 : i32
      %dma_start3A_268 = tpu.memref_slice %arg9[%dma_start3A_263, %dma_start3A_266, %dma_start3A_267] : memref<2x32x256xf32, #tpu.memory_space<vmem>> -> memref<1x32x256xf32, #tpu.memory_space<vmem>>
      %dma_start3A_269 = tpu.memref_squeeze %dma_start3A_268 : memref<1x32x256xf32, #tpu.memory_space<vmem>> -> memref<32x256xf32, #tpu.memory_space<vmem>>
      %dma_start3A_270 = arith.constant 0 : i32
      %dma_start3A_271 = tpu.memref_slice %arg5[%mul3A_262, %dma_start3A_270] : memref<100352x256xf32, #tpu.memory_space<hbm>> -> memref<32x256xf32, #tpu.memory_space<hbm>>
      %dma_start3A_272 = tpu.memref_slice %arg10[%dma_start3A_264, %dma_start3A_265] : memref<4x2x!tpu.dma_semaphore, #tpu.memory_space<semaphore_mem>> -> memref<1x1x!tpu.dma_semaphore, #tpu.memory_space<semaphore_mem>>
      %dma_start3A_273 = tpu.memref_squeeze %dma_start3A_272 : memref<1x1x!tpu.dma_semaphore, #tpu.memory_space<semaphore_mem>> -> memref<!tpu.dma_semaphore, #tpu.memory_space<semaphore_mem>>
      %dma_start3A_274 = arith.constant 0 : i32
      %dma_start3A_275 = tpu.memref_slice %arg5[%mul3A_262, %dma_start3A_274] : memref<100352x256xf32, #tpu.memory_space<hbm>> -> memref<32x256xf32, #tpu.memory_space<hbm>>
      %dma_start3A_276 = arith.constant 0 : i32
      %dma_start3A_277 = arith.constant 0 : i32
      %dma_start3A_278 = tpu.memref_slice %arg9[%dma_start3A_263, %dma_start3A_276, %dma_start3A_277] : memref<2x32x256xf32, #tpu.memory_space<vmem>> -> memref<1x32x256xf32, #tpu.memory_space<vmem>>
      %dma_start3A_279 = tpu.memref_squeeze %dma_start3A_278 : memref<1x32x256xf32, #tpu.memory_space<vmem>> -> memref<32x256xf32, #tpu.memory_space<vmem>>
      tpu.enqueue_dma source(%dma_start3A_279 : memref<32x256xf32, #tpu.memory_space<vmem>>) target(%dma_start3A_275 : memref<32x256xf32, #tpu.memory_space<hbm>>) target_semaphore(%dma_start3A_273 : memref<!tpu.dma_semaphore, #tpu.memory_space<semaphore_mem>>)
      %add3A_280 = arith.constant 2 : i32
      %add3A_281 = arith.addi %add3A_228, %add3A_280 : i32
      %le3A_282 = arith.constant 97 : i32
      %le3A_283 = arith.cmpi sle, %add3A_281, %le3A_282 : i32
      %convert_element_type3A_284 = arith.extui %le3A_283 : i1 to i32
      %cond3A_285 = arith.constant 0 : i32
      %cond3A_286 = arith.cmpi ne, %convert_element_type3A_284, %cond3A_285 : i32
      scf.if %cond3A_286 {
        %add3A_287 = arith.constant 2 : i32
        %add3A_288 = arith.addi %add3A_228, %add3A_287 : i32
        %add3A_289 = arith.addi %mul3A_2, %add3A_288 : i32
        %mul3A_290 = arith.constant 32 : i32
        %mul3A_291 = arith.muli %add3A_289, %mul3A_290 : i32
        %mul3A_292 = arith.constant 4 : i32
        %mul3A_293 = arith.muli %mul3A_291, %mul3A_292 : i32
        %dma_start3A_294 = arith.constant 1 : i32
        %dma_start3A_295 = arith.constant 0 : i32
        %dma_start3A_296 = arith.constant 1 : i32
        %dma_start3A_297 = arith.constant 0 : i32
        %dma_start3A_298 = tpu.memref_slice %arg6[%dma_start3A_294, %dma_start3A_297] : memref<2x128xi32, #tpu.memory_space<vmem>> -> memref<1x128xi32, #tpu.memory_space<vmem>>
        %dma_start3A_299 = tpu.memref_squeeze %dma_start3A_298 : memref<1x128xi32, #tpu.memory_space<vmem>> -> memref<128xi32, #tpu.memory_space<vmem>>
        %dma_start3A_300 = tpu.memref_slice %arg3[%mul3A_293] : memref<401408xi32, #tpu.memory_space<hbm>> -> memref<128xi32, #tpu.memory_space<hbm>>
        %dma_start3A_301 = tpu.memref_slice %arg10[%dma_start3A_295, %dma_start3A_296] : memref<4x2x!tpu.dma_semaphore, #tpu.memory_space<semaphore_mem>> -> memref<1x1x!tpu.dma_semaphore, #tpu.memory_space<semaphore_mem>>
        %dma_start3A_302 = tpu.memref_squeeze %dma_start3A_301 : memref<1x1x!tpu.dma_semaphore, #tpu.memory_space<semaphore_mem>> -> memref<!tpu.dma_semaphore, #tpu.memory_space<semaphore_mem>>
        %dma_start3A_303 = arith.constant 0 : i32
        %dma_start3A_304 = tpu.memref_slice %arg6[%dma_start3A_294, %dma_start3A_303] : memref<2x128xi32, #tpu.memory_space<vmem>> -> memref<1x128xi32, #tpu.memory_space<vmem>>
        %dma_start3A_305 = tpu.memref_squeeze %dma_start3A_304 : memref<1x128xi32, #tpu.memory_space<vmem>> -> memref<128xi32, #tpu.memory_space<vmem>>
        %dma_start3A_306 = tpu.memref_slice %arg3[%mul3A_293] : memref<401408xi32, #tpu.memory_space<hbm>> -> memref<128xi32, #tpu.memory_space<hbm>>
        tpu.enqueue_dma source(%dma_start3A_306 : memref<128xi32, #tpu.memory_space<hbm>>) target(%dma_start3A_305 : memref<128xi32, #tpu.memory_space<vmem>>) target_semaphore(%dma_start3A_302 : memref<!tpu.dma_semaphore, #tpu.memory_space<semaphore_mem>>)
        %dma_start3A_307 = arith.constant 1 : i32
        %dma_start3A_308 = arith.constant 1 : i32
        %dma_start3A_309 = arith.constant 1 : i32
        %dma_start3A_310 = arith.constant 0 : i32
        %dma_start3A_311 = arith.constant 0 : i32
        %dma_start3A_312 = tpu.memref_slice %arg7[%dma_start3A_307, %dma_start3A_310, %dma_start3A_311] : memref<2x32x64xf32, #tpu.memory_space<vmem>> -> memref<1x32x64xf32, #tpu.memory_space<vmem>>
        %dma_start3A_313 = tpu.memref_squeeze %dma_start3A_312 : memref<1x32x64xf32, #tpu.memory_space<vmem>> -> memref<32x64xf32, #tpu.memory_space<vmem>>
        %dma_start3A_314 = arith.constant 0 : i32
        %dma_start3A_315 = tpu.memref_slice %arg4[%mul3A_291, %dma_start3A_314] : memref<100352x64xf32, #tpu.memory_space<hbm>> -> memref<32x64xf32, #tpu.memory_space<hbm>>
        %dma_start3A_316 = tpu.memref_slice %arg10[%dma_start3A_308, %dma_start3A_309] : memref<4x2x!tpu.dma_semaphore, #tpu.memory_space<semaphore_mem>> -> memref<1x1x!tpu.dma_semaphore, #tpu.memory_space<semaphore_mem>>
        %dma_start3A_317 = tpu.memref_squeeze %dma_start3A_316 : memref<1x1x!tpu.dma_semaphore, #tpu.memory_space<semaphore_mem>> -> memref<!tpu.dma_semaphore, #tpu.memory_space<semaphore_mem>>
        %dma_start3A_318 = arith.constant 0 : i32
        %dma_start3A_319 = arith.constant 0 : i32
        %dma_start3A_320 = tpu.memref_slice %arg7[%dma_start3A_307, %dma_start3A_318, %dma_start3A_319] : memref<2x32x64xf32, #tpu.memory_space<vmem>> -> memref<1x32x64xf32, #tpu.memory_space<vmem>>
        %dma_start3A_321 = tpu.memref_squeeze %dma_start3A_320 : memref<1x32x64xf32, #tpu.memory_space<vmem>> -> memref<32x64xf32, #tpu.memory_space<vmem>>
        %dma_start3A_322 = arith.constant 0 : i32
        %dma_start3A_323 = tpu.memref_slice %arg4[%mul3A_291, %dma_start3A_322] : memref<100352x64xf32, #tpu.memory_space<hbm>> -> memref<32x64xf32, #tpu.memory_space<hbm>>
        tpu.enqueue_dma source(%dma_start3A_323 : memref<32x64xf32, #tpu.memory_space<hbm>>) target(%dma_start3A_321 : memref<32x64xf32, #tpu.memory_space<vmem>>) target_semaphore(%dma_start3A_317 : memref<!tpu.dma_semaphore, #tpu.memory_space<semaphore_mem>>)
      } else {
      }
    }
    %scan3A_126 = arith.constant 49 : i32
    %dma_wait3A_127 = arith.constant 0 : i32
    %dma_wait3A_128 = arith.constant 3 : i32
    %dma_wait3A_129 = arith.constant 0 : i32
    %dma_wait3A_130 = arith.constant 0 : i32
    %dma_wait3A_131 = arith.constant 0 : i32
    %dma_wait3A_132 = tpu.memref_slice %arg9[%dma_wait3A_127, %dma_wait3A_130, %dma_wait3A_131] : memref<2x32x256xf32, #tpu.memory_space<vmem>> -> memref<1x32x256xf32, #tpu.memory_space<vmem>>
    %dma_wait3A_133 = tpu.memref_squeeze %dma_wait3A_132 : memref<1x32x256xf32, #tpu.memory_space<vmem>> -> memref<32x256xf32, #tpu.memory_space<vmem>>
    %dma_wait3A_134 = arith.constant 0 : i32
    %dma_wait3A_135 = arith.constant 0 : i32
    %dma_wait3A_136 = tpu.memref_slice %arg5[%dma_wait3A_134, %dma_wait3A_135] : memref<100352x256xf32, #tpu.memory_space<hbm>> -> memref<32x256xf32, #tpu.memory_space<hbm>>
    %dma_wait3A_137 = tpu.memref_slice %arg10[%dma_wait3A_128, %dma_wait3A_129] : memref<4x2x!tpu.dma_semaphore, #tpu.memory_space<semaphore_mem>> -> memref<1x1x!tpu.dma_semaphore, #tpu.memory_space<semaphore_mem>>
    %dma_wait3A_138 = tpu.memref_squeeze %dma_wait3A_137 : memref<1x1x!tpu.dma_semaphore, #tpu.memory_space<semaphore_mem>> -> memref<!tpu.dma_semaphore, #tpu.memory_space<semaphore_mem>>
    %dma_wait3A_139 = arith.constant 0 : i32
    %dma_wait3A_140 = arith.constant 0 : i32
    %dma_wait3A_141 = tpu.memref_slice %arg5[%dma_wait3A_139, %dma_wait3A_140] : memref<100352x256xf32, #tpu.memory_space<hbm>> -> memref<32x256xf32, #tpu.memory_space<hbm>>
    %dma_wait3A_142 = arith.constant 0 : i32
    %dma_wait3A_143 = arith.constant 0 : i32
    %dma_wait3A_144 = tpu.memref_slice %arg9[%dma_wait3A_127, %dma_wait3A_142, %dma_wait3A_143] : memref<2x32x256xf32, #tpu.memory_space<vmem>> -> memref<1x32x256xf32, #tpu.memory_space<vmem>>
    %dma_wait3A_145 = tpu.memref_squeeze %dma_wait3A_144 : memref<1x32x256xf32, #tpu.memory_space<vmem>> -> memref<32x256xf32, #tpu.memory_space<vmem>>
    tpu.wait_dma2 semaphore(%dma_wait3A_138 : memref<!tpu.dma_semaphore, #tpu.memory_space<semaphore_mem>>) src(%dma_wait3A_145 : memref<32x256xf32, #tpu.memory_space<vmem>>) dst(%dma_wait3A_141 : memref<32x256xf32, #tpu.memory_space<hbm>>)
    %dma_wait3A_146 = arith.constant 1 : i32
    %dma_wait3A_147 = arith.constant 3 : i32
    %dma_wait3A_148 = arith.constant 1 : i32
    %dma_wait3A_149 = arith.constant 0 : i32
    %dma_wait3A_150 = arith.constant 0 : i32
    %dma_wait3A_151 = tpu.memref_slice %arg9[%dma_wait3A_146, %dma_wait3A_149, %dma_wait3A_150] : memref<2x32x256xf32, #tpu.memory_space<vmem>> -> memref<1x32x256xf32, #tpu.memory_space<vmem>>
    %dma_wait3A_152 = tpu.memref_squeeze %dma_wait3A_151 : memref<1x32x256xf32, #tpu.memory_space<vmem>> -> memref<32x256xf32, #tpu.memory_space<vmem>>
    %dma_wait3A_153 = arith.constant 0 : i32
    %dma_wait3A_154 = arith.constant 0 : i32
    %dma_wait3A_155 = tpu.memref_slice %arg5[%dma_wait3A_153, %dma_wait3A_154] : memref<100352x256xf32, #tpu.memory_space<hbm>> -> memref<32x256xf32, #tpu.memory_space<hbm>>
    %dma_wait3A_156 = tpu.memref_slice %arg10[%dma_wait3A_147, %dma_wait3A_148] : memref<4x2x!tpu.dma_semaphore, #tpu.memory_space<semaphore_mem>> -> memref<1x1x!tpu.dma_semaphore, #tpu.memory_space<semaphore_mem>>
    %dma_wait3A_157 = tpu.memref_squeeze %dma_wait3A_156 : memref<1x1x!tpu.dma_semaphore, #tpu.memory_space<semaphore_mem>> -> memref<!tpu.dma_semaphore, #tpu.memory_space<semaphore_mem>>
    %dma_wait3A_158 = arith.constant 0 : i32
    %dma_wait3A_159 = arith.constant 0 : i32
    %dma_wait3A_160 = tpu.memref_slice %arg5[%dma_wait3A_158, %dma_wait3A_159] : memref<100352x256xf32, #tpu.memory_space<hbm>> -> memref<32x256xf32, #tpu.memory_space<hbm>>
    %dma_wait3A_161 = arith.constant 0 : i32
    %dma_wait3A_162 = arith.constant 0 : i32
    %dma_wait3A_163 = tpu.memref_slice %arg9[%dma_wait3A_146, %dma_wait3A_161, %dma_wait3A_162] : memref<2x32x256xf32, #tpu.memory_space<vmem>> -> memref<1x32x256xf32, #tpu.memory_space<vmem>>
    %dma_wait3A_164 = tpu.memref_squeeze %dma_wait3A_163 : memref<1x32x256xf32, #tpu.memory_space<vmem>> -> memref<32x256xf32, #tpu.memory_space<vmem>>
    tpu.wait_dma2 semaphore(%dma_wait3A_157 : memref<!tpu.dma_semaphore, #tpu.memory_space<semaphore_mem>>) src(%dma_wait3A_164 : memref<32x256xf32, #tpu.memory_space<vmem>>) dst(%dma_wait3A_160 : memref<32x256xf32, #tpu.memory_space<hbm>>)
    return
  }
}

module attributes {stable_mosaic.version = 14 : i64} {
  func.func @_coord_body(%arg0: memref<8x2048xf32, #tpu.memory_space<vmem>>, %arg1: memref<196x2048xi32, #tpu.memory_space<vmem>>, %arg2: memref<196x2048xf32, #tpu.memory_space<vmem>>) attributes {dimension_semantics = [], scalar_prefetch = 0 : i64, scratch_operands = 0 : i64, tpu.core_type = #tpu.core_type<tc>} {
    %get3A = arith.constant 0 : index
    %get3A_0 = arith.constant 0 : index
    %get3A_1 = vector.load %arg0[%get3A, %get3A_0] : memref<8x2048xf32, #tpu.memory_space<vmem>>, vector<1x2048xf32>
    %get3A_2 = arith.constant 1 : index
    %get3A_3 = arith.constant 0 : index
    %get3A_4 = vector.load %arg0[%get3A_2, %get3A_3] : memref<8x2048xf32, #tpu.memory_space<vmem>>, vector<1x2048xf32>
    %get3A_5 = arith.constant 2 : index
    %get3A_6 = arith.constant 0 : index
    %get3A_7 = vector.load %arg0[%get3A_5, %get3A_6] : memref<8x2048xf32, #tpu.memory_space<vmem>>, vector<1x2048xf32>
    %get3A_8 = arith.constant 3 : index
    %get3A_9 = arith.constant 0 : index
    %get3A_10 = vector.load %arg0[%get3A_8, %get3A_9] : memref<8x2048xf32, #tpu.memory_space<vmem>>, vector<1x2048xf32>
    %iota3A = tpu.iota {dimensions = array<i32: 1>} : vector<1x2048xi32>
    %lt3A = arith.constant 2000 : i32
    %lt3A_11 = vector.broadcast %lt3A : i32 to vector<1x2048xi32>
    %lt3A_12 = arith.cmpi slt, %iota3A, %lt3A_11 : vector<1x2048xi32>
    %convert_element_type3A = arith.extui %lt3A_12 : vector<1x2048xi1> to vector<1x2048xi32>
    %convert_element_type3A_13 = arith.sitofp %convert_element_type3A : vector<1x2048xi32> to vector<1x2048xf32>
    %ge3A = arith.constant 1000 : i32
    %ge3A_14 = vector.broadcast %ge3A : i32 to vector<1x2048xi32>
    %ge3A_15 = arith.cmpi sge, %iota3A, %ge3A_14 : vector<1x2048xi32>
    %convert_element_type3A_16 = arith.extui %ge3A_15 : vector<1x2048xi1> to vector<1x2048xi32>
    %mul3A = arith.constant 5.000000e-01 : f32
    %mul3A_17 = vector.broadcast %mul3A : f32 to vector<1x2048xf32>
    %mul3A_18 = arith.mulf %get3A_7, %mul3A_17 : vector<1x2048xf32>
    %sub3A = arith.subf %get3A_1, %mul3A_18 : vector<1x2048xf32>
    %mul3A_19 = arith.constant 6.500000e+00 : f32
    %mul3A_20 = vector.broadcast %mul3A_19 : f32 to vector<1x2048xf32>
    %mul3A_21 = arith.mulf %sub3A, %mul3A_20 : vector<1x2048xf32>
    %mul3A_22 = arith.constant 5.000000e-01 : f32
    %mul3A_23 = vector.broadcast %mul3A_22 : f32 to vector<1x2048xf32>
    %mul3A_24 = arith.mulf %get3A_10, %mul3A_23 : vector<1x2048xf32>
    %sub3A_25 = arith.subf %get3A_4, %mul3A_24 : vector<1x2048xf32>
    %mul3A_26 = arith.constant 6.500000e+00 : f32
    %mul3A_27 = vector.broadcast %mul3A_26 : f32 to vector<1x2048xf32>
    %mul3A_28 = arith.mulf %sub3A_25, %mul3A_27 : vector<1x2048xf32>
    %sub3A_29 = arith.constant 5.000000e-01 : f32
    %sub3A_30 = vector.broadcast %sub3A_29 : f32 to vector<1x2048xf32>
    %sub3A_31 = arith.subf %mul3A_21, %sub3A_30 : vector<1x2048xf32>
    %sub3A_32 = arith.constant 5.000000e-01 : f32
    %sub3A_33 = vector.broadcast %sub3A_32 : f32 to vector<1x2048xf32>
    %sub3A_34 = arith.subf %mul3A_28, %sub3A_33 : vector<1x2048xf32>
    %mul3A_35 = arith.constant 6.500000e+00 : f32
    %mul3A_36 = vector.broadcast %mul3A_35 : f32 to vector<1x2048xf32>
    %mul3A_37 = arith.mulf %get3A_7, %mul3A_36 : vector<1x2048xf32>
    %div3A = arith.constant 7.000000e+00 : f32
    %div3A_38 = vector.broadcast %div3A : f32 to vector<1x2048xf32>
    %div3A_39 = arith.divf %mul3A_37, %div3A_38 : vector<1x2048xf32>
    %mul3A_40 = arith.constant 6.500000e+00 : f32
    %mul3A_41 = vector.broadcast %mul3A_40 : f32 to vector<1x2048xf32>
    %mul3A_42 = arith.mulf %get3A_10, %mul3A_41 : vector<1x2048xf32>
    %div3A_43 = arith.constant 7.000000e+00 : f32
    %div3A_44 = vector.broadcast %div3A_43 : f32 to vector<1x2048xf32>
    %div3A_45 = arith.divf %mul3A_42, %div3A_44 : vector<1x2048xf32>
    %iota3A_46 = tpu.iota {dimensions = array<i32: 0>} : vector<49x1xi32>
    %jit3A = arith.constant 7 : i32
    %div3A_47 = vector.broadcast %jit3A : i32 to vector<49x1xi32>
    %div3A_48 = arith.divsi %iota3A_46, %div3A_47 : vector<49x1xi32>
    %sign3A = arith.constant 0 : i32
    %sign3A_49 = vector.broadcast %sign3A : i32 to vector<49x1xi32>
    %sign3A_50 = arith.cmpi sgt, %iota3A_46, %sign3A_49 : vector<49x1xi32>
    %sign3A_51 = arith.extui %sign3A_50 : vector<49x1xi1> to vector<49x1xi32>
    %sign3A_52 = arith.constant 0 : i32
    %sign3A_53 = vector.broadcast %sign3A_52 : i32 to vector<49x1xi32>
    %sign3A_54 = arith.cmpi slt, %iota3A_46, %sign3A_53 : vector<49x1xi32>
    %sign3A_55 = arith.extui %sign3A_54 : vector<49x1xi1> to vector<49x1xi32>
    %sign3A_56 = arith.subi %sign3A_51, %sign3A_55 : vector<49x1xi32>
    %sign3A_57 = arith.constant 0 : i32
    %sign3A_58 = arith.cmpi sgt, %jit3A, %sign3A_57 : i32
    %sign3A_59 = arith.extui %sign3A_58 : i1 to i32
    %sign3A_60 = arith.constant 0 : i32
    %sign3A_61 = arith.cmpi slt, %jit3A, %sign3A_60 : i32
    %sign3A_62 = arith.extui %sign3A_61 : i1 to i32
    %sign3A_63 = arith.subi %sign3A_59, %sign3A_62 : i32
    %ne3A = vector.broadcast %sign3A_63 : i32 to vector<49x1xi32>
    %ne3A_64 = arith.cmpi ne, %sign3A_56, %ne3A : vector<49x1xi32>
    %rem3A = vector.broadcast %jit3A : i32 to vector<49x1xi32>
    %rem3A_65 = arith.remsi %iota3A_46, %rem3A : vector<49x1xi32>
    %ne3A_66 = arith.constant 0 : i32
    %ne3A_67 = vector.broadcast %ne3A_66 : i32 to vector<49x1xi32>
    %ne3A_68 = arith.cmpi ne, %rem3A_65, %ne3A_67 : vector<49x1xi32>
    %and3A = arith.andi %ne3A_64, %ne3A_68 : vector<49x1xi1>
    %sub3A_69 = arith.constant 1 : i32
    %sub3A_70 = vector.broadcast %sub3A_69 : i32 to vector<49x1xi32>
    %sub3A_71 = arith.subi %div3A_48, %sub3A_70 : vector<49x1xi32>
    %select_n3A = arith.select %and3A, %sub3A_71, %div3A_48 : vector<49x1xi1>, vector<49x1xi32>
    %convert_element_type3A_72 = arith.sitofp %select_n3A : vector<49x1xi32> to vector<49x1xf32>
    %add3A = arith.constant 5.000000e-01 : f32
    %add3A_73 = vector.broadcast %add3A : f32 to vector<49x1xf32>
    %add3A_74 = arith.addf %convert_element_type3A_72, %add3A_73 : vector<49x1xf32>
    %jit3A_75 = arith.constant 7 : i32
    %eq3A = arith.constant 0 : i32
    %eq3A_76 = arith.cmpi eq, %jit3A_75, %eq3A : i32
    %jit3A_77 = arith.constant 1 : i32
    %select_n3A_78 = arith.select %eq3A_76, %jit3A_77, %jit3A_75 : i32
    %rem3A_79 = vector.broadcast %select_n3A_78 : i32 to vector<49x1xi32>
    %rem3A_80 = arith.remsi %iota3A_46, %rem3A_79 : vector<49x1xi32>
    %ne3A_81 = arith.constant 0 : i32
    %ne3A_82 = vector.broadcast %ne3A_81 : i32 to vector<49x1xi32>
    %ne3A_83 = arith.cmpi ne, %rem3A_80, %ne3A_82 : vector<49x1xi32>
    %lt3A_84 = arith.constant 0 : i32
    %lt3A_85 = vector.broadcast %lt3A_84 : i32 to vector<49x1xi32>
    %lt3A_86 = arith.cmpi slt, %rem3A_80, %lt3A_85 : vector<49x1xi32>
    %lt3A_87 = arith.constant 0 : i32
    %lt3A_88 = arith.cmpi slt, %select_n3A_78, %lt3A_87 : i32
    %ne3A_89 = vector.broadcast %lt3A_88 : i1 to vector<49x1xi1>
    %ne3A_90 = vector.broadcast %ne3A_89 : vector<49x1xi1> to vector<49x1xi1>
    %ne3A_91 = arith.xori %lt3A_86, %ne3A_90 : vector<49x1xi1>
    %and3A_92 = arith.andi %ne3A_91, %ne3A_83 : vector<49x1xi1>
    %add3A_93 = vector.broadcast %select_n3A_78 : i32 to vector<49x1xi32>
    %add3A_94 = arith.addi %rem3A_80, %add3A_93 : vector<49x1xi32>
    %select_n3A_95 = arith.select %and3A_92, %add3A_94, %rem3A_80 : vector<49x1xi1>, vector<49x1xi32>
    %convert_element_type3A_96 = arith.sitofp %select_n3A_95 : vector<49x1xi32> to vector<49x1xf32>
    %add3A_97 = arith.constant 5.000000e-01 : f32
    %add3A_98 = vector.broadcast %add3A_97 : f32 to vector<49x1xf32>
    %add3A_99 = arith.addf %convert_element_type3A_96, %add3A_98 : vector<49x1xf32>
    %mul3A_100 = vector.broadcast %add3A_74 : vector<49x1xf32> to vector<49x2048xf32>
    %mul3A_101 = vector.broadcast %div3A_45 : vector<1x2048xf32> to vector<49x2048xf32>
    %mul3A_102 = arith.mulf %mul3A_100, %mul3A_101 : vector<49x2048xf32>
    %add3A_103 = vector.broadcast %sub3A_34 : vector<1x2048xf32> to vector<49x2048xf32>
    %add3A_104 = arith.addf %add3A_103, %mul3A_102 : vector<49x2048xf32>
    %mul3A_105 = vector.broadcast %add3A_99 : vector<49x1xf32> to vector<49x2048xf32>
    %mul3A_106 = vector.broadcast %div3A_39 : vector<1x2048xf32> to vector<49x2048xf32>
    %mul3A_107 = arith.mulf %mul3A_105, %mul3A_106 : vector<49x2048xf32>
    %add3A_108 = vector.broadcast %sub3A_31 : vector<1x2048xf32> to vector<49x2048xf32>
    %add3A_109 = arith.addf %add3A_108, %mul3A_107 : vector<49x2048xf32>
    %ge3A_110 = arith.constant -1.000000e+00 : f32
    %ge3A_111 = vector.broadcast %ge3A_110 : f32 to vector<49x2048xf32>
    %ge3A_112 = arith.cmpf oge, %add3A_104, %ge3A_111 : vector<49x2048xf32>
    %le3A = arith.constant 1.280000e+02 : f32
    %le3A_113 = vector.broadcast %le3A : f32 to vector<49x2048xf32>
    %le3A_114 = arith.cmpf ole, %add3A_104, %le3A_113 : vector<49x2048xf32>
    %and3A_115 = arith.andi %ge3A_112, %le3A_114 : vector<49x2048xi1>
    %max3A = arith.constant 0.000000e+00 : f32
    %max3A_116 = vector.broadcast %max3A : f32 to vector<49x2048xf32>
    %max3A_117 = arith.maximumf %add3A_104, %max3A_116 : vector<49x2048xf32>
    %floor3A = math.floor %max3A_117 : vector<49x2048xf32>
    %ge3A_118 = arith.constant 1.270000e+02 : f32
    %ge3A_119 = vector.broadcast %ge3A_118 : f32 to vector<49x2048xf32>
    %ge3A_120 = arith.cmpf oge, %floor3A, %ge3A_119 : vector<49x2048xf32>
    %jit3A_121 = arith.constant 1.270000e+02 : f32
    %broadcast_in_dim3A = vector.broadcast %jit3A_121 : f32 to vector<49x2048xf32>
    %select_n3A_122 = arith.select %ge3A_120, %broadcast_in_dim3A, %floor3A : vector<49x2048xi1>, vector<49x2048xf32>
    %add3A_123 = arith.constant 1.000000e+00 : f32
    %add3A_124 = vector.broadcast %add3A_123 : f32 to vector<49x2048xf32>
    %add3A_125 = arith.addf %select_n3A_122, %add3A_124 : vector<49x2048xf32>
    %min3A = arith.constant 1.270000e+02 : f32
    %min3A_126 = vector.broadcast %min3A : f32 to vector<49x2048xf32>
    %min3A_127 = arith.minimumf %add3A_125, %min3A_126 : vector<49x2048xf32>
    %jit3A_128 = arith.constant 1.270000e+02 : f32
    %broadcast_in_dim3A_129 = vector.broadcast %jit3A_128 : f32 to vector<49x2048xf32>
    %select_n3A_130 = arith.select %ge3A_120, %broadcast_in_dim3A_129, %max3A_117 : vector<49x2048xi1>, vector<49x2048xf32>
    %sub3A_131 = arith.subf %select_n3A_130, %select_n3A_122 : vector<49x2048xf32>
    %ge3A_132 = arith.constant -1.000000e+00 : f32
    %ge3A_133 = vector.broadcast %ge3A_132 : f32 to vector<49x2048xf32>
    %ge3A_134 = arith.cmpf oge, %add3A_109, %ge3A_133 : vector<49x2048xf32>
    %le3A_135 = arith.constant 1.280000e+02 : f32
    %le3A_136 = vector.broadcast %le3A_135 : f32 to vector<49x2048xf32>
    %le3A_137 = arith.cmpf ole, %add3A_109, %le3A_136 : vector<49x2048xf32>
    %and3A_138 = arith.andi %ge3A_134, %le3A_137 : vector<49x2048xi1>
    %max3A_139 = arith.constant 0.000000e+00 : f32
    %max3A_140 = vector.broadcast %max3A_139 : f32 to vector<49x2048xf32>
    %max3A_141 = arith.maximumf %add3A_109, %max3A_140 : vector<49x2048xf32>
    %floor3A_142 = math.floor %max3A_141 : vector<49x2048xf32>
    %ge3A_143 = arith.constant 1.270000e+02 : f32
    %ge3A_144 = vector.broadcast %ge3A_143 : f32 to vector<49x2048xf32>
    %ge3A_145 = arith.cmpf oge, %floor3A_142, %ge3A_144 : vector<49x2048xf32>
    %jit3A_146 = arith.constant 1.270000e+02 : f32
    %broadcast_in_dim3A_147 = vector.broadcast %jit3A_146 : f32 to vector<49x2048xf32>
    %select_n3A_148 = arith.select %ge3A_145, %broadcast_in_dim3A_147, %floor3A_142 : vector<49x2048xi1>, vector<49x2048xf32>
    %add3A_149 = arith.constant 1.000000e+00 : f32
    %add3A_150 = vector.broadcast %add3A_149 : f32 to vector<49x2048xf32>
    %add3A_151 = arith.addf %select_n3A_148, %add3A_150 : vector<49x2048xf32>
    %min3A_152 = arith.constant 1.270000e+02 : f32
    %min3A_153 = vector.broadcast %min3A_152 : f32 to vector<49x2048xf32>
    %min3A_154 = arith.minimumf %add3A_151, %min3A_153 : vector<49x2048xf32>
    %jit3A_155 = arith.constant 1.270000e+02 : f32
    %broadcast_in_dim3A_156 = vector.broadcast %jit3A_155 : f32 to vector<49x2048xf32>
    %select_n3A_157 = arith.select %ge3A_145, %broadcast_in_dim3A_156, %max3A_141 : vector<49x2048xi1>, vector<49x2048xf32>
    %sub3A_158 = arith.subf %select_n3A_157, %select_n3A_148 : vector<49x2048xf32>
    %sub3A_159 = arith.constant 1.000000e+00 : f32
    %sub3A_160 = vector.broadcast %sub3A_159 : f32 to vector<49x2048xf32>
    %sub3A_161 = arith.subf %sub3A_160, %sub3A_131 : vector<49x2048xf32>
    %sub3A_162 = arith.constant 1.000000e+00 : f32
    %sub3A_163 = vector.broadcast %sub3A_162 : f32 to vector<49x2048xf32>
    %sub3A_164 = arith.subf %sub3A_163, %sub3A_158 : vector<49x2048xf32>
    %and3A_165 = arith.andi %and3A_115, %and3A_138 : vector<49x2048xi1>
    %convert_element_type3A_166 = arith.extui %and3A_165 : vector<49x2048xi1> to vector<49x2048xi32>
    %convert_element_type3A_167 = arith.sitofp %convert_element_type3A_166 : vector<49x2048xi32> to vector<49x2048xf32>
    %mul3A_168 = vector.broadcast %convert_element_type3A_13 : vector<1x2048xf32> to vector<49x2048xf32>
    %mul3A_169 = arith.mulf %convert_element_type3A_167, %mul3A_168 : vector<49x2048xf32>
    %mul3A_170 = arith.constant 16384 : i32
    %mul3A_171 = vector.broadcast %mul3A_170 : i32 to vector<1x2048xi32>
    %mul3A_172 = arith.muli %convert_element_type3A_16, %mul3A_171 : vector<1x2048xi32>
    %convert_element_type3A_173 = arith.fptosi %select_n3A_122 : vector<49x2048xf32> to vector<49x2048xi32>
    %mul3A_174 = arith.constant 128 : i32
    %mul3A_175 = vector.broadcast %mul3A_174 : i32 to vector<49x2048xi32>
    %mul3A_176 = arith.muli %convert_element_type3A_173, %mul3A_175 : vector<49x2048xi32>
    %convert_element_type3A_177 = arith.fptosi %min3A_127 : vector<49x2048xf32> to vector<49x2048xi32>
    %mul3A_178 = arith.constant 128 : i32
    %mul3A_179 = vector.broadcast %mul3A_178 : i32 to vector<49x2048xi32>
    %mul3A_180 = arith.muli %convert_element_type3A_177, %mul3A_179 : vector<49x2048xi32>
    %convert_element_type3A_181 = arith.fptosi %select_n3A_148 : vector<49x2048xf32> to vector<49x2048xi32>
    %convert_element_type3A_182 = arith.fptosi %min3A_154 : vector<49x2048xf32> to vector<49x2048xi32>
    %add3A_183 = vector.broadcast %mul3A_172 : vector<1x2048xi32> to vector<49x2048xi32>
    %add3A_184 = arith.addi %add3A_183, %mul3A_176 : vector<49x2048xi32>
    %add3A_185 = arith.addi %add3A_184, %convert_element_type3A_181 : vector<49x2048xi32>
    %add3A_186 = vector.broadcast %mul3A_172 : vector<1x2048xi32> to vector<49x2048xi32>
    %add3A_187 = arith.addi %add3A_186, %mul3A_176 : vector<49x2048xi32>
    %add3A_188 = arith.addi %add3A_187, %convert_element_type3A_182 : vector<49x2048xi32>
    %add3A_189 = vector.broadcast %mul3A_172 : vector<1x2048xi32> to vector<49x2048xi32>
    %add3A_190 = arith.addi %add3A_189, %mul3A_180 : vector<49x2048xi32>
    %add3A_191 = arith.addi %add3A_190, %convert_element_type3A_181 : vector<49x2048xi32>
    %add3A_192 = vector.broadcast %mul3A_172 : vector<1x2048xi32> to vector<49x2048xi32>
    %add3A_193 = arith.addi %add3A_192, %mul3A_180 : vector<49x2048xi32>
    %add3A_194 = arith.addi %add3A_193, %convert_element_type3A_182 : vector<49x2048xi32>
    %concatenate3A = tpu.concatenate %add3A_185, %add3A_188, %add3A_191, %add3A_194 in 0 : vector<49x2048xi32>, vector<49x2048xi32>, vector<49x2048xi32>, vector<49x2048xi32> -> vector<196x2048xi32>
    %swap3A = arith.constant 0 : index
    %swap3A_195 = arith.constant 0 : index
    %swap3A_196 = vector.load %arg1[%swap3A, %swap3A_195] : memref<196x2048xi32, #tpu.memory_space<vmem>>, vector<196x2048xi32>
    tpu.vector_store %arg1[%swap3A, %swap3A_195], %concatenate3A {strides = array<i32>} : memref<196x2048xi32, #tpu.memory_space<vmem>>, vector<196x2048xi32>,
    %mul3A_197 = arith.mulf %sub3A_161, %sub3A_164 : vector<49x2048xf32>
    %mul3A_198 = arith.mulf %mul3A_197, %mul3A_169 : vector<49x2048xf32>
    %mul3A_199 = arith.mulf %sub3A_161, %sub3A_158 : vector<49x2048xf32>
    %mul3A_200 = arith.mulf %mul3A_199, %mul3A_169 : vector<49x2048xf32>
    %mul3A_201 = arith.mulf %sub3A_131, %sub3A_164 : vector<49x2048xf32>
    %mul3A_202 = arith.mulf %mul3A_201, %mul3A_169 : vector<49x2048xf32>
    %mul3A_203 = arith.mulf %sub3A_131, %sub3A_158 : vector<49x2048xf32>
    %mul3A_204 = arith.mulf %mul3A_203, %mul3A_169 : vector<49x2048xf32>
    %concatenate3A_205 = tpu.concatenate %mul3A_198, %mul3A_200, %mul3A_202, %mul3A_204 in 0 : vector<49x2048xf32>, vector<49x2048xf32>, vector<49x2048xf32>, vector<49x2048xf32> -> vector<196x2048xf32>
    %swap3A_206 = arith.constant 0 : index
    %swap3A_207 = arith.constant 0 : index
    %swap3A_208 = vector.load %arg2[%swap3A_206, %swap3A_207] : memref<196x2048xf32, #tpu.memory_space<vmem>>, vector<196x2048xf32>
    tpu.vector_store %arg2[%swap3A_206, %swap3A_207], %concatenate3A_205 {strides = array<i32>} : memref<196x2048xf32, #tpu.memory_space<vmem>>, vector<196x2048xf32>,
    return
  }
}

</mosaic_0001>

<sc_bundles>
// kernel: kernel.4.cloned.1.call-start
scs
__scs_entry_jumppad:
0x0: {  	(pc) =	sbr.rel $0x88, $3  }
0x1: {  	(tag) =	ssettag $0x0;
	lr =	simm.s32 $0x1  }
0x2: {  	[smem:$0x3F9F] =	sst lr;
	_ =	strace $0xD0000000  }
0x3: {  	_ = 	snop  }
0x4: {  	_ = 	snop  }
0x5: {  	_ = 	snop  }
0x6: {  	_ = 	snop  }
0x7: {  	_ = 	snop  }
__scs_overlays_trampoline_lowered:
0x8: {  	[smem:$0x3FAE] =	sst s0  }
0x9: {  	[smem:$0x3FAF] =	sst s1  }
0xa: {  	[smem:$0x3FB0] =	sst s2  }
0xb: {  	[smem:$0x3FB1] =	sst s3  }
0xc: {  	[smem:$0x3FB2] =	sst s4  }
0xd: {  	[smem:$0x3FB3] =	sst s5  }
0xe: {  	[smem:$0x3FB4] =	sst s6  }
0xf: {  	[smem:$0x3FB5] =	sst s7  }
0x10: {  	[smem:$0x3FB6] =	sst s8  }
0x11: {  	[smem:$0x3FB7] =	sst s9;
	s0 =	simm.s32 @!p0 $0x0  }
0x12: {  	s1 =	sld [smem:$0x3F9D];
	s0 =	simm.s32 @p0 $0x1  }
0x13: {  	[smem:$0x3FB8] =	sst s0;
	s0 =	simm.s32 @!p1 $0x0  }
0x14: {  	s2 =	sld [smem:$0x3F9C];
	s0 =	simm.s32 @p1 $0x1  }
0x15: {  	[smem:$0x3FB9] =	sst s0;
	s0 =	simm.s32 @!p2 $0x0  }
0x16: {  	s3 =	sld [smem:$0x3FDB];
	s0 =	simm.s32 @p2 $0x1  }
0x17: {  	s4 =	simm.s32 $0x1BF5;
	[smem:$0x3FBB] =	sst s0  }
0x18: {  	s0 =	sld [smem:$0x3F9E];
	_ =	swait.ge [sflag:s4], $0x0  }
0x19: {  	s7 =	sld [smem:$0x3F9F]  }
0x1a: {  	s8 =	sadd.s32 $0xFFFFE003, lr  }
0x1b: {  	s9 =	sadd.s32 $0xFFFFFEF7, lr;
	s5 =	simm.s32 $0xFFFFFFFF;
	p2 =	slt.u32 s8, $0xFFFFF086  }
0x1c: {  	p1 =	slt.u32 s9, $0xF7A;
	s5 =	simm.s32 @!p2 $0x0  }
0x1d: {  	s5 =	simm.s32 @p1 $0x1;
	p0 =	seq.s32 s7, s2  }
0x1e: {  	s7 =	smul.u32 @!p0 $0xF7A, s2;
	p2 =	seq.s32 @!p0 s5, $0x0  }
0x1f: {  	s9 =	smul.u32 $0xF7A, s1;
	s8 =	simm.s32 @!p0 $0x1BF5;
	p2 =	por !p2, p0  }
0x20: {  	[sflag:s8] =	ssyncset.s32 @!p0 $0xFFFFF086;
	s6 =	sadd.s32 @!p0 s3, s7;
	s7 =	simm.s32 @!p0 $0x108  }
0x21: {  	s3 =	sadd.s32 s3, s9;
	s6 =	sadd.s32 @!p0 $0x88, s6;
	s7 =	simm.s32 @p2 $0x1082  }
0x22: {  	[simem:s7], [sflag:s8] =	dma.local @!p0 [hbm:s6], $0xF7A  }
0x23: {  	s9 =	sor.u32 $0xD0000000, s2;
	s6 =	simm.s32 $0x108;
	_ =	swait.ge @!p0 [sflag:s8], $0x0  }
0x24: {  	s3 =	sadd.s32 $0x88, s3;
	s6 =	simm.s32 @!p1 $0x1082;
	[sflag:s4] =	ssyncset.s32 $0xFFFFF086  }
0x25: {  	[simem:s6], [sflag:s4] =	dma.local [hbm:s3], $0xF7A  }
0x26: {  	[smem:$0x3F9F] =	sst s1;
	(tag) =	ssettag s2;
	_ =	strace s9  }
0x27: {  	s1 =	sld [smem:$0x3FAF]  }
0x28: {  	s2 =	sld [smem:$0x3FB0]  }
0x29: {  	s4 =	sld [smem:$0x3FB2]  }
0x2a: {  	p0 =	seq.s32 s5, $0x0;
	s5 =	sld [smem:$0x3FB3]  }
0x2b: {  	s6 =	sld [smem:$0x3FB4]  }
0x2c: {  	s7 =	sld [smem:$0x3FB5]  }
0x2d: {  	s3 =	simm.s32 $0x108;
	s8 =	sld [smem:$0x3FB6]  }
0x2e: {  	s3 =	simm.s32 @!p0 $0x1082;
	s9 =	sld [smem:$0x3FB7]  }
0x2f: {  	lr =	sadd.s32 s0, s3;
	s0 =	sld [smem:$0x3FAE]  }
0x30: {  	s3 =	sld [smem:$0x3FB1]  }
0x31: {  	[smem:$0x3FBA] =	sst s10  }
0x32: {  	s10 =	sld [smem:$0x3FB8];
	_ =	sdelay $0x3  }
0x33: {  	p0 =	seq.s32 s10, $0x1;
	s10 =	sld [smem:$0x3FBA];
	_ =	sdelay $0x3  }
0x34: {  	[smem:$0x3FBA] =	sst s10  }
0x35: {  	s10 =	sld [smem:$0x3FB9];
	_ =	sdelay $0x3  }
0x36: {  	p1 =	seq.s32 s10, $0x1;
	s10 =	sld [smem:$0x3FBA];
	_ =	sdelay $0x3  }
0x37: {  	[smem:$0x3FBA] =	sst s10  }
0x38: {  	s10 =	sld [smem:$0x3FBB]  }
0x39: {  	_ = 	snop;
	(pc) =	sbr.ind lr, $3  }
0x3a: {  	_ = 	snop  }
0x3b: {  	_ = 	snop  }
0x3c: {  	p2 =	seq.s32 s10, $0x1;
	s10 =	sld [smem:$0x3FBA]  }
0x3d: {  	_ =	shalt  }
0x3e: {  	_ =	shalt  }
0x3f: {  	_ =	shalt  }
0x40: {  	_ =	shalt  }
0x41: {  	_ =	shalt  }
0x42: {  	_ =	shalt  }
0x43: {  	_ =	shalt  }
0x44: {  	_ =	shalt  }
0x45: {  	_ =	shalt  }
0x46: {  	_ =	shalt  }
0x47: {  	_ =	shalt  }
0x48: {  	_ =	shalt  }
0x49: {  	_ =	shalt  }
0x4a: {  	_ =	shalt  }
0x4b: {  	_ =	shalt  }
0x4c: {  	_ =	shalt  }
0x4d: {  	_ =	shalt  }
0x4e: {  	_ =	shalt  }
0x4f: {  	_ =	shalt  }
0x50: {  	_ =	shalt  }
0x51: {  	_ =	shalt  }
0x52: {  	_ =	shalt  }
0x53: {  	_ =	shalt  }
0x54: {  	_ =	shalt  }
0x55: {  	_ =	shalt  }
0x56: {  	_ =	shalt  }
0x57: {  	_ =	shalt  }
0x58: {  	_ =	shalt  }
0x59: {  	_ =	shalt  }
0x5a: {  	_ =	shalt  }
0x5b: {  	_ =	shalt  }
0x5c: {  	_ =	shalt  }
0x5d: {  	_ =	shalt  }
0x5e: {  	_ =	shalt  }
0x5f: {  	_ =	shalt  }
0x60: {  	_ =	shalt  }
0x61: {  	_ =	shalt  }
0x62: {  	_ =	shalt  }
0x63: {  	_ =	shalt  }
0x64: {  	_ =	shalt  }
0x65: {  	_ =	shalt  }
0x66: {  	_ =	shalt  }
0x67: {  	_ =	shalt  }
0x68: {  	_ =	shalt  }
0x69: {  	_ =	shalt  }
0x6a: {  	_ =	shalt  }
0x6b: {  	_ =	shalt  }
0x6c: {  	_ =	shalt  }
0x6d: {  	_ =	shalt  }
0x6e: {  	_ =	shalt  }
0x6f: {  	_ =	shalt  }
0x70: {  	_ =	shalt  }
0x71: {  	_ =	shalt  }
0x72: {  	_ =	shalt  }
0x73: {  	_ =	shalt  }
0x74: {  	_ =	shalt  }
0x75: {  	_ =	shalt  }
0x76: {  	_ =	shalt  }
0x77: {  	_ =	shalt  }
0x78: {  	_ =	shalt  }
0x79: {  	_ =	shalt  }
0x7a: {  	_ =	shalt  }
0x7b: {  	_ =	shalt  }
0x7c: {  	_ =	shalt  }
0x7d: {  	_ =	shalt  }
0x7e: {  	_ =	shalt  }
0x7f: {  	_ =	shalt  }
0x80: {  	_ =	shalt  }
0x81: {  	_ =	shalt  }
0x82: {  	_ =	shalt  }
0x83: {  	_ =	shalt  }
0x84: {  	_ =	shalt  }
0x85: {  	_ =	shalt  }
0x86: {  	_ =	shalt  }
0x87: {  	_ =	shalt  }
.Lfunc_end0:
.L_simem_size_0:
called_computation.2_lowered:
.L_overlay_start_0:
0x88: {  	s2 =	sld [smem:$0x3FD9]  }
0x89: {  	s3 =	sld [smem:$0x3FFE];
	_ =	sdelay $0x1  }
0x8a: {  	s1 =	srdreg.scid  }
0x8b: {  	s0 =	sand.u32 $0x1, s1  }
0x8c: {  	s16 =	sshll.u32 s0, $0xA;
	s2 =	sadd.s32 s3, s2  }
0x8d: {  	s2 =	sadd.s32 s2, s16  }
0x8e: {  	[smem:$0x3FC6] =	sst s2  }
0x8f: {  	_ = 	snop  }
0x90: {  	(tm) =	ssettm $0x1  }
0x91: {  	s17 =	sld [smem:$0x3FFB];
	_ =	sdelay $0x3  }
0x92: {  	_ =	strace s17  }
0x93: {  	s2 =	sld [smem:$0x3FFC];
	_ =	sdelay $0x3  }
0x94: {  	_ =	strace s2  }
0x95: {  	s2 =	sld [smem:$0x3FFD];
	_ =	sdelay $0x3  }
0x96: {  	_ =	strace s2  }
0x97: {  	_ =	strace $0x8FFFFFFF  }
0x98: {  	s18 =	sld [smem:$0x3FDB];
	_ =	sdelay $0x1  }
0x99: {  	s19 =	simm.s32 $_scs_section_size  }
0x9a: {  	s4 =	simm.s32 $_size__tile_overlayer_lowered;
	s5 =	simm.s32 $_tile_overlayer_lowered  }
0x9b: {  	s22 =	simm.s32 $0x1BFF;
	s21 =	sshll.u32 s5, $0x1;
	s2 =	sadd.s32 s19, s18  }
0x9c: {  	s6 =	simm.s32 $0x0;
	s20 =	sshll.u32 s4, $0x1;
	s4 =	sadd.s32 s21, s2  }
0x9d: {  	[timem:s6], [sflag:s22] =	dma.local [hbm:s4], s20  }
0x9e: {  	_ =	swait.ge [sflag:s22], s20  }
0x9f: {  	s3 =	ssub.s32 $0x0, s20;
	[sflag:s22] =	ssyncset.done $0x0  }
0xa0: {  	[sflag:s22] =	ssyncadd.s32 s3;
	_ =	sdelay $0x1  }
0xa1: {  	s23 =	simm.s32 $0x1B8B  }
0xa2: {  	_ =	swait.ge [sflag:s23], $0x1  }
0xa3: {  	[sflag:s23] =	ssyncset.done $0x0  }
0xa4: {  	s25 =	simm.s32 $0x1B8E;
	s24 =	sld [smem:$0x3FFE];
	[sflag:s23] =	ssyncadd.s32 $0xFFFFFFFF  }
0xa5: {  	s26 =	simm.s32 $execute0_lowered;
	[smem:$0x3FD2] =	sst s25  }
0xa6: {  	s4 =	sshll.u32 s26, $0x1;
	_ =	strace $0x80000049;
	[dreg:$0x1] =	wrdreg $0xFFFFFFFF  }
0xa7: {  	s28 =	simm.s32 $_size_execute0_lowered;
	s2 =	sadd.s32 s2, s4;
	[dreg:$0x0] =	wrdreg $0x0  }
0xa8: {  	s4 =	sshll.u32 s28, $0x1;
	[dreg:$0x2] =	wrdreg s2  }
0xa9: {  	[dreg:$0x3] =	wrdreg s4  }
0xaa: {  	[dreg:$0x4] =	wrdreg $0xC0  }
0xab: {  	_ =	task [dreg:s6], $0x5FFFF  }
0xac: {  	[dreg:$0x1] =	wrdreg $0xFFFFFFFF  }
0xad: {  	[dreg:$0x0] =	wrdreg $0x60  }
0xae: {  	[dreg:$0x2] =	wrdreg s24  }
0xaf: {  	[dreg:$0x3] =	wrdreg $0x9  }
0xb0: {  	_ =	task.clear_ibuf [dreg:s6], $0x4FFFF;
	_ =	strace $0x90000049  }
0xb1: {  	s29 =	simm.s32 $0x9;
	_ =	strace $0x8000004B  }
0xb2: {  	_ =	swait.ge [sflag:s29], $0x1  }
0xb3: {  	[sflag:s29] =	ssyncadd.s32 $0xFFFFFFFF  }
0xb4: {  	_ =	strace $0x9000004B  }
0xb5: {  	_ =	sfence  }
0xb6: {  	s30 =	sld [smem:$0x0];
	_ =	sdelay $0x2  }
0xb7: {  	s31 =	sshll.u32 s1, $0xD;
	s1 =	sshrl.u32 s1, $0x2  }
0xb8: {  	s3 =	sand.u32 $0x4000, s31;
	s1 =	sadd.s32 s1, s30  }
0xb9: {  	s0 =	sor.u32 s3, s0;
	s1 =	sshll.u32 s1, $0x11  }
0xba: {  	s0 =	sor.u32 s1, s0  }
0xbb: {  	s0 =	sadd.s32 $0x8F2B, s0  }
0xbc: {  	[sflag:s0] =	ssyncadd.remote.s32 $0x1  }
0xbd: {  	_ =	sfence.sel $0xFFFF  }
0xbe: {  	[dreg:$0x0] =	wrdreg $0xFFFFFFFF;
	(pc) =	sbr.abs _section_cstart, $3  }
0xbf: {  	[dreg:$0x1] =	wrdreg $0xFFFFFFFF  }
0xc0: {  	_ =	task.clear_ibuf [dreg:s6], $0x2FFFF;
	_ =	strace $0x9FFFFFFF  }
0xc1: {  	(tm) =	ssettm $0x7FFFFFFF  }
tec
execute0_lowered:
.L_overlay_start_1:
0x0: {  	(tag) =	ssettag $0x1  }
0x1: {  	s0 =	rddreg [dreg:$0x0];
	s2 =	simm.s32 $0x0;
	s1 =	srdreg.scid  }
0x2: {  	s3 =	stileid.u32;
	s11 =	simm.s32 $0x2;
	s14 =	simm.s32 $0x4  }
0x3: {  	s30 =	simm.s32 $0xE900;
	s31 =	simm.s32 $0xF100;
	s10 =	simm.s32 $0x11900  }
0x4: {  	s15 =	simm.s32 $0x5;
	s18 =	simm.s32 $0x12100;
	s19 =	simm.s32 $0x6  }
0x5: {  	s12 =	simm.s32 $0x8;
	s1 =	sand.u32 $0x1, s1;
	s3 =	sshll.u32 s3, $0x1  }
0x6: {  	s16 =	simm.s32 $0x14100;
	s20 =	simm.s32 $0x0;
	s8 =	sor.u32 s1, s3  }
0x7: {  	[smem:$0x7FF] =	sst s2;
	s4 =	sadd.s32 $0x289000, s0;
	s5 =	smul.u32 $0x62, s8  }
0x8: {  	s6 =	sadd.s32 $0x101000, s0;
	s1 =	ssub.s32 $0x2, s1;
	s9 =	smul.u32 $0x620, s8  }
0x9: {  	s7 =	sadd.s32 $0x295400, s0;
	s24 =	sshrl.u32 s1, $0x1;
	s8 =	smul.u32 $0xC400, s8  }
0xa: {  	_ =	strace $0x8000004A;
	s3 =	sadd.s32 $0x1000, s0;
	s0 =	ssub.s32 s1, s24  }
0xb: {  	s25 =	sadd.s32 s4, s9;
	s26 =	sor.u32 $0x1, s5;
	s8 =	sadd.s32 s6, s8  }
0xc: {  	s29 =	sadd.s32 $0x2, s5;
	s13 =	sadd.s32 $0x3, s5;
	[dreg:$0x2] =	wrdreg s25  }
.Ltmp0:
0xd: {  	s0 =	smax.u32 s0, $0x1;
	[dreg:$0x3] =	wrdreg s8;
	(pc) =	sbr.rel .LBB2_1-.Ltmp0, $4  }
0xe: {  	s9 =	simm.s32 $0x11100;
	s28 =	sshll.u32 s26, $0x4;
	[dreg:$0x6] =	wrdreg s29  }
0xf: {  	v2 =	vlaneseq.u32;
	s1 =	sshll.u32 s26, $0x9;
	[dreg:$0x7] =	wrdreg s0;
	s8 =	sadd.s32 s4, s28  }
0x10: {  	vm0 =	vmmov $0xffff;
	v1 =	vshrl.u32 v2, $0x3;
	s0 =	simm.s32 $0xF900;
	s1 =	sadd.s32 s6, s1;
	[dreg:$0x4] =	wrdreg s8  }
0x11: {  	v0 =	vand.u32 $0x7, v2;
	v2 =	vor.u32 $0x8, v2;
	v1 =	vmul.u32 $0x8, v1;
	[dreg:$0x5] =	wrdreg s1;
	s1 =	simm.s32 $0x10100;
	s8 =	simm.s32 $0x10900  }
.LBB2_14:
0x12: {  	s17 =	simm.s32 $0x7  }
0x13: {  	_ =	swait.ge [sflag:s17], $0x2000  }
0x14: {  	[sflag:s17] =	ssyncset.done $0x0  }
0x15: {  	[sflag:s17] =	ssyncadd.s32 $0xFFFFE000  }
0x16: {  	_ =	swait.ge [sflag:s12], $0x2000  }
0x17: {  	s20 =	rddreg [dreg:$0x8]  }
0x18: {  	s29 =	rddreg [dreg:$0x7];
	s20 =	sadd.s32 $0x1, s20  }
0x19: {  	p0 =	sne.s32 s20, s29  }
.Ltmp1:
0x1a: {  	_ = 	snop;
	(pc) =	sbr.rel @!p0 .LBB2_15-.Ltmp1, $3  }
0x1b: {  	_ =	sdelay $0x1  }
0x1c: {  	[sflag:s12] =	ssyncset.done $0x0  }
0x1d: {  	[sflag:s12] =	ssyncadd.s32 $0xFFFFE000  }
.LBB2_1:
0x1e: {  	[dreg:$0x8] =	wrdreg s20  }
0x1f: {  	s17 =	rddreg [dreg:$0x2]  }
0x20: {  	[tilespmem:s2], [sflag:$0x1] =	stream.linear.gather [hbm4b:s17+s2], $0x80, $0x38;
	[tilespmem:$0x16100] =	vst v63  }
0x21: {  	s23 =	rddreg [dreg:$0x3];
	s24 =	simm.s32 $0x100  }
0x22: {  	[tilespmem:s24], [sflag:$0x3] =	stream.linear.gather [hbm4b:s23+s2], $0x1000, $0x38;
	[tilespmem:$0x16100] =	vst v63  }
0x23: {  	s25 =	rddreg [dreg:$0x4];
	s26 =	simm.s32 $0x80  }
0x24: {  	[tilespmem:s26], [sflag:$0x2] =	stream.linear.gather [hbm4b:s25+s2], $0x80, $0x38;
	[tilespmem:$0x16100] =	vst v63  }
0x25: {  	s28 =	rddreg [dreg:$0x5];
	s29 =	simm.s32 $0x1100;
	s20 =	simm.s32 $0x1  }
0x26: {  	[tilespmem:s29], [sflag:$0x4] =	stream.linear.gather [hbm4b:s28+s2], $0x1000, $0x38;
	[tilespmem:$0x16100] =	vst v63  }
0x27: {  	_ =	swait.ge [sflag:s20], $0x80  }
0x28: {  	[sflag:s20] =	ssyncset.done $0x0  }
0x29: {  	s21 =	simm.s32 $0x3;
	[sflag:s20] =	ssyncadd.s32 $0xFFFFFF80  }
0x2a: {  	_ =	swait.ge [sflag:s21], $0x1000  }
0x2b: {  	[sflag:s21] =	ssyncset.done $0x0  }
0x2c: {  	[sflag:s21] =	ssyncadd.s32 $0xFFFFF000  }
0x2d: {  	v3 =	vld [tilespmem:$0x0];
	_ =	sdelay $0x4  }
0x2e: {  	v4 =	vshll.u32 v3, $0x1  }
0x2f: {  	v3 =	vand.u32 $0x7, v3;
	v4 =	vand.u32 $0xFFFFFFF0, v4  }
0x30: {  	v3 =	vor.u32 v3, v4  }
0x31: {  	v4 =	vperm.xlane v3, v0;
	_ =	sdelay $0x1  }
0x32: {  	v3 =	vperm.xlane v3, v2;
	v4 =	vadd.s32 v1, v4;
	_ =	sdelay $0x1  }
0x33: {  	v3 =	vadd.s32 v1, v3;
	_ =	sdelay $0x1  }
0x34: {  	s22 =	simm.s32 $0x2100  }
0x35: {  	[tilespmem:s22], [sflag:$0x5] =	stream.indirect_vreg.gather [hbm4b:s3+s2], $0x80, v4, vm0, $0xb8;
	[tilespmem:$0x16100] =	vst v63  }
0x36: {  	s23 =	simm.s32 $0x2900  }
0x37: {  	[tilespmem:s23], [sflag:$0x5] =	stream.indirect_vreg.gather [hbm4b:s3+s2], $0x80, v3, vm0, $0xb8;
	[tilespmem:$0x16100] =	vst v63  }
0x38: {  	v3 =	vld [tilespmem:$0x10];
	_ =	sdelay $0x4  }
0x39: {  	v57 =	vshll.u32 v3, $0x1  }
0x3a: {  	v3 =	vand.u32 $0x7, v3;
	v4 =	vand.u32 $0xFFFFFFF0, v57  }
0x3b: {  	v3 =	vor.u32 v3, v4  }
0x3c: {  	v4 =	vperm.xlane v3, v0;
	_ =	sdelay $0x1  }
0x3d: {  	v3 =	vperm.xlane v3, v2;
	v4 =	vadd.s32 v1, v4;
	_ =	sdelay $0x1  }
0x3e: {  	v3 =	vadd.s32 v1, v3;
	_ =	sdelay $0x1  }
0x3f: {  	s24 =	simm.s32 $0x3100  }
0x40: {  	[tilespmem:s24], [sflag:$0x5] =	stream.indirect_vreg.gather [hbm4b:s3+s2], $0x80, v4, vm0, $0xb8;
	[tilespmem:$0x16100] =	vst v63  }
0x41: {  	s25 =	simm.s32 $0x3900  }
0x42: {  	[tilespmem:s25], [sflag:$0x5] =	stream.indirect_vreg.gather [hbm4b:s3+s2], $0x80, v3, vm0, $0xb8;
	[tilespmem:$0x16100] =	vst v63  }
0x43: {  	v3 =	vld [tilespmem:$0x20];
	_ =	sdelay $0x4  }
0x44: {  	v58 =	vshll.u32 v3, $0x1  }
0x45: {  	v3 =	vand.u32 $0x7, v3;
	v4 =	vand.u32 $0xFFFFFFF0, v58  }
0x46: {  	v3 =	vor.u32 v3, v4  }
0x47: {  	v4 =	vperm.xlane v3, v0;
	_ =	sdelay $0x1  }
0x48: {  	v3 =	vperm.xlane v3, v2;
	v4 =	vadd.s32 v1, v4;
	_ =	sdelay $0x1  }
0x49: {  	v3 =	vadd.s32 v1, v3;
	_ =	sdelay $0x1  }
0x4a: {  	s26 =	simm.s32 $0x4100  }
0x4b: {  	[tilespmem:s26], [sflag:$0x5] =	stream.indirect_vreg.gather [hbm4b:s3+s2], $0x80, v4, vm0, $0xb8;
	[tilespmem:$0x16100] =	vst v63  }
0x4c: {  	s28 =	simm.s32 $0x4900  }
0x4d: {  	[tilespmem:s28], [sflag:$0x5] =	stream.indirect_vreg.gather [hbm4b:s3+s2], $0x80, v3, vm0, $0xb8;
	[tilespmem:$0x16100] =	vst v63  }
0x4e: {  	v3 =	vld [tilespmem:$0x30];
	_ =	sdelay $0x4  }
0x4f: {  	v59 =	vshll.u32 v3, $0x1  }
0x50: {  	v3 =	vand.u32 $0x7, v3;
	v4 =	vand.u32 $0xFFFFFFF0, v59  }
0x51: {  	v3 =	vor.u32 v3, v4  }
0x52: {  	v4 =	vperm.xlane v3, v0;
	_ =	sdelay $0x1  }
0x53: {  	v3 =	vperm.xlane v3, v2;
	v4 =	vadd.s32 v1, v4;
	_ =	sdelay $0x1  }
0x54: {  	v3 =	vadd.s32 v1, v3;
	_ =	sdelay $0x1  }
0x55: {  	s29 =	simm.s32 $0x5100  }
0x56: {  	[tilespmem:s29], [sflag:$0x5] =	stream.indirect_vreg.gather [hbm4b:s3+s2], $0x80, v4, vm0, $0xb8;
	[tilespmem:$0x16100] =	vst v63  }
0x57: {  	s20 =	simm.s32 $0x5900  }
0x58: {  	[tilespmem:s20], [sflag:$0x5] =	stream.indirect_vreg.gather [hbm4b:s3+s2], $0x80, v3, vm0, $0xb8;
	[tilespmem:$0x16100] =	vst v63  }
0x59: {  	v3 =	vld [tilespmem:$0x40];
	_ =	sdelay $0x4  }
0x5a: {  	v60 =	vshll.u32 v3, $0x1  }
0x5b: {  	v3 =	vand.u32 $0x7, v3;
	v4 =	vand.u32 $0xFFFFFFF0, v60  }
0x5c: {  	v3 =	vor.u32 v3, v4  }
0x5d: {  	v4 =	vperm.xlane v3, v0;
	_ =	sdelay $0x1  }
0x5e: {  	v3 =	vperm.xlane v3, v2;
	v4 =	vadd.s32 v1, v4;
	_ =	sdelay $0x1  }
0x5f: {  	v3 =	vadd.s32 v1, v3;
	_ =	sdelay $0x1  }
0x60: {  	s21 =	simm.s32 $0x6100  }
0x61: {  	[tilespmem:s21], [sflag:$0x5] =	stream.indirect_vreg.gather [hbm4b:s3+s2], $0x80, v4, vm0, $0xb8;
	[tilespmem:$0x16100] =	vst v63  }
0x62: {  	s22 =	simm.s32 $0x6900  }
0x63: {  	[tilespmem:s22], [sflag:$0x5] =	stream.indirect_vreg.gather [hbm4b:s3+s2], $0x80, v3, vm0, $0xb8;
	[tilespmem:$0x16100] =	vst v63  }
0x64: {  	v3 =	vld [tilespmem:$0x50];
	_ =	sdelay $0x4  }
0x65: {  	v61 =	vshll.u32 v3, $0x1  }
0x66: {  	v3 =	vand.u32 $0x7, v3;
	v4 =	vand.u32 $0xFFFFFFF0, v61  }
0x67: {  	v3 =	vor.u32 v3, v4  }
0x68: {  	v4 =	vperm.xlane v3, v0;
	_ =	sdelay $0x1  }
0x69: {  	v3 =	vperm.xlane v3, v2;
	v4 =	vadd.s32 v1, v4;
	_ =	sdelay $0x1  }
0x6a: {  	v3 =	vadd.s32 v1, v3;
	_ =	sdelay $0x1  }
0x6b: {  	s23 =	simm.s32 $0x7100  }
0x6c: {  	[tilespmem:s23], [sflag:$0x5] =	stream.indirect_vreg.gather [hbm4b:s3+s2], $0x80, v4, vm0, $0xb8;
	[tilespmem:$0x16100] =	vst v63  }
0x6d: {  	s24 =	simm.s32 $0x7900  }
0x6e: {  	[tilespmem:s24], [sflag:$0x5] =	stream.indirect_vreg.gather [hbm4b:s3+s2], $0x80, v3, vm0, $0xb8;
	[tilespmem:$0x16100] =	vst v63  }
0x6f: {  	v3 =	vld [tilespmem:$0x60];
	_ =	sdelay $0x4  }
0x70: {  	v62 =	vshll.u32 v3, $0x1  }
0x71: {  	v3 =	vand.u32 $0x7, v3;
	v4 =	vand.u32 $0xFFFFFFF0, v62  }
0x72: {  	v3 =	vor.u32 v3, v4  }
0x73: {  	v4 =	vperm.xlane v3, v0;
	_ =	sdelay $0x1  }
0x74: {  	v3 =	vperm.xlane v3, v2;
	v4 =	vadd.s32 v1, v4;
	_ =	sdelay $0x1  }
0x75: {  	v3 =	vadd.s32 v1, v3;
	_ =	sdelay $0x1  }
0x76: {  	s25 =	simm.s32 $0x8100  }
0x77: {  	[tilespmem:s25], [sflag:$0x5] =	stream.indirect_vreg.gather [hbm4b:s3+s2], $0x80, v4, vm0, $0xb8;
	[tilespmem:$0x16100] =	vst v63  }
0x78: {  	s26 =	simm.s32 $0x8900  }
0x79: {  	[tilespmem:s26], [sflag:$0x5] =	stream.indirect_vreg.gather [hbm4b:s3+s2], $0x80, v3, vm0, $0xb8;
	[tilespmem:$0x16100] =	vst v63  }
0x7a: {  	v3 =	vld [tilespmem:$0x70];
	_ =	sdelay $0x4  }
0x7b: {  	v63 =	vshll.u32 v3, $0x1  }
0x7c: {  	v3 =	vand.u32 $0x7, v3;
	v4 =	vand.u32 $0xFFFFFFF0, v63  }
0x7d: {  	v3 =	vor.u32 v3, v4  }
0x7e: {  	v4 =	vperm.xlane v3, v0;
	_ =	sdelay $0x1  }
0x7f: {  	v3 =	vperm.xlane v3, v2;
	v4 =	vadd.s32 v1, v4;
	_ =	sdelay $0x1  }
0x80: {  	v3 =	vadd.s32 v1, v3;
	_ =	sdelay $0x1  }
0x81: {  	s28 =	simm.s32 $0x9100  }
0x82: {  	[tilespmem:s28], [sflag:$0x5] =	stream.indirect_vreg.gather [hbm4b:s3+s2], $0x80, v4, vm0, $0xb8;
	[tilespmem:$0x16100] =	vst v63  }
0x83: {  	s17 =	simm.s32 $0x0;
	s29 =	simm.s32 $0x9900  }
0x84: {  	[tilespmem:s29], [sflag:$0x5] =	stream.indirect_vreg.gather [hbm4b:s3+s2], $0x80, v3, vm0, $0xb8;
	[tilespmem:$0x16100] =	vst v63  }
.LBB2_2:
0x85: {  	_ =	swait.ge [sflag:s11], $0x80  }
0x86: {  	[sflag:s11] =	ssyncset.done $0x0  }
0x87: {  	[sflag:s11] =	ssyncadd.s32 $0xFFFFFF80  }
0x88: {  	_ =	swait.ge [sflag:s14], $0x1000  }
0x89: {  	[sflag:s14] =	ssyncset.done $0x0  }
0x8a: {  	[sflag:s14] =	ssyncadd.s32 $0xFFFFF000  }
0x8b: {  	v3 =	vld [tilespmem:$0x80];
	_ =	sdelay $0x4  }
0x8c: {  	v4 =	vshll.u32 v3, $0x1  }
0x8d: {  	v3 =	vand.u32 $0x7, v3;
	v4 =	vand.u32 $0xFFFFFFF0, v4  }
0x8e: {  	v3 =	vor.u32 v3, v4  }
0x8f: {  	v4 =	vperm.xlane v3, v0;
	_ =	sdelay $0x1  }
0x90: {  	v3 =	vperm.xlane v3, v2;
	v4 =	vadd.s32 v1, v4;
	_ =	sdelay $0x1  }
0x91: {  	v3 =	vadd.s32 v1, v3;
	_ =	sdelay $0x1  }
0x92: {  	s20 =	simm.s32 $0xA100  }
0x93: {  	[tilespmem:s20], [sflag:$0x6] =	stream.indirect_vreg.gather [hbm4b:s3+s2], $0x80, v4, vm0, $0xb8;
	[tilespmem:$0x16100] =	vst v63  }
0x94: {  	s21 =	simm.s32 $0xA900  }
0x95: {  	[tilespmem:s21], [sflag:$0x6] =	stream.indirect_vreg.gather [hbm4b:s3+s2], $0x80, v3, vm0, $0xb8;
	[tilespmem:$0x16100] =	vst v63  }
0x96: {  	v3 =	vld [tilespmem:$0x90];
	_ =	sdelay $0x4  }
0x97: {  	v57 =	vshll.u32 v3, $0x1  }
0x98: {  	v3 =	vand.u32 $0x7, v3;
	v4 =	vand.u32 $0xFFFFFFF0, v57  }
0x99: {  	v3 =	vor.u32 v3, v4  }
0x9a: {  	v4 =	vperm.xlane v3, v0;
	_ =	sdelay $0x1  }
0x9b: {  	v3 =	vperm.xlane v3, v2;
	v4 =	vadd.s32 v1, v4;
	_ =	sdelay $0x1  }
0x9c: {  	v3 =	vadd.s32 v1, v3;
	_ =	sdelay $0x1  }
0x9d: {  	s22 =	simm.s32 $0xB100  }
0x9e: {  	[tilespmem:s22], [sflag:$0x6] =	stream.indirect_vreg.gather [hbm4b:s3+s2], $0x80, v4, vm0, $0xb8;
	[tilespmem:$0x16100] =	vst v63  }
0x9f: {  	s23 =	simm.s32 $0xB900  }
0xa0: {  	[tilespmem:s23], [sflag:$0x6] =	stream.indirect_vreg.gather [hbm4b:s3+s2], $0x80, v3, vm0, $0xb8;
	[tilespmem:$0x16100] =	vst v63  }
0xa1: {  	v3 =	vld [tilespmem:$0xA0];
	_ =	sdelay $0x4  }
0xa2: {  	v58 =	vshll.u32 v3, $0x1  }
0xa3: {  	v3 =	vand.u32 $0x7, v3;
	v4 =	vand.u32 $0xFFFFFFF0, v58  }
0xa4: {  	v3 =	vor.u32 v3, v4  }
0xa5: {  	v4 =	vperm.xlane v3, v0;
	_ =	sdelay $0x1  }
0xa6: {  	v3 =	vperm.xlane v3, v2;
	v4 =	vadd.s32 v1, v4;
	_ =	sdelay $0x1  }
0xa7: {  	v3 =	vadd.s32 v1, v3;
	_ =	sdelay $0x1  }
0xa8: {  	s24 =	simm.s32 $0xC100  }
0xa9: {  	[tilespmem:s24], [sflag:$0x6] =	stream.indirect_vreg.gather [hbm4b:s3+s2], $0x80, v4, vm0, $0xb8;
	[tilespmem:$0x16100] =	vst v63  }
0xaa: {  	s25 =	simm.s32 $0xC900  }
0xab: {  	[tilespmem:s25], [sflag:$0x6] =	stream.indirect_vreg.gather [hbm4b:s3+s2], $0x80, v3, vm0, $0xb8;
	[tilespmem:$0x16100] =	vst v63  }
0xac: {  	v3 =	vld [tilespmem:$0xB0];
	_ =	sdelay $0x4  }
0xad: {  	v59 =	vshll.u32 v3, $0x1  }
0xae: {  	v3 =	vand.u32 $0x7, v3;
	v4 =	vand.u32 $0xFFFFFFF0, v59  }
0xaf: {  	v3 =	vor.u32 v3, v4  }
0xb0: {  	v4 =	vperm.xlane v3, v0;
	_ =	sdelay $0x1  }
0xb1: {  	v3 =	vperm.xlane v3, v2;
	v4 =	vadd.s32 v1, v4;
	_ =	sdelay $0x1  }
0xb2: {  	v3 =	vadd.s32 v1, v3;
	_ =	sdelay $0x1  }
0xb3: {  	s26 =	simm.s32 $0xD100  }
0xb4: {  	[tilespmem:s26], [sflag:$0x6] =	stream.indirect_vreg.gather [hbm4b:s3+s2], $0x80, v4, vm0, $0xb8;
	[tilespmem:$0x16100] =	vst v63  }
0xb5: {  	s28 =	simm.s32 $0xD900  }
0xb6: {  	[tilespmem:s28], [sflag:$0x6] =	stream.indirect_vreg.gather [hbm4b:s3+s2], $0x80, v3, vm0, $0xb8;
	[tilespmem:$0x16100] =	vst v63  }
0xb7: {  	v3 =	vld [tilespmem:$0xC0];
	_ =	sdelay $0x4  }
0xb8: {  	v60 =	vshll.u32 v3, $0x1  }
0xb9: {  	v3 =	vand.u32 $0x7, v3;
	v4 =	vand.u32 $0xFFFFFFF0, v60  }
0xba: {  	v3 =	vor.u32 v3, v4  }
0xbb: {  	v4 =	vperm.xlane v3, v0;
	_ =	sdelay $0x1  }
0xbc: {  	v3 =	vperm.xlane v3, v2;
	v4 =	vadd.s32 v1, v4;
	_ =	sdelay $0x1  }
0xbd: {  	v3 =	vadd.s32 v1, v3;
	_ =	sdelay $0x1  }
0xbe: {  	s29 =	simm.s32 $0xE100  }
0xbf: {  	[tilespmem:s29], [sflag:$0x6] =	stream.indirect_vreg.gather [hbm4b:s3+s2], $0x80, v4, vm0, $0xb8;
	[tilespmem:$0x16100] =	vst v63  }
0xc0: {  	_ = 	snop  }
0xc1: {  	[tilespmem:s30], [sflag:$0x6] =	stream.indirect_vreg.gather [hbm4b:s3+s2], $0x80, v3, vm0, $0xb8;
	[tilespmem:$0x16100] =	vst v63  }
0xc2: {  	v3 =	vld [tilespmem:$0xD0];
	_ =	sdelay $0x4  }
0xc3: {  	v61 =	vshll.u32 v3, $0x1  }
0xc4: {  	v3 =	vand.u32 $0x7, v3;
	v4 =	vand.u32 $0xFFFFFFF0, v61  }
0xc5: {  	v3 =	vor.u32 v3, v4  }
0xc6: {  	v4 =	vperm.xlane v3, v0;
	_ =	sdelay $0x1  }
0xc7: {  	v3 =	vperm.xlane v3, v2;
	v4 =	vadd.s32 v1, v4;
	_ =	sdelay $0x1  }
0xc8: {  	v3 =	vadd.s32 v1, v3;
	_ =	sdelay $0x2  }
0xc9: {  	[tilespmem:s31], [sflag:$0x6] =	stream.indirect_vreg.gather [hbm4b:s3+s2], $0x80, v4, vm0, $0xb8;
	[tilespmem:$0x16100] =	vst v63  }
0xca: {  	_ = 	snop  }
0xcb: {  	[tilespmem:s0], [sflag:$0x6] =	stream.indirect_vreg.gather [hbm4b:s3+s2], $0x80, v3, vm0, $0xb8;
	[tilespmem:$0x16100] =	vst v63  }
0xcc: {  	v3 =	vld [tilespmem:$0xE0];
	_ =	sdelay $0x4  }
0xcd: {  	v62 =	vshll.u32 v3, $0x1  }
0xce: {  	v3 =	vand.u32 $0x7, v3;
	v4 =	vand.u32 $0xFFFFFFF0, v62  }
0xcf: {  	v3 =	vor.u32 v3, v4  }
0xd0: {  	v4 =	vperm.xlane v3, v0;
	_ =	sdelay $0x1  }
0xd1: {  	v3 =	vperm.xlane v3, v2;
	v4 =	vadd.s32 v1, v4;
	_ =	sdelay $0x1  }
0xd2: {  	v3 =	vadd.s32 v1, v3;
	_ =	sdelay $0x2  }
0xd3: {  	[tilespmem:s1], [sflag:$0x6] =	stream.indirect_vreg.gather [hbm4b:s3+s2], $0x80, v4, vm0, $0xb8;
	[tilespmem:$0x16100] =	vst v63  }
0xd4: {  	_ = 	snop  }
0xd5: {  	[tilespmem:s8], [sflag:$0x6] =	stream.indirect_vreg.gather [hbm4b:s3+s2], $0x80, v3, vm0, $0xb8;
	[tilespmem:$0x16100] =	vst v63  }
0xd6: {  	v3 =	vld [tilespmem:$0xF0];
	_ =	sdelay $0x4  }
0xd7: {  	v63 =	vshll.u32 v3, $0x1  }
0xd8: {  	v3 =	vand.u32 $0x7, v3;
	v4 =	vand.u32 $0xFFFFFFF0, v63  }
0xd9: {  	v3 =	vor.u32 v3, v4  }
0xda: {  	v4 =	vperm.xlane v3, v0;
	_ =	sdelay $0x1  }
0xdb: {  	v3 =	vperm.xlane v3, v2;
	v4 =	vadd.s32 v1, v4;
	_ =	sdelay $0x1  }
0xdc: {  	v3 =	vadd.s32 v1, v3;
	_ =	sdelay $0x2  }
0xdd: {  	[tilespmem:s9], [sflag:$0x6] =	stream.indirect_vreg.gather [hbm4b:s3+s2], $0x80, v4, vm0, $0xb8;
	[tilespmem:$0x16100] =	vst v63  }
0xde: {  	_ = 	snop  }
0xdf: {  	[tilespmem:s10], [sflag:$0x6] =	stream.indirect_vreg.gather [hbm4b:s3+s2], $0x80, v3, vm0, $0xb8;
	[tilespmem:$0x16100] =	vst v63  }
0xe0: {  	_ =	swait.ge [sflag:s15], $0x8000  }
0xe1: {  	p0 =	seq.s32 s17, $0x0;
	[sflag:s15] =	ssyncset.done $0x0  }
0xe2: {  	s21 =	simm.s32 @!p0 $0x7;
	[sflag:s15] =	ssyncadd.s32 $0xFFFF8000  }
0xe3: {  	s20 =	sshll.u32 s17, $0x1;
	_ =	swait.ge @!p0 [sflag:s21], $0x2000  }
0xe4: {  	s22 =	simm.s32 $0x2500;
	s23 =	simm.s32 $0x180;
	[sflag:s21] =	ssyncset.done @!p0 $0x0  }
0xe5: {  	s24 =	simm.s32 $0x0;
	[sflag:s21] =	ssyncadd.s32 @!p0 $0xFFFFE000;
	s21 =	simm.s32 $0x0  }
.LBB2_3:
0xe6: {  	v3 =	vld [tilespmem:s23+$0xFFFFFF80]  }
0xe7: {  	v4 =	vld [tilespmem:s23+$0xFFFFFF90]  }
0xe8: {  	v5 =	vld [tilespmem:s23+$0xFFFFFFA0]  }
0xe9: {  	v6 =	vld [tilespmem:s23+$0xFFFFFFB0]  }
0xea: {  	v7 =	vld [tilespmem:s22+$0xFFFFFC00]  }
0xeb: {  	v8 =	vld [tilespmem:s22+$0xFFFFFC80]  }
0xec: {  	v9 =	vld [tilespmem:s22+$0xFFFFFD00]  }
0xed: {  	v10 =	vld [tilespmem:s22+$0xFFFFFD80];
	_ =	sdelay $0x3  }
0xee: {  	v7 =	vmul.f32 v7, v3;
	v8 =	vmul.f32 v8, v4  }
0xef: {  	v9 =	vmul.f32 v9, v5;
	v10 =	vmul.f32 v10, v6;
	_ =	sdelay $0x1  }
0xf0: {  	v7 =	vadd.f32 v8, v7;
	v42 =	vadd.f32 v10, v9  }
0xf1: {  	s25 =	sand.u32 $0x1800, s21  }
0xf2: {  	s26 =	sand.u32 $0x300, s24;
	s25 =	sor.u32 $0x12100, s25;
	v7 =	vadd.f32 v42, v7  }
0xf3: {  	s26 =	sadd.s32 s26, s25  }
0xf4: {  	[tilespmem:s26+$0x0] =	vst v7  }
0xf5: {  	v7 =	vld [tilespmem:s22+$0xFFFFFC10]  }
0xf6: {  	v43 =	vld [tilespmem:s22+$0xFFFFFC90]  }
0xf7: {  	v44 =	vld [tilespmem:s22+$0xFFFFFD10]  }
0xf8: {  	v45 =	vld [tilespmem:s22+$0xFFFFFD90];
	_ =	sdelay $0x3  }
0xf9: {  	v7 =	vmul.f32 v7, v3;
	v8 =	vmul.f32 v43, v4  }
0xfa: {  	v9 =	vmul.f32 v44, v5;
	v10 =	vmul.f32 v45, v6;
	_ =	sdelay $0x1  }
0xfb: {  	v7 =	vadd.f32 v8, v7;
	v46 =	vadd.f32 v10, v9;
	_ =	sdelay $0x1  }
0xfc: {  	v7 =	vadd.f32 v46, v7;
	_ =	sdelay $0x1  }
0xfd: {  	[tilespmem:s26+$0x10] =	vst v7  }
0xfe: {  	v7 =	vld [tilespmem:s22+$0xFFFFFC20]  }
0xff: {  	v47 =	vld [tilespmem:s22+$0xFFFFFCA0]  }
0x100: {  	v48 =	vld [tilespmem:s22+$0xFFFFFD20]  }
0x101: {  	v49 =	vld [tilespmem:s22+$0xFFFFFDA0];
	_ =	sdelay $0x3  }
0x102: {  	v7 =	vmul.f32 v7, v3;
	v8 =	vmul.f32 v47, v4  }
0x103: {  	v9 =	vmul.f32 v48, v5;
	v10 =	vmul.f32 v49, v6;
	_ =	sdelay $0x1  }
0x104: {  	v7 =	vadd.f32 v8, v7;
	v50 =	vadd.f32 v10, v9;
	_ =	sdelay $0x1  }
0x105: {  	v7 =	vadd.f32 v50, v7;
	_ =	sdelay $0x1  }
0x106: {  	[tilespmem:s26+$0x20] =	vst v7  }
0x107: {  	v7 =	vld [tilespmem:s22+$0xFFFFFC30]  }
0x108: {  	v51 =	vld [tilespmem:s22+$0xFFFFFCB0]  }
0x109: {  	v52 =	vld [tilespmem:s22+$0xFFFFFD30]  }
0x10a: {  	v53 =	vld [tilespmem:s22+$0xFFFFFDB0];
	_ =	sdelay $0x3  }
0x10b: {  	v7 =	vmul.f32 v7, v3;
	v8 =	vmul.f32 v51, v4  }
0x10c: {  	v9 =	vmul.f32 v52, v5;
	v10 =	vmul.f32 v53, v6;
	_ =	sdelay $0x1  }
0x10d: {  	v7 =	vadd.f32 v8, v7;
	v54 =	vadd.f32 v10, v9;
	_ =	sdelay $0x1  }
0x10e: {  	v7 =	vadd.f32 v54, v7;
	_ =	sdelay $0x1  }
0x10f: {  	[tilespmem:s26+$0x30] =	vst v7  }
0x110: {  	v7 =	vld [tilespmem:s22+$0xFFFFFC40]  }
0x111: {  	v55 =	vld [tilespmem:s22+$0xFFFFFCC0]  }
0x112: {  	v56 =	vld [tilespmem:s22+$0xFFFFFD40]  }
0x113: {  	v57 =	vld [tilespmem:s22+$0xFFFFFDC0];
	_ =	sdelay $0x3  }
0x114: {  	v7 =	vmul.f32 v7, v3;
	v8 =	vmul.f32 v55, v4  }
0x115: {  	v9 =	vmul.f32 v56, v5;
	v10 =	vmul.f32 v57, v6;
	_ =	sdelay $0x1  }
0x116: {  	v7 =	vadd.f32 v8, v7;
	v58 =	vadd.f32 v10, v9;
	_ =	sdelay $0x1  }
0x117: {  	v7 =	vadd.f32 v58, v7;
	_ =	sdelay $0x1  }
0x118: {  	[tilespmem:s26+$0x40] =	vst v7  }
0x119: {  	v7 =	vld [tilespmem:s22+$0xFFFFFC50]  }
0x11a: {  	v59 =	vld [tilespmem:s22+$0xFFFFFCD0]  }
0x11b: {  	v60 =	vld [tilespmem:s22+$0xFFFFFD50]  }
0x11c: {  	v61 =	vld [tilespmem:s22+$0xFFFFFDD0];
	_ =	sdelay $0x3  }
0x11d: {  	v7 =	vmul.f32 v7, v3;
	v8 =	vmul.f32 v59, v4  }
0x11e: {  	v9 =	vmul.f32 v60, v5;
	v10 =	vmul.f32 v61, v6;
	_ =	sdelay $0x1  }
0x11f: {  	v7 =	vadd.f32 v8, v7;
	v62 =	vadd.f32 v10, v9;
	_ =	sdelay $0x1  }
0x120: {  	v7 =	vadd.f32 v62, v7;
	_ =	sdelay $0x1  }
0x121: {  	[tilespmem:s26+$0x50] =	vst v7  }
0x122: {  	v7 =	vld [tilespmem:s22+$0xFFFFFC60]  }
0x123: {  	v63 =	vld [tilespmem:s22+$0xFFFFFCE0]  }
0x124: {  	v12 =	vld [tilespmem:s22+$0xFFFFFD60]  }
0x125: {  	v13 =	vld [tilespmem:s22+$0xFFFFFDE0];
	_ =	sdelay $0x3  }
0x126: {  	v7 =	vmul.f32 v7, v3;
	v8 =	vmul.f32 v63, v4  }
0x127: {  	v9 =	vmul.f32 v12, v5;
	v10 =	vmul.f32 v13, v6;
	_ =	sdelay $0x1  }
0x128: {  	v7 =	vadd.f32 v8, v7;
	v14 =	vadd.f32 v10, v9;
	_ =	sdelay $0x1  }
0x129: {  	v7 =	vadd.f32 v14, v7;
	_ =	sdelay $0x1  }
0x12a: {  	[tilespmem:s26+$0x60] =	vst v7  }
0x12b: {  	v7 =	vld [tilespmem:s22+$0xFFFFFC70]  }
0x12c: {  	v15 =	vld [tilespmem:s22+$0xFFFFFCF0]  }
0x12d: {  	v16 =	vld [tilespmem:s22+$0xFFFFFD70]  }
0x12e: {  	v17 =	vld [tilespmem:s22+$0xFFFFFDF0];
	_ =	sdelay $0x3  }
0x12f: {  	v7 =	vmul.f32 v7, v3;
	v8 =	vmul.f32 v15, v4  }
0x130: {  	v9 =	vmul.f32 v16, v5;
	v10 =	vmul.f32 v17, v6;
	_ =	sdelay $0x1  }
0x131: {  	v7 =	vadd.f32 v8, v7;
	v18 =	vadd.f32 v10, v9;
	_ =	sdelay $0x1  }
0x132: {  	v7 =	vadd.f32 v18, v7;
	_ =	sdelay $0x1  }
0x133: {  	[tilespmem:s26+$0x70] =	vst v7  }
0x134: {  	v7 =	vld [tilespmem:s22+$0x0]  }
0x135: {  	v19 =	vld [tilespmem:s22+$0x80]  }
0x136: {  	v20 =	vld [tilespmem:s22+$0x100]  }
0x137: {  	v21 =	vld [tilespmem:s22+$0x180];
	_ =	sdelay $0x3  }
0x138: {  	v7 =	vmul.f32 v7, v3;
	v8 =	vmul.f32 v19, v4  }
0x139: {  	v9 =	vmul.f32 v20, v5;
	v10 =	vmul.f32 v21, v6;
	_ =	sdelay $0x1  }
0x13a: {  	v7 =	vadd.f32 v8, v7;
	v22 =	vadd.f32 v10, v9;
	_ =	sdelay $0x1  }
0x13b: {  	v7 =	vadd.f32 v22, v7;
	_ =	sdelay $0x1  }
0x13c: {  	[tilespmem:s26+$0x400] =	vst v7  }
0x13d: {  	v7 =	vld [tilespmem:s22+$0x10]  }
0x13e: {  	v23 =	vld [tilespmem:s22+$0x90]  }
0x13f: {  	v24 =	vld [tilespmem:s22+$0x110]  }
0x140: {  	v25 =	vld [tilespmem:s22+$0x190];
	_ =	sdelay $0x3  }
0x141: {  	v7 =	vmul.f32 v7, v3;
	v8 =	vmul.f32 v23, v4  }
0x142: {  	v9 =	vmul.f32 v24, v5;
	v10 =	vmul.f32 v25, v6;
	_ =	sdelay $0x1  }
0x143: {  	v7 =	vadd.f32 v8, v7;
	v26 =	vadd.f32 v10, v9;
	_ =	sdelay $0x1  }
0x144: {  	v7 =	vadd.f32 v26, v7;
	_ =	sdelay $0x1  }
0x145: {  	[tilespmem:s26+$0x410] =	vst v7  }
0x146: {  	v7 =	vld [tilespmem:s22+$0x20]  }
0x147: {  	v27 =	vld [tilespmem:s22+$0xA0]  }
0x148: {  	v28 =	vld [tilespmem:s22+$0x120]  }
0x149: {  	v29 =	vld [tilespmem:s22+$0x1A0];
	_ =	sdelay $0x3  }
0x14a: {  	v7 =	vmul.f32 v7, v3;
	v8 =	vmul.f32 v27, v4  }
0x14b: {  	v9 =	vmul.f32 v28, v5;
	v10 =	vmul.f32 v29, v6;
	_ =	sdelay $0x1  }
0x14c: {  	v7 =	vadd.f32 v8, v7;
	v30 =	vadd.f32 v10, v9;
	_ =	sdelay $0x1  }
0x14d: {  	v7 =	vadd.f32 v30, v7;
	_ =	sdelay $0x1  }
0x14e: {  	[tilespmem:s26+$0x420] =	vst v7  }
0x14f: {  	v7 =	vld [tilespmem:s22+$0x30]  }
0x150: {  	v31 =	vld [tilespmem:s22+$0xB0]  }
0x151: {  	v32 =	vld [tilespmem:s22+$0x130]  }
0x152: {  	v33 =	vld [tilespmem:s22+$0x1B0];
	_ =	sdelay $0x3  }
0x153: {  	v7 =	vmul.f32 v7, v3;
	v8 =	vmul.f32 v31, v4  }
0x154: {  	v9 =	vmul.f32 v32, v5;
	v10 =	vmul.f32 v33, v6;
	_ =	sdelay $0x1  }
0x155: {  	v7 =	vadd.f32 v8, v7;
	v34 =	vadd.f32 v10, v9;
	_ =	sdelay $0x1  }
0x156: {  	v7 =	vadd.f32 v34, v7;
	_ =	sdelay $0x1  }
0x157: {  	[tilespmem:s26+$0x430] =	vst v7  }
0x158: {  	v7 =	vld [tilespmem:s22+$0x40]  }
0x159: {  	v35 =	vld [tilespmem:s22+$0xC0]  }
0x15a: {  	v36 =	vld [tilespmem:s22+$0x140]  }
0x15b: {  	v37 =	vld [tilespmem:s22+$0x1C0];
	_ =	sdelay $0x3  }
0x15c: {  	v7 =	vmul.f32 v7, v3;
	v8 =	vmul.f32 v35, v4  }
0x15d: {  	v9 =	vmul.f32 v36, v5;
	v10 =	vmul.f32 v37, v6;
	_ =	sdelay $0x1  }
0x15e: {  	v7 =	vadd.f32 v8, v7;
	v38 =	vadd.f32 v10, v9;
	_ =	sdelay $0x1  }
0x15f: {  	v7 =	vadd.f32 v38, v7;
	_ =	sdelay $0x1  }
0x160: {  	[tilespmem:s26+$0x440] =	vst v7  }
0x161: {  	v7 =	vld [tilespmem:s22+$0x50]  }
0x162: {  	v39 =	vld [tilespmem:s22+$0xD0]  }
0x163: {  	v40 =	vld [tilespmem:s22+$0x150]  }
0x164: {  	v41 =	vld [tilespmem:s22+$0x1D0];
	_ =	sdelay $0x3  }
0x165: {  	v7 =	vmul.f32 v7, v3;
	v8 =	vmul.f32 v39, v4  }
0x166: {  	v9 =	vmul.f32 v40, v5;
	v10 =	vmul.f32 v41, v6;
	_ =	sdelay $0x1  }
0x167: {  	v7 =	vadd.f32 v8, v7;
	v42 =	vadd.f32 v10, v9;
	_ =	sdelay $0x1  }
0x168: {  	v7 =	vadd.f32 v42, v7;
	_ =	sdelay $0x1  }
0x169: {  	[tilespmem:s26+$0x450] =	vst v7  }
0x16a: {  	v7 =	vld [tilespmem:s22+$0x60]  }
0x16b: {  	v43 =	vld [tilespmem:s22+$0xE0]  }
0x16c: {  	v44 =	vld [tilespmem:s22+$0x160]  }
0x16d: {  	v45 =	vld [tilespmem:s22+$0x1E0];
	_ =	sdelay $0x3  }
0x16e: {  	v7 =	vmul.f32 v7, v3;
	v8 =	vmul.f32 v43, v4  }
0x16f: {  	v9 =	vmul.f32 v44, v5;
	v10 =	vmul.f32 v45, v6;
	_ =	sdelay $0x1  }
0x170: {  	v7 =	vadd.f32 v8, v7;
	v46 =	vadd.f32 v10, v9;
	_ =	sdelay $0x1  }
0x171: {  	v7 =	vadd.f32 v46, v7;
	_ =	sdelay $0x1  }
0x172: {  	[tilespmem:s26+$0x460] =	vst v7  }
0x173: {  	v7 =	vld [tilespmem:s22+$0x70]  }
0x174: {  	v47 =	vld [tilespmem:s22+$0xF0]  }
0x175: {  	v48 =	vld [tilespmem:s22+$0x170]  }
0x176: {  	v49 =	vld [tilespmem:s22+$0x1F0];
	_ =	sdelay $0x3  }
0x177: {  	v3 =	vmul.f32 v7, v3;
	v4 =	vmul.f32 v47, v4  }
0x178: {  	v5 =	vmul.f32 v48, v5;
	v6 =	vmul.f32 v49, v6;
	_ =	sdelay $0x1  }
0x179: {  	v3 =	vadd.f32 v4, v3;
	v50 =	vadd.f32 v6, v5;
	_ =	sdelay $0x1  }
0x17a: {  	v3 =	vadd.f32 v50, v3;
	_ =	sdelay $0x1  }
0x17b: {  	[tilespmem:s26+$0x470] =	vst v3  }
0x17c: {  	v3 =	vld [tilespmem:s23+$0x0]  }
0x17d: {  	v4 =	vld [tilespmem:s23+$0x10]  }
0x17e: {  	v5 =	vld [tilespmem:s23+$0x20]  }
0x17f: {  	v6 =	vld [tilespmem:s23+$0x30]  }
0x180: {  	v51 =	vld [tilespmem:s22+$0xFFFFFE00]  }
0x181: {  	v52 =	vld [tilespmem:s22+$0xFFFFFE80]  }
0x182: {  	v53 =	vld [tilespmem:s22+$0xFFFFFF00]  }
0x183: {  	v54 =	vld [tilespmem:s22+$0xFFFFFF80];
	_ =	sdelay $0x3  }
0x184: {  	v7 =	vmul.f32 v51, v3;
	v8 =	vmul.f32 v52, v4  }
0x185: {  	v9 =	vmul.f32 v53, v5;
	v10 =	vmul.f32 v54, v6;
	_ =	sdelay $0x1  }
0x186: {  	v7 =	vadd.f32 v8, v7;
	v55 =	vadd.f32 v10, v9  }
0x187: {  	s29 =	sadd.s32 $0x80, s24  }
0x188: {  	s26 =	sand.u32 $0x380, s29;
	v7 =	vadd.f32 v55, v7  }
0x189: {  	s25 =	sadd.s32 s26, s25  }
0x18a: {  	[tilespmem:s25+$0x0] =	vst v7  }
0x18b: {  	v7 =	vld [tilespmem:s22+$0xFFFFFE10]  }
0x18c: {  	v56 =	vld [tilespmem:s22+$0xFFFFFE90]  }
0x18d: {  	v57 =	vld [tilespmem:s22+$0xFFFFFF10]  }
0x18e: {  	v58 =	vld [tilespmem:s22+$0xFFFFFF90];
	_ =	sdelay $0x3  }
0x18f: {  	v7 =	vmul.f32 v7, v3;
	v8 =	vmul.f32 v56, v4  }
0x190: {  	v9 =	vmul.f32 v57, v5;
	v10 =	vmul.f32 v58, v6;
	_ =	sdelay $0x1  }
0x191: {  	v7 =	vadd.f32 v8, v7;
	v59 =	vadd.f32 v10, v9;
	_ =	sdelay $0x1  }
0x192: {  	v7 =	vadd.f32 v59, v7;
	_ =	sdelay $0x1  }
0x193: {  	[tilespmem:s25+$0x10] =	vst v7  }
0x194: {  	v7 =	vld [tilespmem:s22+$0xFFFFFE20]  }
0x195: {  	v60 =	vld [tilespmem:s22+$0xFFFFFEA0]  }
0x196: {  	v61 =	vld [tilespmem:s22+$0xFFFFFF20]  }
0x197: {  	v62 =	vld [tilespmem:s22+$0xFFFFFFA0];
	_ =	sdelay $0x3  }
0x198: {  	v7 =	vmul.f32 v7, v3;
	v8 =	vmul.f32 v60, v4  }
0x199: {  	v9 =	vmul.f32 v61, v5;
	v10 =	vmul.f32 v62, v6;
	_ =	sdelay $0x1  }
0x19a: {  	v7 =	vadd.f32 v8, v7;
	v63 =	vadd.f32 v10, v9;
	_ =	sdelay $0x1  }
0x19b: {  	v7 =	vadd.f32 v63, v7;
	_ =	sdelay $0x1  }
0x19c: {  	[tilespmem:s25+$0x20] =	vst v7  }
0x19d: {  	v7 =	vld [tilespmem:s22+$0xFFFFFE30]  }
0x19e: {  	v12 =	vld [tilespmem:s22+$0xFFFFFEB0]  }
0x19f: {  	v13 =	vld [tilespmem:s22+$0xFFFFFF30]  }
0x1a0: {  	v14 =	vld [tilespmem:s22+$0xFFFFFFB0];
	_ =	sdelay $0x3  }
0x1a1: {  	v7 =	vmul.f32 v7, v3;
	v8 =	vmul.f32 v12, v4  }
0x1a2: {  	v9 =	vmul.f32 v13, v5;
	v10 =	vmul.f32 v14, v6;
	_ =	sdelay $0x1  }
0x1a3: {  	v7 =	vadd.f32 v8, v7;
	v15 =	vadd.f32 v10, v9;
	_ =	sdelay $0x1  }
0x1a4: {  	v7 =	vadd.f32 v15, v7;
	_ =	sdelay $0x1  }
0x1a5: {  	[tilespmem:s25+$0x30] =	vst v7  }
0x1a6: {  	v7 =	vld [tilespmem:s22+$0xFFFFFE40]  }
0x1a7: {  	v16 =	vld [tilespmem:s22+$0xFFFFFEC0]  }
0x1a8: {  	v17 =	vld [tilespmem:s22+$0xFFFFFF40]  }
0x1a9: {  	v18 =	vld [tilespmem:s22+$0xFFFFFFC0];
	_ =	sdelay $0x3  }
0x1aa: {  	v7 =	vmul.f32 v7, v3;
	v8 =	vmul.f32 v16, v4  }
0x1ab: {  	v9 =	vmul.f32 v17, v5;
	v10 =	vmul.f32 v18, v6;
	_ =	sdelay $0x1  }
0x1ac: {  	v7 =	vadd.f32 v8, v7;
	v19 =	vadd.f32 v10, v9;
	_ =	sdelay $0x1  }
0x1ad: {  	v7 =	vadd.f32 v19, v7;
	_ =	sdelay $0x1  }
0x1ae: {  	[tilespmem:s25+$0x40] =	vst v7  }
0x1af: {  	v7 =	vld [tilespmem:s22+$0xFFFFFE50]  }
0x1b0: {  	v20 =	vld [tilespmem:s22+$0xFFFFFED0]  }
0x1b1: {  	v21 =	vld [tilespmem:s22+$0xFFFFFF50]  }
0x1b2: {  	v22 =	vld [tilespmem:s22+$0xFFFFFFD0];
	_ =	sdelay $0x3  }
0x1b3: {  	v7 =	vmul.f32 v7, v3;
	v8 =	vmul.f32 v20, v4  }
0x1b4: {  	v9 =	vmul.f32 v21, v5;
	v10 =	vmul.f32 v22, v6;
	_ =	sdelay $0x1  }
0x1b5: {  	v7 =	vadd.f32 v8, v7;
	v23 =	vadd.f32 v10, v9;
	_ =	sdelay $0x1  }
0x1b6: {  	v7 =	vadd.f32 v23, v7;
	_ =	sdelay $0x1  }
0x1b7: {  	[tilespmem:s25+$0x50] =	vst v7  }
0x1b8: {  	v7 =	vld [tilespmem:s22+$0xFFFFFE60]  }
0x1b9: {  	v24 =	vld [tilespmem:s22+$0xFFFFFEE0]  }
0x1ba: {  	v25 =	vld [tilespmem:s22+$0xFFFFFF60]  }
0x1bb: {  	v26 =	vld [tilespmem:s22+$0xFFFFFFE0];
	_ =	sdelay $0x3  }
0x1bc: {  	v7 =	vmul.f32 v7, v3;
	v8 =	vmul.f32 v24, v4  }
0x1bd: {  	v9 =	vmul.f32 v25, v5;
	v10 =	vmul.f32 v26, v6;
	_ =	sdelay $0x1  }
0x1be: {  	v7 =	vadd.f32 v8, v7;
	v27 =	vadd.f32 v10, v9;
	_ =	sdelay $0x1  }
0x1bf: {  	v7 =	vadd.f32 v27, v7;
	_ =	sdelay $0x1  }
0x1c0: {  	[tilespmem:s25+$0x60] =	vst v7  }
0x1c1: {  	v7 =	vld [tilespmem:s22+$0xFFFFFE70]  }
0x1c2: {  	v28 =	vld [tilespmem:s22+$0xFFFFFEF0]  }
0x1c3: {  	v29 =	vld [tilespmem:s22+$0xFFFFFF70]  }
0x1c4: {  	v30 =	vld [tilespmem:s22+$0xFFFFFFF0];
	_ =	sdelay $0x3  }
0x1c5: {  	v7 =	vmul.f32 v7, v3;
	v8 =	vmul.f32 v28, v4  }
0x1c6: {  	v9 =	vmul.f32 v29, v5;
	v10 =	vmul.f32 v30, v6;
	_ =	sdelay $0x1  }
0x1c7: {  	v7 =	vadd.f32 v8, v7;
	v31 =	vadd.f32 v10, v9;
	_ =	sdelay $0x1  }
0x1c8: {  	v7 =	vadd.f32 v31, v7;
	_ =	sdelay $0x1  }
0x1c9: {  	[tilespmem:s25+$0x70] =	vst v7  }
0x1ca: {  	v7 =	vld [tilespmem:s22+$0x200]  }
0x1cb: {  	v32 =	vld [tilespmem:s22+$0x280]  }
0x1cc: {  	v33 =	vld [tilespmem:s22+$0x300]  }
0x1cd: {  	v34 =	vld [tilespmem:s22+$0x380];
	_ =	sdelay $0x3  }
0x1ce: {  	v7 =	vmul.f32 v7, v3;
	v8 =	vmul.f32 v32, v4  }
0x1cf: {  	v9 =	vmul.f32 v33, v5;
	v10 =	vmul.f32 v34, v6;
	_ =	sdelay $0x1  }
0x1d0: {  	v7 =	vadd.f32 v8, v7;
	v35 =	vadd.f32 v10, v9;
	_ =	sdelay $0x1  }
0x1d1: {  	v7 =	vadd.f32 v35, v7;
	_ =	sdelay $0x1  }
0x1d2: {  	[tilespmem:s25+$0x400] =	vst v7  }
0x1d3: {  	v7 =	vld [tilespmem:s22+$0x210]  }
0x1d4: {  	v36 =	vld [tilespmem:s22+$0x290]  }
0x1d5: {  	v37 =	vld [tilespmem:s22+$0x310]  }
0x1d6: {  	v38 =	vld [tilespmem:s22+$0x390];
	_ =	sdelay $0x3  }
0x1d7: {  	v7 =	vmul.f32 v7, v3;
	v8 =	vmul.f32 v36, v4  }
0x1d8: {  	v9 =	vmul.f32 v37, v5;
	v10 =	vmul.f32 v38, v6;
	_ =	sdelay $0x1  }
0x1d9: {  	v7 =	vadd.f32 v8, v7;
	v39 =	vadd.f32 v10, v9;
	_ =	sdelay $0x1  }
0x1da: {  	v7 =	vadd.f32 v39, v7;
	_ =	sdelay $0x1  }
0x1db: {  	[tilespmem:s25+$0x410] =	vst v7  }
0x1dc: {  	v7 =	vld [tilespmem:s22+$0x220]  }
0x1dd: {  	v40 =	vld [tilespmem:s22+$0x2A0]  }
0x1de: {  	v41 =	vld [tilespmem:s22+$0x320]  }
0x1df: {  	v42 =	vld [tilespmem:s22+$0x3A0];
	_ =	sdelay $0x3  }
0x1e0: {  	v7 =	vmul.f32 v7, v3;
	v8 =	vmul.f32 v40, v4  }
0x1e1: {  	v9 =	vmul.f32 v41, v5;
	v10 =	vmul.f32 v42, v6;
	_ =	sdelay $0x1  }
0x1e2: {  	v7 =	vadd.f32 v8, v7;
	v43 =	vadd.f32 v10, v9;
	_ =	sdelay $0x1  }
0x1e3: {  	v7 =	vadd.f32 v43, v7;
	_ =	sdelay $0x1  }
0x1e4: {  	[tilespmem:s25+$0x420] =	vst v7  }
0x1e5: {  	v7 =	vld [tilespmem:s22+$0x230]  }
0x1e6: {  	v44 =	vld [tilespmem:s22+$0x2B0]  }
0x1e7: {  	v45 =	vld [tilespmem:s22+$0x330]  }
0x1e8: {  	v46 =	vld [tilespmem:s22+$0x3B0];
	_ =	sdelay $0x3  }
0x1e9: {  	v7 =	vmul.f32 v7, v3;
	v8 =	vmul.f32 v44, v4  }
0x1ea: {  	v9 =	vmul.f32 v45, v5;
	v10 =	vmul.f32 v46, v6;
	_ =	sdelay $0x1  }
0x1eb: {  	v7 =	vadd.f32 v8, v7;
	v47 =	vadd.f32 v10, v9;
	_ =	sdelay $0x1  }
0x1ec: {  	v7 =	vadd.f32 v47, v7;
	_ =	sdelay $0x1  }
0x1ed: {  	[tilespmem:s25+$0x430] =	vst v7  }
0x1ee: {  	v7 =	vld [tilespmem:s22+$0x240]  }
0x1ef: {  	v48 =	vld [tilespmem:s22+$0x2C0]  }
0x1f0: {  	v49 =	vld [tilespmem:s22+$0x340]  }
0x1f1: {  	v50 =	vld [tilespmem:s22+$0x3C0];
	_ =	sdelay $0x3  }
0x1f2: {  	v7 =	vmul.f32 v7, v3;
	v8 =	vmul.f32 v48, v4  }
0x1f3: {  	v9 =	vmul.f32 v49, v5;
	v10 =	vmul.f32 v50, v6;
	_ =	sdelay $0x1  }
0x1f4: {  	v7 =	vadd.f32 v8, v7;
	v51 =	vadd.f32 v10, v9;
	_ =	sdelay $0x1  }
0x1f5: {  	v7 =	vadd.f32 v51, v7;
	_ =	sdelay $0x1  }
0x1f6: {  	[tilespmem:s25+$0x440] =	vst v7  }
0x1f7: {  	v7 =	vld [tilespmem:s22+$0x250]  }
0x1f8: {  	v52 =	vld [tilespmem:s22+$0x2D0]  }
0x1f9: {  	v53 =	vld [tilespmem:s22+$0x350]  }
0x1fa: {  	v54 =	vld [tilespmem:s22+$0x3D0];
	_ =	sdelay $0x3  }
0x1fb: {  	v7 =	vmul.f32 v7, v3;
	v8 =	vmul.f32 v52, v4  }
0x1fc: {  	v9 =	vmul.f32 v53, v5;
	v10 =	vmul.f32 v54, v6;
	_ =	sdelay $0x1  }
0x1fd: {  	v7 =	vadd.f32 v8, v7;
	v55 =	vadd.f32 v10, v9;
	_ =	sdelay $0x1  }
0x1fe: {  	v7 =	vadd.f32 v55, v7;
	_ =	sdelay $0x1  }
0x1ff: {  	[tilespmem:s25+$0x450] =	vst v7  }
0x200: {  	v7 =	vld [tilespmem:s22+$0x260]  }
0x201: {  	v56 =	vld [tilespmem:s22+$0x2E0]  }
0x202: {  	v57 =	vld [tilespmem:s22+$0x360]  }
0x203: {  	v58 =	vld [tilespmem:s22+$0x3E0];
	_ =	sdelay $0x3  }
0x204: {  	v7 =	vmul.f32 v7, v3;
	v8 =	vmul.f32 v56, v4  }
0x205: {  	v9 =	vmul.f32 v57, v5;
	v10 =	vmul.f32 v58, v6;
	_ =	sdelay $0x1  }
0x206: {  	v7 =	vadd.f32 v8, v7;
	v59 =	vadd.f32 v10, v9;
	_ =	sdelay $0x1  }
0x207: {  	v7 =	vadd.f32 v59, v7;
	_ =	sdelay $0x1  }
0x208: {  	[tilespmem:s25+$0x460] =	vst v7  }
0x209: {  	v7 =	vld [tilespmem:s22+$0x270]  }
0x20a: {  	v60 =	vld [tilespmem:s22+$0x2F0]  }
0x20b: {  	v61 =	vld [tilespmem:s22+$0x370]  }
0x20c: {  	v62 =	vld [tilespmem:s22+$0x3F0];
	_ =	sdelay $0x3  }
0x20d: {  	v3 =	vmul.f32 v7, v3;
	v4 =	vmul.f32 v60, v4  }
0x20e: {  	v5 =	vmul.f32 v61, v5;
	v6 =	vmul.f32 v62, v6  }
0x20f: {  	p1 =	sne.s32 s24, $0xF00  }
.Ltmp2:
0x210: {  	v3 =	vadd.f32 v4, v3;
	v63 =	vadd.f32 v6, v5;
	(pc) =	sbr.rel @p1 .LBB2_3-.Ltmp2, $4  }
0x211: {  	_ = 	snop  }
0x212: {  	v3 =	vadd.f32 v63, v3  }
0x213: {  	s21 =	sadd.s32 $0x200, s21  }
0x214: {  	s24 =	sadd.s32 $0x100, s24;
	s23 =	sadd.s32 $0x100, s23;
	s22 =	sadd.s32 $0x800, s22;
	[tilespmem:s25+$0x470] =	vst v3  }
0x215: {  	p1 =	sne.s32 s17, $0x30  }
.Ltmp3:
0x216: {  	_ = 	snop;
	(pc) =	sbr.rel @p1 .LBB2_6-.Ltmp3, $4  }
0x217: {  	s21 =	sadd.s32 s5, s20  }
0x218: {  	s21 =	sshll.u32 s21, $0xA  }
0x219: {  	s21 =	sadd.s32 s7, s21  }
0x21a: {  	[hbm4b:s21+s2] =	stream.linear.scatter [tilespmem:s18], [sflag:$0x7], $0x2000, $0x38;
	[tilespmem:$0x16100] =	vst v63  }
.Ltmp4:
0x21b: {  	(pc) =	sbr.rel .LBB2_9-.Ltmp4, $4  }
0x21c: {  	_ = 	snop  }
0x21d: {  	_ =	swait.ge [sflag:s19], $0x8000  }
0x21e: {  	[sflag:s19] =	ssyncset.done $0x0  }
0x21f: {  	s21 =	simm.s32 $0x61;
	[sflag:s19] =	ssyncadd.s32 $0xFFFF8000  }
.LBB2_6:
0x220: {  	s21 =	rddreg [dreg:$0x6]  }
0x221: {  	s21 =	sadd.s32 s20, s21  }
0x222: {  	s22 =	sshll.u32 s21, $0x4  }
0x223: {  	s21 =	sshll.u32 s21, $0x9;
	s22 =	sand.u32 $0x1FFFFFE0, s22  }
0x224: {  	s21 =	sand.u32 $0x1FFFFC00, s21;
	s22 =	sadd.s32 s4, s22  }
0x225: {  	[tilespmem:s2], [sflag:$0x1] =	stream.linear.gather [hbm4b:s22+s2], $0x80, $0x38;
	[tilespmem:$0x16100] =	vst v63  }
0x226: {  	s29 =	simm.s32 $0x100;
	s21 =	sadd.s32 s6, s21  }
0x227: {  	[tilespmem:s29], [sflag:$0x3] =	stream.linear.gather [hbm4b:s21+s2], $0x1000, $0x38;
	[tilespmem:$0x16100] =	vst v63  }
0x228: {  	s21 =	sor.u32 $0x1, s20  }
0x229: {  	p1 =	sgt.u32 s21, $0x60  }
.Ltmp5:
0x22a: {  	_ = 	snop;
	(pc) =	sbr.rel @p1 .LBB2_8-.Ltmp5, $1  }
0x22b: {  	_ =	sdelay $0x3  }
0x22c: {  	s22 =	simm.s32 $0x1  }
0x22d: {  	_ =	swait.ge [sflag:s22], $0x80  }
0x22e: {  	[sflag:s22] =	ssyncset.done $0x0  }
0x22f: {  	s24 =	simm.s32 $0x3;
	[sflag:s22] =	ssyncadd.s32 $0xFFFFFF80  }
0x230: {  	_ =	swait.ge [sflag:s24], $0x1000  }
0x231: {  	[sflag:s24] =	ssyncset.done $0x0  }
0x232: {  	[sflag:s24] =	ssyncadd.s32 $0xFFFFF000  }
0x233: {  	v3 =	vld [tilespmem:$0x0];
	_ =	sdelay $0x4  }
0x234: {  	v4 =	vshll.u32 v3, $0x1  }
0x235: {  	v3 =	vand.u32 $0x7, v3;
	v4 =	vand.u32 $0xFFFFFFF0, v4  }
0x236: {  	v3 =	vor.u32 v3, v4  }
0x237: {  	v4 =	vperm.xlane v3, v0;
	_ =	sdelay $0x1  }
0x238: {  	v3 =	vperm.xlane v3, v2;
	v4 =	vadd.s32 v1, v4;
	_ =	sdelay $0x1  }
0x239: {  	v3 =	vadd.s32 v1, v3;
	_ =	sdelay $0x1  }
0x23a: {  	s25 =	simm.s32 $0x2100  }
0x23b: {  	[tilespmem:s25], [sflag:$0x5] =	stream.indirect_vreg.gather [hbm4b:s3+s2], $0x80, v4, vm0, $0xb8;
	[tilespmem:$0x16100] =	vst v63  }
0x23c: {  	s26 =	simm.s32 $0x2900  }
0x23d: {  	[tilespmem:s26], [sflag:$0x5] =	stream.indirect_vreg.gather [hbm4b:s3+s2], $0x80, v3, vm0, $0xb8;
	[tilespmem:$0x16100] =	vst v63  }
0x23e: {  	v3 =	vld [tilespmem:$0x10];
	_ =	sdelay $0x4  }
0x23f: {  	v57 =	vshll.u32 v3, $0x1  }
0x240: {  	v3 =	vand.u32 $0x7, v3;
	v4 =	vand.u32 $0xFFFFFFF0, v57  }
0x241: {  	v3 =	vor.u32 v3, v4  }
0x242: {  	v4 =	vperm.xlane v3, v0;
	_ =	sdelay $0x1  }
0x243: {  	v3 =	vperm.xlane v3, v2;
	v4 =	vadd.s32 v1, v4;
	_ =	sdelay $0x1  }
0x244: {  	v3 =	vadd.s32 v1, v3;
	_ =	sdelay $0x1  }
0x245: {  	s28 =	simm.s32 $0x3100  }
0x246: {  	[tilespmem:s28], [sflag:$0x5] =	stream.indirect_vreg.gather [hbm4b:s3+s2], $0x80, v4, vm0, $0xb8;
	[tilespmem:$0x16100] =	vst v63  }
0x247: {  	s29 =	simm.s32 $0x3900  }
0x248: {  	[tilespmem:s29], [sflag:$0x5] =	stream.indirect_vreg.gather [hbm4b:s3+s2], $0x80, v3, vm0, $0xb8;
	[tilespmem:$0x16100] =	vst v63  }
0x249: {  	v3 =	vld [tilespmem:$0x20];
	_ =	sdelay $0x4  }
0x24a: {  	v58 =	vshll.u32 v3, $0x1  }
0x24b: {  	v3 =	vand.u32 $0x7, v3;
	v4 =	vand.u32 $0xFFFFFFF0, v58  }
0x24c: {  	v3 =	vor.u32 v3, v4  }
0x24d: {  	v4 =	vperm.xlane v3, v0;
	_ =	sdelay $0x1  }
0x24e: {  	v3 =	vperm.xlane v3, v2;
	v4 =	vadd.s32 v1, v4;
	_ =	sdelay $0x1  }
0x24f: {  	v3 =	vadd.s32 v1, v3;
	_ =	sdelay $0x1  }
0x250: {  	s23 =	simm.s32 $0x4100  }
0x251: {  	[tilespmem:s23], [sflag:$0x5] =	stream.indirect_vreg.gather [hbm4b:s3+s2], $0x80, v4, vm0, $0xb8;
	[tilespmem:$0x16100] =	vst v63  }
0x252: {  	s24 =	simm.s32 $0x4900  }
0x253: {  	[tilespmem:s24], [sflag:$0x5] =	stream.indirect_vreg.gather [hbm4b:s3+s2], $0x80, v3, vm0, $0xb8;
	[tilespmem:$0x16100] =	vst v63  }
0x254: {  	v3 =	vld [tilespmem:$0x30];
	_ =	sdelay $0x4  }
0x255: {  	v59 =	vshll.u32 v3, $0x1  }
0x256: {  	v3 =	vand.u32 $0x7, v3;
	v4 =	vand.u32 $0xFFFFFFF0, v59  }
0x257: {  	v3 =	vor.u32 v3, v4  }
0x258: {  	v4 =	vperm.xlane v3, v0;
	_ =	sdelay $0x1  }
0x259: {  	v3 =	vperm.xlane v3, v2;
	v4 =	vadd.s32 v1, v4;
	_ =	sdelay $0x1  }
0x25a: {  	v3 =	vadd.s32 v1, v3;
	_ =	sdelay $0x1  }
0x25b: {  	s25 =	simm.s32 $0x5100  }
0x25c: {  	[tilespmem:s25], [sflag:$0x5] =	stream.indirect_vreg.gather [hbm4b:s3+s2], $0x80, v4, vm0, $0xb8;
	[tilespmem:$0x16100] =	vst v63  }
0x25d: {  	s26 =	simm.s32 $0x5900  }
0x25e: {  	[tilespmem:s26], [sflag:$0x5] =	stream.indirect_vreg.gather [hbm4b:s3+s2], $0x80, v3, vm0, $0xb8;
	[tilespmem:$0x16100] =	vst v63  }
0x25f: {  	v3 =	vld [tilespmem:$0x40];
	_ =	sdelay $0x4  }
0x260: {  	v60 =	vshll.u32 v3, $0x1  }
0x261: {  	v3 =	vand.u32 $0x7, v3;
	v4 =	vand.u32 $0xFFFFFFF0, v60  }
0x262: {  	v3 =	vor.u32 v3, v4  }
0x263: {  	v4 =	vperm.xlane v3, v0;
	_ =	sdelay $0x1  }
0x264: {  	v3 =	vperm.xlane v3, v2;
	v4 =	vadd.s32 v1, v4;
	_ =	sdelay $0x1  }
0x265: {  	v3 =	vadd.s32 v1, v3;
	_ =	sdelay $0x1  }
0x266: {  	s28 =	simm.s32 $0x6100  }
0x267: {  	[tilespmem:s28], [sflag:$0x5] =	stream.indirect_vreg.gather [hbm4b:s3+s2], $0x80, v4, vm0, $0xb8;
	[tilespmem:$0x16100] =	vst v63  }
0x268: {  	s29 =	simm.s32 $0x6900  }
0x269: {  	[tilespmem:s29], [sflag:$0x5] =	stream.indirect_vreg.gather [hbm4b:s3+s2], $0x80, v3, vm0, $0xb8;
	[tilespmem:$0x16100] =	vst v63  }
0x26a: {  	v3 =	vld [tilespmem:$0x50];
	_ =	sdelay $0x4  }
0x26b: {  	v61 =	vshll.u32 v3, $0x1  }
0x26c: {  	v3 =	vand.u32 $0x7, v3;
	v4 =	vand.u32 $0xFFFFFFF0, v61  }
0x26d: {  	v3 =	vor.u32 v3, v4  }
0x26e: {  	v4 =	vperm.xlane v3, v0;
	_ =	sdelay $0x1  }
0x26f: {  	v3 =	vperm.xlane v3, v2;
	v4 =	vadd.s32 v1, v4;
	_ =	sdelay $0x1  }
0x270: {  	v3 =	vadd.s32 v1, v3;
	_ =	sdelay $0x1  }
0x271: {  	s23 =	simm.s32 $0x7100  }
0x272: {  	[tilespmem:s23], [sflag:$0x5] =	stream.indirect_vreg.gather [hbm4b:s3+s2], $0x80, v4, vm0, $0xb8;
	[tilespmem:$0x16100] =	vst v63  }
0x273: {  	s24 =	simm.s32 $0x7900  }
0x274: {  	[tilespmem:s24], [sflag:$0x5] =	stream.indirect_vreg.gather [hbm4b:s3+s2], $0x80, v3, vm0, $0xb8;
	[tilespmem:$0x16100] =	vst v63  }
0x275: {  	v3 =	vld [tilespmem:$0x60];
	_ =	sdelay $0x4  }
0x276: {  	v62 =	vshll.u32 v3, $0x1  }
0x277: {  	v3 =	vand.u32 $0x7, v3;
	v4 =	vand.u32 $0xFFFFFFF0, v62  }
0x278: {  	v3 =	vor.u32 v3, v4  }
0x279: {  	v4 =	vperm.xlane v3, v0;
	_ =	sdelay $0x1  }
0x27a: {  	v3 =	vperm.xlane v3, v2;
	v4 =	vadd.s32 v1, v4;
	_ =	sdelay $0x1  }
0x27b: {  	v3 =	vadd.s32 v1, v3;
	_ =	sdelay $0x1  }
0x27c: {  	s25 =	simm.s32 $0x8100  }
0x27d: {  	[tilespmem:s25], [sflag:$0x5] =	stream.indirect_vreg.gather [hbm4b:s3+s2], $0x80, v4, vm0, $0xb8;
	[tilespmem:$0x16100] =	vst v63  }
0x27e: {  	s26 =	simm.s32 $0x8900  }
0x27f: {  	[tilespmem:s26], [sflag:$0x5] =	stream.indirect_vreg.gather [hbm4b:s3+s2], $0x80, v3, vm0, $0xb8;
	[tilespmem:$0x16100] =	vst v63  }
0x280: {  	v3 =	vld [tilespmem:$0x70];
	_ =	sdelay $0x4  }
0x281: {  	v63 =	vshll.u32 v3, $0x1  }
0x282: {  	v3 =	vand.u32 $0x7, v3;
	v4 =	vand.u32 $0xFFFFFFF0, v63  }
0x283: {  	v3 =	vor.u32 v3, v4  }
0x284: {  	v4 =	vperm.xlane v3, v0;
	_ =	sdelay $0x1  }
0x285: {  	v3 =	vperm.xlane v3, v2;
	v4 =	vadd.s32 v1, v4;
	_ =	sdelay $0x1  }
0x286: {  	v3 =	vadd.s32 v1, v3;
	_ =	sdelay $0x1  }
0x287: {  	s28 =	simm.s32 $0x9100  }
0x288: {  	[tilespmem:s28], [sflag:$0x5] =	stream.indirect_vreg.gather [hbm4b:s3+s2], $0x80, v4, vm0, $0xb8;
	[tilespmem:$0x16100] =	vst v63  }
0x289: {  	s29 =	simm.s32 $0x9900  }
0x28a: {  	[tilespmem:s29], [sflag:$0x5] =	stream.indirect_vreg.gather [hbm4b:s3+s2], $0x80, v3, vm0, $0xb8;
	[tilespmem:$0x16100] =	vst v63  }
.LBB2_8:
.Ltmp6:
0x28b: {  	(pc) =	sbr.rel @p0 .LBB2_10-.Ltmp6, $4  }
0x28c: {  	_ = 	snop  }
0x28d: {  	_ =	swait.ge [sflag:s19], $0x8000  }
0x28e: {  	[sflag:s19] =	ssyncset.done $0x0  }
0x28f: {  	[sflag:s19] =	ssyncadd.s32 $0xFFFF8000  }
.LBB2_9:
0x290: {  	_ =	swait.ge [sflag:s12], $0x2000  }
0x291: {  	[sflag:s12] =	ssyncset.done $0x0  }
0x292: {  	[sflag:s12] =	ssyncadd.s32 $0xFFFFE000  }
.LBB2_10:
0x293: {  	s22 =	simm.s32 $0x0  }
0x294: {  	s23 =	simm.s32 $0x11B0;
	s24 =	simm.s32 $0x0;
	s25 =	simm.s32 $0x0  }
.LBB2_11:
0x295: {  	v3 =	vld [tilespmem:s23+$0xFFFFFF50]  }
0x296: {  	v4 =	vld [tilespmem:s23+$0xFFFFFF60]  }
0x297: {  	v5 =	vld [tilespmem:s23+$0xFFFFFF70]  }
0x298: {  	v6 =	vld [tilespmem:s23+$0xFFFFFF80];
	s26 =	sshra.s32 s25, $0x2  }
0x299: {  	v7 =	vld [tilespmem:s26+$0xA100]  }
0x29a: {  	v8 =	vld [tilespmem:s26+$0xA180]  }
0x29b: {  	v9 =	vld [tilespmem:s26+$0xA200]  }
0x29c: {  	v10 =	vld [tilespmem:s26+$0xA280];
	_ =	sdelay $0x3  }
0x29d: {  	v7 =	vmul.f32 v7, v3;
	v8 =	vmul.f32 v8, v4  }
0x29e: {  	v9 =	vmul.f32 v9, v5;
	v10 =	vmul.f32 v10, v6;
	_ =	sdelay $0x1  }
0x29f: {  	v7 =	vadd.f32 v8, v7;
	v42 =	vadd.f32 v10, v9  }
0x2a0: {  	s28 =	sand.u32 $0x1800, s24  }
0x2a1: {  	s29 =	sand.u32 $0x300, s22;
	s28 =	sor.u32 $0x12100, s28;
	v7 =	vadd.f32 v42, v7  }
0x2a2: {  	s29 =	sadd.s32 s29, s28  }
0x2a3: {  	[tilespmem:s29+$0x2000] =	vst v7  }
0x2a4: {  	v7 =	vld [tilespmem:s26+$0xA110]  }
0x2a5: {  	v43 =	vld [tilespmem:s26+$0xA190]  }
0x2a6: {  	v44 =	vld [tilespmem:s26+$0xA210]  }
0x2a7: {  	v45 =	vld [tilespmem:s26+$0xA290];
	_ =	sdelay $0x3  }
0x2a8: {  	v7 =	vmul.f32 v7, v3;
	v8 =	vmul.f32 v43, v4  }
0x2a9: {  	v9 =	vmul.f32 v44, v5;
	v10 =	vmul.f32 v45, v6;
	_ =	sdelay $0x1  }
0x2aa: {  	v7 =	vadd.f32 v8, v7;
	v46 =	vadd.f32 v10, v9;
	_ =	sdelay $0x1  }
0x2ab: {  	v7 =	vadd.f32 v46, v7;
	_ =	sdelay $0x1  }
0x2ac: {  	[tilespmem:s29+$0x2010] =	vst v7  }
0x2ad: {  	v7 =	vld [tilespmem:s26+$0xA120]  }
0x2ae: {  	v47 =	vld [tilespmem:s26+$0xA1A0]  }
0x2af: {  	v48 =	vld [tilespmem:s26+$0xA220]  }
0x2b0: {  	v49 =	vld [tilespmem:s26+$0xA2A0];
	_ =	sdelay $0x3  }
0x2b1: {  	v7 =	vmul.f32 v7, v3;
	v8 =	vmul.f32 v47, v4  }
0x2b2: {  	v9 =	vmul.f32 v48, v5;
	v10 =	vmul.f32 v49, v6;
	_ =	sdelay $0x1  }
0x2b3: {  	v7 =	vadd.f32 v8, v7;
	v50 =	vadd.f32 v10, v9;
	_ =	sdelay $0x1  }
0x2b4: {  	v7 =	vadd.f32 v50, v7;
	_ =	sdelay $0x1  }
0x2b5: {  	[tilespmem:s29+$0x2020] =	vst v7  }
0x2b6: {  	v7 =	vld [tilespmem:s26+$0xA130]  }
0x2b7: {  	v51 =	vld [tilespmem:s26+$0xA1B0]  }
0x2b8: {  	v52 =	vld [tilespmem:s26+$0xA230]  }
0x2b9: {  	v53 =	vld [tilespmem:s26+$0xA2B0];
	_ =	sdelay $0x3  }
0x2ba: {  	v7 =	vmul.f32 v7, v3;
	v8 =	vmul.f32 v51, v4  }
0x2bb: {  	v9 =	vmul.f32 v52, v5;
	v10 =	vmul.f32 v53, v6;
	_ =	sdelay $0x1  }
0x2bc: {  	v7 =	vadd.f32 v8, v7;
	v54 =	vadd.f32 v10, v9;
	_ =	sdelay $0x1  }
0x2bd: {  	v7 =	vadd.f32 v54, v7;
	_ =	sdelay $0x1  }
0x2be: {  	[tilespmem:s29+$0x2030] =	vst v7  }
0x2bf: {  	v7 =	vld [tilespmem:s26+$0xA140]  }
0x2c0: {  	v55 =	vld [tilespmem:s26+$0xA1C0]  }
0x2c1: {  	v56 =	vld [tilespmem:s26+$0xA240]  }
0x2c2: {  	v57 =	vld [tilespmem:s26+$0xA2C0];
	_ =	sdelay $0x3  }
0x2c3: {  	v7 =	vmul.f32 v7, v3;
	v8 =	vmul.f32 v55, v4  }
0x2c4: {  	v9 =	vmul.f32 v56, v5;
	v10 =	vmul.f32 v57, v6;
	_ =	sdelay $0x1  }
0x2c5: {  	v7 =	vadd.f32 v8, v7;
	v58 =	vadd.f32 v10, v9;
	_ =	sdelay $0x1  }
0x2c6: {  	v7 =	vadd.f32 v58, v7;
	_ =	sdelay $0x1  }
0x2c7: {  	[tilespmem:s29+$0x2040] =	vst v7  }
0x2c8: {  	v7 =	vld [tilespmem:s26+$0xA150]  }
0x2c9: {  	v59 =	vld [tilespmem:s26+$0xA1D0]  }
0x2ca: {  	v60 =	vld [tilespmem:s26+$0xA250]  }
0x2cb: {  	v61 =	vld [tilespmem:s26+$0xA2D0];
	_ =	sdelay $0x3  }
0x2cc: {  	v7 =	vmul.f32 v7, v3;
	v8 =	vmul.f32 v59, v4  }
0x2cd: {  	v9 =	vmul.f32 v60, v5;
	v10 =	vmul.f32 v61, v6;
	_ =	sdelay $0x1  }
0x2ce: {  	v7 =	vadd.f32 v8, v7;
	v62 =	vadd.f32 v10, v9;
	_ =	sdelay $0x1  }
0x2cf: {  	v7 =	vadd.f32 v62, v7;
	_ =	sdelay $0x1  }
0x2d0: {  	[tilespmem:s29+$0x2050] =	vst v7  }
0x2d1: {  	v7 =	vld [tilespmem:s26+$0xA160]  }
0x2d2: {  	v63 =	vld [tilespmem:s26+$0xA1E0]  }
0x2d3: {  	v12 =	vld [tilespmem:s26+$0xA260]  }
0x2d4: {  	v13 =	vld [tilespmem:s26+$0xA2E0];
	_ =	sdelay $0x3  }
0x2d5: {  	v7 =	vmul.f32 v7, v3;
	v8 =	vmul.f32 v63, v4  }
0x2d6: {  	v9 =	vmul.f32 v12, v5;
	v10 =	vmul.f32 v13, v6;
	_ =	sdelay $0x1  }
0x2d7: {  	v7 =	vadd.f32 v8, v7;
	v14 =	vadd.f32 v10, v9;
	_ =	sdelay $0x1  }
0x2d8: {  	v7 =	vadd.f32 v14, v7;
	_ =	sdelay $0x1  }
0x2d9: {  	[tilespmem:s29+$0x2060] =	vst v7  }
0x2da: {  	v7 =	vld [tilespmem:s26+$0xA170]  }
0x2db: {  	v15 =	vld [tilespmem:s26+$0xA1F0]  }
0x2dc: {  	v16 =	vld [tilespmem:s26+$0xA270]  }
0x2dd: {  	v17 =	vld [tilespmem:s26+$0xA2F0];
	_ =	sdelay $0x3  }
0x2de: {  	v7 =	vmul.f32 v7, v3;
	v8 =	vmul.f32 v15, v4  }
0x2df: {  	v9 =	vmul.f32 v16, v5;
	v10 =	vmul.f32 v17, v6;
	_ =	sdelay $0x1  }
0x2e0: {  	v7 =	vadd.f32 v8, v7;
	v18 =	vadd.f32 v10, v9;
	_ =	sdelay $0x1  }
0x2e1: {  	v7 =	vadd.f32 v18, v7;
	_ =	sdelay $0x1  }
0x2e2: {  	[tilespmem:s29+$0x2070] =	vst v7  }
0x2e3: {  	v7 =	vld [tilespmem:s26+$0xA500]  }
0x2e4: {  	v19 =	vld [tilespmem:s26+$0xA580]  }
0x2e5: {  	v20 =	vld [tilespmem:s26+$0xA600]  }
0x2e6: {  	v21 =	vld [tilespmem:s26+$0xA680];
	_ =	sdelay $0x3  }
0x2e7: {  	v7 =	vmul.f32 v7, v3;
	v8 =	vmul.f32 v19, v4  }
0x2e8: {  	v9 =	vmul.f32 v20, v5;
	v10 =	vmul.f32 v21, v6;
	_ =	sdelay $0x1  }
0x2e9: {  	v7 =	vadd.f32 v8, v7;
	v22 =	vadd.f32 v10, v9;
	_ =	sdelay $0x1  }
0x2ea: {  	v7 =	vadd.f32 v22, v7;
	_ =	sdelay $0x1  }
0x2eb: {  	[tilespmem:s29+$0x2400] =	vst v7  }
0x2ec: {  	v7 =	vld [tilespmem:s26+$0xA510]  }
0x2ed: {  	v23 =	vld [tilespmem:s26+$0xA590]  }
0x2ee: {  	v24 =	vld [tilespmem:s26+$0xA610]  }
0x2ef: {  	v25 =	vld [tilespmem:s26+$0xA690];
	_ =	sdelay $0x3  }
0x2f0: {  	v7 =	vmul.f32 v7, v3;
	v8 =	vmul.f32 v23, v4  }
0x2f1: {  	v9 =	vmul.f32 v24, v5;
	v10 =	vmul.f32 v25, v6;
	_ =	sdelay $0x1  }
0x2f2: {  	v7 =	vadd.f32 v8, v7;
	v26 =	vadd.f32 v10, v9;
	_ =	sdelay $0x1  }
0x2f3: {  	v7 =	vadd.f32 v26, v7;
	_ =	sdelay $0x1  }
0x2f4: {  	[tilespmem:s29+$0x2410] =	vst v7  }
0x2f5: {  	v7 =	vld [tilespmem:s26+$0xA520]  }
0x2f6: {  	v27 =	vld [tilespmem:s26+$0xA5A0]  }
0x2f7: {  	v28 =	vld [tilespmem:s26+$0xA620]  }
0x2f8: {  	v29 =	vld [tilespmem:s26+$0xA6A0];
	_ =	sdelay $0x3  }
0x2f9: {  	v7 =	vmul.f32 v7, v3;
	v8 =	vmul.f32 v27, v4  }
0x2fa: {  	v9 =	vmul.f32 v28, v5;
	v10 =	vmul.f32 v29, v6;
	_ =	sdelay $0x1  }
0x2fb: {  	v7 =	vadd.f32 v8, v7;
	v30 =	vadd.f32 v10, v9;
	_ =	sdelay $0x1  }
0x2fc: {  	v7 =	vadd.f32 v30, v7;
	_ =	sdelay $0x1  }
0x2fd: {  	[tilespmem:s29+$0x2420] =	vst v7  }
0x2fe: {  	v7 =	vld [tilespmem:s26+$0xA530]  }
0x2ff: {  	v31 =	vld [tilespmem:s26+$0xA5B0]  }
0x300: {  	v32 =	vld [tilespmem:s26+$0xA630]  }
0x301: {  	v33 =	vld [tilespmem:s26+$0xA6B0];
	_ =	sdelay $0x3  }
0x302: {  	v7 =	vmul.f32 v7, v3;
	v8 =	vmul.f32 v31, v4  }
0x303: {  	v9 =	vmul.f32 v32, v5;
	v10 =	vmul.f32 v33, v6;
	_ =	sdelay $0x1  }
0x304: {  	v7 =	vadd.f32 v8, v7;
	v34 =	vadd.f32 v10, v9;
	_ =	sdelay $0x1  }
0x305: {  	v7 =	vadd.f32 v34, v7;
	_ =	sdelay $0x1  }
0x306: {  	[tilespmem:s29+$0x2430] =	vst v7  }
0x307: {  	v7 =	vld [tilespmem:s26+$0xA540]  }
0x308: {  	v35 =	vld [tilespmem:s26+$0xA5C0]  }
0x309: {  	v36 =	vld [tilespmem:s26+$0xA640]  }
0x30a: {  	v37 =	vld [tilespmem:s26+$0xA6C0];
	_ =	sdelay $0x3  }
0x30b: {  	v7 =	vmul.f32 v7, v3;
	v8 =	vmul.f32 v35, v4  }
0x30c: {  	v9 =	vmul.f32 v36, v5;
	v10 =	vmul.f32 v37, v6;
	_ =	sdelay $0x1  }
0x30d: {  	v7 =	vadd.f32 v8, v7;
	v38 =	vadd.f32 v10, v9;
	_ =	sdelay $0x1  }
0x30e: {  	v7 =	vadd.f32 v38, v7;
	_ =	sdelay $0x1  }
0x30f: {  	[tilespmem:s29+$0x2440] =	vst v7  }
0x310: {  	v7 =	vld [tilespmem:s26+$0xA550]  }
0x311: {  	v39 =	vld [tilespmem:s26+$0xA5D0]  }
0x312: {  	v40 =	vld [tilespmem:s26+$0xA650]  }
0x313: {  	v41 =	vld [tilespmem:s26+$0xA6D0];
	_ =	sdelay $0x3  }
0x314: {  	v7 =	vmul.f32 v7, v3;
	v8 =	vmul.f32 v39, v4  }
0x315: {  	v9 =	vmul.f32 v40, v5;
	v10 =	vmul.f32 v41, v6;
	_ =	sdelay $0x1  }
0x316: {  	v7 =	vadd.f32 v8, v7;
	v42 =	vadd.f32 v10, v9;
	_ =	sdelay $0x1  }
0x317: {  	v7 =	vadd.f32 v42, v7;
	_ =	sdelay $0x1  }
0x318: {  	[tilespmem:s29+$0x2450] =	vst v7  }
0x319: {  	v7 =	vld [tilespmem:s26+$0xA560]  }
0x31a: {  	v43 =	vld [tilespmem:s26+$0xA5E0]  }
0x31b: {  	v44 =	vld [tilespmem:s26+$0xA660]  }
0x31c: {  	v45 =	vld [tilespmem:s26+$0xA6E0];
	_ =	sdelay $0x3  }
0x31d: {  	v7 =	vmul.f32 v7, v3;
	v8 =	vmul.f32 v43, v4  }
0x31e: {  	v9 =	vmul.f32 v44, v5;
	v10 =	vmul.f32 v45, v6;
	_ =	sdelay $0x1  }
0x31f: {  	v7 =	vadd.f32 v8, v7;
	v46 =	vadd.f32 v10, v9;
	_ =	sdelay $0x1  }
0x320: {  	v7 =	vadd.f32 v46, v7;
	_ =	sdelay $0x1  }
0x321: {  	[tilespmem:s29+$0x2460] =	vst v7  }
0x322: {  	v7 =	vld [tilespmem:s26+$0xA570]  }
0x323: {  	v47 =	vld [tilespmem:s26+$0xA5F0]  }
0x324: {  	v48 =	vld [tilespmem:s26+$0xA670]  }
0x325: {  	v49 =	vld [tilespmem:s26+$0xA6F0];
	_ =	sdelay $0x3  }
0x326: {  	v3 =	vmul.f32 v7, v3;
	v4 =	vmul.f32 v47, v4  }
0x327: {  	v5 =	vmul.f32 v48, v5;
	v6 =	vmul.f32 v49, v6;
	_ =	sdelay $0x1  }
0x328: {  	v3 =	vadd.f32 v4, v3;
	v50 =	vadd.f32 v6, v5;
	_ =	sdelay $0x1  }
0x329: {  	v3 =	vadd.f32 v50, v3;
	_ =	sdelay $0x1  }
0x32a: {  	[tilespmem:s29+$0x2470] =	vst v3  }
0x32b: {  	v3 =	vld [tilespmem:s23+$0xFFFFFFD0]  }
0x32c: {  	v4 =	vld [tilespmem:s23+$0xFFFFFFE0]  }
0x32d: {  	v5 =	vld [tilespmem:s23+$0xFFFFFFF0]  }
0x32e: {  	v6 =	vld [tilespmem:s23+$0x0]  }
0x32f: {  	v51 =	vld [tilespmem:s26+$0xA300]  }
0x330: {  	v52 =	vld [tilespmem:s26+$0xA380]  }
0x331: {  	v53 =	vld [tilespmem:s26+$0xA400]  }
0x332: {  	v54 =	vld [tilespmem:s26+$0xA480];
	_ =	sdelay $0x3  }
0x333: {  	v7 =	vmul.f32 v51, v3;
	v8 =	vmul.f32 v52, v4  }
0x334: {  	v9 =	vmul.f32 v53, v5;
	v10 =	vmul.f32 v54, v6;
	_ =	sdelay $0x1  }
0x335: {  	v7 =	vadd.f32 v8, v7;
	v55 =	vadd.f32 v10, v9  }
0x336: {  	s29 =	sadd.s32 $0x80, s22  }
0x337: {  	s29 =	sand.u32 $0x380, s29;
	v7 =	vadd.f32 v55, v7  }
0x338: {  	s28 =	sadd.s32 s29, s28  }
0x339: {  	[tilespmem:s28+$0x2000] =	vst v7  }
0x33a: {  	v7 =	vld [tilespmem:s26+$0xA310]  }
0x33b: {  	v56 =	vld [tilespmem:s26+$0xA390]  }
0x33c: {  	v57 =	vld [tilespmem:s26+$0xA410]  }
0x33d: {  	v58 =	vld [tilespmem:s26+$0xA490];
	_ =	sdelay $0x3  }
0x33e: {  	v7 =	vmul.f32 v7, v3;
	v8 =	vmul.f32 v56, v4  }
0x33f: {  	v9 =	vmul.f32 v57, v5;
	v10 =	vmul.f32 v58, v6;
	_ =	sdelay $0x1  }
0x340: {  	v7 =	vadd.f32 v8, v7;
	v59 =	vadd.f32 v10, v9;
	_ =	sdelay $0x1  }
0x341: {  	v7 =	vadd.f32 v59, v7;
	_ =	sdelay $0x1  }
0x342: {  	[tilespmem:s28+$0x2010] =	vst v7  }
0x343: {  	v7 =	vld [tilespmem:s26+$0xA320]  }
0x344: {  	v60 =	vld [tilespmem:s26+$0xA3A0]  }
0x345: {  	v61 =	vld [tilespmem:s26+$0xA420]  }
0x346: {  	v62 =	vld [tilespmem:s26+$0xA4A0];
	_ =	sdelay $0x3  }
0x347: {  	v7 =	vmul.f32 v7, v3;
	v8 =	vmul.f32 v60, v4  }
0x348: {  	v9 =	vmul.f32 v61, v5;
	v10 =	vmul.f32 v62, v6;
	_ =	sdelay $0x1  }
0x349: {  	v7 =	vadd.f32 v8, v7;
	v63 =	vadd.f32 v10, v9;
	_ =	sdelay $0x1  }
0x34a: {  	v7 =	vadd.f32 v63, v7;
	_ =	sdelay $0x1  }
0x34b: {  	[tilespmem:s28+$0x2020] =	vst v7  }
0x34c: {  	v7 =	vld [tilespmem:s26+$0xA330]  }
0x34d: {  	v12 =	vld [tilespmem:s26+$0xA3B0]  }
0x34e: {  	v13 =	vld [tilespmem:s26+$0xA430]  }
0x34f: {  	v14 =	vld [tilespmem:s26+$0xA4B0];
	_ =	sdelay $0x3  }
0x350: {  	v7 =	vmul.f32 v7, v3;
	v8 =	vmul.f32 v12, v4  }
0x351: {  	v9 =	vmul.f32 v13, v5;
	v10 =	vmul.f32 v14, v6;
	_ =	sdelay $0x1  }
0x352: {  	v7 =	vadd.f32 v8, v7;
	v15 =	vadd.f32 v10, v9;
	_ =	sdelay $0x1  }
0x353: {  	v7 =	vadd.f32 v15, v7;
	_ =	sdelay $0x1  }
0x354: {  	[tilespmem:s28+$0x2030] =	vst v7  }
0x355: {  	v7 =	vld [tilespmem:s26+$0xA340]  }
0x356: {  	v16 =	vld [tilespmem:s26+$0xA3C0]  }
0x357: {  	v17 =	vld [tilespmem:s26+$0xA440]  }
0x358: {  	v18 =	vld [tilespmem:s26+$0xA4C0];
	_ =	sdelay $0x3  }
0x359: {  	v7 =	vmul.f32 v7, v3;
	v8 =	vmul.f32 v16, v4  }
0x35a: {  	v9 =	vmul.f32 v17, v5;
	v10 =	vmul.f32 v18, v6;
	_ =	sdelay $0x1  }
0x35b: {  	v7 =	vadd.f32 v8, v7;
	v19 =	vadd.f32 v10, v9;
	_ =	sdelay $0x1  }
0x35c: {  	v7 =	vadd.f32 v19, v7;
	_ =	sdelay $0x1  }
0x35d: {  	[tilespmem:s28+$0x2040] =	vst v7  }
0x35e: {  	v7 =	vld [tilespmem:s26+$0xA350]  }
0x35f: {  	v20 =	vld [tilespmem:s26+$0xA3D0]  }
0x360: {  	v21 =	vld [tilespmem:s26+$0xA450]  }
0x361: {  	v22 =	vld [tilespmem:s26+$0xA4D0];
	_ =	sdelay $0x3  }
0x362: {  	v7 =	vmul.f32 v7, v3;
	v8 =	vmul.f32 v20, v4  }
0x363: {  	v9 =	vmul.f32 v21, v5;
	v10 =	vmul.f32 v22, v6;
	_ =	sdelay $0x1  }
0x364: {  	v7 =	vadd.f32 v8, v7;
	v23 =	vadd.f32 v10, v9;
	_ =	sdelay $0x1  }
0x365: {  	v7 =	vadd.f32 v23, v7;
	_ =	sdelay $0x1  }
0x366: {  	[tilespmem:s28+$0x2050] =	vst v7  }
0x367: {  	v7 =	vld [tilespmem:s26+$0xA360]  }
0x368: {  	v24 =	vld [tilespmem:s26+$0xA3E0]  }
0x369: {  	v25 =	vld [tilespmem:s26+$0xA460]  }
0x36a: {  	v26 =	vld [tilespmem:s26+$0xA4E0];
	_ =	sdelay $0x3  }
0x36b: {  	v7 =	vmul.f32 v7, v3;
	v8 =	vmul.f32 v24, v4  }
0x36c: {  	v9 =	vmul.f32 v25, v5;
	v10 =	vmul.f32 v26, v6;
	_ =	sdelay $0x1  }
0x36d: {  	v7 =	vadd.f32 v8, v7;
	v27 =	vadd.f32 v10, v9;
	_ =	sdelay $0x1  }
0x36e: {  	v7 =	vadd.f32 v27, v7;
	_ =	sdelay $0x1  }
0x36f: {  	[tilespmem:s28+$0x2060] =	vst v7  }
0x370: {  	v7 =	vld [tilespmem:s26+$0xA370]  }
0x371: {  	v28 =	vld [tilespmem:s26+$0xA3F0]  }
0x372: {  	v29 =	vld [tilespmem:s26+$0xA470]  }
0x373: {  	v30 =	vld [tilespmem:s26+$0xA4F0];
	_ =	sdelay $0x3  }
0x374: {  	v7 =	vmul.f32 v7, v3;
	v8 =	vmul.f32 v28, v4  }
0x375: {  	v9 =	vmul.f32 v29, v5;
	v10 =	vmul.f32 v30, v6;
	_ =	sdelay $0x1  }
0x376: {  	v7 =	vadd.f32 v8, v7;
	v31 =	vadd.f32 v10, v9;
	_ =	sdelay $0x1  }
0x377: {  	v7 =	vadd.f32 v31, v7;
	_ =	sdelay $0x1  }
0x378: {  	[tilespmem:s28+$0x2070] =	vst v7  }
0x379: {  	v7 =	vld [tilespmem:s26+$0xA700]  }
0x37a: {  	v32 =	vld [tilespmem:s26+$0xA780]  }
0x37b: {  	v33 =	vld [tilespmem:s26+$0xA800]  }
0x37c: {  	v34 =	vld [tilespmem:s26+$0xA880];
	_ =	sdelay $0x3  }
0x37d: {  	v7 =	vmul.f32 v7, v3;
	v8 =	vmul.f32 v32, v4  }
0x37e: {  	v9 =	vmul.f32 v33, v5;
	v10 =	vmul.f32 v34, v6;
	_ =	sdelay $0x1  }
0x37f: {  	v7 =	vadd.f32 v8, v7;
	v35 =	vadd.f32 v10, v9;
	_ =	sdelay $0x1  }
0x380: {  	v7 =	vadd.f32 v35, v7;
	_ =	sdelay $0x1  }
0x381: {  	[tilespmem:s28+$0x2400] =	vst v7  }
0x382: {  	v7 =	vld [tilespmem:s26+$0xA710]  }
0x383: {  	v36 =	vld [tilespmem:s26+$0xA790]  }
0x384: {  	v37 =	vld [tilespmem:s26+$0xA810]  }
0x385: {  	v38 =	vld [tilespmem:s26+$0xA890];
	_ =	sdelay $0x3  }
0x386: {  	v7 =	vmul.f32 v7, v3;
	v8 =	vmul.f32 v36, v4  }
0x387: {  	v9 =	vmul.f32 v37, v5;
	v10 =	vmul.f32 v38, v6;
	_ =	sdelay $0x1  }
0x388: {  	v7 =	vadd.f32 v8, v7;
	v39 =	vadd.f32 v10, v9;
	_ =	sdelay $0x1  }
0x389: {  	v7 =	vadd.f32 v39, v7;
	_ =	sdelay $0x1  }
0x38a: {  	[tilespmem:s28+$0x2410] =	vst v7  }
0x38b: {  	v7 =	vld [tilespmem:s26+$0xA720]  }
0x38c: {  	v40 =	vld [tilespmem:s26+$0xA7A0]  }
0x38d: {  	v41 =	vld [tilespmem:s26+$0xA820]  }
0x38e: {  	v42 =	vld [tilespmem:s26+$0xA8A0];
	_ =	sdelay $0x3  }
0x38f: {  	v7 =	vmul.f32 v7, v3;
	v8 =	vmul.f32 v40, v4  }
0x390: {  	v9 =	vmul.f32 v41, v5;
	v10 =	vmul.f32 v42, v6;
	_ =	sdelay $0x1  }
0x391: {  	v7 =	vadd.f32 v8, v7;
	v43 =	vadd.f32 v10, v9;
	_ =	sdelay $0x1  }
0x392: {  	v7 =	vadd.f32 v43, v7;
	_ =	sdelay $0x1  }
0x393: {  	[tilespmem:s28+$0x2420] =	vst v7  }
0x394: {  	v7 =	vld [tilespmem:s26+$0xA730]  }
0x395: {  	v44 =	vld [tilespmem:s26+$0xA7B0]  }
0x396: {  	v45 =	vld [tilespmem:s26+$0xA830]  }
0x397: {  	v46 =	vld [tilespmem:s26+$0xA8B0];
	_ =	sdelay $0x3  }
0x398: {  	v7 =	vmul.f32 v7, v3;
	v8 =	vmul.f32 v44, v4  }
0x399: {  	v9 =	vmul.f32 v45, v5;
	v10 =	vmul.f32 v46, v6;
	_ =	sdelay $0x1  }
0x39a: {  	v7 =	vadd.f32 v8, v7;
	v47 =	vadd.f32 v10, v9;
	_ =	sdelay $0x1  }
0x39b: {  	v7 =	vadd.f32 v47, v7;
	_ =	sdelay $0x1  }
0x39c: {  	[tilespmem:s28+$0x2430] =	vst v7  }
0x39d: {  	v7 =	vld [tilespmem:s26+$0xA740]  }
0x39e: {  	v48 =	vld [tilespmem:s26+$0xA7C0]  }
0x39f: {  	v49 =	vld [tilespmem:s26+$0xA840]  }
0x3a0: {  	v50 =	vld [tilespmem:s26+$0xA8C0];
	_ =	sdelay $0x3  }
0x3a1: {  	v7 =	vmul.f32 v7, v3;
	v8 =	vmul.f32 v48, v4  }
0x3a2: {  	v9 =	vmul.f32 v49, v5;
	v10 =	vmul.f32 v50, v6;
	_ =	sdelay $0x1  }
0x3a3: {  	v7 =	vadd.f32 v8, v7;
	v51 =	vadd.f32 v10, v9;
	_ =	sdelay $0x1  }
0x3a4: {  	v7 =	vadd.f32 v51, v7;
	_ =	sdelay $0x1  }
0x3a5: {  	[tilespmem:s28+$0x2440] =	vst v7  }
0x3a6: {  	v7 =	vld [tilespmem:s26+$0xA750]  }
0x3a7: {  	v52 =	vld [tilespmem:s26+$0xA7D0]  }
0x3a8: {  	v53 =	vld [tilespmem:s26+$0xA850]  }
0x3a9: {  	v54 =	vld [tilespmem:s26+$0xA8D0];
	_ =	sdelay $0x3  }
0x3aa: {  	v7 =	vmul.f32 v7, v3;
	v8 =	vmul.f32 v52, v4  }
0x3ab: {  	v9 =	vmul.f32 v53, v5;
	v10 =	vmul.f32 v54, v6;
	_ =	sdelay $0x1  }
0x3ac: {  	v7 =	vadd.f32 v8, v7;
	v55 =	vadd.f32 v10, v9;
	_ =	sdelay $0x1  }
0x3ad: {  	v7 =	vadd.f32 v55, v7;
	_ =	sdelay $0x1  }
0x3ae: {  	[tilespmem:s28+$0x2450] =	vst v7  }
0x3af: {  	v7 =	vld [tilespmem:s26+$0xA760]  }
0x3b0: {  	v56 =	vld [tilespmem:s26+$0xA7E0]  }
0x3b1: {  	v57 =	vld [tilespmem:s26+$0xA860]  }
0x3b2: {  	v58 =	vld [tilespmem:s26+$0xA8E0];
	_ =	sdelay $0x3  }
0x3b3: {  	v7 =	vmul.f32 v7, v3;
	v8 =	vmul.f32 v56, v4  }
0x3b4: {  	v9 =	vmul.f32 v57, v5;
	v10 =	vmul.f32 v58, v6;
	_ =	sdelay $0x1  }
0x3b5: {  	v7 =	vadd.f32 v8, v7;
	v59 =	vadd.f32 v10, v9;
	_ =	sdelay $0x1  }
0x3b6: {  	v7 =	vadd.f32 v59, v7;
	_ =	sdelay $0x1  }
0x3b7: {  	[tilespmem:s28+$0x2460] =	vst v7  }
0x3b8: {  	v7 =	vld [tilespmem:s26+$0xA770]  }
0x3b9: {  	v60 =	vld [tilespmem:s26+$0xA7F0]  }
0x3ba: {  	v61 =	vld [tilespmem:s26+$0xA870]  }
0x3bb: {  	v62 =	vld [tilespmem:s26+$0xA8F0];
	_ =	sdelay $0x3  }
0x3bc: {  	v3 =	vmul.f32 v7, v3;
	v4 =	vmul.f32 v60, v4  }
0x3bd: {  	v5 =	vmul.f32 v61, v5;
	v6 =	vmul.f32 v62, v6  }
0x3be: {  	p0 =	sne.s32 s25, $0x1E000  }
.Ltmp7:
0x3bf: {  	v3 =	vadd.f32 v4, v3;
	v63 =	vadd.f32 v6, v5;
	(pc) =	sbr.rel @p0 .LBB2_11-.Ltmp7, $4  }
0x3c0: {  	_ = 	snop  }
0x3c1: {  	v3 =	vadd.f32 v63, v3  }
0x3c2: {  	s24 =	sadd.s32 $0x200, s24  }
0x3c3: {  	s25 =	sadd.s32 $0x2000, s25;
	s22 =	sadd.s32 $0x100, s22;
	s23 =	sadd.s32 $0x100, s23;
	[tilespmem:s28+$0x2470] =	vst v3  }
0x3c4: {  	p0 =	seq.s32 s17, $0x30  }
.Ltmp8:
0x3c5: {  	s21 =	sadd.s32 s5, s21;
	(pc) =	sbr.rel @p0 .LBB2_14-.Ltmp8, $4  }
0x3c6: {  	s21 =	sshll.u32 s21, $0xA  }
0x3c7: {  	s21 =	sand.u32 $0x1FFFFC00, s21  }
0x3c8: {  	s21 =	sadd.s32 s7, s21  }
0x3c9: {  	[hbm4b:s21+s2] =	stream.linear.scatter [tilespmem:s16], [sflag:$0x8], $0x2000, $0x38;
	[tilespmem:$0x16100] =	vst v63  }
0x3ca: {  	s20 =	sadd.s32 s20, s13  }
0x3cb: {  	s21 =	sshll.u32 s20, $0x4  }
.Ltmp9:
0x3cc: {  	s20 =	sshll.u32 s20, $0x9;
	s21 =	sand.u32 $0x1FFFFFF0, s21;
	(pc) =	sbr.rel .LBB2_2-.Ltmp9, $4  }
0x3cd: {  	s22 =	simm.s32 $0x80;
	s20 =	sand.u32 $0x1FFFFE00, s20;
	s21 =	sadd.s32 s4, s21  }
0x3ce: {  	[tilespmem:s22], [sflag:$0x2] =	stream.linear.gather [hbm4b:s21+s2], $0x80, $0x38;
	[tilespmem:$0x16100] =	vst v63  }
0x3cf: {  	s29 =	simm.s32 $0x1100;
	s17 =	sadd.s32 $0x1, s17;
	s20 =	sadd.s32 s6, s20  }
0x3d0: {  	[tilespmem:s29], [sflag:$0x4] =	stream.linear.gather [hbm4b:s20+s2], $0x1000, $0x38;
	[tilespmem:$0x16100] =	vst v63  }
.LBB2_15:
0x3d1: {  	_ =	sfence.sel $0x180000  }
0x3d2: {  	[bflag:$0x0] =	sbarrier.arrive $0xFFFF  }
0x3d3: {  	_ =	strace $0x9000004A  }
0x3d4: {  	s0 =	stileid.u32;
	[bflag:$0x2] =	sbarrier.arrive $0xFFFF  }
0x3d5: {  	p0 =	sne.s32 s0, $0x0;
	s0 =	rddreg [dreg:$0x1]  }
0x3d6: {  	s0 =	sadd.s32 @!p0 $0x100000, s0  }
0x3d7: {  	[sflag:s0] =	ssyncadd.tile.s32 @!p0 $0x1;
	_ =	shalt  }
.Lfunc_end2:
_tile_overlayer_lowered:
.L_overlay_start_2:
0x3d8: {  	(tag) =	ssettag $0x2  }
0x3d9: {  	s0 =	rddreg [dreg:$0x0];
	s2 =	stileid.u32  }
0x3da: {  	s1 =	rddreg [dreg:$0x1];
	p0 =	sne.s32 s2, $0x0  }
0x3db: {  	s3 =	rddreg [dreg:$0x2];
	[bflag:$0x3] =	sbarrier.arrive $0xFFFF;
	s2 =	simm.s32 @!p0 $0x1C09  }
0x3dc: {  	[timem:s3], [sflag:s2] =	dma.local @!p0 [hbm:s0], s1  }
0x3dd: {  	s0 =	simm.s32 @!p0 $0x9  }
0x3de: {  	_ =	swait.ge @!p0 [sflag:s0], s1  }
0x3df: {  	s1 =	ssub.s32 @!p0 $0x0, s1;
	[sflag:s0] =	ssyncset.done @!p0 $0x0  }
0x3e0: {  	[sflag:s0] =	ssyncadd.s32 @!p0 s1  }
0x3e1: {  	[bflag:$0x3] =	sbarrier.arrive $0xFFFF  }
0x3e2: {  	_ =	shalt  }

// kernel: sparse-core-data-format-call.1.cloned.1.call-start
scs
called_computation.1_lowered:
.L_overlay_start_0:
0x0: {  	s2 =	sld [smem:$0x3FD9]  }
0x1: {  	s3 =	sld [smem:$0x3FFE];
	_ =	sdelay $0x1  }
0x2: {  	s1 =	srdreg.scid  }
0x3: {  	s0 =	sand.u32 $0x1, s1  }
0x4: {  	s18 =	sshll.u32 s0, $0xA;
	s2 =	sadd.s32 s3, s2  }
0x5: {  	s2 =	sadd.s32 s2, s18  }
0x6: {  	[smem:$0x3FC6] =	sst s2  }
0x7: {  	_ = 	snop  }
0x8: {  	s2 =	sld [smem:$0x3FC9];
	(tm) =	ssettm $0x1  }
0x9: {  	s19 =	sld [smem:$0x3FFB];
	_ =	sdelay $0x3  }
0xa: {  	_ =	strace s19  }
0xb: {  	s3 =	sld [smem:$0x3FFC];
	_ =	sdelay $0x3  }
0xc: {  	_ =	strace s3  }
0xd: {  	s3 =	sld [smem:$0x3FFD];
	_ =	sdelay $0x3  }
0xe: {  	_ =	strace s3  }
0xf: {  	_ =	strace $0x8FFFFFFF  }
0x10: {  	s20 =	sld [smem:$0x3FDB];
	_ =	sdelay $0x1  }
0x11: {  	s4 =	simm.s32 $_scs_section_size  }
0x12: {  	s5 =	simm.s32 $_size__tile_overlayer_lowered;
	s6 =	simm.s32 $_tile_overlayer_lowered  }
0x13: {  	s23 =	simm.s32 $0x1BFF;
	s22 =	sshll.u32 s6, $0x1;
	s3 =	sadd.s32 s4, s20  }
0x14: {  	s7 =	simm.s32 $0x0;
	s21 =	sshll.u32 s5, $0x1;
	s5 =	sadd.s32 s22, s3  }
0x15: {  	[timem:s7], [sflag:s23] =	dma.local [hbm:s5], s21  }
0x16: {  	_ =	swait.ge [sflag:s23], s21  }
0x17: {  	s4 =	ssub.s32 $0x0, s21;
	[sflag:s23] =	ssyncset.done $0x0  }
0x18: {  	[sflag:s23] =	ssyncadd.s32 s4;
	_ =	sdelay $0x1  }
0x19: {  	s24 =	simm.s32 $0x1B8B  }
0x1a: {  	_ =	swait.ge [sflag:s24], $0x1  }
0x1b: {  	[sflag:s24] =	ssyncset.done $0x0  }
0x1c: {  	s26 =	simm.s32 $0x1B8E;
	s25 =	sld [smem:$0x3FFE];
	[sflag:s24] =	ssyncadd.s32 $0xFFFFFFFF  }
0x1d: {  	s27 =	simm.s32 $execute0_lowered;
	[smem:$0x3FD2] =	sst s26  }
0x1e: {  	s5 =	sshll.u32 s27, $0x1;
	_ =	strace $0x80000046;
	[dreg:$0x1] =	wrdreg $0xFFFFFFFF  }
0x1f: {  	s28 =	simm.s32 $_size_execute0_lowered;
	s3 =	sadd.s32 s3, s5;
	[dreg:$0x0] =	wrdreg $0x0  }
0x20: {  	s5 =	sshll.u32 s28, $0x1;
	[dreg:$0x2] =	wrdreg s3  }
0x21: {  	[dreg:$0x3] =	wrdreg s5  }
0x22: {  	[dreg:$0x4] =	wrdreg $0xC0  }
0x23: {  	_ =	task [dreg:s7], $0x5FFFF  }
0x24: {  	[dreg:$0x1] =	wrdreg $0xFFFFFFFF  }
0x25: {  	[dreg:$0x0] =	wrdreg $0x60  }
0x26: {  	[dreg:$0x2] =	wrdreg s2  }
0x27: {  	[dreg:$0x3] =	wrdreg s25  }
0x28: {  	[dreg:$0x4] =	wrdreg $0x9  }
0x29: {  	_ =	task.clear_ibuf [dreg:s7], $0x5FFFF;
	_ =	strace $0x90000046  }
0x2a: {  	s29 =	simm.s32 $0x9;
	_ =	strace $0x80000048  }
0x2b: {  	_ =	swait.ge [sflag:s29], $0x1  }
0x2c: {  	[sflag:s29] =	ssyncadd.s32 $0xFFFFFFFF  }
0x2d: {  	_ =	strace $0x90000048  }
0x2e: {  	_ =	sfence  }
0x2f: {  	s30 =	sld [smem:$0x0];
	_ =	sdelay $0x2  }
0x30: {  	s31 =	sshll.u32 s1, $0xD;
	s1 =	sshrl.u32 s1, $0x2  }
0x31: {  	s3 =	sand.u32 $0x4000, s31;
	s1 =	sadd.s32 s1, s30  }
0x32: {  	s0 =	sor.u32 s3, s0;
	s1 =	sshll.u32 s1, $0x11  }
0x33: {  	s0 =	sor.u32 s1, s0  }
0x34: {  	s0 =	sadd.s32 $0x8F2B, s0  }
0x35: {  	[sflag:s0] =	ssyncadd.remote.s32 $0x1  }
0x36: {  	_ =	sfence.sel $0xFFFF  }
0x37: {  	[dreg:$0x0] =	wrdreg $0xFFFFFFFF;
	(pc) =	sbr.abs _section_cstart, $3  }
0x38: {  	[dreg:$0x1] =	wrdreg $0xFFFFFFFF  }
0x39: {  	_ =	task.clear_ibuf [dreg:s7], $0x2FFFF;
	_ =	strace $0x9FFFFFFF  }
0x3a: {  	(tm) =	ssettm $0x7FFFFFFF  }
0x3b: {  	_ =	shalt  }
tec
execute0_lowered:
.L_overlay_start_1:
0x0: {  	(tag) =	ssettag $0x1  }
0x1: {  	s0 =	stileid.u32;
	s2 =	rddreg [dreg:$0x0]  }
0x2: {  	s5 =	rddreg [dreg:$0x1];
	s8 =	srdreg.scid  }
0x3: {  	s31 =	simm.s32 $0x2;
	s16 =	simm.s32 $0x0;
	p0 =	por $0x0, $0x0  }
0x4: {  	s15 =	simm.s32 $0x0;
	s17 =	simm.s32 $0x0;
	s14 =	simm.s32 $0x0  }
0x5: {  	s1 =	sshll.u32 s0, $0x6;
	s3 =	sand.u32 $0x1, s0;
	s8 =	sshll.u32 s8, $0x4  }
0x6: {  	s5 =	sadd.s32 $0x1000, s5;
	s4 =	sand.u32 $0x80, s1;
	s1 =	rddreg [dreg:$0x2]  }
0x7: {  	s6 =	ssub.s32 $0x2, s3;
	_ =	strace $0x80000047;
	s7 =	ssub.s32 $0x100, s4  }
0x8: {  	s8 =	sand.u32 $0x10, s8;
	s9 =	sshrl.u32 s6, $0x1;
	s10 =	sshrl.u32 s7, $0x7  }
0x9: {  	s6 =	sand.u32 $0x1, s6;
	s7 =	sshrl.u32 s7, $0x8;
	s10 =	sand.u32 $0x1, s10  }
.Ltmp0:
0xa: {  	s6 =	sadd.s32 s6, s9;
	s7 =	sadd.s32 s7, s10;
	(pc) =	sbr.rel .LBB1_1-.Ltmp0, $4  }
0xb: {  	s13 =	smov.u32 s3;
	s8 =	sor.u32 s0, s8;
	s7 =	smul.u32 s7, s6  }
0xc: {  	s12 =	smov.u32 s4;
	s8 =	sshrl.u32 s8, $0x2;
	s6 =	simm.s32 $0x1  }
0xd: {  	s11 =	smov.u32 s8;
	[sflag:s6] =	ssyncpa.u1 $0x0;
	s7 =	sshll.u32 s7, $0x4  }
0xe: {  	s10 =	simm.s32 $0x800;
	[sflag:s31] =	ssyncpa.u1 $0x0;
	s9 =	sor.u32 $0x1, s7  }
.LBB1_4:
0xf: {  	v5 =	vld [tilespmem:s21+$0xFFFFFFD0];
	[tilespmem:s20+$0x2040 ss:$0x81] =	vst.msk $0xffff, v1  }
0x10: {  	v58 =	vld [tilespmem:s21+$0xFFFFFFE0];
	[tilespmem:s20+$0x2850 ss:$0x81] =	vst.msk $0xffff, v2  }
0x11: {  	s22 =	sshra.s32 s22, $0x2;
	v59 =	vld [tilespmem:s21+$0xFFFFFFF0];
	[tilespmem:s20+$0x3060 ss:$0x81] =	vst.msk $0xffff, v3  }
0x12: {  	v60 =	vld [tilespmem:s21+$0x0];
	[tilespmem:s20+$0x0 ss:$0x81] =	vst.msk $0xffff, v0;
	s19 =	sadd.s32 s22, s19  }
0x13: {  	v61 =	vld [tilespmem:s21+$0x10];
	[tilespmem:s19+$0x3870 ss:$0x81] =	vst.msk $0xffff, v4  }
0x14: {  	v62 =	vld [tilespmem:s21+$0x20];
	[tilespmem:s19+$0x810 ss:$0x81] =	vst.msk $0xffff, v5  }
0x15: {  	v63 =	vld [tilespmem:s21+$0xFFFFFFC0];
	[tilespmem:s19+$0x1020 ss:$0x81] =	vst.msk $0xffff, v58  }
0x16: {  	s17 =	sshll.u32 s17, $0x13;
	[tilespmem:s19+$0x1830 ss:$0x81] =	vst.msk $0xffff, v59  }
0x17: {  	s28 =	sand.u32 $0xF80, s15;
	s16 =	sshll.u32 s16, $0xC;
	s17 =	sadd.s32 s5, s17;
	[tilespmem:s19+$0x2040 ss:$0x81] =	vst.msk $0xffff, v60  }
0x18: {  	s29 =	sshrl.u32 s15, $0x3;
	s30 =	sand.u32 $0x7, s15;
	s17 =	sadd.s32 s28, s17;
	[tilespmem:s19+$0x2850 ss:$0x81] =	vst.msk $0xffff, v61  }
0x19: {  	s31 =	sand.u32 $0xF, s29;
	s15 =	sshll.u32 s30, $0x12;
	s16 =	sadd.s32 s16, s17;
	[tilespmem:s19+$0x3060 ss:$0x81] =	vst.msk $0xffff, v62  }
0x1a: {  	s15 =	sor.u32 $0x400, s15;
	s16 =	sadd.s32 s31, s16;
	[tilespmem:s19+$0x0 ss:$0x81] =	vst.msk $0xffff, v63  }
0x1b: {  	[hbm4b:s16+s15] =	stream.strided.scatter [tilespmem:s18], [sflag:$0x2], $0x4000, s10, s15, $0x20;
	[tilespmem:$0x10100] =	vst v63  }
.LBB1_5:
0x1c: {  	s18 =	sadd.s32 $0x8, s11  }
0x1d: {  	s15 =	sadd.s32 $0x100, s12;
	s19 =	smov.u32 s12;
	p2 =	sgt.s32 s18, $0x7F  }
0x1e: {  	s19 =	smov.u32 @p2 s15  }
0x1f: {  	s21 =	smov.u32 s13;
	s15 =	sadd.s32 $0x2, s13;
	p3 =	sgt.s32 s19, $0xFF  }
0x20: {  	s21 =	smov.u32 @p3 s15  }
0x21: {  	s18 =	smov.u32 @p2 s8;
	p2 =	sgt.s32 s21, $0x1  }
0x22: {  	p1 =	slt.u32 s14, $0x2;
	s21 =	smov.u32 @p2 s3;
	p2 =	sne.s32 s14, s9  }
.Ltmp1:
0x23: {  	s20 =	simm.s32 @!p1 $0x2;
	(pc) =	sbr.rel @!p2 .LBB1_6-.Ltmp1, $4  }
0x24: {  	s16 =	smov.u32 s11;
	s17 =	smov.u32 s13;
	_ =	swait.ge @!p1 [sflag:s20], $0x4000  }
0x25: {  	p0 =	por !p0, !p0;
	[sflag:s20] =	ssyncset.done @!p1 $0x0;
	s11 =	smov.u32 s18  }
0x26: {  	s19 =	smov.u32 @p3 s4;
	s15 =	smov.u32 s12;
	[sflag:s20] =	ssyncadd.s32 @!p1 $0xFFFFC000  }
0x27: {  	s12 =	smov.u32 s19;
	s14 =	sadd.s32 $0x1, s14;
	s13 =	smov.u32 s21  }
.LBB1_1:
0x28: {  	p1 =	sge.u32 s14, s7;
	s31 =	sadd.s32 $0xFFFFFFFF, s14  }
0x29: {  	s18 =	sxor.u32 @!p1 $0xFFFFFFFF, s14;
	s19 =	sshll.u32 @!p1 s13, $0x13;
	s20 =	sshll.u32 @!p1 s12, $0xB  }
0x2a: {  	s21 =	sshll.u32 @!p1 s11, $0x4;
	s18 =	sshll.u32 @!p1 s18, $0xE;
	s19 =	sadd.s32 @!p1 s2, s19  }
0x2b: {  	s21 =	sand.u32 @!p1 $0x7F0, s21;
	s18 =	sand.u32 @!p1 $0x4000, s18;
	s19 =	sadd.s32 @!p1 s20, s19  }
0x2c: {  	s20 =	simm.s32 @!p1 $0x80;
	s19 =	sadd.s32 @!p1 s21, s19;
	s21 =	simm.s32 @!p1 $0x4000  }
0x2d: {  	[tilespmem:s18], [sflag:$0x1] =	stream.strided.gather @!p1 [hbm4b:s19+s20], $0x4000, s21, s20, $0x38;
	[tilespmem:$0x10100] =	vst v63  }
0x2e: {  	p1 =	sge.u32 s31, s7  }
.Ltmp2:
0x2f: {  	_ = 	snop;
	(pc) =	sbr.rel @p1 .LBB1_5-.Ltmp2, $1  }
0x30: {  	_ =	sdelay $0x3  }
0x31: {  	s18 =	simm.s32 $0x1  }
0x32: {  	_ =	swait.ge [sflag:s6], $0x4000;
	s18 =	simm.s32 @!p0 $0x0  }
0x33: {  	[sflag:s6] =	ssyncset.done $0x0;
	s19 =	sshll.u32 s18, $0xE  }
0x34: {  	[sflag:s6] =	ssyncadd.s32 $0xFFFFC000;
	s21 =	sor.u32 $0x40, s19  }
0x35: {  	s18 =	smul.u32 $0x10200, s18;
	v0 =	vld [tilespmem:s21+$0x30]  }
0x36: {  	v3 =	vld [tilespmem:s21+$0xFFFFFFD0]  }
0x37: {  	s18 =	sshrl.u32 s18, $0x2;
	v4 =	vld [tilespmem:s21+$0xFFFFFFE0]  }
0x38: {  	v5 =	vld [tilespmem:s21+$0xFFFFFFF0];
	s19 =	sor.u32 $0x8000, s18  }
0x39: {  	s31 =	sand.u32 $0x1, s14;
	v1 =	vld [tilespmem:s21+$0x0];
	s20 =	sadd.s32 $0x0, s19  }
0x3a: {  	v2 =	vld [tilespmem:s21+$0x10];
	s18 =	smul.u32 $0x10200, s31;
	[tilespmem:s20+$0x3870 ss:$0x81] =	vst.msk $0xffff, v0  }
0x3b: {  	[tilespmem:s20+$0x810 ss:$0x81] =	vst.msk $0xffff, v3;
	v3 =	vld [tilespmem:s21+$0x20]  }
0x3c: {  	s18 =	sshrl.u32 s18, $0x2;
	v0 =	vld [tilespmem:s21+$0xFFFFFFC0];
	[tilespmem:s20+$0x1020 ss:$0x81] =	vst.msk $0xffff, v4;
	s21 =	sadd.s32 $0x80, s21  }
0x3d: {  	s22 =	simm.s32 $0x4;
	s23 =	simm.s32 $0x8;
	s18 =	sor.u32 $0x8000, s18;
	[tilespmem:s20+$0x1830 ss:$0x81] =	vst.msk $0xffff, v5;
	v4 =	vld [tilespmem:s21+$0x30]  }
.LBB1_3:
0x3e: {  	p1 =	sne.s32 s23, $0x1FC;
	v5 =	vld [tilespmem:s21+$0xFFFFFFD0];
	[tilespmem:s20+$0x2040 ss:$0x81] =	vst.msk $0xffff, v1  }
0x3f: {  	v6 =	vld [tilespmem:s21+$0xFFFFFFE0];
	[tilespmem:s20+$0x2850 ss:$0x81] =	vst.msk $0xffff, v2  }
0x40: {  	s24 =	sshra.s32 s22, $0x2;
	s22 =	smov.u32 s23;
	v7 =	vld [tilespmem:s21+$0xFFFFFFF0];
	[tilespmem:s20+$0x3060 ss:$0x81] =	vst.msk $0xffff, v3  }
.Ltmp3:
0x41: {  	v1 =	vld [tilespmem:s21+$0x0];
	[tilespmem:s20+$0x0 ss:$0x81] =	vst.msk $0xffff, v0;
	s20 =	sadd.s32 s24, s19;
	(pc) =	sbr.rel @p1 .LBB1_3-.Ltmp3, $4  }
0x42: {  	v2 =	vld [tilespmem:s21+$0x10];
	[tilespmem:s20+$0x3870 ss:$0x81] =	vst.msk $0xffff, v4  }
0x43: {  	[tilespmem:s20+$0x810 ss:$0x81] =	vst.msk $0xffff, v5;
	v3 =	vld [tilespmem:s21+$0x20]  }
0x44: {  	v0 =	vld [tilespmem:s21+$0xFFFFFFC0];
	[tilespmem:s20+$0x1020 ss:$0x81] =	vst.msk $0xffff, v6;
	s21 =	sadd.s32 $0x80, s21  }
0x45: {  	s23 =	sadd.s32 $0x4, s23;
	v4 =	vld [tilespmem:s21+$0x30];
	[tilespmem:s20+$0x1830 ss:$0x81] =	vst.msk $0xffff, v7  }
.Ltmp4:
0x46: {  	_ = 	snop;
	(pc) =	sbr.rel .LBB1_4-.Ltmp4, $1  }
0x47: {  	_ =	sdelay $0x3  }
.LBB1_6:
0x48: {  	_ =	sfence.sel $0x180000  }
0x49: {  	s2 =	simm.s32 $0x1;
	[bflag:$0x0] =	sbarrier.arrive $0xFFFF  }
0x4a: {  	s31 =	simm.s32 $0x2;
	[sflag:s2] =	ssyncpa.u1 $0x1  }
0x4b: {  	[sflag:s31] =	ssyncpa.u1 $0x1  }
0x4c: {  	p0 =	sne.s32 s0, $0x0;
	_ =	strace $0x90000047  }
0x4d: {  	s0 =	sadd.s32 @!p0 $0x100000, s1;
	[bflag:$0x2] =	sbarrier.arrive $0xFFFF  }
0x4e: {  	[sflag:s0] =	ssyncadd.tile.s32 @!p0 $0x1;
	_ =	shalt  }
.Lfunc_end1:
_tile_overlayer_lowered:
.L_overlay_start_2:
0x4f: {  	(tag) =	ssettag $0x2  }
0x50: {  	s0 =	rddreg [dreg:$0x0];
	s2 =	stileid.u32  }
0x51: {  	s1 =	rddreg [dreg:$0x1];
	p0 =	sne.s32 s2, $0x0  }
0x52: {  	s3 =	rddreg [dreg:$0x2];
	[bflag:$0x3] =	sbarrier.arrive $0xFFFF;
	s2 =	simm.s32 @!p0 $0x1C01  }
0x53: {  	[timem:s3], [sflag:s2] =	dma.local @!p0 [hbm:s0], s1  }
0x54: {  	s0 =	simm.s32 @!p0 $0x1  }
0x55: {  	_ =	swait.ge @!p0 [sflag:s0], s1  }
0x56: {  	s1 =	ssub.s32 @!p0 $0x0, s1;
	[sflag:s0] =	ssyncset.done @!p0 $0x0  }
0x57: {  	[sflag:s0] =	ssyncadd.s32 @!p0 s1  }
0x58: {  	[bflag:$0x3] =	sbarrier.arrive $0xFFFF  }
0x59: {  	_ =	shalt  }

// kernel: sparse-core-data-format-call.cloned.1.call-start
scs
called_computation_lowered:
.L_overlay_start_0:
0x0: {  	s2 =	sld [smem:$0x3FD9]  }
0x1: {  	s3 =	sld [smem:$0x3FFE];
	_ =	sdelay $0x1  }
0x2: {  	s1 =	srdreg.scid  }
0x3: {  	s0 =	sand.u32 $0x1, s1  }
0x4: {  	s18 =	sshll.u32 s0, $0xA;
	s2 =	sadd.s32 s3, s2  }
0x5: {  	s2 =	sadd.s32 s2, s18  }
0x6: {  	[smem:$0x3FC6] =	sst s2  }
0x7: {  	_ = 	snop  }
0x8: {  	s2 =	sld [smem:$0x3FD0];
	(tm) =	ssettm $0x1  }
0x9: {  	s19 =	sld [smem:$0x3FFB];
	_ =	sdelay $0x3  }
0xa: {  	_ =	strace s19  }
0xb: {  	s3 =	sld [smem:$0x3FFC];
	_ =	sdelay $0x3  }
0xc: {  	_ =	strace s3  }
0xd: {  	s3 =	sld [smem:$0x3FFD];
	_ =	sdelay $0x3  }
0xe: {  	_ =	strace s3  }
0xf: {  	_ =	strace $0x8FFFFFFF  }
0x10: {  	s20 =	sld [smem:$0x3FDB];
	_ =	sdelay $0x1  }
0x11: {  	s4 =	simm.s32 $_scs_section_size  }
0x12: {  	s5 =	simm.s32 $_size__tile_overlayer_lowered;
	s6 =	simm.s32 $_tile_overlayer_lowered  }
0x13: {  	s23 =	simm.s32 $0x1BFF;
	s22 =	sshll.u32 s6, $0x1;
	s3 =	sadd.s32 s4, s20  }
0x14: {  	s7 =	simm.s32 $0x0;
	s21 =	sshll.u32 s5, $0x1;
	s5 =	sadd.s32 s22, s3  }
0x15: {  	[timem:s7], [sflag:s23] =	dma.local [hbm:s5], s21  }
0x16: {  	_ =	swait.ge [sflag:s23], s21  }
0x17: {  	s4 =	ssub.s32 $0x0, s21;
	[sflag:s23] =	ssyncset.done $0x0  }
0x18: {  	[sflag:s23] =	ssyncadd.s32 s4;
	_ =	sdelay $0x1  }
0x19: {  	s24 =	simm.s32 $0x1B8B  }
0x1a: {  	_ =	swait.ge [sflag:s24], $0x1  }
0x1b: {  	[sflag:s24] =	ssyncset.done $0x0  }
0x1c: {  	s26 =	simm.s32 $0x1B8E;
	s25 =	sld [smem:$0x3FFE];
	[sflag:s24] =	ssyncadd.s32 $0xFFFFFFFF  }
0x1d: {  	s27 =	simm.s32 $execute0_lowered;
	[smem:$0x3FD2] =	sst s26  }
0x1e: {  	s5 =	sshll.u32 s27, $0x1;
	_ =	strace $0x8000004C;
	[dreg:$0x1] =	wrdreg $0xFFFFFFFF  }
0x1f: {  	s28 =	simm.s32 $_size_execute0_lowered;
	s3 =	sadd.s32 s3, s5;
	[dreg:$0x0] =	wrdreg $0x0  }
0x20: {  	s5 =	sshll.u32 s28, $0x1;
	[dreg:$0x2] =	wrdreg s3  }
0x21: {  	[dreg:$0x3] =	wrdreg s5  }
0x22: {  	[dreg:$0x4] =	wrdreg $0xC0  }
0x23: {  	_ =	task [dreg:s7], $0x5FFFF  }
0x24: {  	[dreg:$0x1] =	wrdreg $0xFFFFFFFF  }
0x25: {  	[dreg:$0x0] =	wrdreg $0x60  }
0x26: {  	[dreg:$0x2] =	wrdreg s25  }
0x27: {  	[dreg:$0x3] =	wrdreg s2  }
0x28: {  	[dreg:$0x4] =	wrdreg $0x9  }
0x29: {  	_ =	task.clear_ibuf [dreg:s7], $0x5FFFF;
	_ =	strace $0x9000004C  }
0x2a: {  	s29 =	simm.s32 $0x9;
	_ =	strace $0x8000004E  }
0x2b: {  	_ =	swait.ge [sflag:s29], $0x1  }
0x2c: {  	[sflag:s29] =	ssyncadd.s32 $0xFFFFFFFF  }
0x2d: {  	_ =	strace $0x9000004E  }
0x2e: {  	_ =	sfence  }
0x2f: {  	s30 =	sld [smem:$0x0];
	_ =	sdelay $0x2  }
0x30: {  	s31 =	sshll.u32 s1, $0xD;
	s1 =	sshrl.u32 s1, $0x2  }
0x31: {  	s3 =	sand.u32 $0x4000, s31;
	s1 =	sadd.s32 s1, s30  }
0x32: {  	s0 =	sor.u32 s3, s0;
	s1 =	sshll.u32 s1, $0x11  }
0x33: {  	s0 =	sor.u32 s1, s0  }
0x34: {  	s0 =	sadd.s32 $0x8F2B, s0  }
0x35: {  	[sflag:s0] =	ssyncadd.remote.s32 $0x1  }
0x36: {  	_ =	sfence.sel $0xFFFF  }
0x37: {  	[dreg:$0x0] =	wrdreg $0xFFFFFFFF;
	(pc) =	sbr.abs _section_cstart, $3  }
0x38: {  	[dreg:$0x1] =	wrdreg $0xFFFFFFFF  }
0x39: {  	_ =	task.clear_ibuf [dreg:s7], $0x2FFFF;
	_ =	strace $0x9FFFFFFF  }
0x3a: {  	(tm) =	ssettm $0x7FFFFFFF  }
0x3b: {  	_ =	shalt  }
tec
execute0_lowered:
.L_overlay_start_1:
0x0: {  	(tag) =	ssettag $0x1  }
0x1: {  	s0 =	srdreg.scid;
	s1 =	rddreg [dreg:$0x0]  }
0x2: {  	_ =	strace $0x8000004D;
	s7 =	stileid.u32;
	s4 =	simm.s32 $0x1  }
0x3: {  	s31 =	simm.s32 $0x2;
	s19 =	simm.s32 $0x0;
	s0 =	sshll.u32 s0, $0x7  }
0x4: {  	s10 =	simm.s32 $0x400;
	s11 =	simm.s32 $0x800;
	s2 =	sand.u32 $0x80, s0  }
0x5: {  	s12 =	simm.s32 $0x0;
	s18 =	simm.s32 $0x0;
	s0 =	ssub.s32 $0x100, s2  }
0x6: {  	s20 =	simm.s32 $0x0;
	s13 =	simm.s32 $0x0;
	s3 =	sshrl.u32 s0, $0x7  }
.Ltmp0:
0x7: {  	s0 =	sshrl.u32 s0, $0x8;
	s3 =	sand.u32 $0x1, s3;
	(pc) =	sbr.rel .LBB1_1-.Ltmp0, $4  }
0x8: {  	s14 =	simm.s32 $0x0;
	s15 =	simm.s32 $0x0;
	s0 =	sadd.s32 s0, s3  }
0x9: {  	s17 =	simm.s32 $0x0;
	[sflag:s4] =	ssyncpa.u1 $0x0;
	s5 =	smul.u32 $0x31, s0  }
0xa: {  	s6 =	sadd.s32 $0x1000, s1;
	s7 =	sshll.u32 s7, $0x7;
	[sflag:s31] =	ssyncpa.u1 $0x0  }
0xb: {  	s16 =	smov.u32 s7;
	s8 =	sshll.u32 s2, $0x3;
	s9 =	sadd.s32 $0x1, s5  }
.LBB1_9:
0xc: {  	s0 =	sshll.u32 s14, $0x8  }
0xd: {  	s1 =	sshll.u32 s20, $0x3;
	s3 =	sshll.u32 s14, $0x7;
	s0 =	sand.u32 $0xFFFFF800, s0  }
0xe: {  	s24 =	sand.u32 $0x300, s3;
	s0 =	sor.u32 s0, s1  }
0xf: {  	s0 =	sor.u32 s24, s0  }
0x10: {  	p0 =	sgt.s32 s13, $0x30;
	s1 =	smov.u32 s13;
	s0 =	sshrl.u32 s0, $0x8  }
0x11: {  	s1 =	simm.s32 @!p0 $0x30;
	s25 =	smulhi.u32 $0x83126F, s0  }
0x12: {  	s27 =	smul.u32 $0xFA00, s13;
	s28 =	sshll.u32 s14, $0x4;
	s1 =	sadd.s32 s21, s1  }
0x13: {  	s30 =	rddreg [dreg:$0x1];
	s26 =	sadd.s32 $0xFFFFFFD0, s1;
	s3 =	sshrl.u32 s25, $0x2  }
0x14: {  	s1 =	ssub.s32 $0x31, s1;
	p0 =	sgt.s32 s26, $0x0;
	s3 =	smul.u32 $0x7D0, s3  }
0x15: {  	s29 =	sshll.u32 s17, $0xE;
	s20 =	sadd.s32 s30, s27;
	s1 =	simm.s32 @p0 $0x0  }
0x16: {  	s1 =	smul.u32 s1, s22;
	s0 =	ssub.s32 s0, s3;
	s3 =	sand.u32 $0x10, s28  }
0x17: {  	s21 =	sand.u32 $0x4000, s29;
	s0 =	sshll.u32 s0, $0x5;
	s3 =	sadd.s32 s3, s20  }
0x18: {  	s31 =	sor.u32 $0x8000, s21;
	s1 =	sand.u32 $0x3FFFFF80, s1;
	s0 =	sadd.s32 s0, s3  }
0x19: {  	[hbm4b:s0+s10] =	stream.strided.scatter [tilespmem:s31], [sflag:$0x2], s1, s11, s10, $0x38;
	[tilespmem:$0x10000] =	vst v63  }
.LBB1_10:
0x1a: {  	p0 =	slt.u32 s17, $0x2  }
0x1b: {  	p1 =	sgt.s32 @!p0 s19, $0x30  }
0x1c: {  	s0 =	smov.u32 s19;
	s3 =	smov.u32 s18;
	p1 =	por !p1, p0  }
0x1d: {  	s1 =	sshra.s32 @!p0 s19, $0x1F;
	s0 =	simm.s32 @p1 $0x30;
	p1 =	sgt.s32 @!p0 s18, $0x750  }
0x1e: {  	s1 =	sand.u32 @!p0 s1, s19;
	s19 =	sshra.s32 @!p0 s18, $0x1F;
	p1 =	por !p1, p0  }
0x1f: {  	s0 =	ssub.s32 @!p0 s0, s1;
	s1 =	sand.u32 @!p0 s19, s18;
	s3 =	simm.s32 @p1 $0x750  }
0x20: {  	s1 =	ssub.s32 @!p0 s3, s1  }
0x21: {  	s18 =	sadd.s32 @!p0 $0xFFFFFFD0, s0;
	s0 =	ssub.s32 @!p0 $0x31, s0;
	s1 =	sadd.s32 @!p0 $0xFFFFF8B0, s1  }
0x22: {  	p1 =	sgt.s32 @!p0 s18, $0x0;
	p2 =	sgt.s32 @!p0 s1, $0x7F;
	s1 =	sshll.u32 @!p0 s1, $0x7  }
0x23: {  	p1 =	por !p1, p0;
	s1 =	ssub.s32 @!p0 $0x4000, s1;
	p2 =	por !p2, p0  }
0x24: {  	s0 =	simm.s32 @!p1 $0x0;
	s1 =	simm.s32 @!p2 $0x0  }
0x25: {  	s0 =	smul.u32 @!p0 s0, s1;
	s1 =	sadd.s32 $0x1, s15  }
0x26: {  	s21 =	smov.u32 s16;
	s18 =	sadd.s32 $0x800, s16;
	p1 =	sgt.s32 s1, $0x30  }
0x27: {  	s21 =	smov.u32 @p1 s18  }
0x28: {  	s1 =	simm.s32 @p1 $0x0;
	p1 =	sgt.s32 s21, $0x7CF  }
0x29: {  	s12 =	sadd.s32 $0x4000, s12;
	s21 =	smov.u32 @p1 s7;
	p1 =	sne.s32 s17, s9  }
.Ltmp1:
0x2a: {  	s20 =	smov.u32 s2;
	s19 =	smov.u32 s13;
	(pc) =	sbr.rel @!p1 .LBB1_11-.Ltmp1, $4  }
0x2b: {  	s13 =	smov.u32 s15;
	s3 =	simm.s32 @!p0 $0x2;
	s0 =	sand.u32 @!p0 $0x3FFFFF80, s0  }
0x2c: {  	s18 =	smov.u32 s14;
	s14 =	smov.u32 s16;
	_ =	swait.ge @!p0 [sflag:s3], s0  }
0x2d: {  	s0 =	ssub.s32 @!p0 $0x0, s0;
	s15 =	smov.u32 s1;
	[sflag:s3] =	ssyncset.done @!p0 $0x0  }
0x2e: {  	s17 =	sadd.s32 $0x1, s17;
	[sflag:s3] =	ssyncadd.s32 @!p0 s0;
	s16 =	smov.u32 s21  }
.LBB1_1:
0x2f: {  	p0 =	sge.u32 s17, s5;
	s21 =	smov.u32 s16;
	s31 =	sadd.s32 $0xFFFFFFFF, s17  }
0x30: {  	s0 =	sshll.u32 @!p0 s15, $0x8;
	s1 =	sshll.u32 @!p0 s15, $0x7;
	p1 =	sgt.s32 @!p0 s16, $0x750  }
0x31: {  	p2 =	sgt.s32 @!p0 s15, $0x37;
	s3 =	sshra.s32 @!p0 s15, $0x1F;
	s22 =	sshra.s32 @!p0 s16, $0x1F  }
0x32: {  	s0 =	sand.u32 @!p0 $0xFFFFF800, s0;
	s1 =	sand.u32 @!p0 $0x300, s1;
	p1 =	por !p1, p0  }
0x33: {  	p2 =	por !p2, p0;
	s22 =	sand.u32 @!p0 s22, s16;
	s0 =	sor.u32 @!p0 s8, s0  }
0x34: {  	s21 =	simm.s32 @p1 $0x750;
	s0 =	sor.u32 @!p0 s1, s0;
	s1 =	smov.u32 s15  }
0x35: {  	s3 =	sand.u32 @!p0 s3, s15;
	s21 =	ssub.s32 @!p0 s21, s22;
	s1 =	simm.s32 @p2 $0x37  }
0x36: {  	s0 =	sshrl.u32 @!p0 s0, $0x8;
	s21 =	sadd.s32 @!p0 $0xFFFFF8B0, s21;
	s1 =	ssub.s32 @!p0 s1, s3  }
0x37: {  	s3 =	smulhi.u32 @!p0 $0x4924925, s0;
	p2 =	sgt.s32 @!p0 s21, $0x7F;
	s22 =	sadd.s32 @!p0 $0xFFFFFFC9, s1  }
0x38: {  	s21 =	sshll.u32 @!p0 s21, $0x7;
	s1 =	ssub.s32 @!p0 $0x38, s1;
	p1 =	sgt.s32 @!p0 s22, $0x0  }
0x39: {  	s21 =	ssub.s32 @!p0 $0x4000, s21;
	s3 =	smul.u32 @!p0 $0x38, s3;
	p1 =	por !p1, p0  }
0x3a: {  	s22 =	sxor.u32 @!p0 $0xFFFFFFFF, s17;
	s1 =	simm.s32 @!p1 $0x0;
	p1 =	por !p2, p0  }
0x3b: {  	s0 =	ssub.s32 @!p0 s0, s3;
	s3 =	smul.u32 @!p0 $0x700, s16;
	s21 =	simm.s32 @!p1 $0x0  }
0x3c: {  	s22 =	sshll.u32 @!p0 s22, $0xE;
	s1 =	smul.u32 @!p0 s1, s21;
	s21 =	sshll.u32 @!p0 s15, $0x4  }
0x3d: {  	s22 =	sand.u32 @!p0 $0x4000, s22;
	s3 =	sadd.s32 @!p0 s6, s3;
	s21 =	sand.u32 @!p0 $0x10, s21  }
0x3e: {  	s0 =	sshll.u32 @!p0 s0, $0x5;
	s1 =	sand.u32 @!p0 $0x3FFFFF80, s1;
	s3 =	sadd.s32 @!p0 s21, s3  }
0x3f: {  	s21 =	simm.s32 @!p0 $0x3800;
	s0 =	sadd.s32 @!p0 s0, s3;
	s3 =	simm.s32 @!p0 $0x80  }
0x40: {  	[tilespmem:s22], [sflag:$0x1] =	stream.strided.gather @!p0 [hbm4b:s0+s3], s1, s21, s3, $0x38;
	[tilespmem:$0x10000] =	vst v63  }
0x41: {  	p0 =	sge.u32 s31, s5  }
.Ltmp2:
0x42: {  	_ = 	snop;
	(pc) =	sbr.rel @p0 .LBB1_10-.Ltmp2, $1  }
0x43: {  	_ =	sdelay $0x3  }
0x44: {  	p0 =	sgt.s32 s14, $0x750;
	s0 =	smov.u32 s14;
	s1 =	sshra.s32 s14, $0x1F  }
0x45: {  	s3 =	ssub.s32 $0x0, s13;
	s0 =	simm.s32 @!p0 $0x750;
	s1 =	sand.u32 s1, s14  }
0x46: {  	s21 =	sshra.s32 s13, $0x1F;
	s22 =	smov.u32 s13;
	s0 =	ssub.s32 s0, s1  }
0x47: {  	p0 =	sgt.s32 s13, $0x37;
	s21 =	sand.u32 s3, s21;
	s0 =	sadd.s32 $0xFFFFF8B0, s0  }
0x48: {  	s22 =	simm.s32 @!p0 $0x37;
	p0 =	sgt.s32 s0, $0x7F;
	s0 =	sshll.u32 s0, $0x7  }
0x49: {  	s29 =	sadd.s32 s21, s22;
	s22 =	ssub.s32 $0x4000, s0;
	s0 =	sadd.s32 $0x80, s14  }
0x4a: {  	s3 =	sadd.s32 $0x1, s13;
	s22 =	simm.s32 @p0 $0x0;
	p0 =	slt.s32 s0, $0x7D0  }
0x4b: {  	s30 =	sadd.s32 $0xFFFFFFC9, s29;
	s0 =	simm.s32 @!p0 $0x7D0;
	p0 =	slt.s32 s3, $0x31  }
0x4c: {  	s1 =	ssub.s32 $0x38, s29;
	s23 =	ssub.s32 s0, s14;
	s3 =	simm.s32 @!p0 $0x31  }
0x4d: {  	p1 =	sgt.s32 s30, $0x0;
	s24 =	ssub.s32 s3, s13;
	p0 =	slt.s32 s23, $0x1  }
0x4e: {  	s1 =	simm.s32 @p1 $0x0;
	p1 =	slt.s32 @!p0 s24, $0x1  }
0x4f: {  	s1 =	smul.u32 s1, s22;
	p0 =	por p0, p1  }
.Ltmp3:
0x50: {  	_ = 	snop;
	(pc) =	sbr.rel @p0 .LBB1_9-.Ltmp3, $4  }
0x51: {  	s31 =	sand.u32 $0x3FFFFF80, s1  }
0x52: {  	_ =	swait.ge [sflag:s4], s31  }
0x53: {  	s0 =	ssub.s32 $0x0, s31;
	[sflag:s4] =	ssyncset.done $0x0  }
0x54: {  	[sflag:s4] =	ssyncadd.s32 s0  }
0x55: {  	s0 =	sshll.u32 s12, $0x2  }
0x56: {  	s0 =	sand.u32 $0x10000, s0  }
0x57: {  	s25 =	sshrl.u32 s0, $0x2  }
0x58: {  	s27 =	simm.s32 $0x0;
	s28 =	simm.s32 $0x0;
	s26 =	sor.u32 $0x8000, s25  }
.LBB1_4:
0x59: {  	s0 =	sand.u32 $0x3F80, s27  }
0x5a: {  	s30 =	simm.s32 $0x0;
	s31 =	simm.s32 $0x0;
	s3 =	sadd.s32 s0, s26  }
.LBB1_5:
0x5b: {  	s0 =	sand.u32 $0x7, s30  }
0x5c: {  	s0 =	sadd.s32 s0, s28  }
0x5d: {  	s0 =	sshll.u32 s0, $0x9  }
0x5e: {  	s0 =	sshra.s32 s0, $0x2  }
0x5f: {  	s1 =	simm.s32 $0xFFFFFFF0;
	s29 =	smov.u32 s3;
	s0 =	sadd.s32 s0, s25  }
.LBB1_6:
0x60: {  	s1 =	sadd.s32 $0x10, s1  }
0x61: {  	v0 =	vld [tilespmem:s0+$0x0];
	p0 =	slt.u32 s1, $0x70  }
.Ltmp4:
0x62: {  	_ = 	snop;
	(pc) =	sbr.rel @p0 .LBB1_6-.Ltmp4, $2  }
0x63: {  	_ =	sdelay $0x2  }
0x64: {  	s0 =	sadd.s32 $0x10, s0;
	[tilespmem:s29+$0x0] =	vst v0;
	s29 =	sadd.s32 $0x10, s29  }
0x65: {  	s31 =	sadd.s32 $0x1, s31  }
0x66: {  	p0 =	sne.s32 s31, s24  }
.Ltmp5:
0x67: {  	_ = 	snop;
	(pc) =	sbr.rel @p0 .LBB1_5-.Ltmp5, $2  }
0x68: {  	_ =	sdelay $0x2  }
0x69: {  	s3 =	sadd.s32 $0x4000, s3;
	s30 =	sadd.s32 $0x1, s30  }
0x6a: {  	s28 =	sadd.s32 $0x1, s28  }
0x6b: {  	p0 =	sne.s32 s28, s23  }
.Ltmp6:
0x6c: {  	_ = 	snop;
	(pc) =	sbr.rel @p0 .LBB1_4-.Ltmp6, $4  }
.Ltmp7:
0x6d: {  	_ = 	snop;
	(pc) =	sbr.rel @!p0 .LBB1_9-.Ltmp7, $4  }
0x6e: {  	_ = 	snop  }
0x6f: {  	_ = 	snop  }
0x70: {  	s27 =	sadd.s32 $0x80, s27  }
0x71: {  	_ = 	snop  }
.LBB1_11:
0x72: {  	_ =	sfence.sel $0x180000  }
0x73: {  	s0 =	simm.s32 $0x1;
	[bflag:$0x0] =	sbarrier.arrive $0xFFFF  }
0x74: {  	s30 =	simm.s32 $0x2;
	[sflag:s0] =	ssyncpa.u1 $0x1  }
0x75: {  	[sflag:s30] =	ssyncpa.u1 $0x1  }
0x76: {  	_ =	strace $0x9000004D  }
0x77: {  	s31 =	stileid.u32;
	[bflag:$0x2] =	sbarrier.arrive $0xFFFF  }
0x78: {  	p0 =	sne.s32 s31, $0x0;
	s0 =	rddreg [dreg:$0x2]  }
0x79: {  	s0 =	sadd.s32 @!p0 $0x100000, s0  }
0x7a: {  	[sflag:s0] =	ssyncadd.tile.s32 @!p0 $0x1;
	_ =	shalt  }
.Lfunc_end1:
_tile_overlayer_lowered:
.L_overlay_start_2:
0x7b: {  	(tag) =	ssettag $0x2  }
0x7c: {  	s0 =	rddreg [dreg:$0x0];
	s2 =	stileid.u32  }
0x7d: {  	s1 =	rddreg [dreg:$0x1];
	p0 =	sne.s32 s2, $0x0  }
0x7e: {  	s3 =	rddreg [dreg:$0x2];
	[bflag:$0x3] =	sbarrier.arrive $0xFFFF;
	s2 =	simm.s32 @!p0 $0x1C01  }
0x7f: {  	[timem:s3], [sflag:s2] =	dma.local @!p0 [hbm:s0], s1  }
0x80: {  	s0 =	simm.s32 @!p0 $0x1  }
0x81: {  	_ =	swait.ge @!p0 [sflag:s0], s1  }
0x82: {  	s1 =	ssub.s32 @!p0 $0x0, s1;
	[sflag:s0] =	ssyncset.done @!p0 $0x0  }
0x83: {  	[sflag:s0] =	ssyncadd.s32 @!p0 s1  }
0x84: {  	[bflag:$0x3] =	sbarrier.arrive $0xFFFF  }
0x85: {  	_ =	shalt  }

</sc_bundles>
